<compile_context>
chip_gen: v7x
topology: tpu7x:2x2x1
jax: 0.10.2.dev20260603
libtpu: 0.0.44.dev20260713+nightly
codegen_flags: <defaults>
</compile_context>

<pallas_src>
import jax
import jax.numpy as jnp
from jax import lax
from jax.experimental import pallas as pl
from jax.experimental.pallas import tpu as pltpu
from jax.experimental.pallas import tpu_sc as plsc

_BATCH, _NP, _D = 64, 576, 768
_NC, _NS = 2, 16
_NW = _NC * _NS
_NG = 4
_NB = 8
_BPG = _BATCH // _NG
_BAND = _NP // _NB
_C = 24
_SPB = _BAND // _C
_TCH = _BPG * _SPB
_VPR = _D // 16
_NBUF = 4


def _sc_body(flat_hbm, pos_hbm, out_hbm, posband,
             b0, b1, b2, b3, si0, si1, si2, si3, so0, so1, so2, so3, sst):
    c = lax.axis_index("c")
    s = lax.axis_index("s")
    w = c * _NS + s
    g = w // _NB
    pb = w % _NB
    bufs = (b0, b1, b2, b3)
    sin = (si0, si1, si2, si3)
    sout = (so0, so1, so2, so3)

    stage = pltpu.async_copy(pos_hbm.at[pl.ds(pb * _BAND, _BAND)], posband, sst)

    def row0_of(t):
        b = g * _BPG + t // _SPB
        sub = t % _SPB
        return b * _NP + pb * _BAND + sub * _C

    def start_in(t, j):
        pltpu.async_copy(flat_hbm.at[pl.ds(row0_of(t), _C)], bufs[j], sin[j])

    def wait_in(j):
        pltpu.make_async_copy(flat_hbm.at[pl.ds(0, _C)], bufs[j], sin[j]).wait()

    def start_out(t, j):
        pltpu.async_copy(bufs[j], out_hbm.at[pl.ds(row0_of(t), _C)], sout[j])

    def wait_out(j):
        pltpu.make_async_copy(bufs[j], out_hbm.at[pl.ds(0, _C)], sout[j]).wait()

    start_in(0, 0)
    start_in(1, 1)
    start_in(2, 2)
    stage.wait()

    def outer(g2, carry):
        for j in range(_NBUF):
            t = g2 * _NBUF + j
            wait_in(j)
            prow = (t % _SPB) * _C

            @plsc.parallel_loop(0, _C)
            def row_add(i):
                for k in range(_VPR):
                    plsc.addupdate(bufs[j].at[i, pl.ds(k * 16, 16)],
                                   posband[prow + i, pl.ds(k * 16, 16)])
            start_out(t, j)
            nj = (j + 3) % _NBUF

            @pl.when(t + 3 < _TCH)
            def _prefetch():
                @pl.when(t >= 1)
                def _drain():
                    wait_out(nj)
                start_in(t + 3, nj)
        return carry

    lax.fori_loop(0, _TCH // _NBUF, outer, 0)
    for j in range(_NBUF):
        wait_out(j)


def kernel(patches, pos_table):
    flat = patches.reshape(_BATCH * _NP, _D)
    mesh = plsc.VectorSubcoreMesh(core_axis_name="c", subcore_axis_name="s")
    out = pl.kernel(
        _sc_body,
        out_type=jax.ShapeDtypeStruct((_BATCH * _NP, _D), jnp.float32),
        mesh=mesh,
        scratch_types=(
            [pltpu.VMEM((_BAND, _D), jnp.float32)]
            + [pltpu.VMEM((_C, _D), jnp.float32) for _ in range(_NBUF)]
            + [pltpu.SemaphoreType.DMA for _ in range(2 * _NBUF + 1)]
        ),
    )(flat, pos_table)
    return out.reshape(_BATCH, _NP, _D)

# --- scband reference (transcript-rebuilt; emitter-appended) ---
"""Pipeline reference for scband-positional-embedding-10153302688341 (READ-ONLY COPY).

The authoritative reference and input builder live on the scoring server;
editing this copy changes nothing except your own understanding.
"""

import jax, jax.numpy as jnp
import numpy as np

N_PATCHES = 576
MODEL_DIM = 768
BATCH = 64

def setup_inputs(seed: int = 0) -> dict:
    key = jax.random.key(seed)
    k1, k2 = jax.random.split(key)
    patches = jax.random.normal(k1, (BATCH, N_PATCHES, MODEL_DIM), dtype=jnp.float32)
    # learned positional embedding table (Embedding layer weights), orthogonal-ish init approximated with normal
    pos_table = jax.random.normal(k2, (N_PATCHES, MODEL_DIM), dtype=jnp.float32) * 0.02
    return {"patches": patches, "pos_table": pos_table}

def reference(patches, pos_table):
    positions = jnp.arange(0, N_PATCHES, 1)
    pos_emb = jnp.take(pos_table, positions, axis=0)  # embedding lookup: [n_patches, model_dim]
    return patches + pos_emb[None, :, :]

if __name__ == "__main__":
    import jax
    _d = setup_inputs()
    print(jax.jit(kernel)(*tuple(_d.values())))

</pallas_src>

<mosaic_0001>
#map = affine_map<(d0, d1) -> (0, 0)>
module attributes {stable_mosaic.version = 14 : i64} {
  func.func @_sc_body(%arg0: i32, %arg1: i32, %arg2: memref<36864x768xf32, #tpu.memory_space<hbm>>, %arg3: memref<576x768xf32, #tpu.memory_space<hbm>>, %arg4: memref<36864x768xf32, #tpu.memory_space<hbm>>, %arg5: memref<72x768xf32, #tpu.memory_space<vmem>>, %arg6: memref<24x768xf32, #tpu.memory_space<vmem>>, %arg7: memref<24x768xf32, #tpu.memory_space<vmem>>, %arg8: memref<24x768xf32, #tpu.memory_space<vmem>>, %arg9: memref<24x768xf32, #tpu.memory_space<vmem>>, %arg10: memref<!tpu.dma_semaphore, #tpu.memory_space<semaphore_mem>>, %arg11: memref<!tpu.dma_semaphore, #tpu.memory_space<semaphore_mem>>, %arg12: memref<!tpu.dma_semaphore, #tpu.memory_space<semaphore_mem>>, %arg13: memref<!tpu.dma_semaphore, #tpu.memory_space<semaphore_mem>>, %arg14: memref<!tpu.dma_semaphore, #tpu.memory_space<semaphore_mem>>, %arg15: memref<!tpu.dma_semaphore, #tpu.memory_space<semaphore_mem>>, %arg16: memref<!tpu.dma_semaphore, #tpu.memory_space<semaphore_mem>>, %arg17: memref<!tpu.dma_semaphore, #tpu.memory_space<semaphore_mem>>, %arg18: memref<!tpu.dma_semaphore, #tpu.memory_space<semaphore_mem>>) attributes {dimension_semantics = [#tpu.dimension_semantics<core_parallel>, #tpu.dimension_semantics<subcore_parallel>], iteration_bounds = array<i64: 2, 16>, scalar_prefetch = 0 : i64, scratch_operands = 14 : i64, tpu.core_type = #tpu.core_type<sc_vector_subcore>, window_params = [{transform_indices = #map}, {transform_indices = #map}, {transform_indices = #map}]} {
    %mul3A = arith.constant 16 : i32
    %mul3A_0 = arith.muli %arg0, %mul3A : i32
    %add3A = arith.addi %mul3A_0, %arg1 : i32
    %jit3A = arith.constant 8 : i32
    %div3A = arith.divsi %add3A, %jit3A : i32
    %sign3A = arith.constant 0 : i32
    %sign3A_1 = arith.cmpi sgt, %add3A, %sign3A : i32
    %sign3A_2 = arith.extui %sign3A_1 : i1 to i32
    %sign3A_3 = arith.constant 0 : i32
    %sign3A_4 = arith.cmpi slt, %add3A, %sign3A_3 : i32
    %sign3A_5 = arith.extui %sign3A_4 : i1 to i32
    %sign3A_6 = arith.subi %sign3A_2, %sign3A_5 : i32
    %sign3A_7 = arith.constant 0 : i32
    %sign3A_8 = arith.cmpi sgt, %jit3A, %sign3A_7 : i32
    %sign3A_9 = arith.extui %sign3A_8 : i1 to i32
    %sign3A_10 = arith.constant 0 : i32
    %sign3A_11 = arith.cmpi slt, %jit3A, %sign3A_10 : i32
    %sign3A_12 = arith.extui %sign3A_11 : i1 to i32
    %sign3A_13 = arith.subi %sign3A_9, %sign3A_12 : i32
    %ne3A = arith.cmpi ne, %sign3A_6, %sign3A_13 : i32
    %rem3A = arith.remsi %add3A, %jit3A : i32
    %ne3A_14 = arith.constant 0 : i32
    %ne3A_15 = arith.cmpi ne, %rem3A, %ne3A_14 : i32
    %and3A = arith.andi %ne3A, %ne3A_15 : i1
    %sub3A = arith.constant 1 : i32
    %sub3A_16 = arith.subi %div3A, %sub3A : i32
    %select_n3A = arith.select %and3A, %sub3A_16, %div3A : i32
    %jit3A_17 = arith.constant 8 : i32
    %eq3A = arith.constant 0 : i32
    %eq3A_18 = arith.cmpi eq, %jit3A_17, %eq3A : i32
    %jit3A_19 = arith.constant 1 : i32
    %select_n3A_20 = arith.select %eq3A_18, %jit3A_19, %jit3A_17 : i32
    %rem3A_21 = arith.remsi %add3A, %select_n3A_20 : i32
    %ne3A_22 = arith.constant 0 : i32
    %ne3A_23 = arith.cmpi ne, %rem3A_21, %ne3A_22 : i32
    %lt3A = arith.constant 0 : i32
    %lt3A_24 = arith.cmpi slt, %rem3A_21, %lt3A : i32
    %lt3A_25 = arith.constant 0 : i32
    %lt3A_26 = arith.cmpi slt, %select_n3A_20, %lt3A_25 : i32
    %ne3A_27 = arith.xori %lt3A_24, %lt3A_26 : i1
    %and3A_28 = arith.andi %ne3A_27, %ne3A_23 : i1
    %add3A_29 = arith.addi %rem3A_21, %select_n3A_20 : i32
    %select_n3A_30 = arith.select %and3A_28, %add3A_29, %rem3A_21 : i32
    %mul3A_31 = arith.constant 72 : i32
    %mul3A_32 = arith.muli %select_n3A_30, %mul3A_31 : i32
    %dma_start3A = arith.constant 0 : i32
    %dma_start3A_33 = tpu.memref_slice %arg3[%mul3A_32, %dma_start3A] : memref<576x768xf32, #tpu.memory_space<hbm>> -> memref<72x768xf32, #tpu.memory_space<hbm>>
    %dma_start3A_34 = arith.constant 0 : i32
    %dma_start3A_35 = tpu.memref_slice %arg3[%mul3A_32, %dma_start3A_34] : memref<576x768xf32, #tpu.memory_space<hbm>> -> memref<72x768xf32, #tpu.memory_space<hbm>>
    tpu.enqueue_dma source(%dma_start3A_35 : memref<72x768xf32, #tpu.memory_space<hbm>>) target(%arg5 : memref<72x768xf32, #tpu.memory_space<vmem>>) target_semaphore(%arg18 : memref<!tpu.dma_semaphore, #tpu.memory_space<semaphore_mem>>)
    %mul3A_36 = arith.constant 16 : i32
    %mul3A_37 = arith.muli %select_n3A, %mul3A_36 : i32
    %add3A_38 = arith.constant 0 : i32
    %add3A_39 = arith.addi %mul3A_37, %add3A_38 : i32
    %mul3A_40 = arith.constant 576 : i32
    %mul3A_41 = arith.muli %add3A_39, %mul3A_40 : i32
    %mul3A_42 = arith.constant 72 : i32
    %mul3A_43 = arith.muli %select_n3A_30, %mul3A_42 : i32
    %add3A_44 = arith.addi %mul3A_41, %mul3A_43 : i32
    %add3A_45 = arith.constant 0 : i32
    %add3A_46 = arith.addi %add3A_44, %add3A_45 : i32
    %dma_start3A_47 = arith.constant 0 : i32
    %dma_start3A_48 = tpu.memref_slice %arg2[%add3A_46, %dma_start3A_47] : memref<36864x768xf32, #tpu.memory_space<hbm>> -> memref<24x768xf32, #tpu.memory_space<hbm>>
    %dma_start3A_49 = arith.constant 0 : i32
    %dma_start3A_50 = tpu.memref_slice %arg2[%add3A_46, %dma_start3A_49] : memref<36864x768xf32, #tpu.memory_space<hbm>> -> memref<24x768xf32, #tpu.memory_space<hbm>>
    tpu.enqueue_dma source(%dma_start3A_50 : memref<24x768xf32, #tpu.memory_space<hbm>>) target(%arg6 : memref<24x768xf32, #tpu.memory_space<vmem>>) target_semaphore(%arg10 : memref<!tpu.dma_semaphore, #tpu.memory_space<semaphore_mem>>)
    %mul3A_51 = arith.constant 16 : i32
    %mul3A_52 = arith.muli %select_n3A, %mul3A_51 : i32
    %add3A_53 = arith.constant 0 : i32
    %add3A_54 = arith.addi %mul3A_52, %add3A_53 : i32
    %mul3A_55 = arith.constant 576 : i32
    %mul3A_56 = arith.muli %add3A_54, %mul3A_55 : i32
    %mul3A_57 = arith.constant 72 : i32
    %mul3A_58 = arith.muli %select_n3A_30, %mul3A_57 : i32
    %add3A_59 = arith.addi %mul3A_56, %mul3A_58 : i32
    %add3A_60 = arith.constant 24 : i32
    %add3A_61 = arith.addi %add3A_59, %add3A_60 : i32
    %dma_start3A_62 = arith.constant 0 : i32
    %dma_start3A_63 = tpu.memref_slice %arg2[%add3A_61, %dma_start3A_62] : memref<36864x768xf32, #tpu.memory_space<hbm>> -> memref<24x768xf32, #tpu.memory_space<hbm>>
    %dma_start3A_64 = arith.constant 0 : i32
    %dma_start3A_65 = tpu.memref_slice %arg2[%add3A_61, %dma_start3A_64] : memref<36864x768xf32, #tpu.memory_space<hbm>> -> memref<24x768xf32, #tpu.memory_space<hbm>>
    tpu.enqueue_dma source(%dma_start3A_65 : memref<24x768xf32, #tpu.memory_space<hbm>>) target(%arg7 : memref<24x768xf32, #tpu.memory_space<vmem>>) target_semaphore(%arg11 : memref<!tpu.dma_semaphore, #tpu.memory_space<semaphore_mem>>)
    %mul3A_66 = arith.constant 16 : i32
    %mul3A_67 = arith.muli %select_n3A, %mul3A_66 : i32
    %add3A_68 = arith.constant 0 : i32
    %add3A_69 = arith.addi %mul3A_67, %add3A_68 : i32
    %mul3A_70 = arith.constant 576 : i32
    %mul3A_71 = arith.muli %add3A_69, %mul3A_70 : i32
    %mul3A_72 = arith.constant 72 : i32
    %mul3A_73 = arith.muli %select_n3A_30, %mul3A_72 : i32
    %add3A_74 = arith.addi %mul3A_71, %mul3A_73 : i32
    %add3A_75 = arith.constant 48 : i32
    %add3A_76 = arith.addi %add3A_74, %add3A_75 : i32
    %dma_start3A_77 = arith.constant 0 : i32
    %dma_start3A_78 = tpu.memref_slice %arg2[%add3A_76, %dma_start3A_77] : memref<36864x768xf32, #tpu.memory_space<hbm>> -> memref<24x768xf32, #tpu.memory_space<hbm>>
    %dma_start3A_79 = arith.constant 0 : i32
    %dma_start3A_80 = tpu.memref_slice %arg2[%add3A_76, %dma_start3A_79] : memref<36864x768xf32, #tpu.memory_space<hbm>> -> memref<24x768xf32, #tpu.memory_space<hbm>>
    tpu.enqueue_dma source(%dma_start3A_80 : memref<24x768xf32, #tpu.memory_space<hbm>>) target(%arg8 : memref<24x768xf32, #tpu.memory_space<vmem>>) target_semaphore(%arg12 : memref<!tpu.dma_semaphore, #tpu.memory_space<semaphore_mem>>)
    %dma_wait3A = arith.constant 0 : i32
    %dma_wait3A_81 = tpu.memref_slice %arg3[%mul3A_32, %dma_wait3A] : memref<576x768xf32, #tpu.memory_space<hbm>> -> memref<72x768xf32, #tpu.memory_space<hbm>>
    %dma_wait3A_82 = arith.constant 0 : i32
    %dma_wait3A_83 = tpu.memref_slice %arg3[%mul3A_32, %dma_wait3A_82] : memref<576x768xf32, #tpu.memory_space<hbm>> -> memref<72x768xf32, #tpu.memory_space<hbm>>
    tpu.wait_dma2 semaphore(%arg18 : memref<!tpu.dma_semaphore, #tpu.memory_space<semaphore_mem>>) src(%dma_wait3A_83 : memref<72x768xf32, #tpu.memory_space<hbm>>) dst(%arg5 : memref<72x768xf32, #tpu.memory_space<vmem>>)
    %scan3A = arith.constant 0 : i32
    %scan3A_84 = arith.constant 0 : i32
    %scan3A_85 = arith.constant 12 : i32
    %scan3A_86 = arith.addi %scan3A_84, %scan3A_85 : i32
    %scan3A_87 = arith.constant 1 : i32
    scf.for %scan3A_113 = %scan3A_84 to %scan3A_86 step %scan3A_87  : i32 {
      %mul3A_114 = arith.constant 4 : i32
      %mul3A_115 = arith.muli %scan3A_113, %mul3A_114 : i32
      %add3A_116 = arith.constant 0 : i32
      %add3A_117 = arith.addi %mul3A_115, %add3A_116 : i32
      %dma_wait3A_118 = arith.constant 0 : i32
      %dma_wait3A_119 = arith.constant 0 : i32
      %dma_wait3A_120 = tpu.memref_slice %arg2[%dma_wait3A_118, %dma_wait3A_119] : memref<36864x768xf32, #tpu.memory_space<hbm>> -> memref<24x768xf32, #tpu.memory_space<hbm>>
      %dma_wait3A_121 = arith.constant 0 : i32
      %dma_wait3A_122 = arith.constant 0 : i32
      %dma_wait3A_123 = tpu.memref_slice %arg2[%dma_wait3A_121, %dma_wait3A_122] : memref<36864x768xf32, #tpu.memory_space<hbm>> -> memref<24x768xf32, #tpu.memory_space<hbm>>
      tpu.wait_dma2 semaphore(%arg10 : memref<!tpu.dma_semaphore, #tpu.memory_space<semaphore_mem>>) src(%dma_wait3A_123 : memref<24x768xf32, #tpu.memory_space<hbm>>) dst(%arg6 : memref<24x768xf32, #tpu.memory_space<vmem>>)
      %jit3A_124 = arith.constant 3 : i32
      %eq3A_125 = arith.constant 0 : i32
      %eq3A_126 = arith.cmpi eq, %jit3A_124, %eq3A_125 : i32
      %jit3A_127 = arith.constant 1 : i32
      %select_n3A_128 = arith.select %eq3A_126, %jit3A_127, %jit3A_124 : i32
      %rem3A_129 = arith.remsi %add3A_117, %select_n3A_128 : i32
      %ne3A_130 = arith.constant 0 : i32
      %ne3A_131 = arith.cmpi ne, %rem3A_129, %ne3A_130 : i32
      %lt3A_132 = arith.constant 0 : i32
      %lt3A_133 = arith.cmpi slt, %rem3A_129, %lt3A_132 : i32
      %lt3A_134 = arith.constant 0 : i32
      %lt3A_135 = arith.cmpi slt, %select_n3A_128, %lt3A_134 : i32
      %ne3A_136 = arith.xori %lt3A_133, %lt3A_135 : i1
      %and3A_137 = arith.andi %ne3A_136, %ne3A_131 : i1
      %add3A_138 = arith.addi %rem3A_129, %select_n3A_128 : i32
      %select_n3A_139 = arith.select %and3A_137, %add3A_138, %rem3A_129 : i32
      %mul3A_140 = arith.constant 24 : i32
      %mul3A_141 = arith.muli %select_n3A_139, %mul3A_140 : i32
      %parallel_loop3A = arith.constant 0 : i32
      %parallel_loop3A_142 = arith.constant 24 : i32
      %parallel_loop3A_143 = arith.constant 1 : i32
      scf.for %parallel_loop3A_483 = %parallel_loop3A to %parallel_loop3A_142 step %parallel_loop3A_143  : i32 {
        %parallel_loop3A_484 = arith.addi %mul3A_141, %parallel_loop3A_483 : i32
        %parallel_loop3A_485 = arith.index_cast %parallel_loop3A_484 : i32 to index
        %parallel_loop3A_486 = arith.constant 0 : index
        %parallel_loop3A_487 = tpu.vector_load %arg5[%parallel_loop3A_485, %parallel_loop3A_486] {strides = array<i32>} : memref<72x768xf32, #tpu.memory_space<vmem>>, vector<1x16xf32>,
        %parallel_loop3A_488 = vector.shape_cast %parallel_loop3A_487 : vector<1x16xf32> to vector<16xf32>
        %parallel_loop3A_489 = arith.index_cast %parallel_loop3A_483 : i32 to index
        %parallel_loop3A_490 = arith.constant 0 : index
        %parallel_loop3A_491 = tpu.vector_load %arg6[%parallel_loop3A_489, %parallel_loop3A_490] {strides = array<i32>} : memref<24x768xf32, #tpu.memory_space<vmem>>, vector<1x16xf32>,
        %parallel_loop3A_492 = vector.shape_cast %parallel_loop3A_491 : vector<1x16xf32> to vector<16xf32>
        %parallel_loop3A_493 = vector.shape_cast %parallel_loop3A_488 : vector<16xf32> to vector<1x16xf32>
        tpu.vector_store %arg6[%parallel_loop3A_489, %parallel_loop3A_490], %parallel_loop3A_493 {add = true, strides = array<i32>} : memref<24x768xf32, #tpu.memory_space<vmem>>, vector<1x16xf32>,
        %parallel_loop3A_494 = arith.addi %mul3A_141, %parallel_loop3A_483 : i32
        %parallel_loop3A_495 = arith.index_cast %parallel_loop3A_494 : i32 to index
        %parallel_loop3A_496 = arith.constant 16 : index
        %parallel_loop3A_497 = tpu.vector_load %arg5[%parallel_loop3A_495, %parallel_loop3A_496] {strides = array<i32>} : memref<72x768xf32, #tpu.memory_space<vmem>>, vector<1x16xf32>,
        %parallel_loop3A_498 = vector.shape_cast %parallel_loop3A_497 : vector<1x16xf32> to vector<16xf32>
        %parallel_loop3A_499 = arith.index_cast %parallel_loop3A_483 : i32 to index
        %parallel_loop3A_500 = arith.constant 16 : index
        %parallel_loop3A_501 = tpu.vector_load %arg6[%parallel_loop3A_499, %parallel_loop3A_500] {strides = array<i32>} : memref<24x768xf32, #tpu.memory_space<vmem>>, vector<1x16xf32>,
        %parallel_loop3A_502 = vector.shape_cast %parallel_loop3A_501 : vector<1x16xf32> to vector<16xf32>
        %parallel_loop3A_503 = vector.shape_cast %parallel_loop3A_498 : vector<16xf32> to vector<1x16xf32>
        tpu.vector_store %arg6[%parallel_loop3A_499, %parallel_loop3A_500], %parallel_loop3A_503 {add = true, strides = array<i32>} : memref<24x768xf32, #tpu.memory_space<vmem>>, vector<1x16xf32>,
        %parallel_loop3A_504 = arith.addi %mul3A_141, %parallel_loop3A_483 : i32
        %parallel_loop3A_505 = arith.index_cast %parallel_loop3A_504 : i32 to index
        %parallel_loop3A_506 = arith.constant 32 : index
        %parallel_loop3A_507 = tpu.vector_load %arg5[%parallel_loop3A_505, %parallel_loop3A_506] {strides = array<i32>} : memref<72x768xf32, #tpu.memory_space<vmem>>, vector<1x16xf32>,
        %parallel_loop3A_508 = vector.shape_cast %parallel_loop3A_507 : vector<1x16xf32> to vector<16xf32>
        %parallel_loop3A_509 = arith.index_cast %parallel_loop3A_483 : i32 to index
        %parallel_loop3A_510 = arith.constant 32 : index
        %parallel_loop3A_511 = tpu.vector_load %arg6[%parallel_loop3A_509, %parallel_loop3A_510] {strides = array<i32>} : memref<24x768xf32, #tpu.memory_space<vmem>>, vector<1x16xf32>,
        %parallel_loop3A_512 = vector.shape_cast %parallel_loop3A_511 : vector<1x16xf32> to vector<16xf32>
        %parallel_loop3A_513 = vector.shape_cast %parallel_loop3A_508 : vector<16xf32> to vector<1x16xf32>
        tpu.vector_store %arg6[%parallel_loop3A_509, %parallel_loop3A_510], %parallel_loop3A_513 {add = true, strides = array<i32>} : memref<24x768xf32, #tpu.memory_space<vmem>>, vector<1x16xf32>,
        %parallel_loop3A_514 = arith.addi %mul3A_141, %parallel_loop3A_483 : i32
        %parallel_loop3A_515 = arith.index_cast %parallel_loop3A_514 : i32 to index
        %parallel_loop3A_516 = arith.constant 48 : index
        %parallel_loop3A_517 = tpu.vector_load %arg5[%parallel_loop3A_515, %parallel_loop3A_516] {strides = array<i32>} : memref<72x768xf32, #tpu.memory_space<vmem>>, vector<1x16xf32>,
        %parallel_loop3A_518 = vector.shape_cast %parallel_loop3A_517 : vector<1x16xf32> to vector<16xf32>
        %parallel_loop3A_519 = arith.index_cast %parallel_loop3A_483 : i32 to index
        %parallel_loop3A_520 = arith.constant 48 : index
        %parallel_loop3A_521 = tpu.vector_load %arg6[%parallel_loop3A_519, %parallel_loop3A_520] {strides = array<i32>} : memref<24x768xf32, #tpu.memory_space<vmem>>, vector<1x16xf32>,
        %parallel_loop3A_522 = vector.shape_cast %parallel_loop3A_521 : vector<1x16xf32> to vector<16xf32>
        %parallel_loop3A_523 = vector.shape_cast %parallel_loop3A_518 : vector<16xf32> to vector<1x16xf32>
        tpu.vector_store %arg6[%parallel_loop3A_519, %parallel_loop3A_520], %parallel_loop3A_523 {add = true, strides = array<i32>} : memref<24x768xf32, #tpu.memory_space<vmem>>, vector<1x16xf32>,
        %parallel_loop3A_524 = arith.addi %mul3A_141, %parallel_loop3A_483 : i32
        %parallel_loop3A_525 = arith.index_cast %parallel_loop3A_524 : i32 to index
        %parallel_loop3A_526 = arith.constant 64 : index
        %parallel_loop3A_527 = tpu.vector_load %arg5[%parallel_loop3A_525, %parallel_loop3A_526] {strides = array<i32>} : memref<72x768xf32, #tpu.memory_space<vmem>>, vector<1x16xf32>,
        %parallel_loop3A_528 = vector.shape_cast %parallel_loop3A_527 : vector<1x16xf32> to vector<16xf32>
        %parallel_loop3A_529 = arith.index_cast %parallel_loop3A_483 : i32 to index
        %parallel_loop3A_530 = arith.constant 64 : index
        %parallel_loop3A_531 = tpu.vector_load %arg6[%parallel_loop3A_529, %parallel_loop3A_530] {strides = array<i32>} : memref<24x768xf32, #tpu.memory_space<vmem>>, vector<1x16xf32>,
        %parallel_loop3A_532 = vector.shape_cast %parallel_loop3A_531 : vector<1x16xf32> to vector<16xf32>
        %parallel_loop3A_533 = vector.shape_cast %parallel_loop3A_528 : vector<16xf32> to vector<1x16xf32>
        tpu.vector_store %arg6[%parallel_loop3A_529, %parallel_loop3A_530], %parallel_loop3A_533 {add = true, strides = array<i32>} : memref<24x768xf32, #tpu.memory_space<vmem>>, vector<1x16xf32>,
        %parallel_loop3A_534 = arith.addi %mul3A_141, %parallel_loop3A_483 : i32
        %parallel_loop3A_535 = arith.index_cast %parallel_loop3A_534 : i32 to index
        %parallel_loop3A_536 = arith.constant 80 : index
        %parallel_loop3A_537 = tpu.vector_load %arg5[%parallel_loop3A_535, %parallel_loop3A_536] {strides = array<i32>} : memref<72x768xf32, #tpu.memory_space<vmem>>, vector<1x16xf32>,
        %parallel_loop3A_538 = vector.shape_cast %parallel_loop3A_537 : vector<1x16xf32> to vector<16xf32>
        %parallel_loop3A_539 = arith.index_cast %parallel_loop3A_483 : i32 to index
        %parallel_loop3A_540 = arith.constant 80 : index
        %parallel_loop3A_541 = tpu.vector_load %arg6[%parallel_loop3A_539, %parallel_loop3A_540] {strides = array<i32>} : memref<24x768xf32, #tpu.memory_space<vmem>>, vector<1x16xf32>,
        %parallel_loop3A_542 = vector.shape_cast %parallel_loop3A_541 : vector<1x16xf32> to vector<16xf32>
        %parallel_loop3A_543 = vector.shape_cast %parallel_loop3A_538 : vector<16xf32> to vector<1x16xf32>
        tpu.vector_store %arg6[%parallel_loop3A_539, %parallel_loop3A_540], %parallel_loop3A_543 {add = true, strides = array<i32>} : memref<24x768xf32, #tpu.memory_space<vmem>>, vector<1x16xf32>,
        %parallel_loop3A_544 = arith.addi %mul3A_141, %parallel_loop3A_483 : i32
        %parallel_loop3A_545 = arith.index_cast %parallel_loop3A_544 : i32 to index
        %parallel_loop3A_546 = arith.constant 96 : index
        %parallel_loop3A_547 = tpu.vector_load %arg5[%parallel_loop3A_545, %parallel_loop3A_546] {strides = array<i32>} : memref<72x768xf32, #tpu.memory_space<vmem>>, vector<1x16xf32>,
        %parallel_loop3A_548 = vector.shape_cast %parallel_loop3A_547 : vector<1x16xf32> to vector<16xf32>
        %parallel_loop3A_549 = arith.index_cast %parallel_loop3A_483 : i32 to index
        %parallel_loop3A_550 = arith.constant 96 : index
        %parallel_loop3A_551 = tpu.vector_load %arg6[%parallel_loop3A_549, %parallel_loop3A_550] {strides = array<i32>} : memref<24x768xf32, #tpu.memory_space<vmem>>, vector<1x16xf32>,
        %parallel_loop3A_552 = vector.shape_cast %parallel_loop3A_551 : vector<1x16xf32> to vector<16xf32>
        %parallel_loop3A_553 = vector.shape_cast %parallel_loop3A_548 : vector<16xf32> to vector<1x16xf32>
        tpu.vector_store %arg6[%parallel_loop3A_549, %parallel_loop3A_550], %parallel_loop3A_553 {add = true, strides = array<i32>} : memref<24x768xf32, #tpu.memory_space<vmem>>, vector<1x16xf32>,
        %parallel_loop3A_554 = arith.addi %mul3A_141, %parallel_loop3A_483 : i32
        %parallel_loop3A_555 = arith.index_cast %parallel_loop3A_554 : i32 to index
        %parallel_loop3A_556 = arith.constant 112 : index
        %parallel_loop3A_557 = tpu.vector_load %arg5[%parallel_loop3A_555, %parallel_loop3A_556] {strides = array<i32>} : memref<72x768xf32, #tpu.memory_space<vmem>>, vector<1x16xf32>,
        %parallel_loop3A_558 = vector.shape_cast %parallel_loop3A_557 : vector<1x16xf32> to vector<16xf32>
        %parallel_loop3A_559 = arith.index_cast %parallel_loop3A_483 : i32 to index
        %parallel_loop3A_560 = arith.constant 112 : index
        %parallel_loop3A_561 = tpu.vector_load %arg6[%parallel_loop3A_559, %parallel_loop3A_560] {strides = array<i32>} : memref<24x768xf32, #tpu.memory_space<vmem>>, vector<1x16xf32>,
        %parallel_loop3A_562 = vector.shape_cast %parallel_loop3A_561 : vector<1x16xf32> to vector<16xf32>
        %parallel_loop3A_563 = vector.shape_cast %parallel_loop3A_558 : vector<16xf32> to vector<1x16xf32>
        tpu.vector_store %arg6[%parallel_loop3A_559, %parallel_loop3A_560], %parallel_loop3A_563 {add = true, strides = array<i32>} : memref<24x768xf32, #tpu.memory_space<vmem>>, vector<1x16xf32>,
        %parallel_loop3A_564 = arith.addi %mul3A_141, %parallel_loop3A_483 : i32
        %parallel_loop3A_565 = arith.index_cast %parallel_loop3A_564 : i32 to index
        %parallel_loop3A_566 = arith.constant 128 : index
        %parallel_loop3A_567 = tpu.vector_load %arg5[%parallel_loop3A_565, %parallel_loop3A_566] {strides = array<i32>} : memref<72x768xf32, #tpu.memory_space<vmem>>, vector<1x16xf32>,
        %parallel_loop3A_568 = vector.shape_cast %parallel_loop3A_567 : vector<1x16xf32> to vector<16xf32>
        %parallel_loop3A_569 = arith.index_cast %parallel_loop3A_483 : i32 to index
        %parallel_loop3A_570 = arith.constant 128 : index
        %parallel_loop3A_571 = tpu.vector_load %arg6[%parallel_loop3A_569, %parallel_loop3A_570] {strides = array<i32>} : memref<24x768xf32, #tpu.memory_space<vmem>>, vector<1x16xf32>,
        %parallel_loop3A_572 = vector.shape_cast %parallel_loop3A_571 : vector<1x16xf32> to vector<16xf32>
        %parallel_loop3A_573 = vector.shape_cast %parallel_loop3A_568 : vector<16xf32> to vector<1x16xf32>
        tpu.vector_store %arg6[%parallel_loop3A_569, %parallel_loop3A_570], %parallel_loop3A_573 {add = true, strides = array<i32>} : memref<24x768xf32, #tpu.memory_space<vmem>>, vector<1x16xf32>,
        %parallel_loop3A_574 = arith.addi %mul3A_141, %parallel_loop3A_483 : i32
        %parallel_loop3A_575 = arith.index_cast %parallel_loop3A_574 : i32 to index
        %parallel_loop3A_576 = arith.constant 144 : index
        %parallel_loop3A_577 = tpu.vector_load %arg5[%parallel_loop3A_575, %parallel_loop3A_576] {strides = array<i32>} : memref<72x768xf32, #tpu.memory_space<vmem>>, vector<1x16xf32>,
        %parallel_loop3A_578 = vector.shape_cast %parallel_loop3A_577 : vector<1x16xf32> to vector<16xf32>
        %parallel_loop3A_579 = arith.index_cast %parallel_loop3A_483 : i32 to index
        %parallel_loop3A_580 = arith.constant 144 : index
        %parallel_loop3A_581 = tpu.vector_load %arg6[%parallel_loop3A_579, %parallel_loop3A_580] {strides = array<i32>} : memref<24x768xf32, #tpu.memory_space<vmem>>, vector<1x16xf32>,
        %parallel_loop3A_582 = vector.shape_cast %parallel_loop3A_581 : vector<1x16xf32> to vector<16xf32>
        %parallel_loop3A_583 = vector.shape_cast %parallel_loop3A_578 : vector<16xf32> to vector<1x16xf32>
        tpu.vector_store %arg6[%parallel_loop3A_579, %parallel_loop3A_580], %parallel_loop3A_583 {add = true, strides = array<i32>} : memref<24x768xf32, #tpu.memory_space<vmem>>, vector<1x16xf32>,
        %parallel_loop3A_584 = arith.addi %mul3A_141, %parallel_loop3A_483 : i32
        %parallel_loop3A_585 = arith.index_cast %parallel_loop3A_584 : i32 to index
        %parallel_loop3A_586 = arith.constant 160 : index
        %parallel_loop3A_587 = tpu.vector_load %arg5[%parallel_loop3A_585, %parallel_loop3A_586] {strides = array<i32>} : memref<72x768xf32, #tpu.memory_space<vmem>>, vector<1x16xf32>,
        %parallel_loop3A_588 = vector.shape_cast %parallel_loop3A_587 : vector<1x16xf32> to vector<16xf32>
        %parallel_loop3A_589 = arith.index_cast %parallel_loop3A_483 : i32 to index
        %parallel_loop3A_590 = arith.constant 160 : index
        %parallel_loop3A_591 = tpu.vector_load %arg6[%parallel_loop3A_589, %parallel_loop3A_590] {strides = array<i32>} : memref<24x768xf32, #tpu.memory_space<vmem>>, vector<1x16xf32>,
        %parallel_loop3A_592 = vector.shape_cast %parallel_loop3A_591 : vector<1x16xf32> to vector<16xf32>
        %parallel_loop3A_593 = vector.shape_cast %parallel_loop3A_588 : vector<16xf32> to vector<1x16xf32>
        tpu.vector_store %arg6[%parallel_loop3A_589, %parallel_loop3A_590], %parallel_loop3A_593 {add = true, strides = array<i32>} : memref<24x768xf32, #tpu.memory_space<vmem>>, vector<1x16xf32>,
        %parallel_loop3A_594 = arith.addi %mul3A_141, %parallel_loop3A_483 : i32
        %parallel_loop3A_595 = arith.index_cast %parallel_loop3A_594 : i32 to index
        %parallel_loop3A_596 = arith.constant 176 : index
        %parallel_loop3A_597 = tpu.vector_load %arg5[%parallel_loop3A_595, %parallel_loop3A_596] {strides = array<i32>} : memref<72x768xf32, #tpu.memory_space<vmem>>, vector<1x16xf32>,
        %parallel_loop3A_598 = vector.shape_cast %parallel_loop3A_597 : vector<1x16xf32> to vector<16xf32>
        %parallel_loop3A_599 = arith.index_cast %parallel_loop3A_483 : i32 to index
        %parallel_loop3A_600 = arith.constant 176 : index
        %parallel_loop3A_601 = tpu.vector_load %arg6[%parallel_loop3A_599, %parallel_loop3A_600] {strides = array<i32>} : memref<24x768xf32, #tpu.memory_space<vmem>>, vector<1x16xf32>,
        %parallel_loop3A_602 = vector.shape_cast %parallel_loop3A_601 : vector<1x16xf32> to vector<16xf32>
        %parallel_loop3A_603 = vector.shape_cast %parallel_loop3A_598 : vector<16xf32> to vector<1x16xf32>
        tpu.vector_store %arg6[%parallel_loop3A_599, %parallel_loop3A_600], %parallel_loop3A_603 {add = true, strides = array<i32>} : memref<24x768xf32, #tpu.memory_space<vmem>>, vector<1x16xf32>,
        %parallel_loop3A_604 = arith.addi %mul3A_141, %parallel_loop3A_483 : i32
        %parallel_loop3A_605 = arith.index_cast %parallel_loop3A_604 : i32 to index
        %parallel_loop3A_606 = arith.constant 192 : index
        %parallel_loop3A_607 = tpu.vector_load %arg5[%parallel_loop3A_605, %parallel_loop3A_606] {strides = array<i32>} : memref<72x768xf32, #tpu.memory_space<vmem>>, vector<1x16xf32>,
        %parallel_loop3A_608 = vector.shape_cast %parallel_loop3A_607 : vector<1x16xf32> to vector<16xf32>
        %parallel_loop3A_609 = arith.index_cast %parallel_loop3A_483 : i32 to index
        %parallel_loop3A_610 = arith.constant 192 : index
        %parallel_loop3A_611 = tpu.vector_load %arg6[%parallel_loop3A_609, %parallel_loop3A_610] {strides = array<i32>} : memref<24x768xf32, #tpu.memory_space<vmem>>, vector<1x16xf32>,
        %parallel_loop3A_612 = vector.shape_cast %parallel_loop3A_611 : vector<1x16xf32> to vector<16xf32>
        %parallel_loop3A_613 = vector.shape_cast %parallel_loop3A_608 : vector<16xf32> to vector<1x16xf32>
        tpu.vector_store %arg6[%parallel_loop3A_609, %parallel_loop3A_610], %parallel_loop3A_613 {add = true, strides = array<i32>} : memref<24x768xf32, #tpu.memory_space<vmem>>, vector<1x16xf32>,
        %parallel_loop3A_614 = arith.addi %mul3A_141, %parallel_loop3A_483 : i32
        %parallel_loop3A_615 = arith.index_cast %parallel_loop3A_614 : i32 to index
        %parallel_loop3A_616 = arith.constant 208 : index
        %parallel_loop3A_617 = tpu.vector_load %arg5[%parallel_loop3A_615, %parallel_loop3A_616] {strides = array<i32>} : memref<72x768xf32, #tpu.memory_space<vmem>>, vector<1x16xf32>,
        %parallel_loop3A_618 = vector.shape_cast %parallel_loop3A_617 : vector<1x16xf32> to vector<16xf32>
        %parallel_loop3A_619 = arith.index_cast %parallel_loop3A_483 : i32 to index
        %parallel_loop3A_620 = arith.constant 208 : index
        %parallel_loop3A_621 = tpu.vector_load %arg6[%parallel_loop3A_619, %parallel_loop3A_620] {strides = array<i32>} : memref<24x768xf32, #tpu.memory_space<vmem>>, vector<1x16xf32>,
        %parallel_loop3A_622 = vector.shape_cast %parallel_loop3A_621 : vector<1x16xf32> to vector<16xf32>
        %parallel_loop3A_623 = vector.shape_cast %parallel_loop3A_618 : vector<16xf32> to vector<1x16xf32>
        tpu.vector_store %arg6[%parallel_loop3A_619, %parallel_loop3A_620], %parallel_loop3A_623 {add = true, strides = array<i32>} : memref<24x768xf32, #tpu.memory_space<vmem>>, vector<1x16xf32>,
        %parallel_loop3A_624 = arith.addi %mul3A_141, %parallel_loop3A_483 : i32
        %parallel_loop3A_625 = arith.index_cast %parallel_loop3A_624 : i32 to index
        %parallel_loop3A_626 = arith.constant 224 : index
        %parallel_loop3A_627 = tpu.vector_load %arg5[%parallel_loop3A_625, %parallel_loop3A_626] {strides = array<i32>} : memref<72x768xf32, #tpu.memory_space<vmem>>, vector<1x16xf32>,
        %parallel_loop3A_628 = vector.shape_cast %parallel_loop3A_627 : vector<1x16xf32> to vector<16xf32>
        %parallel_loop3A_629 = arith.index_cast %parallel_loop3A_483 : i32 to index
        %parallel_loop3A_630 = arith.constant 224 : index
        %parallel_loop3A_631 = tpu.vector_load %arg6[%parallel_loop3A_629, %parallel_loop3A_630] {strides = array<i32>} : memref<24x768xf32, #tpu.memory_space<vmem>>, vector<1x16xf32>,
        %parallel_loop3A_632 = vector.shape_cast %parallel_loop3A_631 : vector<1x16xf32> to vector<16xf32>
        %parallel_loop3A_633 = vector.shape_cast %parallel_loop3A_628 : vector<16xf32> to vector<1x16xf32>
        tpu.vector_store %arg6[%parallel_loop3A_629, %parallel_loop3A_630], %parallel_loop3A_633 {add = true, strides = array<i32>} : memref<24x768xf32, #tpu.memory_space<vmem>>, vector<1x16xf32>,
        %parallel_loop3A_634 = arith.addi %mul3A_141, %parallel_loop3A_483 : i32
        %parallel_loop3A_635 = arith.index_cast %parallel_loop3A_634 : i32 to index
        %parallel_loop3A_636 = arith.constant 240 : index
        %parallel_loop3A_637 = tpu.vector_load %arg5[%parallel_loop3A_635, %parallel_loop3A_636] {strides = array<i32>} : memref<72x768xf32, #tpu.memory_space<vmem>>, vector<1x16xf32>,
        %parallel_loop3A_638 = vector.shape_cast %parallel_loop3A_637 : vector<1x16xf32> to vector<16xf32>
        %parallel_loop3A_639 = arith.index_cast %parallel_loop3A_483 : i32 to index
        %parallel_loop3A_640 = arith.constant 240 : index
        %parallel_loop3A_641 = tpu.vector_load %arg6[%parallel_loop3A_639, %parallel_loop3A_640] {strides = array<i32>} : memref<24x768xf32, #tpu.memory_space<vmem>>, vector<1x16xf32>,
        %parallel_loop3A_642 = vector.shape_cast %parallel_loop3A_641 : vector<1x16xf32> to vector<16xf32>
        %parallel_loop3A_643 = vector.shape_cast %parallel_loop3A_638 : vector<16xf32> to vector<1x16xf32>
        tpu.vector_store %arg6[%parallel_loop3A_639, %parallel_loop3A_640], %parallel_loop3A_643 {add = true, strides = array<i32>} : memref<24x768xf32, #tpu.memory_space<vmem>>, vector<1x16xf32>,
        %parallel_loop3A_644 = arith.addi %mul3A_141, %parallel_loop3A_483 : i32
        %parallel_loop3A_645 = arith.index_cast %parallel_loop3A_644 : i32 to index
        %parallel_loop3A_646 = arith.constant 256 : index
        %parallel_loop3A_647 = tpu.vector_load %arg5[%parallel_loop3A_645, %parallel_loop3A_646] {strides = array<i32>} : memref<72x768xf32, #tpu.memory_space<vmem>>, vector<1x16xf32>,
        %parallel_loop3A_648 = vector.shape_cast %parallel_loop3A_647 : vector<1x16xf32> to vector<16xf32>
        %parallel_loop3A_649 = arith.index_cast %parallel_loop3A_483 : i32 to index
        %parallel_loop3A_650 = arith.constant 256 : index
        %parallel_loop3A_651 = tpu.vector_load %arg6[%parallel_loop3A_649, %parallel_loop3A_650] {strides = array<i32>} : memref<24x768xf32, #tpu.memory_space<vmem>>, vector<1x16xf32>,
        %parallel_loop3A_652 = vector.shape_cast %parallel_loop3A_651 : vector<1x16xf32> to vector<16xf32>
        %parallel_loop3A_653 = vector.shape_cast %parallel_loop3A_648 : vector<16xf32> to vector<1x16xf32>
        tpu.vector_store %arg6[%parallel_loop3A_649, %parallel_loop3A_650], %parallel_loop3A_653 {add = true, strides = array<i32>} : memref<24x768xf32, #tpu.memory_space<vmem>>, vector<1x16xf32>,
        %parallel_loop3A_654 = arith.addi %mul3A_141, %parallel_loop3A_483 : i32
        %parallel_loop3A_655 = arith.index_cast %parallel_loop3A_654 : i32 to index
        %parallel_loop3A_656 = arith.constant 272 : index
        %parallel_loop3A_657 = tpu.vector_load %arg5[%parallel_loop3A_655, %parallel_loop3A_656] {strides = array<i32>} : memref<72x768xf32, #tpu.memory_space<vmem>>, vector<1x16xf32>,
        %parallel_loop3A_658 = vector.shape_cast %parallel_loop3A_657 : vector<1x16xf32> to vector<16xf32>
        %parallel_loop3A_659 = arith.index_cast %parallel_loop3A_483 : i32 to index
        %parallel_loop3A_660 = arith.constant 272 : index
        %parallel_loop3A_661 = tpu.vector_load %arg6[%parallel_loop3A_659, %parallel_loop3A_660] {strides = array<i32>} : memref<24x768xf32, #tpu.memory_space<vmem>>, vector<1x16xf32>,
        %parallel_loop3A_662 = vector.shape_cast %parallel_loop3A_661 : vector<1x16xf32> to vector<16xf32>
        %parallel_loop3A_663 = vector.shape_cast %parallel_loop3A_658 : vector<16xf32> to vector<1x16xf32>
        tpu.vector_store %arg6[%parallel_loop3A_659, %parallel_loop3A_660], %parallel_loop3A_663 {add = true, strides = array<i32>} : memref<24x768xf32, #tpu.memory_space<vmem>>, vector<1x16xf32>,
        %parallel_loop3A_664 = arith.addi %mul3A_141, %parallel_loop3A_483 : i32
        %parallel_loop3A_665 = arith.index_cast %parallel_loop3A_664 : i32 to index
        %parallel_loop3A_666 = arith.constant 288 : index
        %parallel_loop3A_667 = tpu.vector_load %arg5[%parallel_loop3A_665, %parallel_loop3A_666] {strides = array<i32>} : memref<72x768xf32, #tpu.memory_space<vmem>>, vector<1x16xf32>,
        %parallel_loop3A_668 = vector.shape_cast %parallel_loop3A_667 : vector<1x16xf32> to vector<16xf32>
        %parallel_loop3A_669 = arith.index_cast %parallel_loop3A_483 : i32 to index
        %parallel_loop3A_670 = arith.constant 288 : index
        %parallel_loop3A_671 = tpu.vector_load %arg6[%parallel_loop3A_669, %parallel_loop3A_670] {strides = array<i32>} : memref<24x768xf32, #tpu.memory_space<vmem>>, vector<1x16xf32>,
        %parallel_loop3A_672 = vector.shape_cast %parallel_loop3A_671 : vector<1x16xf32> to vector<16xf32>
        %parallel_loop3A_673 = vector.shape_cast %parallel_loop3A_668 : vector<16xf32> to vector<1x16xf32>
        tpu.vector_store %arg6[%parallel_loop3A_669, %parallel_loop3A_670], %parallel_loop3A_673 {add = true, strides = array<i32>} : memref<24x768xf32, #tpu.memory_space<vmem>>, vector<1x16xf32>,
        %parallel_loop3A_674 = arith.addi %mul3A_141, %parallel_loop3A_483 : i32
        %parallel_loop3A_675 = arith.index_cast %parallel_loop3A_674 : i32 to index
        %parallel_loop3A_676 = arith.constant 304 : index
        %parallel_loop3A_677 = tpu.vector_load %arg5[%parallel_loop3A_675, %parallel_loop3A_676] {strides = array<i32>} : memref<72x768xf32, #tpu.memory_space<vmem>>, vector<1x16xf32>,
        %parallel_loop3A_678 = vector.shape_cast %parallel_loop3A_677 : vector<1x16xf32> to vector<16xf32>
        %parallel_loop3A_679 = arith.index_cast %parallel_loop3A_483 : i32 to index
        %parallel_loop3A_680 = arith.constant 304 : index
        %parallel_loop3A_681 = tpu.vector_load %arg6[%parallel_loop3A_679, %parallel_loop3A_680] {strides = array<i32>} : memref<24x768xf32, #tpu.memory_space<vmem>>, vector<1x16xf32>,
        %parallel_loop3A_682 = vector.shape_cast %parallel_loop3A_681 : vector<1x16xf32> to vector<16xf32>
        %parallel_loop3A_683 = vector.shape_cast %parallel_loop3A_678 : vector<16xf32> to vector<1x16xf32>
        tpu.vector_store %arg6[%parallel_loop3A_679, %parallel_loop3A_680], %parallel_loop3A_683 {add = true, strides = array<i32>} : memref<24x768xf32, #tpu.memory_space<vmem>>, vector<1x16xf32>,
        %parallel_loop3A_684 = arith.addi %mul3A_141, %parallel_loop3A_483 : i32
        %parallel_loop3A_685 = arith.index_cast %parallel_loop3A_684 : i32 to index
        %parallel_loop3A_686 = arith.constant 320 : index
        %parallel_loop3A_687 = tpu.vector_load %arg5[%parallel_loop3A_685, %parallel_loop3A_686] {strides = array<i32>} : memref<72x768xf32, #tpu.memory_space<vmem>>, vector<1x16xf32>,
        %parallel_loop3A_688 = vector.shape_cast %parallel_loop3A_687 : vector<1x16xf32> to vector<16xf32>
        %parallel_loop3A_689 = arith.index_cast %parallel_loop3A_483 : i32 to index
        %parallel_loop3A_690 = arith.constant 320 : index
        %parallel_loop3A_691 = tpu.vector_load %arg6[%parallel_loop3A_689, %parallel_loop3A_690] {strides = array<i32>} : memref<24x768xf32, #tpu.memory_space<vmem>>, vector<1x16xf32>,
        %parallel_loop3A_692 = vector.shape_cast %parallel_loop3A_691 : vector<1x16xf32> to vector<16xf32>
        %parallel_loop3A_693 = vector.shape_cast %parallel_loop3A_688 : vector<16xf32> to vector<1x16xf32>
        tpu.vector_store %arg6[%parallel_loop3A_689, %parallel_loop3A_690], %parallel_loop3A_693 {add = true, strides = array<i32>} : memref<24x768xf32, #tpu.memory_space<vmem>>, vector<1x16xf32>,
        %parallel_loop3A_694 = arith.addi %mul3A_141, %parallel_loop3A_483 : i32
        %parallel_loop3A_695 = arith.index_cast %parallel_loop3A_694 : i32 to index
        %parallel_loop3A_696 = arith.constant 336 : index
        %parallel_loop3A_697 = tpu.vector_load %arg5[%parallel_loop3A_695, %parallel_loop3A_696] {strides = array<i32>} : memref<72x768xf32, #tpu.memory_space<vmem>>, vector<1x16xf32>,
        %parallel_loop3A_698 = vector.shape_cast %parallel_loop3A_697 : vector<1x16xf32> to vector<16xf32>
        %parallel_loop3A_699 = arith.index_cast %parallel_loop3A_483 : i32 to index
        %parallel_loop3A_700 = arith.constant 336 : index
        %parallel_loop3A_701 = tpu.vector_load %arg6[%parallel_loop3A_699, %parallel_loop3A_700] {strides = array<i32>} : memref<24x768xf32, #tpu.memory_space<vmem>>, vector<1x16xf32>,
        %parallel_loop3A_702 = vector.shape_cast %parallel_loop3A_701 : vector<1x16xf32> to vector<16xf32>
        %parallel_loop3A_703 = vector.shape_cast %parallel_loop3A_698 : vector<16xf32> to vector<1x16xf32>
        tpu.vector_store %arg6[%parallel_loop3A_699, %parallel_loop3A_700], %parallel_loop3A_703 {add = true, strides = array<i32>} : memref<24x768xf32, #tpu.memory_space<vmem>>, vector<1x16xf32>,
        %parallel_loop3A_704 = arith.addi %mul3A_141, %parallel_loop3A_483 : i32
        %parallel_loop3A_705 = arith.index_cast %parallel_loop3A_704 : i32 to index
        %parallel_loop3A_706 = arith.constant 352 : index
        %parallel_loop3A_707 = tpu.vector_load %arg5[%parallel_loop3A_705, %parallel_loop3A_706] {strides = array<i32>} : memref<72x768xf32, #tpu.memory_space<vmem>>, vector<1x16xf32>,
        %parallel_loop3A_708 = vector.shape_cast %parallel_loop3A_707 : vector<1x16xf32> to vector<16xf32>
        %parallel_loop3A_709 = arith.index_cast %parallel_loop3A_483 : i32 to index
        %parallel_loop3A_710 = arith.constant 352 : index
        %parallel_loop3A_711 = tpu.vector_load %arg6[%parallel_loop3A_709, %parallel_loop3A_710] {strides = array<i32>} : memref<24x768xf32, #tpu.memory_space<vmem>>, vector<1x16xf32>,
        %parallel_loop3A_712 = vector.shape_cast %parallel_loop3A_711 : vector<1x16xf32> to vector<16xf32>
        %parallel_loop3A_713 = vector.shape_cast %parallel_loop3A_708 : vector<16xf32> to vector<1x16xf32>
        tpu.vector_store %arg6[%parallel_loop3A_709, %parallel_loop3A_710], %parallel_loop3A_713 {add = true, strides = array<i32>} : memref<24x768xf32, #tpu.memory_space<vmem>>, vector<1x16xf32>,
        %parallel_loop3A_714 = arith.addi %mul3A_141, %parallel_loop3A_483 : i32
        %parallel_loop3A_715 = arith.index_cast %parallel_loop3A_714 : i32 to index
        %parallel_loop3A_716 = arith.constant 368 : index
        %parallel_loop3A_717 = tpu.vector_load %arg5[%parallel_loop3A_715, %parallel_loop3A_716] {strides = array<i32>} : memref<72x768xf32, #tpu.memory_space<vmem>>, vector<1x16xf32>,
        %parallel_loop3A_718 = vector.shape_cast %parallel_loop3A_717 : vector<1x16xf32> to vector<16xf32>
        %parallel_loop3A_719 = arith.index_cast %parallel_loop3A_483 : i32 to index
        %parallel_loop3A_720 = arith.constant 368 : index
        %parallel_loop3A_721 = tpu.vector_load %arg6[%parallel_loop3A_719, %parallel_loop3A_720] {strides = array<i32>} : memref<24x768xf32, #tpu.memory_space<vmem>>, vector<1x16xf32>,
        %parallel_loop3A_722 = vector.shape_cast %parallel_loop3A_721 : vector<1x16xf32> to vector<16xf32>
        %parallel_loop3A_723 = vector.shape_cast %parallel_loop3A_718 : vector<16xf32> to vector<1x16xf32>
        tpu.vector_store %arg6[%parallel_loop3A_719, %parallel_loop3A_720], %parallel_loop3A_723 {add = true, strides = array<i32>} : memref<24x768xf32, #tpu.memory_space<vmem>>, vector<1x16xf32>,
        %parallel_loop3A_724 = arith.addi %mul3A_141, %parallel_loop3A_483 : i32
        %parallel_loop3A_725 = arith.index_cast %parallel_loop3A_724 : i32 to index
        %parallel_loop3A_726 = arith.constant 384 : index
        %parallel_loop3A_727 = tpu.vector_load %arg5[%parallel_loop3A_725, %parallel_loop3A_726] {strides = array<i32>} : memref<72x768xf32, #tpu.memory_space<vmem>>, vector<1x16xf32>,
        %parallel_loop3A_728 = vector.shape_cast %parallel_loop3A_727 : vector<1x16xf32> to vector<16xf32>
        %parallel_loop3A_729 = arith.index_cast %parallel_loop3A_483 : i32 to index
        %parallel_loop3A_730 = arith.constant 384 : index
        %parallel_loop3A_731 = tpu.vector_load %arg6[%parallel_loop3A_729, %parallel_loop3A_730] {strides = array<i32>} : memref<24x768xf32, #tpu.memory_space<vmem>>, vector<1x16xf32>,
        %parallel_loop3A_732 = vector.shape_cast %parallel_loop3A_731 : vector<1x16xf32> to vector<16xf32>
        %parallel_loop3A_733 = vector.shape_cast %parallel_loop3A_728 : vector<16xf32> to vector<1x16xf32>
        tpu.vector_store %arg6[%parallel_loop3A_729, %parallel_loop3A_730], %parallel_loop3A_733 {add = true, strides = array<i32>} : memref<24x768xf32, #tpu.memory_space<vmem>>, vector<1x16xf32>,
        %parallel_loop3A_734 = arith.addi %mul3A_141, %parallel_loop3A_483 : i32
        %parallel_loop3A_735 = arith.index_cast %parallel_loop3A_734 : i32 to index
        %parallel_loop3A_736 = arith.constant 400 : index
        %parallel_loop3A_737 = tpu.vector_load %arg5[%parallel_loop3A_735, %parallel_loop3A_736] {strides = array<i32>} : memref<72x768xf32, #tpu.memory_space<vmem>>, vector<1x16xf32>,
        %parallel_loop3A_738 = vector.shape_cast %parallel_loop3A_737 : vector<1x16xf32> to vector<16xf32>
        %parallel_loop3A_739 = arith.index_cast %parallel_loop3A_483 : i32 to index
        %parallel_loop3A_740 = arith.constant 400 : index
        %parallel_loop3A_741 = tpu.vector_load %arg6[%parallel_loop3A_739, %parallel_loop3A_740] {strides = array<i32>} : memref<24x768xf32, #tpu.memory_space<vmem>>, vector<1x16xf32>,
        %parallel_loop3A_742 = vector.shape_cast %parallel_loop3A_741 : vector<1x16xf32> to vector<16xf32>
        %parallel_loop3A_743 = vector.shape_cast %parallel_loop3A_738 : vector<16xf32> to vector<1x16xf32>
        tpu.vector_store %arg6[%parallel_loop3A_739, %parallel_loop3A_740], %parallel_loop3A_743 {add = true, strides = array<i32>} : memref<24x768xf32, #tpu.memory_space<vmem>>, vector<1x16xf32>,
        %parallel_loop3A_744 = arith.addi %mul3A_141, %parallel_loop3A_483 : i32
        %parallel_loop3A_745 = arith.index_cast %parallel_loop3A_744 : i32 to index
        %parallel_loop3A_746 = arith.constant 416 : index
        %parallel_loop3A_747 = tpu.vector_load %arg5[%parallel_loop3A_745, %parallel_loop3A_746] {strides = array<i32>} : memref<72x768xf32, #tpu.memory_space<vmem>>, vector<1x16xf32>,
        %parallel_loop3A_748 = vector.shape_cast %parallel_loop3A_747 : vector<1x16xf32> to vector<16xf32>
        %parallel_loop3A_749 = arith.index_cast %parallel_loop3A_483 : i32 to index
        %parallel_loop3A_750 = arith.constant 416 : index
        %parallel_loop3A_751 = tpu.vector_load %arg6[%parallel_loop3A_749, %parallel_loop3A_750] {strides = array<i32>} : memref<24x768xf32, #tpu.memory_space<vmem>>, vector<1x16xf32>,
        %parallel_loop3A_752 = vector.shape_cast %parallel_loop3A_751 : vector<1x16xf32> to vector<16xf32>
        %parallel_loop3A_753 = vector.shape_cast %parallel_loop3A_748 : vector<16xf32> to vector<1x16xf32>
        tpu.vector_store %arg6[%parallel_loop3A_749, %parallel_loop3A_750], %parallel_loop3A_753 {add = true, strides = array<i32>} : memref<24x768xf32, #tpu.memory_space<vmem>>, vector<1x16xf32>,
        %parallel_loop3A_754 = arith.addi %mul3A_141, %parallel_loop3A_483 : i32
        %parallel_loop3A_755 = arith.index_cast %parallel_loop3A_754 : i32 to index
        %parallel_loop3A_756 = arith.constant 432 : index
        %parallel_loop3A_757 = tpu.vector_load %arg5[%parallel_loop3A_755, %parallel_loop3A_756] {strides = array<i32>} : memref<72x768xf32, #tpu.memory_space<vmem>>, vector<1x16xf32>,
        %parallel_loop3A_758 = vector.shape_cast %parallel_loop3A_757 : vector<1x16xf32> to vector<16xf32>
        %parallel_loop3A_759 = arith.index_cast %parallel_loop3A_483 : i32 to index
        %parallel_loop3A_760 = arith.constant 432 : index
        %parallel_loop3A_761 = tpu.vector_load %arg6[%parallel_loop3A_759, %parallel_loop3A_760] {strides = array<i32>} : memref<24x768xf32, #tpu.memory_space<vmem>>, vector<1x16xf32>,
        %parallel_loop3A_762 = vector.shape_cast %parallel_loop3A_761 : vector<1x16xf32> to vector<16xf32>
        %parallel_loop3A_763 = vector.shape_cast %parallel_loop3A_758 : vector<16xf32> to vector<1x16xf32>
        tpu.vector_store %arg6[%parallel_loop3A_759, %parallel_loop3A_760], %parallel_loop3A_763 {add = true, strides = array<i32>} : memref<24x768xf32, #tpu.memory_space<vmem>>, vector<1x16xf32>,
        %parallel_loop3A_764 = arith.addi %mul3A_141, %parallel_loop3A_483 : i32
        %parallel_loop3A_765 = arith.index_cast %parallel_loop3A_764 : i32 to index
        %parallel_loop3A_766 = arith.constant 448 : index
        %parallel_loop3A_767 = tpu.vector_load %arg5[%parallel_loop3A_765, %parallel_loop3A_766] {strides = array<i32>} : memref<72x768xf32, #tpu.memory_space<vmem>>, vector<1x16xf32>,
        %parallel_loop3A_768 = vector.shape_cast %parallel_loop3A_767 : vector<1x16xf32> to vector<16xf32>
        %parallel_loop3A_769 = arith.index_cast %parallel_loop3A_483 : i32 to index
        %parallel_loop3A_770 = arith.constant 448 : index
        %parallel_loop3A_771 = tpu.vector_load %arg6[%parallel_loop3A_769, %parallel_loop3A_770] {strides = array<i32>} : memref<24x768xf32, #tpu.memory_space<vmem>>, vector<1x16xf32>,
        %parallel_loop3A_772 = vector.shape_cast %parallel_loop3A_771 : vector<1x16xf32> to vector<16xf32>
        %parallel_loop3A_773 = vector.shape_cast %parallel_loop3A_768 : vector<16xf32> to vector<1x16xf32>
        tpu.vector_store %arg6[%parallel_loop3A_769, %parallel_loop3A_770], %parallel_loop3A_773 {add = true, strides = array<i32>} : memref<24x768xf32, #tpu.memory_space<vmem>>, vector<1x16xf32>,
        %parallel_loop3A_774 = arith.addi %mul3A_141, %parallel_loop3A_483 : i32
        %parallel_loop3A_775 = arith.index_cast %parallel_loop3A_774 : i32 to index
        %parallel_loop3A_776 = arith.constant 464 : index
        %parallel_loop3A_777 = tpu.vector_load %arg5[%parallel_loop3A_775, %parallel_loop3A_776] {strides = array<i32>} : memref<72x768xf32, #tpu.memory_space<vmem>>, vector<1x16xf32>,
        %parallel_loop3A_778 = vector.shape_cast %parallel_loop3A_777 : vector<1x16xf32> to vector<16xf32>
        %parallel_loop3A_779 = arith.index_cast %parallel_loop3A_483 : i32 to index
        %parallel_loop3A_780 = arith.constant 464 : index
        %parallel_loop3A_781 = tpu.vector_load %arg6[%parallel_loop3A_779, %parallel_loop3A_780] {strides = array<i32>} : memref<24x768xf32, #tpu.memory_space<vmem>>, vector<1x16xf32>,
        %parallel_loop3A_782 = vector.shape_cast %parallel_loop3A_781 : vector<1x16xf32> to vector<16xf32>
        %parallel_loop3A_783 = vector.shape_cast %parallel_loop3A_778 : vector<16xf32> to vector<1x16xf32>
        tpu.vector_store %arg6[%parallel_loop3A_779, %parallel_loop3A_780], %parallel_loop3A_783 {add = true, strides = array<i32>} : memref<24x768xf32, #tpu.memory_space<vmem>>, vector<1x16xf32>,
        %parallel_loop3A_784 = arith.addi %mul3A_141, %parallel_loop3A_483 : i32
        %parallel_loop3A_785 = arith.index_cast %parallel_loop3A_784 : i32 to index
        %parallel_loop3A_786 = arith.constant 480 : index
        %parallel_loop3A_787 = tpu.vector_load %arg5[%parallel_loop3A_785, %parallel_loop3A_786] {strides = array<i32>} : memref<72x768xf32, #tpu.memory_space<vmem>>, vector<1x16xf32>,
        %parallel_loop3A_788 = vector.shape_cast %parallel_loop3A_787 : vector<1x16xf32> to vector<16xf32>
        %parallel_loop3A_789 = arith.index_cast %parallel_loop3A_483 : i32 to index
        %parallel_loop3A_790 = arith.constant 480 : index
        %parallel_loop3A_791 = tpu.vector_load %arg6[%parallel_loop3A_789, %parallel_loop3A_790] {strides = array<i32>} : memref<24x768xf32, #tpu.memory_space<vmem>>, vector<1x16xf32>,
        %parallel_loop3A_792 = vector.shape_cast %parallel_loop3A_791 : vector<1x16xf32> to vector<16xf32>
        %parallel_loop3A_793 = vector.shape_cast %parallel_loop3A_788 : vector<16xf32> to vector<1x16xf32>
        tpu.vector_store %arg6[%parallel_loop3A_789, %parallel_loop3A_790], %parallel_loop3A_793 {add = true, strides = array<i32>} : memref<24x768xf32, #tpu.memory_space<vmem>>, vector<1x16xf32>,
        %parallel_loop3A_794 = arith.addi %mul3A_141, %parallel_loop3A_483 : i32
        %parallel_loop3A_795 = arith.index_cast %parallel_loop3A_794 : i32 to index
        %parallel_loop3A_796 = arith.constant 496 : index
        %parallel_loop3A_797 = tpu.vector_load %arg5[%parallel_loop3A_795, %parallel_loop3A_796] {strides = array<i32>} : memref<72x768xf32, #tpu.memory_space<vmem>>, vector<1x16xf32>,
        %parallel_loop3A_798 = vector.shape_cast %parallel_loop3A_797 : vector<1x16xf32> to vector<16xf32>
        %parallel_loop3A_799 = arith.index_cast %parallel_loop3A_483 : i32 to index
        %parallel_loop3A_800 = arith.constant 496 : index
        %parallel_loop3A_801 = tpu.vector_load %arg6[%parallel_loop3A_799, %parallel_loop3A_800] {strides = array<i32>} : memref<24x768xf32, #tpu.memory_space<vmem>>, vector<1x16xf32>,
        %parallel_loop3A_802 = vector.shape_cast %parallel_loop3A_801 : vector<1x16xf32> to vector<16xf32>
        %parallel_loop3A_803 = vector.shape_cast %parallel_loop3A_798 : vector<16xf32> to vector<1x16xf32>
        tpu.vector_store %arg6[%parallel_loop3A_799, %parallel_loop3A_800], %parallel_loop3A_803 {add = true, strides = array<i32>} : memref<24x768xf32, #tpu.memory_space<vmem>>, vector<1x16xf32>,
        %parallel_loop3A_804 = arith.addi %mul3A_141, %parallel_loop3A_483 : i32
        %parallel_loop3A_805 = arith.index_cast %parallel_loop3A_804 : i32 to index
        %parallel_loop3A_806 = arith.constant 512 : index
        %parallel_loop3A_807 = tpu.vector_load %arg5[%parallel_loop3A_805, %parallel_loop3A_806] {strides = array<i32>} : memref<72x768xf32, #tpu.memory_space<vmem>>, vector<1x16xf32>,
        %parallel_loop3A_808 = vector.shape_cast %parallel_loop3A_807 : vector<1x16xf32> to vector<16xf32>
        %parallel_loop3A_809 = arith.index_cast %parallel_loop3A_483 : i32 to index
        %parallel_loop3A_810 = arith.constant 512 : index
        %parallel_loop3A_811 = tpu.vector_load %arg6[%parallel_loop3A_809, %parallel_loop3A_810] {strides = array<i32>} : memref<24x768xf32, #tpu.memory_space<vmem>>, vector<1x16xf32>,
        %parallel_loop3A_812 = vector.shape_cast %parallel_loop3A_811 : vector<1x16xf32> to vector<16xf32>
        %parallel_loop3A_813 = vector.shape_cast %parallel_loop3A_808 : vector<16xf32> to vector<1x16xf32>
        tpu.vector_store %arg6[%parallel_loop3A_809, %parallel_loop3A_810], %parallel_loop3A_813 {add = true, strides = array<i32>} : memref<24x768xf32, #tpu.memory_space<vmem>>, vector<1x16xf32>,
        %parallel_loop3A_814 = arith.addi %mul3A_141, %parallel_loop3A_483 : i32
        %parallel_loop3A_815 = arith.index_cast %parallel_loop3A_814 : i32 to index
        %parallel_loop3A_816 = arith.constant 528 : index
        %parallel_loop3A_817 = tpu.vector_load %arg5[%parallel_loop3A_815, %parallel_loop3A_816] {strides = array<i32>} : memref<72x768xf32, #tpu.memory_space<vmem>>, vector<1x16xf32>,
        %parallel_loop3A_818 = vector.shape_cast %parallel_loop3A_817 : vector<1x16xf32> to vector<16xf32>
        %parallel_loop3A_819 = arith.index_cast %parallel_loop3A_483 : i32 to index
        %parallel_loop3A_820 = arith.constant 528 : index
        %parallel_loop3A_821 = tpu.vector_load %arg6[%parallel_loop3A_819, %parallel_loop3A_820] {strides = array<i32>} : memref<24x768xf32, #tpu.memory_space<vmem>>, vector<1x16xf32>,
        %parallel_loop3A_822 = vector.shape_cast %parallel_loop3A_821 : vector<1x16xf32> to vector<16xf32>
        %parallel_loop3A_823 = vector.shape_cast %parallel_loop3A_818 : vector<16xf32> to vector<1x16xf32>
        tpu.vector_store %arg6[%parallel_loop3A_819, %parallel_loop3A_820], %parallel_loop3A_823 {add = true, strides = array<i32>} : memref<24x768xf32, #tpu.memory_space<vmem>>, vector<1x16xf32>,
        %parallel_loop3A_824 = arith.addi %mul3A_141, %parallel_loop3A_483 : i32
        %parallel_loop3A_825 = arith.index_cast %parallel_loop3A_824 : i32 to index
        %parallel_loop3A_826 = arith.constant 544 : index
        %parallel_loop3A_827 = tpu.vector_load %arg5[%parallel_loop3A_825, %parallel_loop3A_826] {strides = array<i32>} : memref<72x768xf32, #tpu.memory_space<vmem>>, vector<1x16xf32>,
        %parallel_loop3A_828 = vector.shape_cast %parallel_loop3A_827 : vector<1x16xf32> to vector<16xf32>
        %parallel_loop3A_829 = arith.index_cast %parallel_loop3A_483 : i32 to index
        %parallel_loop3A_830 = arith.constant 544 : index
        %parallel_loop3A_831 = tpu.vector_load %arg6[%parallel_loop3A_829, %parallel_loop3A_830] {strides = array<i32>} : memref<24x768xf32, #tpu.memory_space<vmem>>, vector<1x16xf32>,
        %parallel_loop3A_832 = vector.shape_cast %parallel_loop3A_831 : vector<1x16xf32> to vector<16xf32>
        %parallel_loop3A_833 = vector.shape_cast %parallel_loop3A_828 : vector<16xf32> to vector<1x16xf32>
        tpu.vector_store %arg6[%parallel_loop3A_829, %parallel_loop3A_830], %parallel_loop3A_833 {add = true, strides = array<i32>} : memref<24x768xf32, #tpu.memory_space<vmem>>, vector<1x16xf32>,
        %parallel_loop3A_834 = arith.addi %mul3A_141, %parallel_loop3A_483 : i32
        %parallel_loop3A_835 = arith.index_cast %parallel_loop3A_834 : i32 to index
        %parallel_loop3A_836 = arith.constant 560 : index
        %parallel_loop3A_837 = tpu.vector_load %arg5[%parallel_loop3A_835, %parallel_loop3A_836] {strides = array<i32>} : memref<72x768xf32, #tpu.memory_space<vmem>>, vector<1x16xf32>,
        %parallel_loop3A_838 = vector.shape_cast %parallel_loop3A_837 : vector<1x16xf32> to vector<16xf32>
        %parallel_loop3A_839 = arith.index_cast %parallel_loop3A_483 : i32 to index
        %parallel_loop3A_840 = arith.constant 560 : index
        %parallel_loop3A_841 = tpu.vector_load %arg6[%parallel_loop3A_839, %parallel_loop3A_840] {strides = array<i32>} : memref<24x768xf32, #tpu.memory_space<vmem>>, vector<1x16xf32>,
        %parallel_loop3A_842 = vector.shape_cast %parallel_loop3A_841 : vector<1x16xf32> to vector<16xf32>
        %parallel_loop3A_843 = vector.shape_cast %parallel_loop3A_838 : vector<16xf32> to vector<1x16xf32>
        tpu.vector_store %arg6[%parallel_loop3A_839, %parallel_loop3A_840], %parallel_loop3A_843 {add = true, strides = array<i32>} : memref<24x768xf32, #tpu.memory_space<vmem>>, vector<1x16xf32>,
        %parallel_loop3A_844 = arith.addi %mul3A_141, %parallel_loop3A_483 : i32
        %parallel_loop3A_845 = arith.index_cast %parallel_loop3A_844 : i32 to index
        %parallel_loop3A_846 = arith.constant 576 : index
        %parallel_loop3A_847 = tpu.vector_load %arg5[%parallel_loop3A_845, %parallel_loop3A_846] {strides = array<i32>} : memref<72x768xf32, #tpu.memory_space<vmem>>, vector<1x16xf32>,
        %parallel_loop3A_848 = vector.shape_cast %parallel_loop3A_847 : vector<1x16xf32> to vector<16xf32>
        %parallel_loop3A_849 = arith.index_cast %parallel_loop3A_483 : i32 to index
        %parallel_loop3A_850 = arith.constant 576 : index
        %parallel_loop3A_851 = tpu.vector_load %arg6[%parallel_loop3A_849, %parallel_loop3A_850] {strides = array<i32>} : memref<24x768xf32, #tpu.memory_space<vmem>>, vector<1x16xf32>,
        %parallel_loop3A_852 = vector.shape_cast %parallel_loop3A_851 : vector<1x16xf32> to vector<16xf32>
        %parallel_loop3A_853 = vector.shape_cast %parallel_loop3A_848 : vector<16xf32> to vector<1x16xf32>
        tpu.vector_store %arg6[%parallel_loop3A_849, %parallel_loop3A_850], %parallel_loop3A_853 {add = true, strides = array<i32>} : memref<24x768xf32, #tpu.memory_space<vmem>>, vector<1x16xf32>,
        %parallel_loop3A_854 = arith.addi %mul3A_141, %parallel_loop3A_483 : i32
        %parallel_loop3A_855 = arith.index_cast %parallel_loop3A_854 : i32 to index
        %parallel_loop3A_856 = arith.constant 592 : index
        %parallel_loop3A_857 = tpu.vector_load %arg5[%parallel_loop3A_855, %parallel_loop3A_856] {strides = array<i32>} : memref<72x768xf32, #tpu.memory_space<vmem>>, vector<1x16xf32>,
        %parallel_loop3A_858 = vector.shape_cast %parallel_loop3A_857 : vector<1x16xf32> to vector<16xf32>
        %parallel_loop3A_859 = arith.index_cast %parallel_loop3A_483 : i32 to index
        %parallel_loop3A_860 = arith.constant 592 : index
        %parallel_loop3A_861 = tpu.vector_load %arg6[%parallel_loop3A_859, %parallel_loop3A_860] {strides = array<i32>} : memref<24x768xf32, #tpu.memory_space<vmem>>, vector<1x16xf32>,
        %parallel_loop3A_862 = vector.shape_cast %parallel_loop3A_861 : vector<1x16xf32> to vector<16xf32>
        %parallel_loop3A_863 = vector.shape_cast %parallel_loop3A_858 : vector<16xf32> to vector<1x16xf32>
        tpu.vector_store %arg6[%parallel_loop3A_859, %parallel_loop3A_860], %parallel_loop3A_863 {add = true, strides = array<i32>} : memref<24x768xf32, #tpu.memory_space<vmem>>, vector<1x16xf32>,
        %parallel_loop3A_864 = arith.addi %mul3A_141, %parallel_loop3A_483 : i32
        %parallel_loop3A_865 = arith.index_cast %parallel_loop3A_864 : i32 to index
        %parallel_loop3A_866 = arith.constant 608 : index
        %parallel_loop3A_867 = tpu.vector_load %arg5[%parallel_loop3A_865, %parallel_loop3A_866] {strides = array<i32>} : memref<72x768xf32, #tpu.memory_space<vmem>>, vector<1x16xf32>,
        %parallel_loop3A_868 = vector.shape_cast %parallel_loop3A_867 : vector<1x16xf32> to vector<16xf32>
        %parallel_loop3A_869 = arith.index_cast %parallel_loop3A_483 : i32 to index
        %parallel_loop3A_870 = arith.constant 608 : index
        %parallel_loop3A_871 = tpu.vector_load %arg6[%parallel_loop3A_869, %parallel_loop3A_870] {strides = array<i32>} : memref<24x768xf32, #tpu.memory_space<vmem>>, vector<1x16xf32>,
        %parallel_loop3A_872 = vector.shape_cast %parallel_loop3A_871 : vector<1x16xf32> to vector<16xf32>
        %parallel_loop3A_873 = vector.shape_cast %parallel_loop3A_868 : vector<16xf32> to vector<1x16xf32>
        tpu.vector_store %arg6[%parallel_loop3A_869, %parallel_loop3A_870], %parallel_loop3A_873 {add = true, strides = array<i32>} : memref<24x768xf32, #tpu.memory_space<vmem>>, vector<1x16xf32>,
        %parallel_loop3A_874 = arith.addi %mul3A_141, %parallel_loop3A_483 : i32
        %parallel_loop3A_875 = arith.index_cast %parallel_loop3A_874 : i32 to index
        %parallel_loop3A_876 = arith.constant 624 : index
        %parallel_loop3A_877 = tpu.vector_load %arg5[%parallel_loop3A_875, %parallel_loop3A_876] {strides = array<i32>} : memref<72x768xf32, #tpu.memory_space<vmem>>, vector<1x16xf32>,
        %parallel_loop3A_878 = vector.shape_cast %parallel_loop3A_877 : vector<1x16xf32> to vector<16xf32>
        %parallel_loop3A_879 = arith.index_cast %parallel_loop3A_483 : i32 to index
        %parallel_loop3A_880 = arith.constant 624 : index
        %parallel_loop3A_881 = tpu.vector_load %arg6[%parallel_loop3A_879, %parallel_loop3A_880] {strides = array<i32>} : memref<24x768xf32, #tpu.memory_space<vmem>>, vector<1x16xf32>,
        %parallel_loop3A_882 = vector.shape_cast %parallel_loop3A_881 : vector<1x16xf32> to vector<16xf32>
        %parallel_loop3A_883 = vector.shape_cast %parallel_loop3A_878 : vector<16xf32> to vector<1x16xf32>
        tpu.vector_store %arg6[%parallel_loop3A_879, %parallel_loop3A_880], %parallel_loop3A_883 {add = true, strides = array<i32>} : memref<24x768xf32, #tpu.memory_space<vmem>>, vector<1x16xf32>,
        %parallel_loop3A_884 = arith.addi %mul3A_141, %parallel_loop3A_483 : i32
        %parallel_loop3A_885 = arith.index_cast %parallel_loop3A_884 : i32 to index
        %parallel_loop3A_886 = arith.constant 640 : index
        %parallel_loop3A_887 = tpu.vector_load %arg5[%parallel_loop3A_885, %parallel_loop3A_886] {strides = array<i32>} : memref<72x768xf32, #tpu.memory_space<vmem>>, vector<1x16xf32>,
        %parallel_loop3A_888 = vector.shape_cast %parallel_loop3A_887 : vector<1x16xf32> to vector<16xf32>
        %parallel_loop3A_889 = arith.index_cast %parallel_loop3A_483 : i32 to index
        %parallel_loop3A_890 = arith.constant 640 : index
        %parallel_loop3A_891 = tpu.vector_load %arg6[%parallel_loop3A_889, %parallel_loop3A_890] {strides = array<i32>} : memref<24x768xf32, #tpu.memory_space<vmem>>, vector<1x16xf32>,
        %parallel_loop3A_892 = vector.shape_cast %parallel_loop3A_891 : vector<1x16xf32> to vector<16xf32>
        %parallel_loop3A_893 = vector.shape_cast %parallel_loop3A_888 : vector<16xf32> to vector<1x16xf32>
        tpu.vector_store %arg6[%parallel_loop3A_889, %parallel_loop3A_890], %parallel_loop3A_893 {add = true, strides = array<i32>} : memref<24x768xf32, #tpu.memory_space<vmem>>, vector<1x16xf32>,
        %parallel_loop3A_894 = arith.addi %mul3A_141, %parallel_loop3A_483 : i32
        %parallel_loop3A_895 = arith.index_cast %parallel_loop3A_894 : i32 to index
        %parallel_loop3A_896 = arith.constant 656 : index
        %parallel_loop3A_897 = tpu.vector_load %arg5[%parallel_loop3A_895, %parallel_loop3A_896] {strides = array<i32>} : memref<72x768xf32, #tpu.memory_space<vmem>>, vector<1x16xf32>,
        %parallel_loop3A_898 = vector.shape_cast %parallel_loop3A_897 : vector<1x16xf32> to vector<16xf32>
        %parallel_loop3A_899 = arith.index_cast %parallel_loop3A_483 : i32 to index
        %parallel_loop3A_900 = arith.constant 656 : index
        %parallel_loop3A_901 = tpu.vector_load %arg6[%parallel_loop3A_899, %parallel_loop3A_900] {strides = array<i32>} : memref<24x768xf32, #tpu.memory_space<vmem>>, vector<1x16xf32>,
        %parallel_loop3A_902 = vector.shape_cast %parallel_loop3A_901 : vector<1x16xf32> to vector<16xf32>
        %parallel_loop3A_903 = vector.shape_cast %parallel_loop3A_898 : vector<16xf32> to vector<1x16xf32>
        tpu.vector_store %arg6[%parallel_loop3A_899, %parallel_loop3A_900], %parallel_loop3A_903 {add = true, strides = array<i32>} : memref<24x768xf32, #tpu.memory_space<vmem>>, vector<1x16xf32>,
        %parallel_loop3A_904 = arith.addi %mul3A_141, %parallel_loop3A_483 : i32
        %parallel_loop3A_905 = arith.index_cast %parallel_loop3A_904 : i32 to index
        %parallel_loop3A_906 = arith.constant 672 : index
        %parallel_loop3A_907 = tpu.vector_load %arg5[%parallel_loop3A_905, %parallel_loop3A_906] {strides = array<i32>} : memref<72x768xf32, #tpu.memory_space<vmem>>, vector<1x16xf32>,
        %parallel_loop3A_908 = vector.shape_cast %parallel_loop3A_907 : vector<1x16xf32> to vector<16xf32>
        %parallel_loop3A_909 = arith.index_cast %parallel_loop3A_483 : i32 to index
        %parallel_loop3A_910 = arith.constant 672 : index
        %parallel_loop3A_911 = tpu.vector_load %arg6[%parallel_loop3A_909, %parallel_loop3A_910] {strides = array<i32>} : memref<24x768xf32, #tpu.memory_space<vmem>>, vector<1x16xf32>,
        %parallel_loop3A_912 = vector.shape_cast %parallel_loop3A_911 : vector<1x16xf32> to vector<16xf32>
        %parallel_loop3A_913 = vector.shape_cast %parallel_loop3A_908 : vector<16xf32> to vector<1x16xf32>
        tpu.vector_store %arg6[%parallel_loop3A_909, %parallel_loop3A_910], %parallel_loop3A_913 {add = true, strides = array<i32>} : memref<24x768xf32, #tpu.memory_space<vmem>>, vector<1x16xf32>,
        %parallel_loop3A_914 = arith.addi %mul3A_141, %parallel_loop3A_483 : i32
        %parallel_loop3A_915 = arith.index_cast %parallel_loop3A_914 : i32 to index
        %parallel_loop3A_916 = arith.constant 688 : index
        %parallel_loop3A_917 = tpu.vector_load %arg5[%parallel_loop3A_915, %parallel_loop3A_916] {strides = array<i32>} : memref<72x768xf32, #tpu.memory_space<vmem>>, vector<1x16xf32>,
        %parallel_loop3A_918 = vector.shape_cast %parallel_loop3A_917 : vector<1x16xf32> to vector<16xf32>
        %parallel_loop3A_919 = arith.index_cast %parallel_loop3A_483 : i32 to index
        %parallel_loop3A_920 = arith.constant 688 : index
        %parallel_loop3A_921 = tpu.vector_load %arg6[%parallel_loop3A_919, %parallel_loop3A_920] {strides = array<i32>} : memref<24x768xf32, #tpu.memory_space<vmem>>, vector<1x16xf32>,
        %parallel_loop3A_922 = vector.shape_cast %parallel_loop3A_921 : vector<1x16xf32> to vector<16xf32>
        %parallel_loop3A_923 = vector.shape_cast %parallel_loop3A_918 : vector<16xf32> to vector<1x16xf32>
        tpu.vector_store %arg6[%parallel_loop3A_919, %parallel_loop3A_920], %parallel_loop3A_923 {add = true, strides = array<i32>} : memref<24x768xf32, #tpu.memory_space<vmem>>, vector<1x16xf32>,
        %parallel_loop3A_924 = arith.addi %mul3A_141, %parallel_loop3A_483 : i32
        %parallel_loop3A_925 = arith.index_cast %parallel_loop3A_924 : i32 to index
        %parallel_loop3A_926 = arith.constant 704 : index
        %parallel_loop3A_927 = tpu.vector_load %arg5[%parallel_loop3A_925, %parallel_loop3A_926] {strides = array<i32>} : memref<72x768xf32, #tpu.memory_space<vmem>>, vector<1x16xf32>,
        %parallel_loop3A_928 = vector.shape_cast %parallel_loop3A_927 : vector<1x16xf32> to vector<16xf32>
        %parallel_loop3A_929 = arith.index_cast %parallel_loop3A_483 : i32 to index
        %parallel_loop3A_930 = arith.constant 704 : index
        %parallel_loop3A_931 = tpu.vector_load %arg6[%parallel_loop3A_929, %parallel_loop3A_930] {strides = array<i32>} : memref<24x768xf32, #tpu.memory_space<vmem>>, vector<1x16xf32>,
        %parallel_loop3A_932 = vector.shape_cast %parallel_loop3A_931 : vector<1x16xf32> to vector<16xf32>
        %parallel_loop3A_933 = vector.shape_cast %parallel_loop3A_928 : vector<16xf32> to vector<1x16xf32>
        tpu.vector_store %arg6[%parallel_loop3A_929, %parallel_loop3A_930], %parallel_loop3A_933 {add = true, strides = array<i32>} : memref<24x768xf32, #tpu.memory_space<vmem>>, vector<1x16xf32>,
        %parallel_loop3A_934 = arith.addi %mul3A_141, %parallel_loop3A_483 : i32
        %parallel_loop3A_935 = arith.index_cast %parallel_loop3A_934 : i32 to index
        %parallel_loop3A_936 = arith.constant 720 : index
        %parallel_loop3A_937 = tpu.vector_load %arg5[%parallel_loop3A_935, %parallel_loop3A_936] {strides = array<i32>} : memref<72x768xf32, #tpu.memory_space<vmem>>, vector<1x16xf32>,
        %parallel_loop3A_938 = vector.shape_cast %parallel_loop3A_937 : vector<1x16xf32> to vector<16xf32>
        %parallel_loop3A_939 = arith.index_cast %parallel_loop3A_483 : i32 to index
        %parallel_loop3A_940 = arith.constant 720 : index
        %parallel_loop3A_941 = tpu.vector_load %arg6[%parallel_loop3A_939, %parallel_loop3A_940] {strides = array<i32>} : memref<24x768xf32, #tpu.memory_space<vmem>>, vector<1x16xf32>,
        %parallel_loop3A_942 = vector.shape_cast %parallel_loop3A_941 : vector<1x16xf32> to vector<16xf32>
        %parallel_loop3A_943 = vector.shape_cast %parallel_loop3A_938 : vector<16xf32> to vector<1x16xf32>
        tpu.vector_store %arg6[%parallel_loop3A_939, %parallel_loop3A_940], %parallel_loop3A_943 {add = true, strides = array<i32>} : memref<24x768xf32, #tpu.memory_space<vmem>>, vector<1x16xf32>,
        %parallel_loop3A_944 = arith.addi %mul3A_141, %parallel_loop3A_483 : i32
        %parallel_loop3A_945 = arith.index_cast %parallel_loop3A_944 : i32 to index
        %parallel_loop3A_946 = arith.constant 736 : index
        %parallel_loop3A_947 = tpu.vector_load %arg5[%parallel_loop3A_945, %parallel_loop3A_946] {strides = array<i32>} : memref<72x768xf32, #tpu.memory_space<vmem>>, vector<1x16xf32>,
        %parallel_loop3A_948 = vector.shape_cast %parallel_loop3A_947 : vector<1x16xf32> to vector<16xf32>
        %parallel_loop3A_949 = arith.index_cast %parallel_loop3A_483 : i32 to index
        %parallel_loop3A_950 = arith.constant 736 : index
        %parallel_loop3A_951 = tpu.vector_load %arg6[%parallel_loop3A_949, %parallel_loop3A_950] {strides = array<i32>} : memref<24x768xf32, #tpu.memory_space<vmem>>, vector<1x16xf32>,
        %parallel_loop3A_952 = vector.shape_cast %parallel_loop3A_951 : vector<1x16xf32> to vector<16xf32>
        %parallel_loop3A_953 = vector.shape_cast %parallel_loop3A_948 : vector<16xf32> to vector<1x16xf32>
        tpu.vector_store %arg6[%parallel_loop3A_949, %parallel_loop3A_950], %parallel_loop3A_953 {add = true, strides = array<i32>} : memref<24x768xf32, #tpu.memory_space<vmem>>, vector<1x16xf32>,
        %parallel_loop3A_954 = arith.addi %mul3A_141, %parallel_loop3A_483 : i32
        %parallel_loop3A_955 = arith.index_cast %parallel_loop3A_954 : i32 to index
        %parallel_loop3A_956 = arith.constant 752 : index
        %parallel_loop3A_957 = tpu.vector_load %arg5[%parallel_loop3A_955, %parallel_loop3A_956] {strides = array<i32>} : memref<72x768xf32, #tpu.memory_space<vmem>>, vector<1x16xf32>,
        %parallel_loop3A_958 = vector.shape_cast %parallel_loop3A_957 : vector<1x16xf32> to vector<16xf32>
        %parallel_loop3A_959 = arith.index_cast %parallel_loop3A_483 : i32 to index
        %parallel_loop3A_960 = arith.constant 752 : index
        %parallel_loop3A_961 = tpu.vector_load %arg6[%parallel_loop3A_959, %parallel_loop3A_960] {strides = array<i32>} : memref<24x768xf32, #tpu.memory_space<vmem>>, vector<1x16xf32>,
        %parallel_loop3A_962 = vector.shape_cast %parallel_loop3A_961 : vector<1x16xf32> to vector<16xf32>
        %parallel_loop3A_963 = vector.shape_cast %parallel_loop3A_958 : vector<16xf32> to vector<1x16xf32>
        tpu.vector_store %arg6[%parallel_loop3A_959, %parallel_loop3A_960], %parallel_loop3A_963 {add = true, strides = array<i32>} : memref<24x768xf32, #tpu.memory_space<vmem>>, vector<1x16xf32>,
      } {sc.loop_unroll_factor = 1 : i64, sc.parallel_access}
      %mul3A_144 = arith.constant 16 : i32
      %mul3A_145 = arith.muli %select_n3A, %mul3A_144 : i32
      %jit3A_146 = arith.constant 3 : i32
      %div3A_147 = arith.divsi %add3A_117, %jit3A_146 : i32
      %sign3A_148 = arith.constant 0 : i32
      %sign3A_149 = arith.cmpi sgt, %add3A_117, %sign3A_148 : i32
      %sign3A_150 = arith.extui %sign3A_149 : i1 to i32
      %sign3A_151 = arith.constant 0 : i32
      %sign3A_152 = arith.cmpi slt, %add3A_117, %sign3A_151 : i32
      %sign3A_153 = arith.extui %sign3A_152 : i1 to i32
      %sign3A_154 = arith.subi %sign3A_150, %sign3A_153 : i32
      %sign3A_155 = arith.constant 0 : i32
      %sign3A_156 = arith.cmpi sgt, %jit3A_146, %sign3A_155 : i32
      %sign3A_157 = arith.extui %sign3A_156 : i1 to i32
      %sign3A_158 = arith.constant 0 : i32
      %sign3A_159 = arith.cmpi slt, %jit3A_146, %sign3A_158 : i32
      %sign3A_160 = arith.extui %sign3A_159 : i1 to i32
      %sign3A_161 = arith.subi %sign3A_157, %sign3A_160 : i32
      %ne3A_162 = arith.cmpi ne, %sign3A_154, %sign3A_161 : i32
      %rem3A_163 = arith.remsi %add3A_117, %jit3A_146 : i32
      %ne3A_164 = arith.constant 0 : i32
      %ne3A_165 = arith.cmpi ne, %rem3A_163, %ne3A_164 : i32
      %and3A_166 = arith.andi %ne3A_162, %ne3A_165 : i1
      %sub3A_167 = arith.constant 1 : i32
      %sub3A_168 = arith.subi %div3A_147, %sub3A_167 : i32
      %select_n3A_169 = arith.select %and3A_166, %sub3A_168, %div3A_147 : i32
      %add3A_170 = arith.addi %mul3A_145, %select_n3A_169 : i32
      %jit3A_171 = arith.constant 3 : i32
      %eq3A_172 = arith.constant 0 : i32
      %eq3A_173 = arith.cmpi eq, %jit3A_171, %eq3A_172 : i32
      %jit3A_174 = arith.constant 1 : i32
      %select_n3A_175 = arith.select %eq3A_173, %jit3A_174, %jit3A_171 : i32
      %rem3A_176 = arith.remsi %add3A_117, %select_n3A_175 : i32
      %ne3A_177 = arith.constant 0 : i32
      %ne3A_178 = arith.cmpi ne, %rem3A_176, %ne3A_177 : i32
      %lt3A_179 = arith.constant 0 : i32
      %lt3A_180 = arith.cmpi slt, %rem3A_176, %lt3A_179 : i32
      %lt3A_181 = arith.constant 0 : i32
      %lt3A_182 = arith.cmpi slt, %select_n3A_175, %lt3A_181 : i32
      %ne3A_183 = arith.xori %lt3A_180, %lt3A_182 : i1
      %and3A_184 = arith.andi %ne3A_183, %ne3A_178 : i1
      %add3A_185 = arith.addi %rem3A_176, %select_n3A_175 : i32
      %select_n3A_186 = arith.select %and3A_184, %add3A_185, %rem3A_176 : i32
      %mul3A_187 = arith.constant 576 : i32
      %mul3A_188 = arith.muli %add3A_170, %mul3A_187 : i32
      %mul3A_189 = arith.constant 72 : i32
      %mul3A_190 = arith.muli %select_n3A_30, %mul3A_189 : i32
      %add3A_191 = arith.addi %mul3A_188, %mul3A_190 : i32
      %mul3A_192 = arith.constant 24 : i32
      %mul3A_193 = arith.muli %select_n3A_186, %mul3A_192 : i32
      %add3A_194 = arith.addi %add3A_191, %mul3A_193 : i32
      %dma_start3A_195 = arith.constant 0 : i32
      %dma_start3A_196 = tpu.memref_slice %arg4[%add3A_194, %dma_start3A_195] : memref<36864x768xf32, #tpu.memory_space<hbm>> -> memref<24x768xf32, #tpu.memory_space<hbm>>
      %dma_start3A_197 = arith.constant 0 : i32
      %dma_start3A_198 = tpu.memref_slice %arg4[%add3A_194, %dma_start3A_197] : memref<36864x768xf32, #tpu.memory_space<hbm>> -> memref<24x768xf32, #tpu.memory_space<hbm>>
      tpu.enqueue_dma source(%arg6 : memref<24x768xf32, #tpu.memory_space<vmem>>) target(%dma_start3A_198 : memref<24x768xf32, #tpu.memory_space<hbm>>) target_semaphore(%arg14 : memref<!tpu.dma_semaphore, #tpu.memory_space<semaphore_mem>>)
      %add3A_199 = arith.constant 3 : i32
      %add3A_200 = arith.addi %add3A_117, %add3A_199 : i32
      %lt3A_201 = arith.constant 48 : i32
      %lt3A_202 = arith.cmpi slt, %add3A_200, %lt3A_201 : i32
      %convert_element_type3A = arith.extui %lt3A_202 : i1 to i32
      %cond3A = arith.constant 0 : i32
      %cond3A_203 = arith.cmpi ne, %convert_element_type3A, %cond3A : i32
      scf.if %cond3A_203 {
        %ge3A = arith.constant 1 : i32
        %ge3A_483 = arith.cmpi sge, %add3A_117, %ge3A : i32
        %convert_element_type3A_484 = arith.extui %ge3A_483 : i1 to i32
        %cond3A_485 = arith.constant 0 : i32
        %cond3A_486 = arith.cmpi ne, %convert_element_type3A_484, %cond3A_485 : i32
        scf.if %cond3A_486 {
          %dma_wait3A_544 = arith.constant 0 : i32
          %dma_wait3A_545 = arith.constant 0 : i32
          %dma_wait3A_546 = tpu.memref_slice %arg4[%dma_wait3A_544, %dma_wait3A_545] : memref<36864x768xf32, #tpu.memory_space<hbm>> -> memref<24x768xf32, #tpu.memory_space<hbm>>
          %dma_wait3A_547 = arith.constant 0 : i32
          %dma_wait3A_548 = arith.constant 0 : i32
          %dma_wait3A_549 = tpu.memref_slice %arg4[%dma_wait3A_547, %dma_wait3A_548] : memref<36864x768xf32, #tpu.memory_space<hbm>> -> memref<24x768xf32, #tpu.memory_space<hbm>>
          tpu.wait_dma2 semaphore(%arg17 : memref<!tpu.dma_semaphore, #tpu.memory_space<semaphore_mem>>) src(%arg9 : memref<24x768xf32, #tpu.memory_space<vmem>>) dst(%dma_wait3A_549 : memref<24x768xf32, #tpu.memory_space<hbm>>)
        } else {
        }
        %add3A_487 = arith.constant 3 : i32
        %add3A_488 = arith.addi %add3A_117, %add3A_487 : i32
        %mul3A_489 = arith.constant 16 : i32
        %mul3A_490 = arith.muli %select_n3A, %mul3A_489 : i32
        %jit3A_491 = arith.constant 3 : i32
        %div3A_492 = arith.divsi %add3A_488, %jit3A_491 : i32
        %sign3A_493 = arith.constant 0 : i32
        %sign3A_494 = arith.cmpi sgt, %add3A_488, %sign3A_493 : i32
        %sign3A_495 = arith.extui %sign3A_494 : i1 to i32
        %sign3A_496 = arith.constant 0 : i32
        %sign3A_497 = arith.cmpi slt, %add3A_488, %sign3A_496 : i32
        %sign3A_498 = arith.extui %sign3A_497 : i1 to i32
        %sign3A_499 = arith.subi %sign3A_495, %sign3A_498 : i32
        %sign3A_500 = arith.constant 0 : i32
        %sign3A_501 = arith.cmpi sgt, %jit3A_491, %sign3A_500 : i32
        %sign3A_502 = arith.extui %sign3A_501 : i1 to i32
        %sign3A_503 = arith.constant 0 : i32
        %sign3A_504 = arith.cmpi slt, %jit3A_491, %sign3A_503 : i32
        %sign3A_505 = arith.extui %sign3A_504 : i1 to i32
        %sign3A_506 = arith.subi %sign3A_502, %sign3A_505 : i32
        %ne3A_507 = arith.cmpi ne, %sign3A_499, %sign3A_506 : i32
        %rem3A_508 = arith.remsi %add3A_488, %jit3A_491 : i32
        %ne3A_509 = arith.constant 0 : i32
        %ne3A_510 = arith.cmpi ne, %rem3A_508, %ne3A_509 : i32
        %and3A_511 = arith.andi %ne3A_507, %ne3A_510 : i1
        %sub3A_512 = arith.constant 1 : i32
        %sub3A_513 = arith.subi %div3A_492, %sub3A_512 : i32
        %select_n3A_514 = arith.select %and3A_511, %sub3A_513, %div3A_492 : i32
        %add3A_515 = arith.addi %mul3A_490, %select_n3A_514 : i32
        %jit3A_516 = arith.constant 3 : i32
        %eq3A_517 = arith.constant 0 : i32
        %eq3A_518 = arith.cmpi eq, %jit3A_516, %eq3A_517 : i32
        %jit3A_519 = arith.constant 1 : i32
        %select_n3A_520 = arith.select %eq3A_518, %jit3A_519, %jit3A_516 : i32
        %rem3A_521 = arith.remsi %add3A_488, %select_n3A_520 : i32
        %ne3A_522 = arith.constant 0 : i32
        %ne3A_523 = arith.cmpi ne, %rem3A_521, %ne3A_522 : i32
        %lt3A_524 = arith.constant 0 : i32
        %lt3A_525 = arith.cmpi slt, %rem3A_521, %lt3A_524 : i32
        %lt3A_526 = arith.constant 0 : i32
        %lt3A_527 = arith.cmpi slt, %select_n3A_520, %lt3A_526 : i32
        %ne3A_528 = arith.xori %lt3A_525, %lt3A_527 : i1
        %and3A_529 = arith.andi %ne3A_528, %ne3A_523 : i1
        %add3A_530 = arith.addi %rem3A_521, %select_n3A_520 : i32
        %select_n3A_531 = arith.select %and3A_529, %add3A_530, %rem3A_521 : i32
        %mul3A_532 = arith.constant 576 : i32
        %mul3A_533 = arith.muli %add3A_515, %mul3A_532 : i32
        %mul3A_534 = arith.constant 72 : i32
        %mul3A_535 = arith.muli %select_n3A_30, %mul3A_534 : i32
        %add3A_536 = arith.addi %mul3A_533, %mul3A_535 : i32
        %mul3A_537 = arith.constant 24 : i32
        %mul3A_538 = arith.muli %select_n3A_531, %mul3A_537 : i32
        %add3A_539 = arith.addi %add3A_536, %mul3A_538 : i32
        %dma_start3A_540 = arith.constant 0 : i32
        %dma_start3A_541 = tpu.memref_slice %arg2[%add3A_539, %dma_start3A_540] : memref<36864x768xf32, #tpu.memory_space<hbm>> -> memref<24x768xf32, #tpu.memory_space<hbm>>
        %dma_start3A_542 = arith.constant 0 : i32
        %dma_start3A_543 = tpu.memref_slice %arg2[%add3A_539, %dma_start3A_542] : memref<36864x768xf32, #tpu.memory_space<hbm>> -> memref<24x768xf32, #tpu.memory_space<hbm>>
        tpu.enqueue_dma source(%dma_start3A_543 : memref<24x768xf32, #tpu.memory_space<hbm>>) target(%arg9 : memref<24x768xf32, #tpu.memory_space<vmem>>) target_semaphore(%arg13 : memref<!tpu.dma_semaphore, #tpu.memory_space<semaphore_mem>>)
      } else {
      }
      %mul3A_204 = arith.constant 4 : i32
      %mul3A_205 = arith.muli %scan3A_113, %mul3A_204 : i32
      %add3A_206 = arith.constant 1 : i32
      %add3A_207 = arith.addi %mul3A_205, %add3A_206 : i32
      %dma_wait3A_208 = arith.constant 0 : i32
      %dma_wait3A_209 = arith.constant 0 : i32
      %dma_wait3A_210 = tpu.memref_slice %arg2[%dma_wait3A_208, %dma_wait3A_209] : memref<36864x768xf32, #tpu.memory_space<hbm>> -> memref<24x768xf32, #tpu.memory_space<hbm>>
      %dma_wait3A_211 = arith.constant 0 : i32
      %dma_wait3A_212 = arith.constant 0 : i32
      %dma_wait3A_213 = tpu.memref_slice %arg2[%dma_wait3A_211, %dma_wait3A_212] : memref<36864x768xf32, #tpu.memory_space<hbm>> -> memref<24x768xf32, #tpu.memory_space<hbm>>
      tpu.wait_dma2 semaphore(%arg11 : memref<!tpu.dma_semaphore, #tpu.memory_space<semaphore_mem>>) src(%dma_wait3A_213 : memref<24x768xf32, #tpu.memory_space<hbm>>) dst(%arg7 : memref<24x768xf32, #tpu.memory_space<vmem>>)
      %jit3A_214 = arith.constant 3 : i32
      %eq3A_215 = arith.constant 0 : i32
      %eq3A_216 = arith.cmpi eq, %jit3A_214, %eq3A_215 : i32
      %jit3A_217 = arith.constant 1 : i32
      %select_n3A_218 = arith.select %eq3A_216, %jit3A_217, %jit3A_214 : i32
      %rem3A_219 = arith.remsi %add3A_207, %select_n3A_218 : i32
      %ne3A_220 = arith.constant 0 : i32
      %ne3A_221 = arith.cmpi ne, %rem3A_219, %ne3A_220 : i32
      %lt3A_222 = arith.constant 0 : i32
      %lt3A_223 = arith.cmpi slt, %rem3A_219, %lt3A_222 : i32
      %lt3A_224 = arith.constant 0 : i32
      %lt3A_225 = arith.cmpi slt, %select_n3A_218, %lt3A_224 : i32
      %ne3A_226 = arith.xori %lt3A_223, %lt3A_225 : i1
      %and3A_227 = arith.andi %ne3A_226, %ne3A_221 : i1
      %add3A_228 = arith.addi %rem3A_219, %select_n3A_218 : i32
      %select_n3A_229 = arith.select %and3A_227, %add3A_228, %rem3A_219 : i32
      %mul3A_230 = arith.constant 24 : i32
      %mul3A_231 = arith.muli %select_n3A_229, %mul3A_230 : i32
      %parallel_loop3A_232 = arith.constant 0 : i32
      %parallel_loop3A_233 = arith.constant 24 : i32
      %parallel_loop3A_234 = arith.constant 1 : i32
      scf.for %parallel_loop3A_483 = %parallel_loop3A_232 to %parallel_loop3A_233 step %parallel_loop3A_234  : i32 {
        %parallel_loop3A_484 = arith.addi %mul3A_231, %parallel_loop3A_483 : i32
        %parallel_loop3A_485 = arith.index_cast %parallel_loop3A_484 : i32 to index
        %parallel_loop3A_486 = arith.constant 0 : index
        %parallel_loop3A_487 = tpu.vector_load %arg5[%parallel_loop3A_485, %parallel_loop3A_486] {strides = array<i32>} : memref<72x768xf32, #tpu.memory_space<vmem>>, vector<1x16xf32>,
        %parallel_loop3A_488 = vector.shape_cast %parallel_loop3A_487 : vector<1x16xf32> to vector<16xf32>
        %parallel_loop3A_489 = arith.index_cast %parallel_loop3A_483 : i32 to index
        %parallel_loop3A_490 = arith.constant 0 : index
        %parallel_loop3A_491 = tpu.vector_load %arg7[%parallel_loop3A_489, %parallel_loop3A_490] {strides = array<i32>} : memref<24x768xf32, #tpu.memory_space<vmem>>, vector<1x16xf32>,
        %parallel_loop3A_492 = vector.shape_cast %parallel_loop3A_491 : vector<1x16xf32> to vector<16xf32>
        %parallel_loop3A_493 = vector.shape_cast %parallel_loop3A_488 : vector<16xf32> to vector<1x16xf32>
        tpu.vector_store %arg7[%parallel_loop3A_489, %parallel_loop3A_490], %parallel_loop3A_493 {add = true, strides = array<i32>} : memref<24x768xf32, #tpu.memory_space<vmem>>, vector<1x16xf32>,
        %parallel_loop3A_494 = arith.addi %mul3A_231, %parallel_loop3A_483 : i32
        %parallel_loop3A_495 = arith.index_cast %parallel_loop3A_494 : i32 to index
        %parallel_loop3A_496 = arith.constant 16 : index
        %parallel_loop3A_497 = tpu.vector_load %arg5[%parallel_loop3A_495, %parallel_loop3A_496] {strides = array<i32>} : memref<72x768xf32, #tpu.memory_space<vmem>>, vector<1x16xf32>,
        %parallel_loop3A_498 = vector.shape_cast %parallel_loop3A_497 : vector<1x16xf32> to vector<16xf32>
        %parallel_loop3A_499 = arith.index_cast %parallel_loop3A_483 : i32 to index
        %parallel_loop3A_500 = arith.constant 16 : index
        %parallel_loop3A_501 = tpu.vector_load %arg7[%parallel_loop3A_499, %parallel_loop3A_500] {strides = array<i32>} : memref<24x768xf32, #tpu.memory_space<vmem>>, vector<1x16xf32>,
        %parallel_loop3A_502 = vector.shape_cast %parallel_loop3A_501 : vector<1x16xf32> to vector<16xf32>
        %parallel_loop3A_503 = vector.shape_cast %parallel_loop3A_498 : vector<16xf32> to vector<1x16xf32>
        tpu.vector_store %arg7[%parallel_loop3A_499, %parallel_loop3A_500], %parallel_loop3A_503 {add = true, strides = array<i32>} : memref<24x768xf32, #tpu.memory_space<vmem>>, vector<1x16xf32>,
        %parallel_loop3A_504 = arith.addi %mul3A_231, %parallel_loop3A_483 : i32
        %parallel_loop3A_505 = arith.index_cast %parallel_loop3A_504 : i32 to index
        %parallel_loop3A_506 = arith.constant 32 : index
        %parallel_loop3A_507 = tpu.vector_load %arg5[%parallel_loop3A_505, %parallel_loop3A_506] {strides = array<i32>} : memref<72x768xf32, #tpu.memory_space<vmem>>, vector<1x16xf32>,
        %parallel_loop3A_508 = vector.shape_cast %parallel_loop3A_507 : vector<1x16xf32> to vector<16xf32>
        %parallel_loop3A_509 = arith.index_cast %parallel_loop3A_483 : i32 to index
        %parallel_loop3A_510 = arith.constant 32 : index
        %parallel_loop3A_511 = tpu.vector_load %arg7[%parallel_loop3A_509, %parallel_loop3A_510] {strides = array<i32>} : memref<24x768xf32, #tpu.memory_space<vmem>>, vector<1x16xf32>,
        %parallel_loop3A_512 = vector.shape_cast %parallel_loop3A_511 : vector<1x16xf32> to vector<16xf32>
        %parallel_loop3A_513 = vector.shape_cast %parallel_loop3A_508 : vector<16xf32> to vector<1x16xf32>
        tpu.vector_store %arg7[%parallel_loop3A_509, %parallel_loop3A_510], %parallel_loop3A_513 {add = true, strides = array<i32>} : memref<24x768xf32, #tpu.memory_space<vmem>>, vector<1x16xf32>,
        %parallel_loop3A_514 = arith.addi %mul3A_231, %parallel_loop3A_483 : i32
        %parallel_loop3A_515 = arith.index_cast %parallel_loop3A_514 : i32 to index
        %parallel_loop3A_516 = arith.constant 48 : index
        %parallel_loop3A_517 = tpu.vector_load %arg5[%parallel_loop3A_515, %parallel_loop3A_516] {strides = array<i32>} : memref<72x768xf32, #tpu.memory_space<vmem>>, vector<1x16xf32>,
        %parallel_loop3A_518 = vector.shape_cast %parallel_loop3A_517 : vector<1x16xf32> to vector<16xf32>
        %parallel_loop3A_519 = arith.index_cast %parallel_loop3A_483 : i32 to index
        %parallel_loop3A_520 = arith.constant 48 : index
        %parallel_loop3A_521 = tpu.vector_load %arg7[%parallel_loop3A_519, %parallel_loop3A_520] {strides = array<i32>} : memref<24x768xf32, #tpu.memory_space<vmem>>, vector<1x16xf32>,
        %parallel_loop3A_522 = vector.shape_cast %parallel_loop3A_521 : vector<1x16xf32> to vector<16xf32>
        %parallel_loop3A_523 = vector.shape_cast %parallel_loop3A_518 : vector<16xf32> to vector<1x16xf32>
        tpu.vector_store %arg7[%parallel_loop3A_519, %parallel_loop3A_520], %parallel_loop3A_523 {add = true, strides = array<i32>} : memref<24x768xf32, #tpu.memory_space<vmem>>, vector<1x16xf32>,
        %parallel_loop3A_524 = arith.addi %mul3A_231, %parallel_loop3A_483 : i32
        %parallel_loop3A_525 = arith.index_cast %parallel_loop3A_524 : i32 to index
        %parallel_loop3A_526 = arith.constant 64 : index
        %parallel_loop3A_527 = tpu.vector_load %arg5[%parallel_loop3A_525, %parallel_loop3A_526] {strides = array<i32>} : memref<72x768xf32, #tpu.memory_space<vmem>>, vector<1x16xf32>,
        %parallel_loop3A_528 = vector.shape_cast %parallel_loop3A_527 : vector<1x16xf32> to vector<16xf32>
        %parallel_loop3A_529 = arith.index_cast %parallel_loop3A_483 : i32 to index
        %parallel_loop3A_530 = arith.constant 64 : index
        %parallel_loop3A_531 = tpu.vector_load %arg7[%parallel_loop3A_529, %parallel_loop3A_530] {strides = array<i32>} : memref<24x768xf32, #tpu.memory_space<vmem>>, vector<1x16xf32>,
        %parallel_loop3A_532 = vector.shape_cast %parallel_loop3A_531 : vector<1x16xf32> to vector<16xf32>
        %parallel_loop3A_533 = vector.shape_cast %parallel_loop3A_528 : vector<16xf32> to vector<1x16xf32>
        tpu.vector_store %arg7[%parallel_loop3A_529, %parallel_loop3A_530], %parallel_loop3A_533 {add = true, strides = array<i32>} : memref<24x768xf32, #tpu.memory_space<vmem>>, vector<1x16xf32>,
        %parallel_loop3A_534 = arith.addi %mul3A_231, %parallel_loop3A_483 : i32
        %parallel_loop3A_535 = arith.index_cast %parallel_loop3A_534 : i32 to index
        %parallel_loop3A_536 = arith.constant 80 : index
        %parallel_loop3A_537 = tpu.vector_load %arg5[%parallel_loop3A_535, %parallel_loop3A_536] {strides = array<i32>} : memref<72x768xf32, #tpu.memory_space<vmem>>, vector<1x16xf32>,
        %parallel_loop3A_538 = vector.shape_cast %parallel_loop3A_537 : vector<1x16xf32> to vector<16xf32>
        %parallel_loop3A_539 = arith.index_cast %parallel_loop3A_483 : i32 to index
        %parallel_loop3A_540 = arith.constant 80 : index
        %parallel_loop3A_541 = tpu.vector_load %arg7[%parallel_loop3A_539, %parallel_loop3A_540] {strides = array<i32>} : memref<24x768xf32, #tpu.memory_space<vmem>>, vector<1x16xf32>,
        %parallel_loop3A_542 = vector.shape_cast %parallel_loop3A_541 : vector<1x16xf32> to vector<16xf32>
        %parallel_loop3A_543 = vector.shape_cast %parallel_loop3A_538 : vector<16xf32> to vector<1x16xf32>
        tpu.vector_store %arg7[%parallel_loop3A_539, %parallel_loop3A_540], %parallel_loop3A_543 {add = true, strides = array<i32>} : memref<24x768xf32, #tpu.memory_space<vmem>>, vector<1x16xf32>,
        %parallel_loop3A_544 = arith.addi %mul3A_231, %parallel_loop3A_483 : i32
        %parallel_loop3A_545 = arith.index_cast %parallel_loop3A_544 : i32 to index
        %parallel_loop3A_546 = arith.constant 96 : index
        %parallel_loop3A_547 = tpu.vector_load %arg5[%parallel_loop3A_545, %parallel_loop3A_546] {strides = array<i32>} : memref<72x768xf32, #tpu.memory_space<vmem>>, vector<1x16xf32>,
        %parallel_loop3A_548 = vector.shape_cast %parallel_loop3A_547 : vector<1x16xf32> to vector<16xf32>
        %parallel_loop3A_549 = arith.index_cast %parallel_loop3A_483 : i32 to index
        %parallel_loop3A_550 = arith.constant 96 : index
        %parallel_loop3A_551 = tpu.vector_load %arg7[%parallel_loop3A_549, %parallel_loop3A_550] {strides = array<i32>} : memref<24x768xf32, #tpu.memory_space<vmem>>, vector<1x16xf32>,
        %parallel_loop3A_552 = vector.shape_cast %parallel_loop3A_551 : vector<1x16xf32> to vector<16xf32>
        %parallel_loop3A_553 = vector.shape_cast %parallel_loop3A_548 : vector<16xf32> to vector<1x16xf32>
        tpu.vector_store %arg7[%parallel_loop3A_549, %parallel_loop3A_550], %parallel_loop3A_553 {add = true, strides = array<i32>} : memref<24x768xf32, #tpu.memory_space<vmem>>, vector<1x16xf32>,
        %parallel_loop3A_554 = arith.addi %mul3A_231, %parallel_loop3A_483 : i32
        %parallel_loop3A_555 = arith.index_cast %parallel_loop3A_554 : i32 to index
        %parallel_loop3A_556 = arith.constant 112 : index
        %parallel_loop3A_557 = tpu.vector_load %arg5[%parallel_loop3A_555, %parallel_loop3A_556] {strides = array<i32>} : memref<72x768xf32, #tpu.memory_space<vmem>>, vector<1x16xf32>,
        %parallel_loop3A_558 = vector.shape_cast %parallel_loop3A_557 : vector<1x16xf32> to vector<16xf32>
        %parallel_loop3A_559 = arith.index_cast %parallel_loop3A_483 : i32 to index
        %parallel_loop3A_560 = arith.constant 112 : index
        %parallel_loop3A_561 = tpu.vector_load %arg7[%parallel_loop3A_559, %parallel_loop3A_560] {strides = array<i32>} : memref<24x768xf32, #tpu.memory_space<vmem>>, vector<1x16xf32>,
        %parallel_loop3A_562 = vector.shape_cast %parallel_loop3A_561 : vector<1x16xf32> to vector<16xf32>
        %parallel_loop3A_563 = vector.shape_cast %parallel_loop3A_558 : vector<16xf32> to vector<1x16xf32>
        tpu.vector_store %arg7[%parallel_loop3A_559, %parallel_loop3A_560], %parallel_loop3A_563 {add = true, strides = array<i32>} : memref<24x768xf32, #tpu.memory_space<vmem>>, vector<1x16xf32>,
        %parallel_loop3A_564 = arith.addi %mul3A_231, %parallel_loop3A_483 : i32
        %parallel_loop3A_565 = arith.index_cast %parallel_loop3A_564 : i32 to index
        %parallel_loop3A_566 = arith.constant 128 : index
        %parallel_loop3A_567 = tpu.vector_load %arg5[%parallel_loop3A_565, %parallel_loop3A_566] {strides = array<i32>} : memref<72x768xf32, #tpu.memory_space<vmem>>, vector<1x16xf32>,
        %parallel_loop3A_568 = vector.shape_cast %parallel_loop3A_567 : vector<1x16xf32> to vector<16xf32>
        %parallel_loop3A_569 = arith.index_cast %parallel_loop3A_483 : i32 to index
        %parallel_loop3A_570 = arith.constant 128 : index
        %parallel_loop3A_571 = tpu.vector_load %arg7[%parallel_loop3A_569, %parallel_loop3A_570] {strides = array<i32>} : memref<24x768xf32, #tpu.memory_space<vmem>>, vector<1x16xf32>,
        %parallel_loop3A_572 = vector.shape_cast %parallel_loop3A_571 : vector<1x16xf32> to vector<16xf32>
        %parallel_loop3A_573 = vector.shape_cast %parallel_loop3A_568 : vector<16xf32> to vector<1x16xf32>
        tpu.vector_store %arg7[%parallel_loop3A_569, %parallel_loop3A_570], %parallel_loop3A_573 {add = true, strides = array<i32>} : memref<24x768xf32, #tpu.memory_space<vmem>>, vector<1x16xf32>,
        %parallel_loop3A_574 = arith.addi %mul3A_231, %parallel_loop3A_483 : i32
        %parallel_loop3A_575 = arith.index_cast %parallel_loop3A_574 : i32 to index
        %parallel_loop3A_576 = arith.constant 144 : index
        %parallel_loop3A_577 = tpu.vector_load %arg5[%parallel_loop3A_575, %parallel_loop3A_576] {strides = array<i32>} : memref<72x768xf32, #tpu.memory_space<vmem>>, vector<1x16xf32>,
        %parallel_loop3A_578 = vector.shape_cast %parallel_loop3A_577 : vector<1x16xf32> to vector<16xf32>
        %parallel_loop3A_579 = arith.index_cast %parallel_loop3A_483 : i32 to index
        %parallel_loop3A_580 = arith.constant 144 : index
        %parallel_loop3A_581 = tpu.vector_load %arg7[%parallel_loop3A_579, %parallel_loop3A_580] {strides = array<i32>} : memref<24x768xf32, #tpu.memory_space<vmem>>, vector<1x16xf32>,
        %parallel_loop3A_582 = vector.shape_cast %parallel_loop3A_581 : vector<1x16xf32> to vector<16xf32>
        %parallel_loop3A_583 = vector.shape_cast %parallel_loop3A_578 : vector<16xf32> to vector<1x16xf32>
        tpu.vector_store %arg7[%parallel_loop3A_579, %parallel_loop3A_580], %parallel_loop3A_583 {add = true, strides = array<i32>} : memref<24x768xf32, #tpu.memory_space<vmem>>, vector<1x16xf32>,
        %parallel_loop3A_584 = arith.addi %mul3A_231, %parallel_loop3A_483 : i32
        %parallel_loop3A_585 = arith.index_cast %parallel_loop3A_584 : i32 to index
        %parallel_loop3A_586 = arith.constant 160 : index
        %parallel_loop3A_587 = tpu.vector_load %arg5[%parallel_loop3A_585, %parallel_loop3A_586] {strides = array<i32>} : memref<72x768xf32, #tpu.memory_space<vmem>>, vector<1x16xf32>,
        %parallel_loop3A_588 = vector.shape_cast %parallel_loop3A_587 : vector<1x16xf32> to vector<16xf32>
        %parallel_loop3A_589 = arith.index_cast %parallel_loop3A_483 : i32 to index
        %parallel_loop3A_590 = arith.constant 160 : index
        %parallel_loop3A_591 = tpu.vector_load %arg7[%parallel_loop3A_589, %parallel_loop3A_590] {strides = array<i32>} : memref<24x768xf32, #tpu.memory_space<vmem>>, vector<1x16xf32>,
        %parallel_loop3A_592 = vector.shape_cast %parallel_loop3A_591 : vector<1x16xf32> to vector<16xf32>
        %parallel_loop3A_593 = vector.shape_cast %parallel_loop3A_588 : vector<16xf32> to vector<1x16xf32>
        tpu.vector_store %arg7[%parallel_loop3A_589, %parallel_loop3A_590], %parallel_loop3A_593 {add = true, strides = array<i32>} : memref<24x768xf32, #tpu.memory_space<vmem>>, vector<1x16xf32>,
        %parallel_loop3A_594 = arith.addi %mul3A_231, %parallel_loop3A_483 : i32
        %parallel_loop3A_595 = arith.index_cast %parallel_loop3A_594 : i32 to index
        %parallel_loop3A_596 = arith.constant 176 : index
        %parallel_loop3A_597 = tpu.vector_load %arg5[%parallel_loop3A_595, %parallel_loop3A_596] {strides = array<i32>} : memref<72x768xf32, #tpu.memory_space<vmem>>, vector<1x16xf32>,
        %parallel_loop3A_598 = vector.shape_cast %parallel_loop3A_597 : vector<1x16xf32> to vector<16xf32>
        %parallel_loop3A_599 = arith.index_cast %parallel_loop3A_483 : i32 to index
        %parallel_loop3A_600 = arith.constant 176 : index
        %parallel_loop3A_601 = tpu.vector_load %arg7[%parallel_loop3A_599, %parallel_loop3A_600] {strides = array<i32>} : memref<24x768xf32, #tpu.memory_space<vmem>>, vector<1x16xf32>,
        %parallel_loop3A_602 = vector.shape_cast %parallel_loop3A_601 : vector<1x16xf32> to vector<16xf32>
        %parallel_loop3A_603 = vector.shape_cast %parallel_loop3A_598 : vector<16xf32> to vector<1x16xf32>
        tpu.vector_store %arg7[%parallel_loop3A_599, %parallel_loop3A_600], %parallel_loop3A_603 {add = true, strides = array<i32>} : memref<24x768xf32, #tpu.memory_space<vmem>>, vector<1x16xf32>,
        %parallel_loop3A_604 = arith.addi %mul3A_231, %parallel_loop3A_483 : i32
        %parallel_loop3A_605 = arith.index_cast %parallel_loop3A_604 : i32 to index
        %parallel_loop3A_606 = arith.constant 192 : index
        %parallel_loop3A_607 = tpu.vector_load %arg5[%parallel_loop3A_605, %parallel_loop3A_606] {strides = array<i32>} : memref<72x768xf32, #tpu.memory_space<vmem>>, vector<1x16xf32>,
        %parallel_loop3A_608 = vector.shape_cast %parallel_loop3A_607 : vector<1x16xf32> to vector<16xf32>
        %parallel_loop3A_609 = arith.index_cast %parallel_loop3A_483 : i32 to index
        %parallel_loop3A_610 = arith.constant 192 : index
        %parallel_loop3A_611 = tpu.vector_load %arg7[%parallel_loop3A_609, %parallel_loop3A_610] {strides = array<i32>} : memref<24x768xf32, #tpu.memory_space<vmem>>, vector<1x16xf32>,
        %parallel_loop3A_612 = vector.shape_cast %parallel_loop3A_611 : vector<1x16xf32> to vector<16xf32>
        %parallel_loop3A_613 = vector.shape_cast %parallel_loop3A_608 : vector<16xf32> to vector<1x16xf32>
        tpu.vector_store %arg7[%parallel_loop3A_609, %parallel_loop3A_610], %parallel_loop3A_613 {add = true, strides = array<i32>} : memref<24x768xf32, #tpu.memory_space<vmem>>, vector<1x16xf32>,
        %parallel_loop3A_614 = arith.addi %mul3A_231, %parallel_loop3A_483 : i32
        %parallel_loop3A_615 = arith.index_cast %parallel_loop3A_614 : i32 to index
        %parallel_loop3A_616 = arith.constant 208 : index
        %parallel_loop3A_617 = tpu.vector_load %arg5[%parallel_loop3A_615, %parallel_loop3A_616] {strides = array<i32>} : memref<72x768xf32, #tpu.memory_space<vmem>>, vector<1x16xf32>,
        %parallel_loop3A_618 = vector.shape_cast %parallel_loop3A_617 : vector<1x16xf32> to vector<16xf32>
        %parallel_loop3A_619 = arith.index_cast %parallel_loop3A_483 : i32 to index
        %parallel_loop3A_620 = arith.constant 208 : index
        %parallel_loop3A_621 = tpu.vector_load %arg7[%parallel_loop3A_619, %parallel_loop3A_620] {strides = array<i32>} : memref<24x768xf32, #tpu.memory_space<vmem>>, vector<1x16xf32>,
        %parallel_loop3A_622 = vector.shape_cast %parallel_loop3A_621 : vector<1x16xf32> to vector<16xf32>
        %parallel_loop3A_623 = vector.shape_cast %parallel_loop3A_618 : vector<16xf32> to vector<1x16xf32>
        tpu.vector_store %arg7[%parallel_loop3A_619, %parallel_loop3A_620], %parallel_loop3A_623 {add = true, strides = array<i32>} : memref<24x768xf32, #tpu.memory_space<vmem>>, vector<1x16xf32>,
        %parallel_loop3A_624 = arith.addi %mul3A_231, %parallel_loop3A_483 : i32
        %parallel_loop3A_625 = arith.index_cast %parallel_loop3A_624 : i32 to index
        %parallel_loop3A_626 = arith.constant 224 : index
        %parallel_loop3A_627 = tpu.vector_load %arg5[%parallel_loop3A_625, %parallel_loop3A_626] {strides = array<i32>} : memref<72x768xf32, #tpu.memory_space<vmem>>, vector<1x16xf32>,
        %parallel_loop3A_628 = vector.shape_cast %parallel_loop3A_627 : vector<1x16xf32> to vector<16xf32>
        %parallel_loop3A_629 = arith.index_cast %parallel_loop3A_483 : i32 to index
        %parallel_loop3A_630 = arith.constant 224 : index
        %parallel_loop3A_631 = tpu.vector_load %arg7[%parallel_loop3A_629, %parallel_loop3A_630] {strides = array<i32>} : memref<24x768xf32, #tpu.memory_space<vmem>>, vector<1x16xf32>,
        %parallel_loop3A_632 = vector.shape_cast %parallel_loop3A_631 : vector<1x16xf32> to vector<16xf32>
        %parallel_loop3A_633 = vector.shape_cast %parallel_loop3A_628 : vector<16xf32> to vector<1x16xf32>
        tpu.vector_store %arg7[%parallel_loop3A_629, %parallel_loop3A_630], %parallel_loop3A_633 {add = true, strides = array<i32>} : memref<24x768xf32, #tpu.memory_space<vmem>>, vector<1x16xf32>,
        %parallel_loop3A_634 = arith.addi %mul3A_231, %parallel_loop3A_483 : i32
        %parallel_loop3A_635 = arith.index_cast %parallel_loop3A_634 : i32 to index
        %parallel_loop3A_636 = arith.constant 240 : index
        %parallel_loop3A_637 = tpu.vector_load %arg5[%parallel_loop3A_635, %parallel_loop3A_636] {strides = array<i32>} : memref<72x768xf32, #tpu.memory_space<vmem>>, vector<1x16xf32>,
        %parallel_loop3A_638 = vector.shape_cast %parallel_loop3A_637 : vector<1x16xf32> to vector<16xf32>
        %parallel_loop3A_639 = arith.index_cast %parallel_loop3A_483 : i32 to index
        %parallel_loop3A_640 = arith.constant 240 : index
        %parallel_loop3A_641 = tpu.vector_load %arg7[%parallel_loop3A_639, %parallel_loop3A_640] {strides = array<i32>} : memref<24x768xf32, #tpu.memory_space<vmem>>, vector<1x16xf32>,
        %parallel_loop3A_642 = vector.shape_cast %parallel_loop3A_641 : vector<1x16xf32> to vector<16xf32>
        %parallel_loop3A_643 = vector.shape_cast %parallel_loop3A_638 : vector<16xf32> to vector<1x16xf32>
        tpu.vector_store %arg7[%parallel_loop3A_639, %parallel_loop3A_640], %parallel_loop3A_643 {add = true, strides = array<i32>} : memref<24x768xf32, #tpu.memory_space<vmem>>, vector<1x16xf32>,
        %parallel_loop3A_644 = arith.addi %mul3A_231, %parallel_loop3A_483 : i32
        %parallel_loop3A_645 = arith.index_cast %parallel_loop3A_644 : i32 to index
        %parallel_loop3A_646 = arith.constant 256 : index
        %parallel_loop3A_647 = tpu.vector_load %arg5[%parallel_loop3A_645, %parallel_loop3A_646] {strides = array<i32>} : memref<72x768xf32, #tpu.memory_space<vmem>>, vector<1x16xf32>,
        %parallel_loop3A_648 = vector.shape_cast %parallel_loop3A_647 : vector<1x16xf32> to vector<16xf32>
        %parallel_loop3A_649 = arith.index_cast %parallel_loop3A_483 : i32 to index
        %parallel_loop3A_650 = arith.constant 256 : index
        %parallel_loop3A_651 = tpu.vector_load %arg7[%parallel_loop3A_649, %parallel_loop3A_650] {strides = array<i32>} : memref<24x768xf32, #tpu.memory_space<vmem>>, vector<1x16xf32>,
        %parallel_loop3A_652 = vector.shape_cast %parallel_loop3A_651 : vector<1x16xf32> to vector<16xf32>
        %parallel_loop3A_653 = vector.shape_cast %parallel_loop3A_648 : vector<16xf32> to vector<1x16xf32>
        tpu.vector_store %arg7[%parallel_loop3A_649, %parallel_loop3A_650], %parallel_loop3A_653 {add = true, strides = array<i32>} : memref<24x768xf32, #tpu.memory_space<vmem>>, vector<1x16xf32>,
        %parallel_loop3A_654 = arith.addi %mul3A_231, %parallel_loop3A_483 : i32
        %parallel_loop3A_655 = arith.index_cast %parallel_loop3A_654 : i32 to index
        %parallel_loop3A_656 = arith.constant 272 : index
        %parallel_loop3A_657 = tpu.vector_load %arg5[%parallel_loop3A_655, %parallel_loop3A_656] {strides = array<i32>} : memref<72x768xf32, #tpu.memory_space<vmem>>, vector<1x16xf32>,
        %parallel_loop3A_658 = vector.shape_cast %parallel_loop3A_657 : vector<1x16xf32> to vector<16xf32>
        %parallel_loop3A_659 = arith.index_cast %parallel_loop3A_483 : i32 to index
        %parallel_loop3A_660 = arith.constant 272 : index
        %parallel_loop3A_661 = tpu.vector_load %arg7[%parallel_loop3A_659, %parallel_loop3A_660] {strides = array<i32>} : memref<24x768xf32, #tpu.memory_space<vmem>>, vector<1x16xf32>,
        %parallel_loop3A_662 = vector.shape_cast %parallel_loop3A_661 : vector<1x16xf32> to vector<16xf32>
        %parallel_loop3A_663 = vector.shape_cast %parallel_loop3A_658 : vector<16xf32> to vector<1x16xf32>
        tpu.vector_store %arg7[%parallel_loop3A_659, %parallel_loop3A_660], %parallel_loop3A_663 {add = true, strides = array<i32>} : memref<24x768xf32, #tpu.memory_space<vmem>>, vector<1x16xf32>,
        %parallel_loop3A_664 = arith.addi %mul3A_231, %parallel_loop3A_483 : i32
        %parallel_loop3A_665 = arith.index_cast %parallel_loop3A_664 : i32 to index
        %parallel_loop3A_666 = arith.constant 288 : index
        %parallel_loop3A_667 = tpu.vector_load %arg5[%parallel_loop3A_665, %parallel_loop3A_666] {strides = array<i32>} : memref<72x768xf32, #tpu.memory_space<vmem>>, vector<1x16xf32>,
        %parallel_loop3A_668 = vector.shape_cast %parallel_loop3A_667 : vector<1x16xf32> to vector<16xf32>
        %parallel_loop3A_669 = arith.index_cast %parallel_loop3A_483 : i32 to index
        %parallel_loop3A_670 = arith.constant 288 : index
        %parallel_loop3A_671 = tpu.vector_load %arg7[%parallel_loop3A_669, %parallel_loop3A_670] {strides = array<i32>} : memref<24x768xf32, #tpu.memory_space<vmem>>, vector<1x16xf32>,
        %parallel_loop3A_672 = vector.shape_cast %parallel_loop3A_671 : vector<1x16xf32> to vector<16xf32>
        %parallel_loop3A_673 = vector.shape_cast %parallel_loop3A_668 : vector<16xf32> to vector<1x16xf32>
        tpu.vector_store %arg7[%parallel_loop3A_669, %parallel_loop3A_670], %parallel_loop3A_673 {add = true, strides = array<i32>} : memref<24x768xf32, #tpu.memory_space<vmem>>, vector<1x16xf32>,
        %parallel_loop3A_674 = arith.addi %mul3A_231, %parallel_loop3A_483 : i32
        %parallel_loop3A_675 = arith.index_cast %parallel_loop3A_674 : i32 to index
        %parallel_loop3A_676 = arith.constant 304 : index
        %parallel_loop3A_677 = tpu.vector_load %arg5[%parallel_loop3A_675, %parallel_loop3A_676] {strides = array<i32>} : memref<72x768xf32, #tpu.memory_space<vmem>>, vector<1x16xf32>,
        %parallel_loop3A_678 = vector.shape_cast %parallel_loop3A_677 : vector<1x16xf32> to vector<16xf32>
        %parallel_loop3A_679 = arith.index_cast %parallel_loop3A_483 : i32 to index
        %parallel_loop3A_680 = arith.constant 304 : index
        %parallel_loop3A_681 = tpu.vector_load %arg7[%parallel_loop3A_679, %parallel_loop3A_680] {strides = array<i32>} : memref<24x768xf32, #tpu.memory_space<vmem>>, vector<1x16xf32>,
        %parallel_loop3A_682 = vector.shape_cast %parallel_loop3A_681 : vector<1x16xf32> to vector<16xf32>
        %parallel_loop3A_683 = vector.shape_cast %parallel_loop3A_678 : vector<16xf32> to vector<1x16xf32>
        tpu.vector_store %arg7[%parallel_loop3A_679, %parallel_loop3A_680], %parallel_loop3A_683 {add = true, strides = array<i32>} : memref<24x768xf32, #tpu.memory_space<vmem>>, vector<1x16xf32>,
        %parallel_loop3A_684 = arith.addi %mul3A_231, %parallel_loop3A_483 : i32
        %parallel_loop3A_685 = arith.index_cast %parallel_loop3A_684 : i32 to index
        %parallel_loop3A_686 = arith.constant 320 : index
        %parallel_loop3A_687 = tpu.vector_load %arg5[%parallel_loop3A_685, %parallel_loop3A_686] {strides = array<i32>} : memref<72x768xf32, #tpu.memory_space<vmem>>, vector<1x16xf32>,
        %parallel_loop3A_688 = vector.shape_cast %parallel_loop3A_687 : vector<1x16xf32> to vector<16xf32>
        %parallel_loop3A_689 = arith.index_cast %parallel_loop3A_483 : i32 to index
        %parallel_loop3A_690 = arith.constant 320 : index
        %parallel_loop3A_691 = tpu.vector_load %arg7[%parallel_loop3A_689, %parallel_loop3A_690] {strides = array<i32>} : memref<24x768xf32, #tpu.memory_space<vmem>>, vector<1x16xf32>,
        %parallel_loop3A_692 = vector.shape_cast %parallel_loop3A_691 : vector<1x16xf32> to vector<16xf32>
        %parallel_loop3A_693 = vector.shape_cast %parallel_loop3A_688 : vector<16xf32> to vector<1x16xf32>
        tpu.vector_store %arg7[%parallel_loop3A_689, %parallel_loop3A_690], %parallel_loop3A_693 {add = true, strides = array<i32>} : memref<24x768xf32, #tpu.memory_space<vmem>>, vector<1x16xf32>,
        %parallel_loop3A_694 = arith.addi %mul3A_231, %parallel_loop3A_483 : i32
        %parallel_loop3A_695 = arith.index_cast %parallel_loop3A_694 : i32 to index
        %parallel_loop3A_696 = arith.constant 336 : index
        %parallel_loop3A_697 = tpu.vector_load %arg5[%parallel_loop3A_695, %parallel_loop3A_696] {strides = array<i32>} : memref<72x768xf32, #tpu.memory_space<vmem>>, vector<1x16xf32>,
        %parallel_loop3A_698 = vector.shape_cast %parallel_loop3A_697 : vector<1x16xf32> to vector<16xf32>
        %parallel_loop3A_699 = arith.index_cast %parallel_loop3A_483 : i32 to index
        %parallel_loop3A_700 = arith.constant 336 : index
        %parallel_loop3A_701 = tpu.vector_load %arg7[%parallel_loop3A_699, %parallel_loop3A_700] {strides = array<i32>} : memref<24x768xf32, #tpu.memory_space<vmem>>, vector<1x16xf32>,
        %parallel_loop3A_702 = vector.shape_cast %parallel_loop3A_701 : vector<1x16xf32> to vector<16xf32>
        %parallel_loop3A_703 = vector.shape_cast %parallel_loop3A_698 : vector<16xf32> to vector<1x16xf32>
        tpu.vector_store %arg7[%parallel_loop3A_699, %parallel_loop3A_700], %parallel_loop3A_703 {add = true, strides = array<i32>} : memref<24x768xf32, #tpu.memory_space<vmem>>, vector<1x16xf32>,
        %parallel_loop3A_704 = arith.addi %mul3A_231, %parallel_loop3A_483 : i32
        %parallel_loop3A_705 = arith.index_cast %parallel_loop3A_704 : i32 to index
        %parallel_loop3A_706 = arith.constant 352 : index
        %parallel_loop3A_707 = tpu.vector_load %arg5[%parallel_loop3A_705, %parallel_loop3A_706] {strides = array<i32>} : memref<72x768xf32, #tpu.memory_space<vmem>>, vector<1x16xf32>,
        %parallel_loop3A_708 = vector.shape_cast %parallel_loop3A_707 : vector<1x16xf32> to vector<16xf32>
        %parallel_loop3A_709 = arith.index_cast %parallel_loop3A_483 : i32 to index
        %parallel_loop3A_710 = arith.constant 352 : index
        %parallel_loop3A_711 = tpu.vector_load %arg7[%parallel_loop3A_709, %parallel_loop3A_710] {strides = array<i32>} : memref<24x768xf32, #tpu.memory_space<vmem>>, vector<1x16xf32>,
        %parallel_loop3A_712 = vector.shape_cast %parallel_loop3A_711 : vector<1x16xf32> to vector<16xf32>
        %parallel_loop3A_713 = vector.shape_cast %parallel_loop3A_708 : vector<16xf32> to vector<1x16xf32>
        tpu.vector_store %arg7[%parallel_loop3A_709, %parallel_loop3A_710], %parallel_loop3A_713 {add = true, strides = array<i32>} : memref<24x768xf32, #tpu.memory_space<vmem>>, vector<1x16xf32>,
        %parallel_loop3A_714 = arith.addi %mul3A_231, %parallel_loop3A_483 : i32
        %parallel_loop3A_715 = arith.index_cast %parallel_loop3A_714 : i32 to index
        %parallel_loop3A_716 = arith.constant 368 : index
        %parallel_loop3A_717 = tpu.vector_load %arg5[%parallel_loop3A_715, %parallel_loop3A_716] {strides = array<i32>} : memref<72x768xf32, #tpu.memory_space<vmem>>, vector<1x16xf32>,
        %parallel_loop3A_718 = vector.shape_cast %parallel_loop3A_717 : vector<1x16xf32> to vector<16xf32>
        %parallel_loop3A_719 = arith.index_cast %parallel_loop3A_483 : i32 to index
        %parallel_loop3A_720 = arith.constant 368 : index
        %parallel_loop3A_721 = tpu.vector_load %arg7[%parallel_loop3A_719, %parallel_loop3A_720] {strides = array<i32>} : memref<24x768xf32, #tpu.memory_space<vmem>>, vector<1x16xf32>,
        %parallel_loop3A_722 = vector.shape_cast %parallel_loop3A_721 : vector<1x16xf32> to vector<16xf32>
        %parallel_loop3A_723 = vector.shape_cast %parallel_loop3A_718 : vector<16xf32> to vector<1x16xf32>
        tpu.vector_store %arg7[%parallel_loop3A_719, %parallel_loop3A_720], %parallel_loop3A_723 {add = true, strides = array<i32>} : memref<24x768xf32, #tpu.memory_space<vmem>>, vector<1x16xf32>,
        %parallel_loop3A_724 = arith.addi %mul3A_231, %parallel_loop3A_483 : i32
        %parallel_loop3A_725 = arith.index_cast %parallel_loop3A_724 : i32 to index
        %parallel_loop3A_726 = arith.constant 384 : index
        %parallel_loop3A_727 = tpu.vector_load %arg5[%parallel_loop3A_725, %parallel_loop3A_726] {strides = array<i32>} : memref<72x768xf32, #tpu.memory_space<vmem>>, vector<1x16xf32>,
        %parallel_loop3A_728 = vector.shape_cast %parallel_loop3A_727 : vector<1x16xf32> to vector<16xf32>
        %parallel_loop3A_729 = arith.index_cast %parallel_loop3A_483 : i32 to index
        %parallel_loop3A_730 = arith.constant 384 : index
        %parallel_loop3A_731 = tpu.vector_load %arg7[%parallel_loop3A_729, %parallel_loop3A_730] {strides = array<i32>} : memref<24x768xf32, #tpu.memory_space<vmem>>, vector<1x16xf32>,
        %parallel_loop3A_732 = vector.shape_cast %parallel_loop3A_731 : vector<1x16xf32> to vector<16xf32>
        %parallel_loop3A_733 = vector.shape_cast %parallel_loop3A_728 : vector<16xf32> to vector<1x16xf32>
        tpu.vector_store %arg7[%parallel_loop3A_729, %parallel_loop3A_730], %parallel_loop3A_733 {add = true, strides = array<i32>} : memref<24x768xf32, #tpu.memory_space<vmem>>, vector<1x16xf32>,
        %parallel_loop3A_734 = arith.addi %mul3A_231, %parallel_loop3A_483 : i32
        %parallel_loop3A_735 = arith.index_cast %parallel_loop3A_734 : i32 to index
        %parallel_loop3A_736 = arith.constant 400 : index
        %parallel_loop3A_737 = tpu.vector_load %arg5[%parallel_loop3A_735, %parallel_loop3A_736] {strides = array<i32>} : memref<72x768xf32, #tpu.memory_space<vmem>>, vector<1x16xf32>,
        %parallel_loop3A_738 = vector.shape_cast %parallel_loop3A_737 : vector<1x16xf32> to vector<16xf32>
        %parallel_loop3A_739 = arith.index_cast %parallel_loop3A_483 : i32 to index
        %parallel_loop3A_740 = arith.constant 400 : index
        %parallel_loop3A_741 = tpu.vector_load %arg7[%parallel_loop3A_739, %parallel_loop3A_740] {strides = array<i32>} : memref<24x768xf32, #tpu.memory_space<vmem>>, vector<1x16xf32>,
        %parallel_loop3A_742 = vector.shape_cast %parallel_loop3A_741 : vector<1x16xf32> to vector<16xf32>
        %parallel_loop3A_743 = vector.shape_cast %parallel_loop3A_738 : vector<16xf32> to vector<1x16xf32>
        tpu.vector_store %arg7[%parallel_loop3A_739, %parallel_loop3A_740], %parallel_loop3A_743 {add = true, strides = array<i32>} : memref<24x768xf32, #tpu.memory_space<vmem>>, vector<1x16xf32>,
        %parallel_loop3A_744 = arith.addi %mul3A_231, %parallel_loop3A_483 : i32
        %parallel_loop3A_745 = arith.index_cast %parallel_loop3A_744 : i32 to index
        %parallel_loop3A_746 = arith.constant 416 : index
        %parallel_loop3A_747 = tpu.vector_load %arg5[%parallel_loop3A_745, %parallel_loop3A_746] {strides = array<i32>} : memref<72x768xf32, #tpu.memory_space<vmem>>, vector<1x16xf32>,
        %parallel_loop3A_748 = vector.shape_cast %parallel_loop3A_747 : vector<1x16xf32> to vector<16xf32>
        %parallel_loop3A_749 = arith.index_cast %parallel_loop3A_483 : i32 to index
        %parallel_loop3A_750 = arith.constant 416 : index
        %parallel_loop3A_751 = tpu.vector_load %arg7[%parallel_loop3A_749, %parallel_loop3A_750] {strides = array<i32>} : memref<24x768xf32, #tpu.memory_space<vmem>>, vector<1x16xf32>,
        %parallel_loop3A_752 = vector.shape_cast %parallel_loop3A_751 : vector<1x16xf32> to vector<16xf32>
        %parallel_loop3A_753 = vector.shape_cast %parallel_loop3A_748 : vector<16xf32> to vector<1x16xf32>
        tpu.vector_store %arg7[%parallel_loop3A_749, %parallel_loop3A_750], %parallel_loop3A_753 {add = true, strides = array<i32>} : memref<24x768xf32, #tpu.memory_space<vmem>>, vector<1x16xf32>,
        %parallel_loop3A_754 = arith.addi %mul3A_231, %parallel_loop3A_483 : i32
        %parallel_loop3A_755 = arith.index_cast %parallel_loop3A_754 : i32 to index
        %parallel_loop3A_756 = arith.constant 432 : index
        %parallel_loop3A_757 = tpu.vector_load %arg5[%parallel_loop3A_755, %parallel_loop3A_756] {strides = array<i32>} : memref<72x768xf32, #tpu.memory_space<vmem>>, vector<1x16xf32>,
        %parallel_loop3A_758 = vector.shape_cast %parallel_loop3A_757 : vector<1x16xf32> to vector<16xf32>
        %parallel_loop3A_759 = arith.index_cast %parallel_loop3A_483 : i32 to index
        %parallel_loop3A_760 = arith.constant 432 : index
        %parallel_loop3A_761 = tpu.vector_load %arg7[%parallel_loop3A_759, %parallel_loop3A_760] {strides = array<i32>} : memref<24x768xf32, #tpu.memory_space<vmem>>, vector<1x16xf32>,
        %parallel_loop3A_762 = vector.shape_cast %parallel_loop3A_761 : vector<1x16xf32> to vector<16xf32>
        %parallel_loop3A_763 = vector.shape_cast %parallel_loop3A_758 : vector<16xf32> to vector<1x16xf32>
        tpu.vector_store %arg7[%parallel_loop3A_759, %parallel_loop3A_760], %parallel_loop3A_763 {add = true, strides = array<i32>} : memref<24x768xf32, #tpu.memory_space<vmem>>, vector<1x16xf32>,
        %parallel_loop3A_764 = arith.addi %mul3A_231, %parallel_loop3A_483 : i32
        %parallel_loop3A_765 = arith.index_cast %parallel_loop3A_764 : i32 to index
        %parallel_loop3A_766 = arith.constant 448 : index
        %parallel_loop3A_767 = tpu.vector_load %arg5[%parallel_loop3A_765, %parallel_loop3A_766] {strides = array<i32>} : memref<72x768xf32, #tpu.memory_space<vmem>>, vector<1x16xf32>,
        %parallel_loop3A_768 = vector.shape_cast %parallel_loop3A_767 : vector<1x16xf32> to vector<16xf32>
        %parallel_loop3A_769 = arith.index_cast %parallel_loop3A_483 : i32 to index
        %parallel_loop3A_770 = arith.constant 448 : index
        %parallel_loop3A_771 = tpu.vector_load %arg7[%parallel_loop3A_769, %parallel_loop3A_770] {strides = array<i32>} : memref<24x768xf32, #tpu.memory_space<vmem>>, vector<1x16xf32>,
        %parallel_loop3A_772 = vector.shape_cast %parallel_loop3A_771 : vector<1x16xf32> to vector<16xf32>
        %parallel_loop3A_773 = vector.shape_cast %parallel_loop3A_768 : vector<16xf32> to vector<1x16xf32>
        tpu.vector_store %arg7[%parallel_loop3A_769, %parallel_loop3A_770], %parallel_loop3A_773 {add = true, strides = array<i32>} : memref<24x768xf32, #tpu.memory_space<vmem>>, vector<1x16xf32>,
        %parallel_loop3A_774 = arith.addi %mul3A_231, %parallel_loop3A_483 : i32
        %parallel_loop3A_775 = arith.index_cast %parallel_loop3A_774 : i32 to index
        %parallel_loop3A_776 = arith.constant 464 : index
        %parallel_loop3A_777 = tpu.vector_load %arg5[%parallel_loop3A_775, %parallel_loop3A_776] {strides = array<i32>} : memref<72x768xf32, #tpu.memory_space<vmem>>, vector<1x16xf32>,
        %parallel_loop3A_778 = vector.shape_cast %parallel_loop3A_777 : vector<1x16xf32> to vector<16xf32>
        %parallel_loop3A_779 = arith.index_cast %parallel_loop3A_483 : i32 to index
        %parallel_loop3A_780 = arith.constant 464 : index
        %parallel_loop3A_781 = tpu.vector_load %arg7[%parallel_loop3A_779, %parallel_loop3A_780] {strides = array<i32>} : memref<24x768xf32, #tpu.memory_space<vmem>>, vector<1x16xf32>,
        %parallel_loop3A_782 = vector.shape_cast %parallel_loop3A_781 : vector<1x16xf32> to vector<16xf32>
        %parallel_loop3A_783 = vector.shape_cast %parallel_loop3A_778 : vector<16xf32> to vector<1x16xf32>
        tpu.vector_store %arg7[%parallel_loop3A_779, %parallel_loop3A_780], %parallel_loop3A_783 {add = true, strides = array<i32>} : memref<24x768xf32, #tpu.memory_space<vmem>>, vector<1x16xf32>,
        %parallel_loop3A_784 = arith.addi %mul3A_231, %parallel_loop3A_483 : i32
        %parallel_loop3A_785 = arith.index_cast %parallel_loop3A_784 : i32 to index
        %parallel_loop3A_786 = arith.constant 480 : index
        %parallel_loop3A_787 = tpu.vector_load %arg5[%parallel_loop3A_785, %parallel_loop3A_786] {strides = array<i32>} : memref<72x768xf32, #tpu.memory_space<vmem>>, vector<1x16xf32>,
        %parallel_loop3A_788 = vector.shape_cast %parallel_loop3A_787 : vector<1x16xf32> to vector<16xf32>
        %parallel_loop3A_789 = arith.index_cast %parallel_loop3A_483 : i32 to index
        %parallel_loop3A_790 = arith.constant 480 : index
        %parallel_loop3A_791 = tpu.vector_load %arg7[%parallel_loop3A_789, %parallel_loop3A_790] {strides = array<i32>} : memref<24x768xf32, #tpu.memory_space<vmem>>, vector<1x16xf32>,
        %parallel_loop3A_792 = vector.shape_cast %parallel_loop3A_791 : vector<1x16xf32> to vector<16xf32>
        %parallel_loop3A_793 = vector.shape_cast %parallel_loop3A_788 : vector<16xf32> to vector<1x16xf32>
        tpu.vector_store %arg7[%parallel_loop3A_789, %parallel_loop3A_790], %parallel_loop3A_793 {add = true, strides = array<i32>} : memref<24x768xf32, #tpu.memory_space<vmem>>, vector<1x16xf32>,
        %parallel_loop3A_794 = arith.addi %mul3A_231, %parallel_loop3A_483 : i32
        %parallel_loop3A_795 = arith.index_cast %parallel_loop3A_794 : i32 to index
        %parallel_loop3A_796 = arith.constant 496 : index
        %parallel_loop3A_797 = tpu.vector_load %arg5[%parallel_loop3A_795, %parallel_loop3A_796] {strides = array<i32>} : memref<72x768xf32, #tpu.memory_space<vmem>>, vector<1x16xf32>,
        %parallel_loop3A_798 = vector.shape_cast %parallel_loop3A_797 : vector<1x16xf32> to vector<16xf32>
        %parallel_loop3A_799 = arith.index_cast %parallel_loop3A_483 : i32 to index
        %parallel_loop3A_800 = arith.constant 496 : index
        %parallel_loop3A_801 = tpu.vector_load %arg7[%parallel_loop3A_799, %parallel_loop3A_800] {strides = array<i32>} : memref<24x768xf32, #tpu.memory_space<vmem>>, vector<1x16xf32>,
        %parallel_loop3A_802 = vector.shape_cast %parallel_loop3A_801 : vector<1x16xf32> to vector<16xf32>
        %parallel_loop3A_803 = vector.shape_cast %parallel_loop3A_798 : vector<16xf32> to vector<1x16xf32>
        tpu.vector_store %arg7[%parallel_loop3A_799, %parallel_loop3A_800], %parallel_loop3A_803 {add = true, strides = array<i32>} : memref<24x768xf32, #tpu.memory_space<vmem>>, vector<1x16xf32>,
        %parallel_loop3A_804 = arith.addi %mul3A_231, %parallel_loop3A_483 : i32
        %parallel_loop3A_805 = arith.index_cast %parallel_loop3A_804 : i32 to index
        %parallel_loop3A_806 = arith.constant 512 : index
        %parallel_loop3A_807 = tpu.vector_load %arg5[%parallel_loop3A_805, %parallel_loop3A_806] {strides = array<i32>} : memref<72x768xf32, #tpu.memory_space<vmem>>, vector<1x16xf32>,
        %parallel_loop3A_808 = vector.shape_cast %parallel_loop3A_807 : vector<1x16xf32> to vector<16xf32>
        %parallel_loop3A_809 = arith.index_cast %parallel_loop3A_483 : i32 to index
        %parallel_loop3A_810 = arith.constant 512 : index
        %parallel_loop3A_811 = tpu.vector_load %arg7[%parallel_loop3A_809, %parallel_loop3A_810] {strides = array<i32>} : memref<24x768xf32, #tpu.memory_space<vmem>>, vector<1x16xf32>,
        %parallel_loop3A_812 = vector.shape_cast %parallel_loop3A_811 : vector<1x16xf32> to vector<16xf32>
        %parallel_loop3A_813 = vector.shape_cast %parallel_loop3A_808 : vector<16xf32> to vector<1x16xf32>
        tpu.vector_store %arg7[%parallel_loop3A_809, %parallel_loop3A_810], %parallel_loop3A_813 {add = true, strides = array<i32>} : memref<24x768xf32, #tpu.memory_space<vmem>>, vector<1x16xf32>,
        %parallel_loop3A_814 = arith.addi %mul3A_231, %parallel_loop3A_483 : i32
        %parallel_loop3A_815 = arith.index_cast %parallel_loop3A_814 : i32 to index
        %parallel_loop3A_816 = arith.constant 528 : index
        %parallel_loop3A_817 = tpu.vector_load %arg5[%parallel_loop3A_815, %parallel_loop3A_816] {strides = array<i32>} : memref<72x768xf32, #tpu.memory_space<vmem>>, vector<1x16xf32>,
        %parallel_loop3A_818 = vector.shape_cast %parallel_loop3A_817 : vector<1x16xf32> to vector<16xf32>
        %parallel_loop3A_819 = arith.index_cast %parallel_loop3A_483 : i32 to index
        %parallel_loop3A_820 = arith.constant 528 : index
        %parallel_loop3A_821 = tpu.vector_load %arg7[%parallel_loop3A_819, %parallel_loop3A_820] {strides = array<i32>} : memref<24x768xf32, #tpu.memory_space<vmem>>, vector<1x16xf32>,
        %parallel_loop3A_822 = vector.shape_cast %parallel_loop3A_821 : vector<1x16xf32> to vector<16xf32>
        %parallel_loop3A_823 = vector.shape_cast %parallel_loop3A_818 : vector<16xf32> to vector<1x16xf32>
        tpu.vector_store %arg7[%parallel_loop3A_819, %parallel_loop3A_820], %parallel_loop3A_823 {add = true, strides = array<i32>} : memref<24x768xf32, #tpu.memory_space<vmem>>, vector<1x16xf32>,
        %parallel_loop3A_824 = arith.addi %mul3A_231, %parallel_loop3A_483 : i32
        %parallel_loop3A_825 = arith.index_cast %parallel_loop3A_824 : i32 to index
        %parallel_loop3A_826 = arith.constant 544 : index
        %parallel_loop3A_827 = tpu.vector_load %arg5[%parallel_loop3A_825, %parallel_loop3A_826] {strides = array<i32>} : memref<72x768xf32, #tpu.memory_space<vmem>>, vector<1x16xf32>,
        %parallel_loop3A_828 = vector.shape_cast %parallel_loop3A_827 : vector<1x16xf32> to vector<16xf32>
        %parallel_loop3A_829 = arith.index_cast %parallel_loop3A_483 : i32 to index
        %parallel_loop3A_830 = arith.constant 544 : index
        %parallel_loop3A_831 = tpu.vector_load %arg7[%parallel_loop3A_829, %parallel_loop3A_830] {strides = array<i32>} : memref<24x768xf32, #tpu.memory_space<vmem>>, vector<1x16xf32>,
        %parallel_loop3A_832 = vector.shape_cast %parallel_loop3A_831 : vector<1x16xf32> to vector<16xf32>
        %parallel_loop3A_833 = vector.shape_cast %parallel_loop3A_828 : vector<16xf32> to vector<1x16xf32>
        tpu.vector_store %arg7[%parallel_loop3A_829, %parallel_loop3A_830], %parallel_loop3A_833 {add = true, strides = array<i32>} : memref<24x768xf32, #tpu.memory_space<vmem>>, vector<1x16xf32>,
        %parallel_loop3A_834 = arith.addi %mul3A_231, %parallel_loop3A_483 : i32
        %parallel_loop3A_835 = arith.index_cast %parallel_loop3A_834 : i32 to index
        %parallel_loop3A_836 = arith.constant 560 : index
        %parallel_loop3A_837 = tpu.vector_load %arg5[%parallel_loop3A_835, %parallel_loop3A_836] {strides = array<i32>} : memref<72x768xf32, #tpu.memory_space<vmem>>, vector<1x16xf32>,
        %parallel_loop3A_838 = vector.shape_cast %parallel_loop3A_837 : vector<1x16xf32> to vector<16xf32>
        %parallel_loop3A_839 = arith.index_cast %parallel_loop3A_483 : i32 to index
        %parallel_loop3A_840 = arith.constant 560 : index
        %parallel_loop3A_841 = tpu.vector_load %arg7[%parallel_loop3A_839, %parallel_loop3A_840] {strides = array<i32>} : memref<24x768xf32, #tpu.memory_space<vmem>>, vector<1x16xf32>,
        %parallel_loop3A_842 = vector.shape_cast %parallel_loop3A_841 : vector<1x16xf32> to vector<16xf32>
        %parallel_loop3A_843 = vector.shape_cast %parallel_loop3A_838 : vector<16xf32> to vector<1x16xf32>
        tpu.vector_store %arg7[%parallel_loop3A_839, %parallel_loop3A_840], %parallel_loop3A_843 {add = true, strides = array<i32>} : memref<24x768xf32, #tpu.memory_space<vmem>>, vector<1x16xf32>,
        %parallel_loop3A_844 = arith.addi %mul3A_231, %parallel_loop3A_483 : i32
        %parallel_loop3A_845 = arith.index_cast %parallel_loop3A_844 : i32 to index
        %parallel_loop3A_846 = arith.constant 576 : index
        %parallel_loop3A_847 = tpu.vector_load %arg5[%parallel_loop3A_845, %parallel_loop3A_846] {strides = array<i32>} : memref<72x768xf32, #tpu.memory_space<vmem>>, vector<1x16xf32>,
        %parallel_loop3A_848 = vector.shape_cast %parallel_loop3A_847 : vector<1x16xf32> to vector<16xf32>
        %parallel_loop3A_849 = arith.index_cast %parallel_loop3A_483 : i32 to index
        %parallel_loop3A_850 = arith.constant 576 : index
        %parallel_loop3A_851 = tpu.vector_load %arg7[%parallel_loop3A_849, %parallel_loop3A_850] {strides = array<i32>} : memref<24x768xf32, #tpu.memory_space<vmem>>, vector<1x16xf32>,
        %parallel_loop3A_852 = vector.shape_cast %parallel_loop3A_851 : vector<1x16xf32> to vector<16xf32>
        %parallel_loop3A_853 = vector.shape_cast %parallel_loop3A_848 : vector<16xf32> to vector<1x16xf32>
        tpu.vector_store %arg7[%parallel_loop3A_849, %parallel_loop3A_850], %parallel_loop3A_853 {add = true, strides = array<i32>} : memref<24x768xf32, #tpu.memory_space<vmem>>, vector<1x16xf32>,
        %parallel_loop3A_854 = arith.addi %mul3A_231, %parallel_loop3A_483 : i32
        %parallel_loop3A_855 = arith.index_cast %parallel_loop3A_854 : i32 to index
        %parallel_loop3A_856 = arith.constant 592 : index
        %parallel_loop3A_857 = tpu.vector_load %arg5[%parallel_loop3A_855, %parallel_loop3A_856] {strides = array<i32>} : memref<72x768xf32, #tpu.memory_space<vmem>>, vector<1x16xf32>,
        %parallel_loop3A_858 = vector.shape_cast %parallel_loop3A_857 : vector<1x16xf32> to vector<16xf32>
        %parallel_loop3A_859 = arith.index_cast %parallel_loop3A_483 : i32 to index
        %parallel_loop3A_860 = arith.constant 592 : index
        %parallel_loop3A_861 = tpu.vector_load %arg7[%parallel_loop3A_859, %parallel_loop3A_860] {strides = array<i32>} : memref<24x768xf32, #tpu.memory_space<vmem>>, vector<1x16xf32>,
        %parallel_loop3A_862 = vector.shape_cast %parallel_loop3A_861 : vector<1x16xf32> to vector<16xf32>
        %parallel_loop3A_863 = vector.shape_cast %parallel_loop3A_858 : vector<16xf32> to vector<1x16xf32>
        tpu.vector_store %arg7[%parallel_loop3A_859, %parallel_loop3A_860], %parallel_loop3A_863 {add = true, strides = array<i32>} : memref<24x768xf32, #tpu.memory_space<vmem>>, vector<1x16xf32>,
        %parallel_loop3A_864 = arith.addi %mul3A_231, %parallel_loop3A_483 : i32
        %parallel_loop3A_865 = arith.index_cast %parallel_loop3A_864 : i32 to index
        %parallel_loop3A_866 = arith.constant 608 : index
        %parallel_loop3A_867 = tpu.vector_load %arg5[%parallel_loop3A_865, %parallel_loop3A_866] {strides = array<i32>} : memref<72x768xf32, #tpu.memory_space<vmem>>, vector<1x16xf32>,
        %parallel_loop3A_868 = vector.shape_cast %parallel_loop3A_867 : vector<1x16xf32> to vector<16xf32>
        %parallel_loop3A_869 = arith.index_cast %parallel_loop3A_483 : i32 to index
        %parallel_loop3A_870 = arith.constant 608 : index
        %parallel_loop3A_871 = tpu.vector_load %arg7[%parallel_loop3A_869, %parallel_loop3A_870] {strides = array<i32>} : memref<24x768xf32, #tpu.memory_space<vmem>>, vector<1x16xf32>,
        %parallel_loop3A_872 = vector.shape_cast %parallel_loop3A_871 : vector<1x16xf32> to vector<16xf32>
        %parallel_loop3A_873 = vector.shape_cast %parallel_loop3A_868 : vector<16xf32> to vector<1x16xf32>
        tpu.vector_store %arg7[%parallel_loop3A_869, %parallel_loop3A_870], %parallel_loop3A_873 {add = true, strides = array<i32>} : memref<24x768xf32, #tpu.memory_space<vmem>>, vector<1x16xf32>,
        %parallel_loop3A_874 = arith.addi %mul3A_231, %parallel_loop3A_483 : i32
        %parallel_loop3A_875 = arith.index_cast %parallel_loop3A_874 : i32 to index
        %parallel_loop3A_876 = arith.constant 624 : index
        %parallel_loop3A_877 = tpu.vector_load %arg5[%parallel_loop3A_875, %parallel_loop3A_876] {strides = array<i32>} : memref<72x768xf32, #tpu.memory_space<vmem>>, vector<1x16xf32>,
        %parallel_loop3A_878 = vector.shape_cast %parallel_loop3A_877 : vector<1x16xf32> to vector<16xf32>
        %parallel_loop3A_879 = arith.index_cast %parallel_loop3A_483 : i32 to index
        %parallel_loop3A_880 = arith.constant 624 : index
        %parallel_loop3A_881 = tpu.vector_load %arg7[%parallel_loop3A_879, %parallel_loop3A_880] {strides = array<i32>} : memref<24x768xf32, #tpu.memory_space<vmem>>, vector<1x16xf32>,
        %parallel_loop3A_882 = vector.shape_cast %parallel_loop3A_881 : vector<1x16xf32> to vector<16xf32>
        %parallel_loop3A_883 = vector.shape_cast %parallel_loop3A_878 : vector<16xf32> to vector<1x16xf32>
        tpu.vector_store %arg7[%parallel_loop3A_879, %parallel_loop3A_880], %parallel_loop3A_883 {add = true, strides = array<i32>} : memref<24x768xf32, #tpu.memory_space<vmem>>, vector<1x16xf32>,
        %parallel_loop3A_884 = arith.addi %mul3A_231, %parallel_loop3A_483 : i32
        %parallel_loop3A_885 = arith.index_cast %parallel_loop3A_884 : i32 to index
        %parallel_loop3A_886 = arith.constant 640 : index
        %parallel_loop3A_887 = tpu.vector_load %arg5[%parallel_loop3A_885, %parallel_loop3A_886] {strides = array<i32>} : memref<72x768xf32, #tpu.memory_space<vmem>>, vector<1x16xf32>,
        %parallel_loop3A_888 = vector.shape_cast %parallel_loop3A_887 : vector<1x16xf32> to vector<16xf32>
        %parallel_loop3A_889 = arith.index_cast %parallel_loop3A_483 : i32 to index
        %parallel_loop3A_890 = arith.constant 640 : index
        %parallel_loop3A_891 = tpu.vector_load %arg7[%parallel_loop3A_889, %parallel_loop3A_890] {strides = array<i32>} : memref<24x768xf32, #tpu.memory_space<vmem>>, vector<1x16xf32>,
        %parallel_loop3A_892 = vector.shape_cast %parallel_loop3A_891 : vector<1x16xf32> to vector<16xf32>
        %parallel_loop3A_893 = vector.shape_cast %parallel_loop3A_888 : vector<16xf32> to vector<1x16xf32>
        tpu.vector_store %arg7[%parallel_loop3A_889, %parallel_loop3A_890], %parallel_loop3A_893 {add = true, strides = array<i32>} : memref<24x768xf32, #tpu.memory_space<vmem>>, vector<1x16xf32>,
        %parallel_loop3A_894 = arith.addi %mul3A_231, %parallel_loop3A_483 : i32
        %parallel_loop3A_895 = arith.index_cast %parallel_loop3A_894 : i32 to index
        %parallel_loop3A_896 = arith.constant 656 : index
        %parallel_loop3A_897 = tpu.vector_load %arg5[%parallel_loop3A_895, %parallel_loop3A_896] {strides = array<i32>} : memref<72x768xf32, #tpu.memory_space<vmem>>, vector<1x16xf32>,
        %parallel_loop3A_898 = vector.shape_cast %parallel_loop3A_897 : vector<1x16xf32> to vector<16xf32>
        %parallel_loop3A_899 = arith.index_cast %parallel_loop3A_483 : i32 to index
        %parallel_loop3A_900 = arith.constant 656 : index
        %parallel_loop3A_901 = tpu.vector_load %arg7[%parallel_loop3A_899, %parallel_loop3A_900] {strides = array<i32>} : memref<24x768xf32, #tpu.memory_space<vmem>>, vector<1x16xf32>,
        %parallel_loop3A_902 = vector.shape_cast %parallel_loop3A_901 : vector<1x16xf32> to vector<16xf32>
        %parallel_loop3A_903 = vector.shape_cast %parallel_loop3A_898 : vector<16xf32> to vector<1x16xf32>
        tpu.vector_store %arg7[%parallel_loop3A_899, %parallel_loop3A_900], %parallel_loop3A_903 {add = true, strides = array<i32>} : memref<24x768xf32, #tpu.memory_space<vmem>>, vector<1x16xf32>,
        %parallel_loop3A_904 = arith.addi %mul3A_231, %parallel_loop3A_483 : i32
        %parallel_loop3A_905 = arith.index_cast %parallel_loop3A_904 : i32 to index
        %parallel_loop3A_906 = arith.constant 672 : index
        %parallel_loop3A_907 = tpu.vector_load %arg5[%parallel_loop3A_905, %parallel_loop3A_906] {strides = array<i32>} : memref<72x768xf32, #tpu.memory_space<vmem>>, vector<1x16xf32>,
        %parallel_loop3A_908 = vector.shape_cast %parallel_loop3A_907 : vector<1x16xf32> to vector<16xf32>
        %parallel_loop3A_909 = arith.index_cast %parallel_loop3A_483 : i32 to index
        %parallel_loop3A_910 = arith.constant 672 : index
        %parallel_loop3A_911 = tpu.vector_load %arg7[%parallel_loop3A_909, %parallel_loop3A_910] {strides = array<i32>} : memref<24x768xf32, #tpu.memory_space<vmem>>, vector<1x16xf32>,
        %parallel_loop3A_912 = vector.shape_cast %parallel_loop3A_911 : vector<1x16xf32> to vector<16xf32>
        %parallel_loop3A_913 = vector.shape_cast %parallel_loop3A_908 : vector<16xf32> to vector<1x16xf32>
        tpu.vector_store %arg7[%parallel_loop3A_909, %parallel_loop3A_910], %parallel_loop3A_913 {add = true, strides = array<i32>} : memref<24x768xf32, #tpu.memory_space<vmem>>, vector<1x16xf32>,
        %parallel_loop3A_914 = arith.addi %mul3A_231, %parallel_loop3A_483 : i32
        %parallel_loop3A_915 = arith.index_cast %parallel_loop3A_914 : i32 to index
        %parallel_loop3A_916 = arith.constant 688 : index
        %parallel_loop3A_917 = tpu.vector_load %arg5[%parallel_loop3A_915, %parallel_loop3A_916] {strides = array<i32>} : memref<72x768xf32, #tpu.memory_space<vmem>>, vector<1x16xf32>,
        %parallel_loop3A_918 = vector.shape_cast %parallel_loop3A_917 : vector<1x16xf32> to vector<16xf32>
        %parallel_loop3A_919 = arith.index_cast %parallel_loop3A_483 : i32 to index
        %parallel_loop3A_920 = arith.constant 688 : index
        %parallel_loop3A_921 = tpu.vector_load %arg7[%parallel_loop3A_919, %parallel_loop3A_920] {strides = array<i32>} : memref<24x768xf32, #tpu.memory_space<vmem>>, vector<1x16xf32>,
        %parallel_loop3A_922 = vector.shape_cast %parallel_loop3A_921 : vector<1x16xf32> to vector<16xf32>
        %parallel_loop3A_923 = vector.shape_cast %parallel_loop3A_918 : vector<16xf32> to vector<1x16xf32>
        tpu.vector_store %arg7[%parallel_loop3A_919, %parallel_loop3A_920], %parallel_loop3A_923 {add = true, strides = array<i32>} : memref<24x768xf32, #tpu.memory_space<vmem>>, vector<1x16xf32>,
        %parallel_loop3A_924 = arith.addi %mul3A_231, %parallel_loop3A_483 : i32
        %parallel_loop3A_925 = arith.index_cast %parallel_loop3A_924 : i32 to index
        %parallel_loop3A_926 = arith.constant 704 : index
        %parallel_loop3A_927 = tpu.vector_load %arg5[%parallel_loop3A_925, %parallel_loop3A_926] {strides = array<i32>} : memref<72x768xf32, #tpu.memory_space<vmem>>, vector<1x16xf32>,
        %parallel_loop3A_928 = vector.shape_cast %parallel_loop3A_927 : vector<1x16xf32> to vector<16xf32>
        %parallel_loop3A_929 = arith.index_cast %parallel_loop3A_483 : i32 to index
        %parallel_loop3A_930 = arith.constant 704 : index
        %parallel_loop3A_931 = tpu.vector_load %arg7[%parallel_loop3A_929, %parallel_loop3A_930] {strides = array<i32>} : memref<24x768xf32, #tpu.memory_space<vmem>>, vector<1x16xf32>,
        %parallel_loop3A_932 = vector.shape_cast %parallel_loop3A_931 : vector<1x16xf32> to vector<16xf32>
        %parallel_loop3A_933 = vector.shape_cast %parallel_loop3A_928 : vector<16xf32> to vector<1x16xf32>
        tpu.vector_store %arg7[%parallel_loop3A_929, %parallel_loop3A_930], %parallel_loop3A_933 {add = true, strides = array<i32>} : memref<24x768xf32, #tpu.memory_space<vmem>>, vector<1x16xf32>,
        %parallel_loop3A_934 = arith.addi %mul3A_231, %parallel_loop3A_483 : i32
        %parallel_loop3A_935 = arith.index_cast %parallel_loop3A_934 : i32 to index
        %parallel_loop3A_936 = arith.constant 720 : index
        %parallel_loop3A_937 = tpu.vector_load %arg5[%parallel_loop3A_935, %parallel_loop3A_936] {strides = array<i32>} : memref<72x768xf32, #tpu.memory_space<vmem>>, vector<1x16xf32>,
        %parallel_loop3A_938 = vector.shape_cast %parallel_loop3A_937 : vector<1x16xf32> to vector<16xf32>
        %parallel_loop3A_939 = arith.index_cast %parallel_loop3A_483 : i32 to index
        %parallel_loop3A_940 = arith.constant 720 : index
        %parallel_loop3A_941 = tpu.vector_load %arg7[%parallel_loop3A_939, %parallel_loop3A_940] {strides = array<i32>} : memref<24x768xf32, #tpu.memory_space<vmem>>, vector<1x16xf32>,
        %parallel_loop3A_942 = vector.shape_cast %parallel_loop3A_941 : vector<1x16xf32> to vector<16xf32>
        %parallel_loop3A_943 = vector.shape_cast %parallel_loop3A_938 : vector<16xf32> to vector<1x16xf32>
        tpu.vector_store %arg7[%parallel_loop3A_939, %parallel_loop3A_940], %parallel_loop3A_943 {add = true, strides = array<i32>} : memref<24x768xf32, #tpu.memory_space<vmem>>, vector<1x16xf32>,
        %parallel_loop3A_944 = arith.addi %mul3A_231, %parallel_loop3A_483 : i32
        %parallel_loop3A_945 = arith.index_cast %parallel_loop3A_944 : i32 to index
        %parallel_loop3A_946 = arith.constant 736 : index
        %parallel_loop3A_947 = tpu.vector_load %arg5[%parallel_loop3A_945, %parallel_loop3A_946] {strides = array<i32>} : memref<72x768xf32, #tpu.memory_space<vmem>>, vector<1x16xf32>,
        %parallel_loop3A_948 = vector.shape_cast %parallel_loop3A_947 : vector<1x16xf32> to vector<16xf32>
        %parallel_loop3A_949 = arith.index_cast %parallel_loop3A_483 : i32 to index
        %parallel_loop3A_950 = arith.constant 736 : index
        %parallel_loop3A_951 = tpu.vector_load %arg7[%parallel_loop3A_949, %parallel_loop3A_950] {strides = array<i32>} : memref<24x768xf32, #tpu.memory_space<vmem>>, vector<1x16xf32>,
        %parallel_loop3A_952 = vector.shape_cast %parallel_loop3A_951 : vector<1x16xf32> to vector<16xf32>
        %parallel_loop3A_953 = vector.shape_cast %parallel_loop3A_948 : vector<16xf32> to vector<1x16xf32>
        tpu.vector_store %arg7[%parallel_loop3A_949, %parallel_loop3A_950], %parallel_loop3A_953 {add = true, strides = array<i32>} : memref<24x768xf32, #tpu.memory_space<vmem>>, vector<1x16xf32>,
        %parallel_loop3A_954 = arith.addi %mul3A_231, %parallel_loop3A_483 : i32
        %parallel_loop3A_955 = arith.index_cast %parallel_loop3A_954 : i32 to index
        %parallel_loop3A_956 = arith.constant 752 : index
        %parallel_loop3A_957 = tpu.vector_load %arg5[%parallel_loop3A_955, %parallel_loop3A_956] {strides = array<i32>} : memref<72x768xf32, #tpu.memory_space<vmem>>, vector<1x16xf32>,
        %parallel_loop3A_958 = vector.shape_cast %parallel_loop3A_957 : vector<1x16xf32> to vector<16xf32>
        %parallel_loop3A_959 = arith.index_cast %parallel_loop3A_483 : i32 to index
        %parallel_loop3A_960 = arith.constant 752 : index
        %parallel_loop3A_961 = tpu.vector_load %arg7[%parallel_loop3A_959, %parallel_loop3A_960] {strides = array<i32>} : memref<24x768xf32, #tpu.memory_space<vmem>>, vector<1x16xf32>,
        %parallel_loop3A_962 = vector.shape_cast %parallel_loop3A_961 : vector<1x16xf32> to vector<16xf32>
        %parallel_loop3A_963 = vector.shape_cast %parallel_loop3A_958 : vector<16xf32> to vector<1x16xf32>
        tpu.vector_store %arg7[%parallel_loop3A_959, %parallel_loop3A_960], %parallel_loop3A_963 {add = true, strides = array<i32>} : memref<24x768xf32, #tpu.memory_space<vmem>>, vector<1x16xf32>,
      } {sc.loop_unroll_factor = 1 : i64, sc.parallel_access}
      %mul3A_235 = arith.constant 16 : i32
      %mul3A_236 = arith.muli %select_n3A, %mul3A_235 : i32
      %jit3A_237 = arith.constant 3 : i32
      %div3A_238 = arith.divsi %add3A_207, %jit3A_237 : i32
      %sign3A_239 = arith.constant 0 : i32
      %sign3A_240 = arith.cmpi sgt, %add3A_207, %sign3A_239 : i32
      %sign3A_241 = arith.extui %sign3A_240 : i1 to i32
      %sign3A_242 = arith.constant 0 : i32
      %sign3A_243 = arith.cmpi slt, %add3A_207, %sign3A_242 : i32
      %sign3A_244 = arith.extui %sign3A_243 : i1 to i32
      %sign3A_245 = arith.subi %sign3A_241, %sign3A_244 : i32
      %sign3A_246 = arith.constant 0 : i32
      %sign3A_247 = arith.cmpi sgt, %jit3A_237, %sign3A_246 : i32
      %sign3A_248 = arith.extui %sign3A_247 : i1 to i32
      %sign3A_249 = arith.constant 0 : i32
      %sign3A_250 = arith.cmpi slt, %jit3A_237, %sign3A_249 : i32
      %sign3A_251 = arith.extui %sign3A_250 : i1 to i32
      %sign3A_252 = arith.subi %sign3A_248, %sign3A_251 : i32
      %ne3A_253 = arith.cmpi ne, %sign3A_245, %sign3A_252 : i32
      %rem3A_254 = arith.remsi %add3A_207, %jit3A_237 : i32
      %ne3A_255 = arith.constant 0 : i32
      %ne3A_256 = arith.cmpi ne, %rem3A_254, %ne3A_255 : i32
      %and3A_257 = arith.andi %ne3A_253, %ne3A_256 : i1
      %sub3A_258 = arith.constant 1 : i32
      %sub3A_259 = arith.subi %div3A_238, %sub3A_258 : i32
      %select_n3A_260 = arith.select %and3A_257, %sub3A_259, %div3A_238 : i32
      %add3A_261 = arith.addi %mul3A_236, %select_n3A_260 : i32
      %jit3A_262 = arith.constant 3 : i32
      %eq3A_263 = arith.constant 0 : i32
      %eq3A_264 = arith.cmpi eq, %jit3A_262, %eq3A_263 : i32
      %jit3A_265 = arith.constant 1 : i32
      %select_n3A_266 = arith.select %eq3A_264, %jit3A_265, %jit3A_262 : i32
      %rem3A_267 = arith.remsi %add3A_207, %select_n3A_266 : i32
      %ne3A_268 = arith.constant 0 : i32
      %ne3A_269 = arith.cmpi ne, %rem3A_267, %ne3A_268 : i32
      %lt3A_270 = arith.constant 0 : i32
      %lt3A_271 = arith.cmpi slt, %rem3A_267, %lt3A_270 : i32
      %lt3A_272 = arith.constant 0 : i32
      %lt3A_273 = arith.cmpi slt, %select_n3A_266, %lt3A_272 : i32
      %ne3A_274 = arith.xori %lt3A_271, %lt3A_273 : i1
      %and3A_275 = arith.andi %ne3A_274, %ne3A_269 : i1
      %add3A_276 = arith.addi %rem3A_267, %select_n3A_266 : i32
      %select_n3A_277 = arith.select %and3A_275, %add3A_276, %rem3A_267 : i32
      %mul3A_278 = arith.constant 576 : i32
      %mul3A_279 = arith.muli %add3A_261, %mul3A_278 : i32
      %mul3A_280 = arith.constant 72 : i32
      %mul3A_281 = arith.muli %select_n3A_30, %mul3A_280 : i32
      %add3A_282 = arith.addi %mul3A_279, %mul3A_281 : i32
      %mul3A_283 = arith.constant 24 : i32
      %mul3A_284 = arith.muli %select_n3A_277, %mul3A_283 : i32
      %add3A_285 = arith.addi %add3A_282, %mul3A_284 : i32
      %dma_start3A_286 = arith.constant 0 : i32
      %dma_start3A_287 = tpu.memref_slice %arg4[%add3A_285, %dma_start3A_286] : memref<36864x768xf32, #tpu.memory_space<hbm>> -> memref<24x768xf32, #tpu.memory_space<hbm>>
      %dma_start3A_288 = arith.constant 0 : i32
      %dma_start3A_289 = tpu.memref_slice %arg4[%add3A_285, %dma_start3A_288] : memref<36864x768xf32, #tpu.memory_space<hbm>> -> memref<24x768xf32, #tpu.memory_space<hbm>>
      tpu.enqueue_dma source(%arg7 : memref<24x768xf32, #tpu.memory_space<vmem>>) target(%dma_start3A_289 : memref<24x768xf32, #tpu.memory_space<hbm>>) target_semaphore(%arg15 : memref<!tpu.dma_semaphore, #tpu.memory_space<semaphore_mem>>)
      %add3A_290 = arith.constant 3 : i32
      %add3A_291 = arith.addi %add3A_207, %add3A_290 : i32
      %lt3A_292 = arith.constant 48 : i32
      %lt3A_293 = arith.cmpi slt, %add3A_291, %lt3A_292 : i32
      %convert_element_type3A_294 = arith.extui %lt3A_293 : i1 to i32
      %cond3A_295 = arith.constant 0 : i32
      %cond3A_296 = arith.cmpi ne, %convert_element_type3A_294, %cond3A_295 : i32
      scf.if %cond3A_296 {
        %ge3A = arith.constant 1 : i32
        %ge3A_483 = arith.cmpi sge, %add3A_207, %ge3A : i32
        %convert_element_type3A_484 = arith.extui %ge3A_483 : i1 to i32
        %cond3A_485 = arith.constant 0 : i32
        %cond3A_486 = arith.cmpi ne, %convert_element_type3A_484, %cond3A_485 : i32
        scf.if %cond3A_486 {
          %dma_wait3A_544 = arith.constant 0 : i32
          %dma_wait3A_545 = arith.constant 0 : i32
          %dma_wait3A_546 = tpu.memref_slice %arg4[%dma_wait3A_544, %dma_wait3A_545] : memref<36864x768xf32, #tpu.memory_space<hbm>> -> memref<24x768xf32, #tpu.memory_space<hbm>>
          %dma_wait3A_547 = arith.constant 0 : i32
          %dma_wait3A_548 = arith.constant 0 : i32
          %dma_wait3A_549 = tpu.memref_slice %arg4[%dma_wait3A_547, %dma_wait3A_548] : memref<36864x768xf32, #tpu.memory_space<hbm>> -> memref<24x768xf32, #tpu.memory_space<hbm>>
          tpu.wait_dma2 semaphore(%arg14 : memref<!tpu.dma_semaphore, #tpu.memory_space<semaphore_mem>>) src(%arg6 : memref<24x768xf32, #tpu.memory_space<vmem>>) dst(%dma_wait3A_549 : memref<24x768xf32, #tpu.memory_space<hbm>>)
        } else {
        }
        %add3A_487 = arith.constant 3 : i32
        %add3A_488 = arith.addi %add3A_207, %add3A_487 : i32
        %mul3A_489 = arith.constant 16 : i32
        %mul3A_490 = arith.muli %select_n3A, %mul3A_489 : i32
        %jit3A_491 = arith.constant 3 : i32
        %div3A_492 = arith.divsi %add3A_488, %jit3A_491 : i32
        %sign3A_493 = arith.constant 0 : i32
        %sign3A_494 = arith.cmpi sgt, %add3A_488, %sign3A_493 : i32
        %sign3A_495 = arith.extui %sign3A_494 : i1 to i32
        %sign3A_496 = arith.constant 0 : i32
        %sign3A_497 = arith.cmpi slt, %add3A_488, %sign3A_496 : i32
        %sign3A_498 = arith.extui %sign3A_497 : i1 to i32
        %sign3A_499 = arith.subi %sign3A_495, %sign3A_498 : i32
        %sign3A_500 = arith.constant 0 : i32
        %sign3A_501 = arith.cmpi sgt, %jit3A_491, %sign3A_500 : i32
        %sign3A_502 = arith.extui %sign3A_501 : i1 to i32
        %sign3A_503 = arith.constant 0 : i32
        %sign3A_504 = arith.cmpi slt, %jit3A_491, %sign3A_503 : i32
        %sign3A_505 = arith.extui %sign3A_504 : i1 to i32
        %sign3A_506 = arith.subi %sign3A_502, %sign3A_505 : i32
        %ne3A_507 = arith.cmpi ne, %sign3A_499, %sign3A_506 : i32
        %rem3A_508 = arith.remsi %add3A_488, %jit3A_491 : i32
        %ne3A_509 = arith.constant 0 : i32
        %ne3A_510 = arith.cmpi ne, %rem3A_508, %ne3A_509 : i32
        %and3A_511 = arith.andi %ne3A_507, %ne3A_510 : i1
        %sub3A_512 = arith.constant 1 : i32
        %sub3A_513 = arith.subi %div3A_492, %sub3A_512 : i32
        %select_n3A_514 = arith.select %and3A_511, %sub3A_513, %div3A_492 : i32
        %add3A_515 = arith.addi %mul3A_490, %select_n3A_514 : i32
        %jit3A_516 = arith.constant 3 : i32
        %eq3A_517 = arith.constant 0 : i32
        %eq3A_518 = arith.cmpi eq, %jit3A_516, %eq3A_517 : i32
        %jit3A_519 = arith.constant 1 : i32
        %select_n3A_520 = arith.select %eq3A_518, %jit3A_519, %jit3A_516 : i32
        %rem3A_521 = arith.remsi %add3A_488, %select_n3A_520 : i32
        %ne3A_522 = arith.constant 0 : i32
        %ne3A_523 = arith.cmpi ne, %rem3A_521, %ne3A_522 : i32
        %lt3A_524 = arith.constant 0 : i32
        %lt3A_525 = arith.cmpi slt, %rem3A_521, %lt3A_524 : i32
        %lt3A_526 = arith.constant 0 : i32
        %lt3A_527 = arith.cmpi slt, %select_n3A_520, %lt3A_526 : i32
        %ne3A_528 = arith.xori %lt3A_525, %lt3A_527 : i1
        %and3A_529 = arith.andi %ne3A_528, %ne3A_523 : i1
        %add3A_530 = arith.addi %rem3A_521, %select_n3A_520 : i32
        %select_n3A_531 = arith.select %and3A_529, %add3A_530, %rem3A_521 : i32
        %mul3A_532 = arith.constant 576 : i32
        %mul3A_533 = arith.muli %add3A_515, %mul3A_532 : i32
        %mul3A_534 = arith.constant 72 : i32
        %mul3A_535 = arith.muli %select_n3A_30, %mul3A_534 : i32
        %add3A_536 = arith.addi %mul3A_533, %mul3A_535 : i32
        %mul3A_537 = arith.constant 24 : i32
        %mul3A_538 = arith.muli %select_n3A_531, %mul3A_537 : i32
        %add3A_539 = arith.addi %add3A_536, %mul3A_538 : i32
        %dma_start3A_540 = arith.constant 0 : i32
        %dma_start3A_541 = tpu.memref_slice %arg2[%add3A_539, %dma_start3A_540] : memref<36864x768xf32, #tpu.memory_space<hbm>> -> memref<24x768xf32, #tpu.memory_space<hbm>>
        %dma_start3A_542 = arith.constant 0 : i32
        %dma_start3A_543 = tpu.memref_slice %arg2[%add3A_539, %dma_start3A_542] : memref<36864x768xf32, #tpu.memory_space<hbm>> -> memref<24x768xf32, #tpu.memory_space<hbm>>
        tpu.enqueue_dma source(%dma_start3A_543 : memref<24x768xf32, #tpu.memory_space<hbm>>) target(%arg6 : memref<24x768xf32, #tpu.memory_space<vmem>>) target_semaphore(%arg10 : memref<!tpu.dma_semaphore, #tpu.memory_space<semaphore_mem>>)
      } else {
      }
      %mul3A_297 = arith.constant 4 : i32
      %mul3A_298 = arith.muli %scan3A_113, %mul3A_297 : i32
      %add3A_299 = arith.constant 2 : i32
      %add3A_300 = arith.addi %mul3A_298, %add3A_299 : i32
      %dma_wait3A_301 = arith.constant 0 : i32
      %dma_wait3A_302 = arith.constant 0 : i32
      %dma_wait3A_303 = tpu.memref_slice %arg2[%dma_wait3A_301, %dma_wait3A_302] : memref<36864x768xf32, #tpu.memory_space<hbm>> -> memref<24x768xf32, #tpu.memory_space<hbm>>
      %dma_wait3A_304 = arith.constant 0 : i32
      %dma_wait3A_305 = arith.constant 0 : i32
      %dma_wait3A_306 = tpu.memref_slice %arg2[%dma_wait3A_304, %dma_wait3A_305] : memref<36864x768xf32, #tpu.memory_space<hbm>> -> memref<24x768xf32, #tpu.memory_space<hbm>>
      tpu.wait_dma2 semaphore(%arg12 : memref<!tpu.dma_semaphore, #tpu.memory_space<semaphore_mem>>) src(%dma_wait3A_306 : memref<24x768xf32, #tpu.memory_space<hbm>>) dst(%arg8 : memref<24x768xf32, #tpu.memory_space<vmem>>)
      %jit3A_307 = arith.constant 3 : i32
      %eq3A_308 = arith.constant 0 : i32
      %eq3A_309 = arith.cmpi eq, %jit3A_307, %eq3A_308 : i32
      %jit3A_310 = arith.constant 1 : i32
      %select_n3A_311 = arith.select %eq3A_309, %jit3A_310, %jit3A_307 : i32
      %rem3A_312 = arith.remsi %add3A_300, %select_n3A_311 : i32
      %ne3A_313 = arith.constant 0 : i32
      %ne3A_314 = arith.cmpi ne, %rem3A_312, %ne3A_313 : i32
      %lt3A_315 = arith.constant 0 : i32
      %lt3A_316 = arith.cmpi slt, %rem3A_312, %lt3A_315 : i32
      %lt3A_317 = arith.constant 0 : i32
      %lt3A_318 = arith.cmpi slt, %select_n3A_311, %lt3A_317 : i32
      %ne3A_319 = arith.xori %lt3A_316, %lt3A_318 : i1
      %and3A_320 = arith.andi %ne3A_319, %ne3A_314 : i1
      %add3A_321 = arith.addi %rem3A_312, %select_n3A_311 : i32
      %select_n3A_322 = arith.select %and3A_320, %add3A_321, %rem3A_312 : i32
      %mul3A_323 = arith.constant 24 : i32
      %mul3A_324 = arith.muli %select_n3A_322, %mul3A_323 : i32
      %parallel_loop3A_325 = arith.constant 0 : i32
      %parallel_loop3A_326 = arith.constant 24 : i32
      %parallel_loop3A_327 = arith.constant 1 : i32
      scf.for %parallel_loop3A_483 = %parallel_loop3A_325 to %parallel_loop3A_326 step %parallel_loop3A_327  : i32 {
        %parallel_loop3A_484 = arith.addi %mul3A_324, %parallel_loop3A_483 : i32
        %parallel_loop3A_485 = arith.index_cast %parallel_loop3A_484 : i32 to index
        %parallel_loop3A_486 = arith.constant 0 : index
        %parallel_loop3A_487 = tpu.vector_load %arg5[%parallel_loop3A_485, %parallel_loop3A_486] {strides = array<i32>} : memref<72x768xf32, #tpu.memory_space<vmem>>, vector<1x16xf32>,
        %parallel_loop3A_488 = vector.shape_cast %parallel_loop3A_487 : vector<1x16xf32> to vector<16xf32>
        %parallel_loop3A_489 = arith.index_cast %parallel_loop3A_483 : i32 to index
        %parallel_loop3A_490 = arith.constant 0 : index
        %parallel_loop3A_491 = tpu.vector_load %arg8[%parallel_loop3A_489, %parallel_loop3A_490] {strides = array<i32>} : memref<24x768xf32, #tpu.memory_space<vmem>>, vector<1x16xf32>,
        %parallel_loop3A_492 = vector.shape_cast %parallel_loop3A_491 : vector<1x16xf32> to vector<16xf32>
        %parallel_loop3A_493 = vector.shape_cast %parallel_loop3A_488 : vector<16xf32> to vector<1x16xf32>
        tpu.vector_store %arg8[%parallel_loop3A_489, %parallel_loop3A_490], %parallel_loop3A_493 {add = true, strides = array<i32>} : memref<24x768xf32, #tpu.memory_space<vmem>>, vector<1x16xf32>,
        %parallel_loop3A_494 = arith.addi %mul3A_324, %parallel_loop3A_483 : i32
        %parallel_loop3A_495 = arith.index_cast %parallel_loop3A_494 : i32 to index
        %parallel_loop3A_496 = arith.constant 16 : index
        %parallel_loop3A_497 = tpu.vector_load %arg5[%parallel_loop3A_495, %parallel_loop3A_496] {strides = array<i32>} : memref<72x768xf32, #tpu.memory_space<vmem>>, vector<1x16xf32>,
        %parallel_loop3A_498 = vector.shape_cast %parallel_loop3A_497 : vector<1x16xf32> to vector<16xf32>
        %parallel_loop3A_499 = arith.index_cast %parallel_loop3A_483 : i32 to index
        %parallel_loop3A_500 = arith.constant 16 : index
        %parallel_loop3A_501 = tpu.vector_load %arg8[%parallel_loop3A_499, %parallel_loop3A_500] {strides = array<i32>} : memref<24x768xf32, #tpu.memory_space<vmem>>, vector<1x16xf32>,
        %parallel_loop3A_502 = vector.shape_cast %parallel_loop3A_501 : vector<1x16xf32> to vector<16xf32>
        %parallel_loop3A_503 = vector.shape_cast %parallel_loop3A_498 : vector<16xf32> to vector<1x16xf32>
        tpu.vector_store %arg8[%parallel_loop3A_499, %parallel_loop3A_500], %parallel_loop3A_503 {add = true, strides = array<i32>} : memref<24x768xf32, #tpu.memory_space<vmem>>, vector<1x16xf32>,
        %parallel_loop3A_504 = arith.addi %mul3A_324, %parallel_loop3A_483 : i32
        %parallel_loop3A_505 = arith.index_cast %parallel_loop3A_504 : i32 to index
        %parallel_loop3A_506 = arith.constant 32 : index
        %parallel_loop3A_507 = tpu.vector_load %arg5[%parallel_loop3A_505, %parallel_loop3A_506] {strides = array<i32>} : memref<72x768xf32, #tpu.memory_space<vmem>>, vector<1x16xf32>,
        %parallel_loop3A_508 = vector.shape_cast %parallel_loop3A_507 : vector<1x16xf32> to vector<16xf32>
        %parallel_loop3A_509 = arith.index_cast %parallel_loop3A_483 : i32 to index
        %parallel_loop3A_510 = arith.constant 32 : index
        %parallel_loop3A_511 = tpu.vector_load %arg8[%parallel_loop3A_509, %parallel_loop3A_510] {strides = array<i32>} : memref<24x768xf32, #tpu.memory_space<vmem>>, vector<1x16xf32>,
        %parallel_loop3A_512 = vector.shape_cast %parallel_loop3A_511 : vector<1x16xf32> to vector<16xf32>
        %parallel_loop3A_513 = vector.shape_cast %parallel_loop3A_508 : vector<16xf32> to vector<1x16xf32>
        tpu.vector_store %arg8[%parallel_loop3A_509, %parallel_loop3A_510], %parallel_loop3A_513 {add = true, strides = array<i32>} : memref<24x768xf32, #tpu.memory_space<vmem>>, vector<1x16xf32>,
        %parallel_loop3A_514 = arith.addi %mul3A_324, %parallel_loop3A_483 : i32
        %parallel_loop3A_515 = arith.index_cast %parallel_loop3A_514 : i32 to index
        %parallel_loop3A_516 = arith.constant 48 : index
        %parallel_loop3A_517 = tpu.vector_load %arg5[%parallel_loop3A_515, %parallel_loop3A_516] {strides = array<i32>} : memref<72x768xf32, #tpu.memory_space<vmem>>, vector<1x16xf32>,
        %parallel_loop3A_518 = vector.shape_cast %parallel_loop3A_517 : vector<1x16xf32> to vector<16xf32>
        %parallel_loop3A_519 = arith.index_cast %parallel_loop3A_483 : i32 to index
        %parallel_loop3A_520 = arith.constant 48 : index
        %parallel_loop3A_521 = tpu.vector_load %arg8[%parallel_loop3A_519, %parallel_loop3A_520] {strides = array<i32>} : memref<24x768xf32, #tpu.memory_space<vmem>>, vector<1x16xf32>,
        %parallel_loop3A_522 = vector.shape_cast %parallel_loop3A_521 : vector<1x16xf32> to vector<16xf32>
        %parallel_loop3A_523 = vector.shape_cast %parallel_loop3A_518 : vector<16xf32> to vector<1x16xf32>
        tpu.vector_store %arg8[%parallel_loop3A_519, %parallel_loop3A_520], %parallel_loop3A_523 {add = true, strides = array<i32>} : memref<24x768xf32, #tpu.memory_space<vmem>>, vector<1x16xf32>,
        %parallel_loop3A_524 = arith.addi %mul3A_324, %parallel_loop3A_483 : i32
        %parallel_loop3A_525 = arith.index_cast %parallel_loop3A_524 : i32 to index
        %parallel_loop3A_526 = arith.constant 64 : index
        %parallel_loop3A_527 = tpu.vector_load %arg5[%parallel_loop3A_525, %parallel_loop3A_526] {strides = array<i32>} : memref<72x768xf32, #tpu.memory_space<vmem>>, vector<1x16xf32>,
        %parallel_loop3A_528 = vector.shape_cast %parallel_loop3A_527 : vector<1x16xf32> to vector<16xf32>
        %parallel_loop3A_529 = arith.index_cast %parallel_loop3A_483 : i32 to index
        %parallel_loop3A_530 = arith.constant 64 : index
        %parallel_loop3A_531 = tpu.vector_load %arg8[%parallel_loop3A_529, %parallel_loop3A_530] {strides = array<i32>} : memref<24x768xf32, #tpu.memory_space<vmem>>, vector<1x16xf32>,
        %parallel_loop3A_532 = vector.shape_cast %parallel_loop3A_531 : vector<1x16xf32> to vector<16xf32>
        %parallel_loop3A_533 = vector.shape_cast %parallel_loop3A_528 : vector<16xf32> to vector<1x16xf32>
        tpu.vector_store %arg8[%parallel_loop3A_529, %parallel_loop3A_530], %parallel_loop3A_533 {add = true, strides = array<i32>} : memref<24x768xf32, #tpu.memory_space<vmem>>, vector<1x16xf32>,
        %parallel_loop3A_534 = arith.addi %mul3A_324, %parallel_loop3A_483 : i32
        %parallel_loop3A_535 = arith.index_cast %parallel_loop3A_534 : i32 to index
        %parallel_loop3A_536 = arith.constant 80 : index
        %parallel_loop3A_537 = tpu.vector_load %arg5[%parallel_loop3A_535, %parallel_loop3A_536] {strides = array<i32>} : memref<72x768xf32, #tpu.memory_space<vmem>>, vector<1x16xf32>,
        %parallel_loop3A_538 = vector.shape_cast %parallel_loop3A_537 : vector<1x16xf32> to vector<16xf32>
        %parallel_loop3A_539 = arith.index_cast %parallel_loop3A_483 : i32 to index
        %parallel_loop3A_540 = arith.constant 80 : index
        %parallel_loop3A_541 = tpu.vector_load %arg8[%parallel_loop3A_539, %parallel_loop3A_540] {strides = array<i32>} : memref<24x768xf32, #tpu.memory_space<vmem>>, vector<1x16xf32>,
        %parallel_loop3A_542 = vector.shape_cast %parallel_loop3A_541 : vector<1x16xf32> to vector<16xf32>
        %parallel_loop3A_543 = vector.shape_cast %parallel_loop3A_538 : vector<16xf32> to vector<1x16xf32>
        tpu.vector_store %arg8[%parallel_loop3A_539, %parallel_loop3A_540], %parallel_loop3A_543 {add = true, strides = array<i32>} : memref<24x768xf32, #tpu.memory_space<vmem>>, vector<1x16xf32>,
        %parallel_loop3A_544 = arith.addi %mul3A_324, %parallel_loop3A_483 : i32
        %parallel_loop3A_545 = arith.index_cast %parallel_loop3A_544 : i32 to index
        %parallel_loop3A_546 = arith.constant 96 : index
        %parallel_loop3A_547 = tpu.vector_load %arg5[%parallel_loop3A_545, %parallel_loop3A_546] {strides = array<i32>} : memref<72x768xf32, #tpu.memory_space<vmem>>, vector<1x16xf32>,
        %parallel_loop3A_548 = vector.shape_cast %parallel_loop3A_547 : vector<1x16xf32> to vector<16xf32>
        %parallel_loop3A_549 = arith.index_cast %parallel_loop3A_483 : i32 to index
        %parallel_loop3A_550 = arith.constant 96 : index
        %parallel_loop3A_551 = tpu.vector_load %arg8[%parallel_loop3A_549, %parallel_loop3A_550] {strides = array<i32>} : memref<24x768xf32, #tpu.memory_space<vmem>>, vector<1x16xf32>,
        %parallel_loop3A_552 = vector.shape_cast %parallel_loop3A_551 : vector<1x16xf32> to vector<16xf32>
        %parallel_loop3A_553 = vector.shape_cast %parallel_loop3A_548 : vector<16xf32> to vector<1x16xf32>
        tpu.vector_store %arg8[%parallel_loop3A_549, %parallel_loop3A_550], %parallel_loop3A_553 {add = true, strides = array<i32>} : memref<24x768xf32, #tpu.memory_space<vmem>>, vector<1x16xf32>,
        %parallel_loop3A_554 = arith.addi %mul3A_324, %parallel_loop3A_483 : i32
        %parallel_loop3A_555 = arith.index_cast %parallel_loop3A_554 : i32 to index
        %parallel_loop3A_556 = arith.constant 112 : index
        %parallel_loop3A_557 = tpu.vector_load %arg5[%parallel_loop3A_555, %parallel_loop3A_556] {strides = array<i32>} : memref<72x768xf32, #tpu.memory_space<vmem>>, vector<1x16xf32>,
        %parallel_loop3A_558 = vector.shape_cast %parallel_loop3A_557 : vector<1x16xf32> to vector<16xf32>
        %parallel_loop3A_559 = arith.index_cast %parallel_loop3A_483 : i32 to index
        %parallel_loop3A_560 = arith.constant 112 : index
        %parallel_loop3A_561 = tpu.vector_load %arg8[%parallel_loop3A_559, %parallel_loop3A_560] {strides = array<i32>} : memref<24x768xf32, #tpu.memory_space<vmem>>, vector<1x16xf32>,
        %parallel_loop3A_562 = vector.shape_cast %parallel_loop3A_561 : vector<1x16xf32> to vector<16xf32>
        %parallel_loop3A_563 = vector.shape_cast %parallel_loop3A_558 : vector<16xf32> to vector<1x16xf32>
        tpu.vector_store %arg8[%parallel_loop3A_559, %parallel_loop3A_560], %parallel_loop3A_563 {add = true, strides = array<i32>} : memref<24x768xf32, #tpu.memory_space<vmem>>, vector<1x16xf32>,
        %parallel_loop3A_564 = arith.addi %mul3A_324, %parallel_loop3A_483 : i32
        %parallel_loop3A_565 = arith.index_cast %parallel_loop3A_564 : i32 to index
        %parallel_loop3A_566 = arith.constant 128 : index
        %parallel_loop3A_567 = tpu.vector_load %arg5[%parallel_loop3A_565, %parallel_loop3A_566] {strides = array<i32>} : memref<72x768xf32, #tpu.memory_space<vmem>>, vector<1x16xf32>,
        %parallel_loop3A_568 = vector.shape_cast %parallel_loop3A_567 : vector<1x16xf32> to vector<16xf32>
        %parallel_loop3A_569 = arith.index_cast %parallel_loop3A_483 : i32 to index
        %parallel_loop3A_570 = arith.constant 128 : index
        %parallel_loop3A_571 = tpu.vector_load %arg8[%parallel_loop3A_569, %parallel_loop3A_570] {strides = array<i32>} : memref<24x768xf32, #tpu.memory_space<vmem>>, vector<1x16xf32>,
        %parallel_loop3A_572 = vector.shape_cast %parallel_loop3A_571 : vector<1x16xf32> to vector<16xf32>
        %parallel_loop3A_573 = vector.shape_cast %parallel_loop3A_568 : vector<16xf32> to vector<1x16xf32>
        tpu.vector_store %arg8[%parallel_loop3A_569, %parallel_loop3A_570], %parallel_loop3A_573 {add = true, strides = array<i32>} : memref<24x768xf32, #tpu.memory_space<vmem>>, vector<1x16xf32>,
        %parallel_loop3A_574 = arith.addi %mul3A_324, %parallel_loop3A_483 : i32
        %parallel_loop3A_575 = arith.index_cast %parallel_loop3A_574 : i32 to index
        %parallel_loop3A_576 = arith.constant 144 : index
        %parallel_loop3A_577 = tpu.vector_load %arg5[%parallel_loop3A_575, %parallel_loop3A_576] {strides = array<i32>} : memref<72x768xf32, #tpu.memory_space<vmem>>, vector<1x16xf32>,
        %parallel_loop3A_578 = vector.shape_cast %parallel_loop3A_577 : vector<1x16xf32> to vector<16xf32>
        %parallel_loop3A_579 = arith.index_cast %parallel_loop3A_483 : i32 to index
        %parallel_loop3A_580 = arith.constant 144 : index
        %parallel_loop3A_581 = tpu.vector_load %arg8[%parallel_loop3A_579, %parallel_loop3A_580] {strides = array<i32>} : memref<24x768xf32, #tpu.memory_space<vmem>>, vector<1x16xf32>,
        %parallel_loop3A_582 = vector.shape_cast %parallel_loop3A_581 : vector<1x16xf32> to vector<16xf32>
        %parallel_loop3A_583 = vector.shape_cast %parallel_loop3A_578 : vector<16xf32> to vector<1x16xf32>
        tpu.vector_store %arg8[%parallel_loop3A_579, %parallel_loop3A_580], %parallel_loop3A_583 {add = true, strides = array<i32>} : memref<24x768xf32, #tpu.memory_space<vmem>>, vector<1x16xf32>,
        %parallel_loop3A_584 = arith.addi %mul3A_324, %parallel_loop3A_483 : i32
        %parallel_loop3A_585 = arith.index_cast %parallel_loop3A_584 : i32 to index
        %parallel_loop3A_586 = arith.constant 160 : index
        %parallel_loop3A_587 = tpu.vector_load %arg5[%parallel_loop3A_585, %parallel_loop3A_586] {strides = array<i32>} : memref<72x768xf32, #tpu.memory_space<vmem>>, vector<1x16xf32>,
        %parallel_loop3A_588 = vector.shape_cast %parallel_loop3A_587 : vector<1x16xf32> to vector<16xf32>
        %parallel_loop3A_589 = arith.index_cast %parallel_loop3A_483 : i32 to index
        %parallel_loop3A_590 = arith.constant 160 : index
        %parallel_loop3A_591 = tpu.vector_load %arg8[%parallel_loop3A_589, %parallel_loop3A_590] {strides = array<i32>} : memref<24x768xf32, #tpu.memory_space<vmem>>, vector<1x16xf32>,
        %parallel_loop3A_592 = vector.shape_cast %parallel_loop3A_591 : vector<1x16xf32> to vector<16xf32>
        %parallel_loop3A_593 = vector.shape_cast %parallel_loop3A_588 : vector<16xf32> to vector<1x16xf32>
        tpu.vector_store %arg8[%parallel_loop3A_589, %parallel_loop3A_590], %parallel_loop3A_593 {add = true, strides = array<i32>} : memref<24x768xf32, #tpu.memory_space<vmem>>, vector<1x16xf32>,
        %parallel_loop3A_594 = arith.addi %mul3A_324, %parallel_loop3A_483 : i32
        %parallel_loop3A_595 = arith.index_cast %parallel_loop3A_594 : i32 to index
        %parallel_loop3A_596 = arith.constant 176 : index
        %parallel_loop3A_597 = tpu.vector_load %arg5[%parallel_loop3A_595, %parallel_loop3A_596] {strides = array<i32>} : memref<72x768xf32, #tpu.memory_space<vmem>>, vector<1x16xf32>,
        %parallel_loop3A_598 = vector.shape_cast %parallel_loop3A_597 : vector<1x16xf32> to vector<16xf32>
        %parallel_loop3A_599 = arith.index_cast %parallel_loop3A_483 : i32 to index
        %parallel_loop3A_600 = arith.constant 176 : index
        %parallel_loop3A_601 = tpu.vector_load %arg8[%parallel_loop3A_599, %parallel_loop3A_600] {strides = array<i32>} : memref<24x768xf32, #tpu.memory_space<vmem>>, vector<1x16xf32>,
        %parallel_loop3A_602 = vector.shape_cast %parallel_loop3A_601 : vector<1x16xf32> to vector<16xf32>
        %parallel_loop3A_603 = vector.shape_cast %parallel_loop3A_598 : vector<16xf32> to vector<1x16xf32>
        tpu.vector_store %arg8[%parallel_loop3A_599, %parallel_loop3A_600], %parallel_loop3A_603 {add = true, strides = array<i32>} : memref<24x768xf32, #tpu.memory_space<vmem>>, vector<1x16xf32>,
        %parallel_loop3A_604 = arith.addi %mul3A_324, %parallel_loop3A_483 : i32
        %parallel_loop3A_605 = arith.index_cast %parallel_loop3A_604 : i32 to index
        %parallel_loop3A_606 = arith.constant 192 : index
        %parallel_loop3A_607 = tpu.vector_load %arg5[%parallel_loop3A_605, %parallel_loop3A_606] {strides = array<i32>} : memref<72x768xf32, #tpu.memory_space<vmem>>, vector<1x16xf32>,
        %parallel_loop3A_608 = vector.shape_cast %parallel_loop3A_607 : vector<1x16xf32> to vector<16xf32>
        %parallel_loop3A_609 = arith.index_cast %parallel_loop3A_483 : i32 to index
        %parallel_loop3A_610 = arith.constant 192 : index
        %parallel_loop3A_611 = tpu.vector_load %arg8[%parallel_loop3A_609, %parallel_loop3A_610] {strides = array<i32>} : memref<24x768xf32, #tpu.memory_space<vmem>>, vector<1x16xf32>,
        %parallel_loop3A_612 = vector.shape_cast %parallel_loop3A_611 : vector<1x16xf32> to vector<16xf32>
        %parallel_loop3A_613 = vector.shape_cast %parallel_loop3A_608 : vector<16xf32> to vector<1x16xf32>
        tpu.vector_store %arg8[%parallel_loop3A_609, %parallel_loop3A_610], %parallel_loop3A_613 {add = true, strides = array<i32>} : memref<24x768xf32, #tpu.memory_space<vmem>>, vector<1x16xf32>,
        %parallel_loop3A_614 = arith.addi %mul3A_324, %parallel_loop3A_483 : i32
        %parallel_loop3A_615 = arith.index_cast %parallel_loop3A_614 : i32 to index
        %parallel_loop3A_616 = arith.constant 208 : index
        %parallel_loop3A_617 = tpu.vector_load %arg5[%parallel_loop3A_615, %parallel_loop3A_616] {strides = array<i32>} : memref<72x768xf32, #tpu.memory_space<vmem>>, vector<1x16xf32>,
        %parallel_loop3A_618 = vector.shape_cast %parallel_loop3A_617 : vector<1x16xf32> to vector<16xf32>
        %parallel_loop3A_619 = arith.index_cast %parallel_loop3A_483 : i32 to index
        %parallel_loop3A_620 = arith.constant 208 : index
        %parallel_loop3A_621 = tpu.vector_load %arg8[%parallel_loop3A_619, %parallel_loop3A_620] {strides = array<i32>} : memref<24x768xf32, #tpu.memory_space<vmem>>, vector<1x16xf32>,
        %parallel_loop3A_622 = vector.shape_cast %parallel_loop3A_621 : vector<1x16xf32> to vector<16xf32>
        %parallel_loop3A_623 = vector.shape_cast %parallel_loop3A_618 : vector<16xf32> to vector<1x16xf32>
        tpu.vector_store %arg8[%parallel_loop3A_619, %parallel_loop3A_620], %parallel_loop3A_623 {add = true, strides = array<i32>} : memref<24x768xf32, #tpu.memory_space<vmem>>, vector<1x16xf32>,
        %parallel_loop3A_624 = arith.addi %mul3A_324, %parallel_loop3A_483 : i32
        %parallel_loop3A_625 = arith.index_cast %parallel_loop3A_624 : i32 to index
        %parallel_loop3A_626 = arith.constant 224 : index
        %parallel_loop3A_627 = tpu.vector_load %arg5[%parallel_loop3A_625, %parallel_loop3A_626] {strides = array<i32>} : memref<72x768xf32, #tpu.memory_space<vmem>>, vector<1x16xf32>,
        %parallel_loop3A_628 = vector.shape_cast %parallel_loop3A_627 : vector<1x16xf32> to vector<16xf32>
        %parallel_loop3A_629 = arith.index_cast %parallel_loop3A_483 : i32 to index
        %parallel_loop3A_630 = arith.constant 224 : index
        %parallel_loop3A_631 = tpu.vector_load %arg8[%parallel_loop3A_629, %parallel_loop3A_630] {strides = array<i32>} : memref<24x768xf32, #tpu.memory_space<vmem>>, vector<1x16xf32>,
        %parallel_loop3A_632 = vector.shape_cast %parallel_loop3A_631 : vector<1x16xf32> to vector<16xf32>
        %parallel_loop3A_633 = vector.shape_cast %parallel_loop3A_628 : vector<16xf32> to vector<1x16xf32>
        tpu.vector_store %arg8[%parallel_loop3A_629, %parallel_loop3A_630], %parallel_loop3A_633 {add = true, strides = array<i32>} : memref<24x768xf32, #tpu.memory_space<vmem>>, vector<1x16xf32>,
        %parallel_loop3A_634 = arith.addi %mul3A_324, %parallel_loop3A_483 : i32
        %parallel_loop3A_635 = arith.index_cast %parallel_loop3A_634 : i32 to index
        %parallel_loop3A_636 = arith.constant 240 : index
        %parallel_loop3A_637 = tpu.vector_load %arg5[%parallel_loop3A_635, %parallel_loop3A_636] {strides = array<i32>} : memref<72x768xf32, #tpu.memory_space<vmem>>, vector<1x16xf32>,
        %parallel_loop3A_638 = vector.shape_cast %parallel_loop3A_637 : vector<1x16xf32> to vector<16xf32>
        %parallel_loop3A_639 = arith.index_cast %parallel_loop3A_483 : i32 to index
        %parallel_loop3A_640 = arith.constant 240 : index
        %parallel_loop3A_641 = tpu.vector_load %arg8[%parallel_loop3A_639, %parallel_loop3A_640] {strides = array<i32>} : memref<24x768xf32, #tpu.memory_space<vmem>>, vector<1x16xf32>,
        %parallel_loop3A_642 = vector.shape_cast %parallel_loop3A_641 : vector<1x16xf32> to vector<16xf32>
        %parallel_loop3A_643 = vector.shape_cast %parallel_loop3A_638 : vector<16xf32> to vector<1x16xf32>
        tpu.vector_store %arg8[%parallel_loop3A_639, %parallel_loop3A_640], %parallel_loop3A_643 {add = true, strides = array<i32>} : memref<24x768xf32, #tpu.memory_space<vmem>>, vector<1x16xf32>,
        %parallel_loop3A_644 = arith.addi %mul3A_324, %parallel_loop3A_483 : i32
        %parallel_loop3A_645 = arith.index_cast %parallel_loop3A_644 : i32 to index
        %parallel_loop3A_646 = arith.constant 256 : index
        %parallel_loop3A_647 = tpu.vector_load %arg5[%parallel_loop3A_645, %parallel_loop3A_646] {strides = array<i32>} : memref<72x768xf32, #tpu.memory_space<vmem>>, vector<1x16xf32>,
        %parallel_loop3A_648 = vector.shape_cast %parallel_loop3A_647 : vector<1x16xf32> to vector<16xf32>
        %parallel_loop3A_649 = arith.index_cast %parallel_loop3A_483 : i32 to index
        %parallel_loop3A_650 = arith.constant 256 : index
        %parallel_loop3A_651 = tpu.vector_load %arg8[%parallel_loop3A_649, %parallel_loop3A_650] {strides = array<i32>} : memref<24x768xf32, #tpu.memory_space<vmem>>, vector<1x16xf32>,
        %parallel_loop3A_652 = vector.shape_cast %parallel_loop3A_651 : vector<1x16xf32> to vector<16xf32>
        %parallel_loop3A_653 = vector.shape_cast %parallel_loop3A_648 : vector<16xf32> to vector<1x16xf32>
        tpu.vector_store %arg8[%parallel_loop3A_649, %parallel_loop3A_650], %parallel_loop3A_653 {add = true, strides = array<i32>} : memref<24x768xf32, #tpu.memory_space<vmem>>, vector<1x16xf32>,
        %parallel_loop3A_654 = arith.addi %mul3A_324, %parallel_loop3A_483 : i32
        %parallel_loop3A_655 = arith.index_cast %parallel_loop3A_654 : i32 to index
        %parallel_loop3A_656 = arith.constant 272 : index
        %parallel_loop3A_657 = tpu.vector_load %arg5[%parallel_loop3A_655, %parallel_loop3A_656] {strides = array<i32>} : memref<72x768xf32, #tpu.memory_space<vmem>>, vector<1x16xf32>,
        %parallel_loop3A_658 = vector.shape_cast %parallel_loop3A_657 : vector<1x16xf32> to vector<16xf32>
        %parallel_loop3A_659 = arith.index_cast %parallel_loop3A_483 : i32 to index
        %parallel_loop3A_660 = arith.constant 272 : index
        %parallel_loop3A_661 = tpu.vector_load %arg8[%parallel_loop3A_659, %parallel_loop3A_660] {strides = array<i32>} : memref<24x768xf32, #tpu.memory_space<vmem>>, vector<1x16xf32>,
        %parallel_loop3A_662 = vector.shape_cast %parallel_loop3A_661 : vector<1x16xf32> to vector<16xf32>
        %parallel_loop3A_663 = vector.shape_cast %parallel_loop3A_658 : vector<16xf32> to vector<1x16xf32>
        tpu.vector_store %arg8[%parallel_loop3A_659, %parallel_loop3A_660], %parallel_loop3A_663 {add = true, strides = array<i32>} : memref<24x768xf32, #tpu.memory_space<vmem>>, vector<1x16xf32>,
        %parallel_loop3A_664 = arith.addi %mul3A_324, %parallel_loop3A_483 : i32
        %parallel_loop3A_665 = arith.index_cast %parallel_loop3A_664 : i32 to index
        %parallel_loop3A_666 = arith.constant 288 : index
        %parallel_loop3A_667 = tpu.vector_load %arg5[%parallel_loop3A_665, %parallel_loop3A_666] {strides = array<i32>} : memref<72x768xf32, #tpu.memory_space<vmem>>, vector<1x16xf32>,
        %parallel_loop3A_668 = vector.shape_cast %parallel_loop3A_667 : vector<1x16xf32> to vector<16xf32>
        %parallel_loop3A_669 = arith.index_cast %parallel_loop3A_483 : i32 to index
        %parallel_loop3A_670 = arith.constant 288 : index
        %parallel_loop3A_671 = tpu.vector_load %arg8[%parallel_loop3A_669, %parallel_loop3A_670] {strides = array<i32>} : memref<24x768xf32, #tpu.memory_space<vmem>>, vector<1x16xf32>,
        %parallel_loop3A_672 = vector.shape_cast %parallel_loop3A_671 : vector<1x16xf32> to vector<16xf32>
        %parallel_loop3A_673 = vector.shape_cast %parallel_loop3A_668 : vector<16xf32> to vector<1x16xf32>
        tpu.vector_store %arg8[%parallel_loop3A_669, %parallel_loop3A_670], %parallel_loop3A_673 {add = true, strides = array<i32>} : memref<24x768xf32, #tpu.memory_space<vmem>>, vector<1x16xf32>,
        %parallel_loop3A_674 = arith.addi %mul3A_324, %parallel_loop3A_483 : i32
        %parallel_loop3A_675 = arith.index_cast %parallel_loop3A_674 : i32 to index
        %parallel_loop3A_676 = arith.constant 304 : index
        %parallel_loop3A_677 = tpu.vector_load %arg5[%parallel_loop3A_675, %parallel_loop3A_676] {strides = array<i32>} : memref<72x768xf32, #tpu.memory_space<vmem>>, vector<1x16xf32>,
        %parallel_loop3A_678 = vector.shape_cast %parallel_loop3A_677 : vector<1x16xf32> to vector<16xf32>
        %parallel_loop3A_679 = arith.index_cast %parallel_loop3A_483 : i32 to index
        %parallel_loop3A_680 = arith.constant 304 : index
        %parallel_loop3A_681 = tpu.vector_load %arg8[%parallel_loop3A_679, %parallel_loop3A_680] {strides = array<i32>} : memref<24x768xf32, #tpu.memory_space<vmem>>, vector<1x16xf32>,
        %parallel_loop3A_682 = vector.shape_cast %parallel_loop3A_681 : vector<1x16xf32> to vector<16xf32>
        %parallel_loop3A_683 = vector.shape_cast %parallel_loop3A_678 : vector<16xf32> to vector<1x16xf32>
        tpu.vector_store %arg8[%parallel_loop3A_679, %parallel_loop3A_680], %parallel_loop3A_683 {add = true, strides = array<i32>} : memref<24x768xf32, #tpu.memory_space<vmem>>, vector<1x16xf32>,
        %parallel_loop3A_684 = arith.addi %mul3A_324, %parallel_loop3A_483 : i32
        %parallel_loop3A_685 = arith.index_cast %parallel_loop3A_684 : i32 to index
        %parallel_loop3A_686 = arith.constant 320 : index
        %parallel_loop3A_687 = tpu.vector_load %arg5[%parallel_loop3A_685, %parallel_loop3A_686] {strides = array<i32>} : memref<72x768xf32, #tpu.memory_space<vmem>>, vector<1x16xf32>,
        %parallel_loop3A_688 = vector.shape_cast %parallel_loop3A_687 : vector<1x16xf32> to vector<16xf32>
        %parallel_loop3A_689 = arith.index_cast %parallel_loop3A_483 : i32 to index
        %parallel_loop3A_690 = arith.constant 320 : index
        %parallel_loop3A_691 = tpu.vector_load %arg8[%parallel_loop3A_689, %parallel_loop3A_690] {strides = array<i32>} : memref<24x768xf32, #tpu.memory_space<vmem>>, vector<1x16xf32>,
        %parallel_loop3A_692 = vector.shape_cast %parallel_loop3A_691 : vector<1x16xf32> to vector<16xf32>
        %parallel_loop3A_693 = vector.shape_cast %parallel_loop3A_688 : vector<16xf32> to vector<1x16xf32>
        tpu.vector_store %arg8[%parallel_loop3A_689, %parallel_loop3A_690], %parallel_loop3A_693 {add = true, strides = array<i32>} : memref<24x768xf32, #tpu.memory_space<vmem>>, vector<1x16xf32>,
        %parallel_loop3A_694 = arith.addi %mul3A_324, %parallel_loop3A_483 : i32
        %parallel_loop3A_695 = arith.index_cast %parallel_loop3A_694 : i32 to index
        %parallel_loop3A_696 = arith.constant 336 : index
        %parallel_loop3A_697 = tpu.vector_load %arg5[%parallel_loop3A_695, %parallel_loop3A_696] {strides = array<i32>} : memref<72x768xf32, #tpu.memory_space<vmem>>, vector<1x16xf32>,
        %parallel_loop3A_698 = vector.shape_cast %parallel_loop3A_697 : vector<1x16xf32> to vector<16xf32>
        %parallel_loop3A_699 = arith.index_cast %parallel_loop3A_483 : i32 to index
        %parallel_loop3A_700 = arith.constant 336 : index
        %parallel_loop3A_701 = tpu.vector_load %arg8[%parallel_loop3A_699, %parallel_loop3A_700] {strides = array<i32>} : memref<24x768xf32, #tpu.memory_space<vmem>>, vector<1x16xf32>,
        %parallel_loop3A_702 = vector.shape_cast %parallel_loop3A_701 : vector<1x16xf32> to vector<16xf32>
        %parallel_loop3A_703 = vector.shape_cast %parallel_loop3A_698 : vector<16xf32> to vector<1x16xf32>
        tpu.vector_store %arg8[%parallel_loop3A_699, %parallel_loop3A_700], %parallel_loop3A_703 {add = true, strides = array<i32>} : memref<24x768xf32, #tpu.memory_space<vmem>>, vector<1x16xf32>,
        %parallel_loop3A_704 = arith.addi %mul3A_324, %parallel_loop3A_483 : i32
        %parallel_loop3A_705 = arith.index_cast %parallel_loop3A_704 : i32 to index
        %parallel_loop3A_706 = arith.constant 352 : index
        %parallel_loop3A_707 = tpu.vector_load %arg5[%parallel_loop3A_705, %parallel_loop3A_706] {strides = array<i32>} : memref<72x768xf32, #tpu.memory_space<vmem>>, vector<1x16xf32>,
        %parallel_loop3A_708 = vector.shape_cast %parallel_loop3A_707 : vector<1x16xf32> to vector<16xf32>
        %parallel_loop3A_709 = arith.index_cast %parallel_loop3A_483 : i32 to index
        %parallel_loop3A_710 = arith.constant 352 : index
        %parallel_loop3A_711 = tpu.vector_load %arg8[%parallel_loop3A_709, %parallel_loop3A_710] {strides = array<i32>} : memref<24x768xf32, #tpu.memory_space<vmem>>, vector<1x16xf32>,
        %parallel_loop3A_712 = vector.shape_cast %parallel_loop3A_711 : vector<1x16xf32> to vector<16xf32>
        %parallel_loop3A_713 = vector.shape_cast %parallel_loop3A_708 : vector<16xf32> to vector<1x16xf32>
        tpu.vector_store %arg8[%parallel_loop3A_709, %parallel_loop3A_710], %parallel_loop3A_713 {add = true, strides = array<i32>} : memref<24x768xf32, #tpu.memory_space<vmem>>, vector<1x16xf32>,
        %parallel_loop3A_714 = arith.addi %mul3A_324, %parallel_loop3A_483 : i32
        %parallel_loop3A_715 = arith.index_cast %parallel_loop3A_714 : i32 to index
        %parallel_loop3A_716 = arith.constant 368 : index
        %parallel_loop3A_717 = tpu.vector_load %arg5[%parallel_loop3A_715, %parallel_loop3A_716] {strides = array<i32>} : memref<72x768xf32, #tpu.memory_space<vmem>>, vector<1x16xf32>,
        %parallel_loop3A_718 = vector.shape_cast %parallel_loop3A_717 : vector<1x16xf32> to vector<16xf32>
        %parallel_loop3A_719 = arith.index_cast %parallel_loop3A_483 : i32 to index
        %parallel_loop3A_720 = arith.constant 368 : index
        %parallel_loop3A_721 = tpu.vector_load %arg8[%parallel_loop3A_719, %parallel_loop3A_720] {strides = array<i32>} : memref<24x768xf32, #tpu.memory_space<vmem>>, vector<1x16xf32>,
        %parallel_loop3A_722 = vector.shape_cast %parallel_loop3A_721 : vector<1x16xf32> to vector<16xf32>
        %parallel_loop3A_723 = vector.shape_cast %parallel_loop3A_718 : vector<16xf32> to vector<1x16xf32>
        tpu.vector_store %arg8[%parallel_loop3A_719, %parallel_loop3A_720], %parallel_loop3A_723 {add = true, strides = array<i32>} : memref<24x768xf32, #tpu.memory_space<vmem>>, vector<1x16xf32>,
        %parallel_loop3A_724 = arith.addi %mul3A_324, %parallel_loop3A_483 : i32
        %parallel_loop3A_725 = arith.index_cast %parallel_loop3A_724 : i32 to index
        %parallel_loop3A_726 = arith.constant 384 : index
        %parallel_loop3A_727 = tpu.vector_load %arg5[%parallel_loop3A_725, %parallel_loop3A_726] {strides = array<i32>} : memref<72x768xf32, #tpu.memory_space<vmem>>, vector<1x16xf32>,
        %parallel_loop3A_728 = vector.shape_cast %parallel_loop3A_727 : vector<1x16xf32> to vector<16xf32>
        %parallel_loop3A_729 = arith.index_cast %parallel_loop3A_483 : i32 to index
        %parallel_loop3A_730 = arith.constant 384 : index
        %parallel_loop3A_731 = tpu.vector_load %arg8[%parallel_loop3A_729, %parallel_loop3A_730] {strides = array<i32>} : memref<24x768xf32, #tpu.memory_space<vmem>>, vector<1x16xf32>,
        %parallel_loop3A_732 = vector.shape_cast %parallel_loop3A_731 : vector<1x16xf32> to vector<16xf32>
        %parallel_loop3A_733 = vector.shape_cast %parallel_loop3A_728 : vector<16xf32> to vector<1x16xf32>
        tpu.vector_store %arg8[%parallel_loop3A_729, %parallel_loop3A_730], %parallel_loop3A_733 {add = true, strides = array<i32>} : memref<24x768xf32, #tpu.memory_space<vmem>>, vector<1x16xf32>,
        %parallel_loop3A_734 = arith.addi %mul3A_324, %parallel_loop3A_483 : i32
        %parallel_loop3A_735 = arith.index_cast %parallel_loop3A_734 : i32 to index
        %parallel_loop3A_736 = arith.constant 400 : index
        %parallel_loop3A_737 = tpu.vector_load %arg5[%parallel_loop3A_735, %parallel_loop3A_736] {strides = array<i32>} : memref<72x768xf32, #tpu.memory_space<vmem>>, vector<1x16xf32>,
        %parallel_loop3A_738 = vector.shape_cast %parallel_loop3A_737 : vector<1x16xf32> to vector<16xf32>
        %parallel_loop3A_739 = arith.index_cast %parallel_loop3A_483 : i32 to index
        %parallel_loop3A_740 = arith.constant 400 : index
        %parallel_loop3A_741 = tpu.vector_load %arg8[%parallel_loop3A_739, %parallel_loop3A_740] {strides = array<i32>} : memref<24x768xf32, #tpu.memory_space<vmem>>, vector<1x16xf32>,
        %parallel_loop3A_742 = vector.shape_cast %parallel_loop3A_741 : vector<1x16xf32> to vector<16xf32>
        %parallel_loop3A_743 = vector.shape_cast %parallel_loop3A_738 : vector<16xf32> to vector<1x16xf32>
        tpu.vector_store %arg8[%parallel_loop3A_739, %parallel_loop3A_740], %parallel_loop3A_743 {add = true, strides = array<i32>} : memref<24x768xf32, #tpu.memory_space<vmem>>, vector<1x16xf32>,
        %parallel_loop3A_744 = arith.addi %mul3A_324, %parallel_loop3A_483 : i32
        %parallel_loop3A_745 = arith.index_cast %parallel_loop3A_744 : i32 to index
        %parallel_loop3A_746 = arith.constant 416 : index
        %parallel_loop3A_747 = tpu.vector_load %arg5[%parallel_loop3A_745, %parallel_loop3A_746] {strides = array<i32>} : memref<72x768xf32, #tpu.memory_space<vmem>>, vector<1x16xf32>,
        %parallel_loop3A_748 = vector.shape_cast %parallel_loop3A_747 : vector<1x16xf32> to vector<16xf32>
        %parallel_loop3A_749 = arith.index_cast %parallel_loop3A_483 : i32 to index
        %parallel_loop3A_750 = arith.constant 416 : index
        %parallel_loop3A_751 = tpu.vector_load %arg8[%parallel_loop3A_749, %parallel_loop3A_750] {strides = array<i32>} : memref<24x768xf32, #tpu.memory_space<vmem>>, vector<1x16xf32>,
        %parallel_loop3A_752 = vector.shape_cast %parallel_loop3A_751 : vector<1x16xf32> to vector<16xf32>
        %parallel_loop3A_753 = vector.shape_cast %parallel_loop3A_748 : vector<16xf32> to vector<1x16xf32>
        tpu.vector_store %arg8[%parallel_loop3A_749, %parallel_loop3A_750], %parallel_loop3A_753 {add = true, strides = array<i32>} : memref<24x768xf32, #tpu.memory_space<vmem>>, vector<1x16xf32>,
        %parallel_loop3A_754 = arith.addi %mul3A_324, %parallel_loop3A_483 : i32
        %parallel_loop3A_755 = arith.index_cast %parallel_loop3A_754 : i32 to index
        %parallel_loop3A_756 = arith.constant 432 : index
        %parallel_loop3A_757 = tpu.vector_load %arg5[%parallel_loop3A_755, %parallel_loop3A_756] {strides = array<i32>} : memref<72x768xf32, #tpu.memory_space<vmem>>, vector<1x16xf32>,
        %parallel_loop3A_758 = vector.shape_cast %parallel_loop3A_757 : vector<1x16xf32> to vector<16xf32>
        %parallel_loop3A_759 = arith.index_cast %parallel_loop3A_483 : i32 to index
        %parallel_loop3A_760 = arith.constant 432 : index
        %parallel_loop3A_761 = tpu.vector_load %arg8[%parallel_loop3A_759, %parallel_loop3A_760] {strides = array<i32>} : memref<24x768xf32, #tpu.memory_space<vmem>>, vector<1x16xf32>,
        %parallel_loop3A_762 = vector.shape_cast %parallel_loop3A_761 : vector<1x16xf32> to vector<16xf32>
        %parallel_loop3A_763 = vector.shape_cast %parallel_loop3A_758 : vector<16xf32> to vector<1x16xf32>
        tpu.vector_store %arg8[%parallel_loop3A_759, %parallel_loop3A_760], %parallel_loop3A_763 {add = true, strides = array<i32>} : memref<24x768xf32, #tpu.memory_space<vmem>>, vector<1x16xf32>,
        %parallel_loop3A_764 = arith.addi %mul3A_324, %parallel_loop3A_483 : i32
        %parallel_loop3A_765 = arith.index_cast %parallel_loop3A_764 : i32 to index
        %parallel_loop3A_766 = arith.constant 448 : index
        %parallel_loop3A_767 = tpu.vector_load %arg5[%parallel_loop3A_765, %parallel_loop3A_766] {strides = array<i32>} : memref<72x768xf32, #tpu.memory_space<vmem>>, vector<1x16xf32>,
        %parallel_loop3A_768 = vector.shape_cast %parallel_loop3A_767 : vector<1x16xf32> to vector<16xf32>
        %parallel_loop3A_769 = arith.index_cast %parallel_loop3A_483 : i32 to index
        %parallel_loop3A_770 = arith.constant 448 : index
        %parallel_loop3A_771 = tpu.vector_load %arg8[%parallel_loop3A_769, %parallel_loop3A_770] {strides = array<i32>} : memref<24x768xf32, #tpu.memory_space<vmem>>, vector<1x16xf32>,
        %parallel_loop3A_772 = vector.shape_cast %parallel_loop3A_771 : vector<1x16xf32> to vector<16xf32>
        %parallel_loop3A_773 = vector.shape_cast %parallel_loop3A_768 : vector<16xf32> to vector<1x16xf32>
        tpu.vector_store %arg8[%parallel_loop3A_769, %parallel_loop3A_770], %parallel_loop3A_773 {add = true, strides = array<i32>} : memref<24x768xf32, #tpu.memory_space<vmem>>, vector<1x16xf32>,
        %parallel_loop3A_774 = arith.addi %mul3A_324, %parallel_loop3A_483 : i32
        %parallel_loop3A_775 = arith.index_cast %parallel_loop3A_774 : i32 to index
        %parallel_loop3A_776 = arith.constant 464 : index
        %parallel_loop3A_777 = tpu.vector_load %arg5[%parallel_loop3A_775, %parallel_loop3A_776] {strides = array<i32>} : memref<72x768xf32, #tpu.memory_space<vmem>>, vector<1x16xf32>,
        %parallel_loop3A_778 = vector.shape_cast %parallel_loop3A_777 : vector<1x16xf32> to vector<16xf32>
        %parallel_loop3A_779 = arith.index_cast %parallel_loop3A_483 : i32 to index
        %parallel_loop3A_780 = arith.constant 464 : index
        %parallel_loop3A_781 = tpu.vector_load %arg8[%parallel_loop3A_779, %parallel_loop3A_780] {strides = array<i32>} : memref<24x768xf32, #tpu.memory_space<vmem>>, vector<1x16xf32>,
        %parallel_loop3A_782 = vector.shape_cast %parallel_loop3A_781 : vector<1x16xf32> to vector<16xf32>
        %parallel_loop3A_783 = vector.shape_cast %parallel_loop3A_778 : vector<16xf32> to vector<1x16xf32>
        tpu.vector_store %arg8[%parallel_loop3A_779, %parallel_loop3A_780], %parallel_loop3A_783 {add = true, strides = array<i32>} : memref<24x768xf32, #tpu.memory_space<vmem>>, vector<1x16xf32>,
        %parallel_loop3A_784 = arith.addi %mul3A_324, %parallel_loop3A_483 : i32
        %parallel_loop3A_785 = arith.index_cast %parallel_loop3A_784 : i32 to index
        %parallel_loop3A_786 = arith.constant 480 : index
        %parallel_loop3A_787 = tpu.vector_load %arg5[%parallel_loop3A_785, %parallel_loop3A_786] {strides = array<i32>} : memref<72x768xf32, #tpu.memory_space<vmem>>, vector<1x16xf32>,
        %parallel_loop3A_788 = vector.shape_cast %parallel_loop3A_787 : vector<1x16xf32> to vector<16xf32>
        %parallel_loop3A_789 = arith.index_cast %parallel_loop3A_483 : i32 to index
        %parallel_loop3A_790 = arith.constant 480 : index
        %parallel_loop3A_791 = tpu.vector_load %arg8[%parallel_loop3A_789, %parallel_loop3A_790] {strides = array<i32>} : memref<24x768xf32, #tpu.memory_space<vmem>>, vector<1x16xf32>,
        %parallel_loop3A_792 = vector.shape_cast %parallel_loop3A_791 : vector<1x16xf32> to vector<16xf32>
        %parallel_loop3A_793 = vector.shape_cast %parallel_loop3A_788 : vector<16xf32> to vector<1x16xf32>
        tpu.vector_store %arg8[%parallel_loop3A_789, %parallel_loop3A_790], %parallel_loop3A_793 {add = true, strides = array<i32>} : memref<24x768xf32, #tpu.memory_space<vmem>>, vector<1x16xf32>,
        %parallel_loop3A_794 = arith.addi %mul3A_324, %parallel_loop3A_483 : i32
        %parallel_loop3A_795 = arith.index_cast %parallel_loop3A_794 : i32 to index
        %parallel_loop3A_796 = arith.constant 496 : index
        %parallel_loop3A_797 = tpu.vector_load %arg5[%parallel_loop3A_795, %parallel_loop3A_796] {strides = array<i32>} : memref<72x768xf32, #tpu.memory_space<vmem>>, vector<1x16xf32>,
        %parallel_loop3A_798 = vector.shape_cast %parallel_loop3A_797 : vector<1x16xf32> to vector<16xf32>
        %parallel_loop3A_799 = arith.index_cast %parallel_loop3A_483 : i32 to index
        %parallel_loop3A_800 = arith.constant 496 : index
        %parallel_loop3A_801 = tpu.vector_load %arg8[%parallel_loop3A_799, %parallel_loop3A_800] {strides = array<i32>} : memref<24x768xf32, #tpu.memory_space<vmem>>, vector<1x16xf32>,
        %parallel_loop3A_802 = vector.shape_cast %parallel_loop3A_801 : vector<1x16xf32> to vector<16xf32>
        %parallel_loop3A_803 = vector.shape_cast %parallel_loop3A_798 : vector<16xf32> to vector<1x16xf32>
        tpu.vector_store %arg8[%parallel_loop3A_799, %parallel_loop3A_800], %parallel_loop3A_803 {add = true, strides = array<i32>} : memref<24x768xf32, #tpu.memory_space<vmem>>, vector<1x16xf32>,
        %parallel_loop3A_804 = arith.addi %mul3A_324, %parallel_loop3A_483 : i32
        %parallel_loop3A_805 = arith.index_cast %parallel_loop3A_804 : i32 to index
        %parallel_loop3A_806 = arith.constant 512 : index
        %parallel_loop3A_807 = tpu.vector_load %arg5[%parallel_loop3A_805, %parallel_loop3A_806] {strides = array<i32>} : memref<72x768xf32, #tpu.memory_space<vmem>>, vector<1x16xf32>,
        %parallel_loop3A_808 = vector.shape_cast %parallel_loop3A_807 : vector<1x16xf32> to vector<16xf32>
        %parallel_loop3A_809 = arith.index_cast %parallel_loop3A_483 : i32 to index
        %parallel_loop3A_810 = arith.constant 512 : index
        %parallel_loop3A_811 = tpu.vector_load %arg8[%parallel_loop3A_809, %parallel_loop3A_810] {strides = array<i32>} : memref<24x768xf32, #tpu.memory_space<vmem>>, vector<1x16xf32>,
        %parallel_loop3A_812 = vector.shape_cast %parallel_loop3A_811 : vector<1x16xf32> to vector<16xf32>
        %parallel_loop3A_813 = vector.shape_cast %parallel_loop3A_808 : vector<16xf32> to vector<1x16xf32>
        tpu.vector_store %arg8[%parallel_loop3A_809, %parallel_loop3A_810], %parallel_loop3A_813 {add = true, strides = array<i32>} : memref<24x768xf32, #tpu.memory_space<vmem>>, vector<1x16xf32>,
        %parallel_loop3A_814 = arith.addi %mul3A_324, %parallel_loop3A_483 : i32
        %parallel_loop3A_815 = arith.index_cast %parallel_loop3A_814 : i32 to index
        %parallel_loop3A_816 = arith.constant 528 : index
        %parallel_loop3A_817 = tpu.vector_load %arg5[%parallel_loop3A_815, %parallel_loop3A_816] {strides = array<i32>} : memref<72x768xf32, #tpu.memory_space<vmem>>, vector<1x16xf32>,
        %parallel_loop3A_818 = vector.shape_cast %parallel_loop3A_817 : vector<1x16xf32> to vector<16xf32>
        %parallel_loop3A_819 = arith.index_cast %parallel_loop3A_483 : i32 to index
        %parallel_loop3A_820 = arith.constant 528 : index
        %parallel_loop3A_821 = tpu.vector_load %arg8[%parallel_loop3A_819, %parallel_loop3A_820] {strides = array<i32>} : memref<24x768xf32, #tpu.memory_space<vmem>>, vector<1x16xf32>,
        %parallel_loop3A_822 = vector.shape_cast %parallel_loop3A_821 : vector<1x16xf32> to vector<16xf32>
        %parallel_loop3A_823 = vector.shape_cast %parallel_loop3A_818 : vector<16xf32> to vector<1x16xf32>
        tpu.vector_store %arg8[%parallel_loop3A_819, %parallel_loop3A_820], %parallel_loop3A_823 {add = true, strides = array<i32>} : memref<24x768xf32, #tpu.memory_space<vmem>>, vector<1x16xf32>,
        %parallel_loop3A_824 = arith.addi %mul3A_324, %parallel_loop3A_483 : i32
        %parallel_loop3A_825 = arith.index_cast %parallel_loop3A_824 : i32 to index
        %parallel_loop3A_826 = arith.constant 544 : index
        %parallel_loop3A_827 = tpu.vector_load %arg5[%parallel_loop3A_825, %parallel_loop3A_826] {strides = array<i32>} : memref<72x768xf32, #tpu.memory_space<vmem>>, vector<1x16xf32>,
        %parallel_loop3A_828 = vector.shape_cast %parallel_loop3A_827 : vector<1x16xf32> to vector<16xf32>
        %parallel_loop3A_829 = arith.index_cast %parallel_loop3A_483 : i32 to index
        %parallel_loop3A_830 = arith.constant 544 : index
        %parallel_loop3A_831 = tpu.vector_load %arg8[%parallel_loop3A_829, %parallel_loop3A_830] {strides = array<i32>} : memref<24x768xf32, #tpu.memory_space<vmem>>, vector<1x16xf32>,
        %parallel_loop3A_832 = vector.shape_cast %parallel_loop3A_831 : vector<1x16xf32> to vector<16xf32>
        %parallel_loop3A_833 = vector.shape_cast %parallel_loop3A_828 : vector<16xf32> to vector<1x16xf32>
        tpu.vector_store %arg8[%parallel_loop3A_829, %parallel_loop3A_830], %parallel_loop3A_833 {add = true, strides = array<i32>} : memref<24x768xf32, #tpu.memory_space<vmem>>, vector<1x16xf32>,
        %parallel_loop3A_834 = arith.addi %mul3A_324, %parallel_loop3A_483 : i32
        %parallel_loop3A_835 = arith.index_cast %parallel_loop3A_834 : i32 to index
        %parallel_loop3A_836 = arith.constant 560 : index
        %parallel_loop3A_837 = tpu.vector_load %arg5[%parallel_loop3A_835, %parallel_loop3A_836] {strides = array<i32>} : memref<72x768xf32, #tpu.memory_space<vmem>>, vector<1x16xf32>,
        %parallel_loop3A_838 = vector.shape_cast %parallel_loop3A_837 : vector<1x16xf32> to vector<16xf32>
        %parallel_loop3A_839 = arith.index_cast %parallel_loop3A_483 : i32 to index
        %parallel_loop3A_840 = arith.constant 560 : index
        %parallel_loop3A_841 = tpu.vector_load %arg8[%parallel_loop3A_839, %parallel_loop3A_840] {strides = array<i32>} : memref<24x768xf32, #tpu.memory_space<vmem>>, vector<1x16xf32>,
        %parallel_loop3A_842 = vector.shape_cast %parallel_loop3A_841 : vector<1x16xf32> to vector<16xf32>
        %parallel_loop3A_843 = vector.shape_cast %parallel_loop3A_838 : vector<16xf32> to vector<1x16xf32>
        tpu.vector_store %arg8[%parallel_loop3A_839, %parallel_loop3A_840], %parallel_loop3A_843 {add = true, strides = array<i32>} : memref<24x768xf32, #tpu.memory_space<vmem>>, vector<1x16xf32>,
        %parallel_loop3A_844 = arith.addi %mul3A_324, %parallel_loop3A_483 : i32
        %parallel_loop3A_845 = arith.index_cast %parallel_loop3A_844 : i32 to index
        %parallel_loop3A_846 = arith.constant 576 : index
        %parallel_loop3A_847 = tpu.vector_load %arg5[%parallel_loop3A_845, %parallel_loop3A_846] {strides = array<i32>} : memref<72x768xf32, #tpu.memory_space<vmem>>, vector<1x16xf32>,
        %parallel_loop3A_848 = vector.shape_cast %parallel_loop3A_847 : vector<1x16xf32> to vector<16xf32>
        %parallel_loop3A_849 = arith.index_cast %parallel_loop3A_483 : i32 to index
        %parallel_loop3A_850 = arith.constant 576 : index
        %parallel_loop3A_851 = tpu.vector_load %arg8[%parallel_loop3A_849, %parallel_loop3A_850] {strides = array<i32>} : memref<24x768xf32, #tpu.memory_space<vmem>>, vector<1x16xf32>,
        %parallel_loop3A_852 = vector.shape_cast %parallel_loop3A_851 : vector<1x16xf32> to vector<16xf32>
        %parallel_loop3A_853 = vector.shape_cast %parallel_loop3A_848 : vector<16xf32> to vector<1x16xf32>
        tpu.vector_store %arg8[%parallel_loop3A_849, %parallel_loop3A_850], %parallel_loop3A_853 {add = true, strides = array<i32>} : memref<24x768xf32, #tpu.memory_space<vmem>>, vector<1x16xf32>,
        %parallel_loop3A_854 = arith.addi %mul3A_324, %parallel_loop3A_483 : i32
        %parallel_loop3A_855 = arith.index_cast %parallel_loop3A_854 : i32 to index
        %parallel_loop3A_856 = arith.constant 592 : index
        %parallel_loop3A_857 = tpu.vector_load %arg5[%parallel_loop3A_855, %parallel_loop3A_856] {strides = array<i32>} : memref<72x768xf32, #tpu.memory_space<vmem>>, vector<1x16xf32>,
        %parallel_loop3A_858 = vector.shape_cast %parallel_loop3A_857 : vector<1x16xf32> to vector<16xf32>
        %parallel_loop3A_859 = arith.index_cast %parallel_loop3A_483 : i32 to index
        %parallel_loop3A_860 = arith.constant 592 : index
        %parallel_loop3A_861 = tpu.vector_load %arg8[%parallel_loop3A_859, %parallel_loop3A_860] {strides = array<i32>} : memref<24x768xf32, #tpu.memory_space<vmem>>, vector<1x16xf32>,
        %parallel_loop3A_862 = vector.shape_cast %parallel_loop3A_861 : vector<1x16xf32> to vector<16xf32>
        %parallel_loop3A_863 = vector.shape_cast %parallel_loop3A_858 : vector<16xf32> to vector<1x16xf32>
        tpu.vector_store %arg8[%parallel_loop3A_859, %parallel_loop3A_860], %parallel_loop3A_863 {add = true, strides = array<i32>} : memref<24x768xf32, #tpu.memory_space<vmem>>, vector<1x16xf32>,
        %parallel_loop3A_864 = arith.addi %mul3A_324, %parallel_loop3A_483 : i32
        %parallel_loop3A_865 = arith.index_cast %parallel_loop3A_864 : i32 to index
        %parallel_loop3A_866 = arith.constant 608 : index
        %parallel_loop3A_867 = tpu.vector_load %arg5[%parallel_loop3A_865, %parallel_loop3A_866] {strides = array<i32>} : memref<72x768xf32, #tpu.memory_space<vmem>>, vector<1x16xf32>,
        %parallel_loop3A_868 = vector.shape_cast %parallel_loop3A_867 : vector<1x16xf32> to vector<16xf32>
        %parallel_loop3A_869 = arith.index_cast %parallel_loop3A_483 : i32 to index
        %parallel_loop3A_870 = arith.constant 608 : index
        %parallel_loop3A_871 = tpu.vector_load %arg8[%parallel_loop3A_869, %parallel_loop3A_870] {strides = array<i32>} : memref<24x768xf32, #tpu.memory_space<vmem>>, vector<1x16xf32>,
        %parallel_loop3A_872 = vector.shape_cast %parallel_loop3A_871 : vector<1x16xf32> to vector<16xf32>
        %parallel_loop3A_873 = vector.shape_cast %parallel_loop3A_868 : vector<16xf32> to vector<1x16xf32>
        tpu.vector_store %arg8[%parallel_loop3A_869, %parallel_loop3A_870], %parallel_loop3A_873 {add = true, strides = array<i32>} : memref<24x768xf32, #tpu.memory_space<vmem>>, vector<1x16xf32>,
        %parallel_loop3A_874 = arith.addi %mul3A_324, %parallel_loop3A_483 : i32
        %parallel_loop3A_875 = arith.index_cast %parallel_loop3A_874 : i32 to index
        %parallel_loop3A_876 = arith.constant 624 : index
        %parallel_loop3A_877 = tpu.vector_load %arg5[%parallel_loop3A_875, %parallel_loop3A_876] {strides = array<i32>} : memref<72x768xf32, #tpu.memory_space<vmem>>, vector<1x16xf32>,
        %parallel_loop3A_878 = vector.shape_cast %parallel_loop3A_877 : vector<1x16xf32> to vector<16xf32>
        %parallel_loop3A_879 = arith.index_cast %parallel_loop3A_483 : i32 to index
        %parallel_loop3A_880 = arith.constant 624 : index
        %parallel_loop3A_881 = tpu.vector_load %arg8[%parallel_loop3A_879, %parallel_loop3A_880] {strides = array<i32>} : memref<24x768xf32, #tpu.memory_space<vmem>>, vector<1x16xf32>,
        %parallel_loop3A_882 = vector.shape_cast %parallel_loop3A_881 : vector<1x16xf32> to vector<16xf32>
        %parallel_loop3A_883 = vector.shape_cast %parallel_loop3A_878 : vector<16xf32> to vector<1x16xf32>
        tpu.vector_store %arg8[%parallel_loop3A_879, %parallel_loop3A_880], %parallel_loop3A_883 {add = true, strides = array<i32>} : memref<24x768xf32, #tpu.memory_space<vmem>>, vector<1x16xf32>,
        %parallel_loop3A_884 = arith.addi %mul3A_324, %parallel_loop3A_483 : i32
        %parallel_loop3A_885 = arith.index_cast %parallel_loop3A_884 : i32 to index
        %parallel_loop3A_886 = arith.constant 640 : index
        %parallel_loop3A_887 = tpu.vector_load %arg5[%parallel_loop3A_885, %parallel_loop3A_886] {strides = array<i32>} : memref<72x768xf32, #tpu.memory_space<vmem>>, vector<1x16xf32>,
        %parallel_loop3A_888 = vector.shape_cast %parallel_loop3A_887 : vector<1x16xf32> to vector<16xf32>
        %parallel_loop3A_889 = arith.index_cast %parallel_loop3A_483 : i32 to index
        %parallel_loop3A_890 = arith.constant 640 : index
        %parallel_loop3A_891 = tpu.vector_load %arg8[%parallel_loop3A_889, %parallel_loop3A_890] {strides = array<i32>} : memref<24x768xf32, #tpu.memory_space<vmem>>, vector<1x16xf32>,
        %parallel_loop3A_892 = vector.shape_cast %parallel_loop3A_891 : vector<1x16xf32> to vector<16xf32>
        %parallel_loop3A_893 = vector.shape_cast %parallel_loop3A_888 : vector<16xf32> to vector<1x16xf32>
        tpu.vector_store %arg8[%parallel_loop3A_889, %parallel_loop3A_890], %parallel_loop3A_893 {add = true, strides = array<i32>} : memref<24x768xf32, #tpu.memory_space<vmem>>, vector<1x16xf32>,
        %parallel_loop3A_894 = arith.addi %mul3A_324, %parallel_loop3A_483 : i32
        %parallel_loop3A_895 = arith.index_cast %parallel_loop3A_894 : i32 to index
        %parallel_loop3A_896 = arith.constant 656 : index
        %parallel_loop3A_897 = tpu.vector_load %arg5[%parallel_loop3A_895, %parallel_loop3A_896] {strides = array<i32>} : memref<72x768xf32, #tpu.memory_space<vmem>>, vector<1x16xf32>,
        %parallel_loop3A_898 = vector.shape_cast %parallel_loop3A_897 : vector<1x16xf32> to vector<16xf32>
        %parallel_loop3A_899 = arith.index_cast %parallel_loop3A_483 : i32 to index
        %parallel_loop3A_900 = arith.constant 656 : index
        %parallel_loop3A_901 = tpu.vector_load %arg8[%parallel_loop3A_899, %parallel_loop3A_900] {strides = array<i32>} : memref<24x768xf32, #tpu.memory_space<vmem>>, vector<1x16xf32>,
        %parallel_loop3A_902 = vector.shape_cast %parallel_loop3A_901 : vector<1x16xf32> to vector<16xf32>
        %parallel_loop3A_903 = vector.shape_cast %parallel_loop3A_898 : vector<16xf32> to vector<1x16xf32>
        tpu.vector_store %arg8[%parallel_loop3A_899, %parallel_loop3A_900], %parallel_loop3A_903 {add = true, strides = array<i32>} : memref<24x768xf32, #tpu.memory_space<vmem>>, vector<1x16xf32>,
        %parallel_loop3A_904 = arith.addi %mul3A_324, %parallel_loop3A_483 : i32
        %parallel_loop3A_905 = arith.index_cast %parallel_loop3A_904 : i32 to index
        %parallel_loop3A_906 = arith.constant 672 : index
        %parallel_loop3A_907 = tpu.vector_load %arg5[%parallel_loop3A_905, %parallel_loop3A_906] {strides = array<i32>} : memref<72x768xf32, #tpu.memory_space<vmem>>, vector<1x16xf32>,
        %parallel_loop3A_908 = vector.shape_cast %parallel_loop3A_907 : vector<1x16xf32> to vector<16xf32>
        %parallel_loop3A_909 = arith.index_cast %parallel_loop3A_483 : i32 to index
        %parallel_loop3A_910 = arith.constant 672 : index
        %parallel_loop3A_911 = tpu.vector_load %arg8[%parallel_loop3A_909, %parallel_loop3A_910] {strides = array<i32>} : memref<24x768xf32, #tpu.memory_space<vmem>>, vector<1x16xf32>,
        %parallel_loop3A_912 = vector.shape_cast %parallel_loop3A_911 : vector<1x16xf32> to vector<16xf32>
        %parallel_loop3A_913 = vector.shape_cast %parallel_loop3A_908 : vector<16xf32> to vector<1x16xf32>
        tpu.vector_store %arg8[%parallel_loop3A_909, %parallel_loop3A_910], %parallel_loop3A_913 {add = true, strides = array<i32>} : memref<24x768xf32, #tpu.memory_space<vmem>>, vector<1x16xf32>,
        %parallel_loop3A_914 = arith.addi %mul3A_324, %parallel_loop3A_483 : i32
        %parallel_loop3A_915 = arith.index_cast %parallel_loop3A_914 : i32 to index
        %parallel_loop3A_916 = arith.constant 688 : index
        %parallel_loop3A_917 = tpu.vector_load %arg5[%parallel_loop3A_915, %parallel_loop3A_916] {strides = array<i32>} : memref<72x768xf32, #tpu.memory_space<vmem>>, vector<1x16xf32>,
        %parallel_loop3A_918 = vector.shape_cast %parallel_loop3A_917 : vector<1x16xf32> to vector<16xf32>
        %parallel_loop3A_919 = arith.index_cast %parallel_loop3A_483 : i32 to index
        %parallel_loop3A_920 = arith.constant 688 : index
        %parallel_loop3A_921 = tpu.vector_load %arg8[%parallel_loop3A_919, %parallel_loop3A_920] {strides = array<i32>} : memref<24x768xf32, #tpu.memory_space<vmem>>, vector<1x16xf32>,
        %parallel_loop3A_922 = vector.shape_cast %parallel_loop3A_921 : vector<1x16xf32> to vector<16xf32>
        %parallel_loop3A_923 = vector.shape_cast %parallel_loop3A_918 : vector<16xf32> to vector<1x16xf32>
        tpu.vector_store %arg8[%parallel_loop3A_919, %parallel_loop3A_920], %parallel_loop3A_923 {add = true, strides = array<i32>} : memref<24x768xf32, #tpu.memory_space<vmem>>, vector<1x16xf32>,
        %parallel_loop3A_924 = arith.addi %mul3A_324, %parallel_loop3A_483 : i32
        %parallel_loop3A_925 = arith.index_cast %parallel_loop3A_924 : i32 to index
        %parallel_loop3A_926 = arith.constant 704 : index
        %parallel_loop3A_927 = tpu.vector_load %arg5[%parallel_loop3A_925, %parallel_loop3A_926] {strides = array<i32>} : memref<72x768xf32, #tpu.memory_space<vmem>>, vector<1x16xf32>,
        %parallel_loop3A_928 = vector.shape_cast %parallel_loop3A_927 : vector<1x16xf32> to vector<16xf32>
        %parallel_loop3A_929 = arith.index_cast %parallel_loop3A_483 : i32 to index
        %parallel_loop3A_930 = arith.constant 704 : index
        %parallel_loop3A_931 = tpu.vector_load %arg8[%parallel_loop3A_929, %parallel_loop3A_930] {strides = array<i32>} : memref<24x768xf32, #tpu.memory_space<vmem>>, vector<1x16xf32>,
        %parallel_loop3A_932 = vector.shape_cast %parallel_loop3A_931 : vector<1x16xf32> to vector<16xf32>
        %parallel_loop3A_933 = vector.shape_cast %parallel_loop3A_928 : vector<16xf32> to vector<1x16xf32>
        tpu.vector_store %arg8[%parallel_loop3A_929, %parallel_loop3A_930], %parallel_loop3A_933 {add = true, strides = array<i32>} : memref<24x768xf32, #tpu.memory_space<vmem>>, vector<1x16xf32>,
        %parallel_loop3A_934 = arith.addi %mul3A_324, %parallel_loop3A_483 : i32
        %parallel_loop3A_935 = arith.index_cast %parallel_loop3A_934 : i32 to index
        %parallel_loop3A_936 = arith.constant 720 : index
        %parallel_loop3A_937 = tpu.vector_load %arg5[%parallel_loop3A_935, %parallel_loop3A_936] {strides = array<i32>} : memref<72x768xf32, #tpu.memory_space<vmem>>, vector<1x16xf32>,
        %parallel_loop3A_938 = vector.shape_cast %parallel_loop3A_937 : vector<1x16xf32> to vector<16xf32>
        %parallel_loop3A_939 = arith.index_cast %parallel_loop3A_483 : i32 to index
        %parallel_loop3A_940 = arith.constant 720 : index
        %parallel_loop3A_941 = tpu.vector_load %arg8[%parallel_loop3A_939, %parallel_loop3A_940] {strides = array<i32>} : memref<24x768xf32, #tpu.memory_space<vmem>>, vector<1x16xf32>,
        %parallel_loop3A_942 = vector.shape_cast %parallel_loop3A_941 : vector<1x16xf32> to vector<16xf32>
        %parallel_loop3A_943 = vector.shape_cast %parallel_loop3A_938 : vector<16xf32> to vector<1x16xf32>
        tpu.vector_store %arg8[%parallel_loop3A_939, %parallel_loop3A_940], %parallel_loop3A_943 {add = true, strides = array<i32>} : memref<24x768xf32, #tpu.memory_space<vmem>>, vector<1x16xf32>,
        %parallel_loop3A_944 = arith.addi %mul3A_324, %parallel_loop3A_483 : i32
        %parallel_loop3A_945 = arith.index_cast %parallel_loop3A_944 : i32 to index
        %parallel_loop3A_946 = arith.constant 736 : index
        %parallel_loop3A_947 = tpu.vector_load %arg5[%parallel_loop3A_945, %parallel_loop3A_946] {strides = array<i32>} : memref<72x768xf32, #tpu.memory_space<vmem>>, vector<1x16xf32>,
        %parallel_loop3A_948 = vector.shape_cast %parallel_loop3A_947 : vector<1x16xf32> to vector<16xf32>
        %parallel_loop3A_949 = arith.index_cast %parallel_loop3A_483 : i32 to index
        %parallel_loop3A_950 = arith.constant 736 : index
        %parallel_loop3A_951 = tpu.vector_load %arg8[%parallel_loop3A_949, %parallel_loop3A_950] {strides = array<i32>} : memref<24x768xf32, #tpu.memory_space<vmem>>, vector<1x16xf32>,
        %parallel_loop3A_952 = vector.shape_cast %parallel_loop3A_951 : vector<1x16xf32> to vector<16xf32>
        %parallel_loop3A_953 = vector.shape_cast %parallel_loop3A_948 : vector<16xf32> to vector<1x16xf32>
        tpu.vector_store %arg8[%parallel_loop3A_949, %parallel_loop3A_950], %parallel_loop3A_953 {add = true, strides = array<i32>} : memref<24x768xf32, #tpu.memory_space<vmem>>, vector<1x16xf32>,
        %parallel_loop3A_954 = arith.addi %mul3A_324, %parallel_loop3A_483 : i32
        %parallel_loop3A_955 = arith.index_cast %parallel_loop3A_954 : i32 to index
        %parallel_loop3A_956 = arith.constant 752 : index
        %parallel_loop3A_957 = tpu.vector_load %arg5[%parallel_loop3A_955, %parallel_loop3A_956] {strides = array<i32>} : memref<72x768xf32, #tpu.memory_space<vmem>>, vector<1x16xf32>,
        %parallel_loop3A_958 = vector.shape_cast %parallel_loop3A_957 : vector<1x16xf32> to vector<16xf32>
        %parallel_loop3A_959 = arith.index_cast %parallel_loop3A_483 : i32 to index
        %parallel_loop3A_960 = arith.constant 752 : index
        %parallel_loop3A_961 = tpu.vector_load %arg8[%parallel_loop3A_959, %parallel_loop3A_960] {strides = array<i32>} : memref<24x768xf32, #tpu.memory_space<vmem>>, vector<1x16xf32>,
        %parallel_loop3A_962 = vector.shape_cast %parallel_loop3A_961 : vector<1x16xf32> to vector<16xf32>
        %parallel_loop3A_963 = vector.shape_cast %parallel_loop3A_958 : vector<16xf32> to vector<1x16xf32>
        tpu.vector_store %arg8[%parallel_loop3A_959, %parallel_loop3A_960], %parallel_loop3A_963 {add = true, strides = array<i32>} : memref<24x768xf32, #tpu.memory_space<vmem>>, vector<1x16xf32>,
      } {sc.loop_unroll_factor = 1 : i64, sc.parallel_access}
      %mul3A_328 = arith.constant 16 : i32
      %mul3A_329 = arith.muli %select_n3A, %mul3A_328 : i32
      %jit3A_330 = arith.constant 3 : i32
      %div3A_331 = arith.divsi %add3A_300, %jit3A_330 : i32
      %sign3A_332 = arith.constant 0 : i32
      %sign3A_333 = arith.cmpi sgt, %add3A_300, %sign3A_332 : i32
      %sign3A_334 = arith.extui %sign3A_333 : i1 to i32
      %sign3A_335 = arith.constant 0 : i32
      %sign3A_336 = arith.cmpi slt, %add3A_300, %sign3A_335 : i32
      %sign3A_337 = arith.extui %sign3A_336 : i1 to i32
      %sign3A_338 = arith.subi %sign3A_334, %sign3A_337 : i32
      %sign3A_339 = arith.constant 0 : i32
      %sign3A_340 = arith.cmpi sgt, %jit3A_330, %sign3A_339 : i32
      %sign3A_341 = arith.extui %sign3A_340 : i1 to i32
      %sign3A_342 = arith.constant 0 : i32
      %sign3A_343 = arith.cmpi slt, %jit3A_330, %sign3A_342 : i32
      %sign3A_344 = arith.extui %sign3A_343 : i1 to i32
      %sign3A_345 = arith.subi %sign3A_341, %sign3A_344 : i32
      %ne3A_346 = arith.cmpi ne, %sign3A_338, %sign3A_345 : i32
      %rem3A_347 = arith.remsi %add3A_300, %jit3A_330 : i32
      %ne3A_348 = arith.constant 0 : i32
      %ne3A_349 = arith.cmpi ne, %rem3A_347, %ne3A_348 : i32
      %and3A_350 = arith.andi %ne3A_346, %ne3A_349 : i1
      %sub3A_351 = arith.constant 1 : i32
      %sub3A_352 = arith.subi %div3A_331, %sub3A_351 : i32
      %select_n3A_353 = arith.select %and3A_350, %sub3A_352, %div3A_331 : i32
      %add3A_354 = arith.addi %mul3A_329, %select_n3A_353 : i32
      %jit3A_355 = arith.constant 3 : i32
      %eq3A_356 = arith.constant 0 : i32
      %eq3A_357 = arith.cmpi eq, %jit3A_355, %eq3A_356 : i32
      %jit3A_358 = arith.constant 1 : i32
      %select_n3A_359 = arith.select %eq3A_357, %jit3A_358, %jit3A_355 : i32
      %rem3A_360 = arith.remsi %add3A_300, %select_n3A_359 : i32
      %ne3A_361 = arith.constant 0 : i32
      %ne3A_362 = arith.cmpi ne, %rem3A_360, %ne3A_361 : i32
      %lt3A_363 = arith.constant 0 : i32
      %lt3A_364 = arith.cmpi slt, %rem3A_360, %lt3A_363 : i32
      %lt3A_365 = arith.constant 0 : i32
      %lt3A_366 = arith.cmpi slt, %select_n3A_359, %lt3A_365 : i32
      %ne3A_367 = arith.xori %lt3A_364, %lt3A_366 : i1
      %and3A_368 = arith.andi %ne3A_367, %ne3A_362 : i1
      %add3A_369 = arith.addi %rem3A_360, %select_n3A_359 : i32
      %select_n3A_370 = arith.select %and3A_368, %add3A_369, %rem3A_360 : i32
      %mul3A_371 = arith.constant 576 : i32
      %mul3A_372 = arith.muli %add3A_354, %mul3A_371 : i32
      %mul3A_373 = arith.constant 72 : i32
      %mul3A_374 = arith.muli %select_n3A_30, %mul3A_373 : i32
      %add3A_375 = arith.addi %mul3A_372, %mul3A_374 : i32
      %mul3A_376 = arith.constant 24 : i32
      %mul3A_377 = arith.muli %select_n3A_370, %mul3A_376 : i32
      %add3A_378 = arith.addi %add3A_375, %mul3A_377 : i32
      %dma_start3A_379 = arith.constant 0 : i32
      %dma_start3A_380 = tpu.memref_slice %arg4[%add3A_378, %dma_start3A_379] : memref<36864x768xf32, #tpu.memory_space<hbm>> -> memref<24x768xf32, #tpu.memory_space<hbm>>
      %dma_start3A_381 = arith.constant 0 : i32
      %dma_start3A_382 = tpu.memref_slice %arg4[%add3A_378, %dma_start3A_381] : memref<36864x768xf32, #tpu.memory_space<hbm>> -> memref<24x768xf32, #tpu.memory_space<hbm>>
      tpu.enqueue_dma source(%arg8 : memref<24x768xf32, #tpu.memory_space<vmem>>) target(%dma_start3A_382 : memref<24x768xf32, #tpu.memory_space<hbm>>) target_semaphore(%arg16 : memref<!tpu.dma_semaphore, #tpu.memory_space<semaphore_mem>>)
      %add3A_383 = arith.constant 3 : i32
      %add3A_384 = arith.addi %add3A_300, %add3A_383 : i32
      %lt3A_385 = arith.constant 48 : i32
      %lt3A_386 = arith.cmpi slt, %add3A_384, %lt3A_385 : i32
      %convert_element_type3A_387 = arith.extui %lt3A_386 : i1 to i32
      %cond3A_388 = arith.constant 0 : i32
      %cond3A_389 = arith.cmpi ne, %convert_element_type3A_387, %cond3A_388 : i32
      scf.if %cond3A_389 {
        %ge3A = arith.constant 1 : i32
        %ge3A_483 = arith.cmpi sge, %add3A_300, %ge3A : i32
        %convert_element_type3A_484 = arith.extui %ge3A_483 : i1 to i32
        %cond3A_485 = arith.constant 0 : i32
        %cond3A_486 = arith.cmpi ne, %convert_element_type3A_484, %cond3A_485 : i32
        scf.if %cond3A_486 {
          %dma_wait3A_544 = arith.constant 0 : i32
          %dma_wait3A_545 = arith.constant 0 : i32
          %dma_wait3A_546 = tpu.memref_slice %arg4[%dma_wait3A_544, %dma_wait3A_545] : memref<36864x768xf32, #tpu.memory_space<hbm>> -> memref<24x768xf32, #tpu.memory_space<hbm>>
          %dma_wait3A_547 = arith.constant 0 : i32
          %dma_wait3A_548 = arith.constant 0 : i32
          %dma_wait3A_549 = tpu.memref_slice %arg4[%dma_wait3A_547, %dma_wait3A_548] : memref<36864x768xf32, #tpu.memory_space<hbm>> -> memref<24x768xf32, #tpu.memory_space<hbm>>
          tpu.wait_dma2 semaphore(%arg15 : memref<!tpu.dma_semaphore, #tpu.memory_space<semaphore_mem>>) src(%arg7 : memref<24x768xf32, #tpu.memory_space<vmem>>) dst(%dma_wait3A_549 : memref<24x768xf32, #tpu.memory_space<hbm>>)
        } else {
        }
        %add3A_487 = arith.constant 3 : i32
        %add3A_488 = arith.addi %add3A_300, %add3A_487 : i32
        %mul3A_489 = arith.constant 16 : i32
        %mul3A_490 = arith.muli %select_n3A, %mul3A_489 : i32
        %jit3A_491 = arith.constant 3 : i32
        %div3A_492 = arith.divsi %add3A_488, %jit3A_491 : i32
        %sign3A_493 = arith.constant 0 : i32
        %sign3A_494 = arith.cmpi sgt, %add3A_488, %sign3A_493 : i32
        %sign3A_495 = arith.extui %sign3A_494 : i1 to i32
        %sign3A_496 = arith.constant 0 : i32
        %sign3A_497 = arith.cmpi slt, %add3A_488, %sign3A_496 : i32
        %sign3A_498 = arith.extui %sign3A_497 : i1 to i32
        %sign3A_499 = arith.subi %sign3A_495, %sign3A_498 : i32
        %sign3A_500 = arith.constant 0 : i32
        %sign3A_501 = arith.cmpi sgt, %jit3A_491, %sign3A_500 : i32
        %sign3A_502 = arith.extui %sign3A_501 : i1 to i32
        %sign3A_503 = arith.constant 0 : i32
        %sign3A_504 = arith.cmpi slt, %jit3A_491, %sign3A_503 : i32
        %sign3A_505 = arith.extui %sign3A_504 : i1 to i32
        %sign3A_506 = arith.subi %sign3A_502, %sign3A_505 : i32
        %ne3A_507 = arith.cmpi ne, %sign3A_499, %sign3A_506 : i32
        %rem3A_508 = arith.remsi %add3A_488, %jit3A_491 : i32
        %ne3A_509 = arith.constant 0 : i32
        %ne3A_510 = arith.cmpi ne, %rem3A_508, %ne3A_509 : i32
        %and3A_511 = arith.andi %ne3A_507, %ne3A_510 : i1
        %sub3A_512 = arith.constant 1 : i32
        %sub3A_513 = arith.subi %div3A_492, %sub3A_512 : i32
        %select_n3A_514 = arith.select %and3A_511, %sub3A_513, %div3A_492 : i32
        %add3A_515 = arith.addi %mul3A_490, %select_n3A_514 : i32
        %jit3A_516 = arith.constant 3 : i32
        %eq3A_517 = arith.constant 0 : i32
        %eq3A_518 = arith.cmpi eq, %jit3A_516, %eq3A_517 : i32
        %jit3A_519 = arith.constant 1 : i32
        %select_n3A_520 = arith.select %eq3A_518, %jit3A_519, %jit3A_516 : i32
        %rem3A_521 = arith.remsi %add3A_488, %select_n3A_520 : i32
        %ne3A_522 = arith.constant 0 : i32
        %ne3A_523 = arith.cmpi ne, %rem3A_521, %ne3A_522 : i32
        %lt3A_524 = arith.constant 0 : i32
        %lt3A_525 = arith.cmpi slt, %rem3A_521, %lt3A_524 : i32
        %lt3A_526 = arith.constant 0 : i32
        %lt3A_527 = arith.cmpi slt, %select_n3A_520, %lt3A_526 : i32
        %ne3A_528 = arith.xori %lt3A_525, %lt3A_527 : i1
        %and3A_529 = arith.andi %ne3A_528, %ne3A_523 : i1
        %add3A_530 = arith.addi %rem3A_521, %select_n3A_520 : i32
        %select_n3A_531 = arith.select %and3A_529, %add3A_530, %rem3A_521 : i32
        %mul3A_532 = arith.constant 576 : i32
        %mul3A_533 = arith.muli %add3A_515, %mul3A_532 : i32
        %mul3A_534 = arith.constant 72 : i32
        %mul3A_535 = arith.muli %select_n3A_30, %mul3A_534 : i32
        %add3A_536 = arith.addi %mul3A_533, %mul3A_535 : i32
        %mul3A_537 = arith.constant 24 : i32
        %mul3A_538 = arith.muli %select_n3A_531, %mul3A_537 : i32
        %add3A_539 = arith.addi %add3A_536, %mul3A_538 : i32
        %dma_start3A_540 = arith.constant 0 : i32
        %dma_start3A_541 = tpu.memref_slice %arg2[%add3A_539, %dma_start3A_540] : memref<36864x768xf32, #tpu.memory_space<hbm>> -> memref<24x768xf32, #tpu.memory_space<hbm>>
        %dma_start3A_542 = arith.constant 0 : i32
        %dma_start3A_543 = tpu.memref_slice %arg2[%add3A_539, %dma_start3A_542] : memref<36864x768xf32, #tpu.memory_space<hbm>> -> memref<24x768xf32, #tpu.memory_space<hbm>>
        tpu.enqueue_dma source(%dma_start3A_543 : memref<24x768xf32, #tpu.memory_space<hbm>>) target(%arg7 : memref<24x768xf32, #tpu.memory_space<vmem>>) target_semaphore(%arg11 : memref<!tpu.dma_semaphore, #tpu.memory_space<semaphore_mem>>)
      } else {
      }
      %mul3A_390 = arith.constant 4 : i32
      %mul3A_391 = arith.muli %scan3A_113, %mul3A_390 : i32
      %add3A_392 = arith.constant 3 : i32
      %add3A_393 = arith.addi %mul3A_391, %add3A_392 : i32
      %dma_wait3A_394 = arith.constant 0 : i32
      %dma_wait3A_395 = arith.constant 0 : i32
      %dma_wait3A_396 = tpu.memref_slice %arg2[%dma_wait3A_394, %dma_wait3A_395] : memref<36864x768xf32, #tpu.memory_space<hbm>> -> memref<24x768xf32, #tpu.memory_space<hbm>>
      %dma_wait3A_397 = arith.constant 0 : i32
      %dma_wait3A_398 = arith.constant 0 : i32
      %dma_wait3A_399 = tpu.memref_slice %arg2[%dma_wait3A_397, %dma_wait3A_398] : memref<36864x768xf32, #tpu.memory_space<hbm>> -> memref<24x768xf32, #tpu.memory_space<hbm>>
      tpu.wait_dma2 semaphore(%arg13 : memref<!tpu.dma_semaphore, #tpu.memory_space<semaphore_mem>>) src(%dma_wait3A_399 : memref<24x768xf32, #tpu.memory_space<hbm>>) dst(%arg9 : memref<24x768xf32, #tpu.memory_space<vmem>>)
      %jit3A_400 = arith.constant 3 : i32
      %eq3A_401 = arith.constant 0 : i32
      %eq3A_402 = arith.cmpi eq, %jit3A_400, %eq3A_401 : i32
      %jit3A_403 = arith.constant 1 : i32
      %select_n3A_404 = arith.select %eq3A_402, %jit3A_403, %jit3A_400 : i32
      %rem3A_405 = arith.remsi %add3A_393, %select_n3A_404 : i32
      %ne3A_406 = arith.constant 0 : i32
      %ne3A_407 = arith.cmpi ne, %rem3A_405, %ne3A_406 : i32
      %lt3A_408 = arith.constant 0 : i32
      %lt3A_409 = arith.cmpi slt, %rem3A_405, %lt3A_408 : i32
      %lt3A_410 = arith.constant 0 : i32
      %lt3A_411 = arith.cmpi slt, %select_n3A_404, %lt3A_410 : i32
      %ne3A_412 = arith.xori %lt3A_409, %lt3A_411 : i1
      %and3A_413 = arith.andi %ne3A_412, %ne3A_407 : i1
      %add3A_414 = arith.addi %rem3A_405, %select_n3A_404 : i32
      %select_n3A_415 = arith.select %and3A_413, %add3A_414, %rem3A_405 : i32
      %mul3A_416 = arith.constant 24 : i32
      %mul3A_417 = arith.muli %select_n3A_415, %mul3A_416 : i32
      %parallel_loop3A_418 = arith.constant 0 : i32
      %parallel_loop3A_419 = arith.constant 24 : i32
      %parallel_loop3A_420 = arith.constant 1 : i32
      scf.for %parallel_loop3A_483 = %parallel_loop3A_418 to %parallel_loop3A_419 step %parallel_loop3A_420  : i32 {
        %parallel_loop3A_484 = arith.addi %mul3A_417, %parallel_loop3A_483 : i32
        %parallel_loop3A_485 = arith.index_cast %parallel_loop3A_484 : i32 to index
        %parallel_loop3A_486 = arith.constant 0 : index
        %parallel_loop3A_487 = tpu.vector_load %arg5[%parallel_loop3A_485, %parallel_loop3A_486] {strides = array<i32>} : memref<72x768xf32, #tpu.memory_space<vmem>>, vector<1x16xf32>,
        %parallel_loop3A_488 = vector.shape_cast %parallel_loop3A_487 : vector<1x16xf32> to vector<16xf32>
        %parallel_loop3A_489 = arith.index_cast %parallel_loop3A_483 : i32 to index
        %parallel_loop3A_490 = arith.constant 0 : index
        %parallel_loop3A_491 = tpu.vector_load %arg9[%parallel_loop3A_489, %parallel_loop3A_490] {strides = array<i32>} : memref<24x768xf32, #tpu.memory_space<vmem>>, vector<1x16xf32>,
        %parallel_loop3A_492 = vector.shape_cast %parallel_loop3A_491 : vector<1x16xf32> to vector<16xf32>
        %parallel_loop3A_493 = vector.shape_cast %parallel_loop3A_488 : vector<16xf32> to vector<1x16xf32>
        tpu.vector_store %arg9[%parallel_loop3A_489, %parallel_loop3A_490], %parallel_loop3A_493 {add = true, strides = array<i32>} : memref<24x768xf32, #tpu.memory_space<vmem>>, vector<1x16xf32>,
        %parallel_loop3A_494 = arith.addi %mul3A_417, %parallel_loop3A_483 : i32
        %parallel_loop3A_495 = arith.index_cast %parallel_loop3A_494 : i32 to index
        %parallel_loop3A_496 = arith.constant 16 : index
        %parallel_loop3A_497 = tpu.vector_load %arg5[%parallel_loop3A_495, %parallel_loop3A_496] {strides = array<i32>} : memref<72x768xf32, #tpu.memory_space<vmem>>, vector<1x16xf32>,
        %parallel_loop3A_498 = vector.shape_cast %parallel_loop3A_497 : vector<1x16xf32> to vector<16xf32>
        %parallel_loop3A_499 = arith.index_cast %parallel_loop3A_483 : i32 to index
        %parallel_loop3A_500 = arith.constant 16 : index
        %parallel_loop3A_501 = tpu.vector_load %arg9[%parallel_loop3A_499, %parallel_loop3A_500] {strides = array<i32>} : memref<24x768xf32, #tpu.memory_space<vmem>>, vector<1x16xf32>,
        %parallel_loop3A_502 = vector.shape_cast %parallel_loop3A_501 : vector<1x16xf32> to vector<16xf32>
        %parallel_loop3A_503 = vector.shape_cast %parallel_loop3A_498 : vector<16xf32> to vector<1x16xf32>
        tpu.vector_store %arg9[%parallel_loop3A_499, %parallel_loop3A_500], %parallel_loop3A_503 {add = true, strides = array<i32>} : memref<24x768xf32, #tpu.memory_space<vmem>>, vector<1x16xf32>,
        %parallel_loop3A_504 = arith.addi %mul3A_417, %parallel_loop3A_483 : i32
        %parallel_loop3A_505 = arith.index_cast %parallel_loop3A_504 : i32 to index
        %parallel_loop3A_506 = arith.constant 32 : index
        %parallel_loop3A_507 = tpu.vector_load %arg5[%parallel_loop3A_505, %parallel_loop3A_506] {strides = array<i32>} : memref<72x768xf32, #tpu.memory_space<vmem>>, vector<1x16xf32>,
        %parallel_loop3A_508 = vector.shape_cast %parallel_loop3A_507 : vector<1x16xf32> to vector<16xf32>
        %parallel_loop3A_509 = arith.index_cast %parallel_loop3A_483 : i32 to index
        %parallel_loop3A_510 = arith.constant 32 : index
        %parallel_loop3A_511 = tpu.vector_load %arg9[%parallel_loop3A_509, %parallel_loop3A_510] {strides = array<i32>} : memref<24x768xf32, #tpu.memory_space<vmem>>, vector<1x16xf32>,
        %parallel_loop3A_512 = vector.shape_cast %parallel_loop3A_511 : vector<1x16xf32> to vector<16xf32>
        %parallel_loop3A_513 = vector.shape_cast %parallel_loop3A_508 : vector<16xf32> to vector<1x16xf32>
        tpu.vector_store %arg9[%parallel_loop3A_509, %parallel_loop3A_510], %parallel_loop3A_513 {add = true, strides = array<i32>} : memref<24x768xf32, #tpu.memory_space<vmem>>, vector<1x16xf32>,
        %parallel_loop3A_514 = arith.addi %mul3A_417, %parallel_loop3A_483 : i32
        %parallel_loop3A_515 = arith.index_cast %parallel_loop3A_514 : i32 to index
        %parallel_loop3A_516 = arith.constant 48 : index
        %parallel_loop3A_517 = tpu.vector_load %arg5[%parallel_loop3A_515, %parallel_loop3A_516] {strides = array<i32>} : memref<72x768xf32, #tpu.memory_space<vmem>>, vector<1x16xf32>,
        %parallel_loop3A_518 = vector.shape_cast %parallel_loop3A_517 : vector<1x16xf32> to vector<16xf32>
        %parallel_loop3A_519 = arith.index_cast %parallel_loop3A_483 : i32 to index
        %parallel_loop3A_520 = arith.constant 48 : index
        %parallel_loop3A_521 = tpu.vector_load %arg9[%parallel_loop3A_519, %parallel_loop3A_520] {strides = array<i32>} : memref<24x768xf32, #tpu.memory_space<vmem>>, vector<1x16xf32>,
        %parallel_loop3A_522 = vector.shape_cast %parallel_loop3A_521 : vector<1x16xf32> to vector<16xf32>
        %parallel_loop3A_523 = vector.shape_cast %parallel_loop3A_518 : vector<16xf32> to vector<1x16xf32>
        tpu.vector_store %arg9[%parallel_loop3A_519, %parallel_loop3A_520], %parallel_loop3A_523 {add = true, strides = array<i32>} : memref<24x768xf32, #tpu.memory_space<vmem>>, vector<1x16xf32>,
        %parallel_loop3A_524 = arith.addi %mul3A_417, %parallel_loop3A_483 : i32
        %parallel_loop3A_525 = arith.index_cast %parallel_loop3A_524 : i32 to index
        %parallel_loop3A_526 = arith.constant 64 : index
        %parallel_loop3A_527 = tpu.vector_load %arg5[%parallel_loop3A_525, %parallel_loop3A_526] {strides = array<i32>} : memref<72x768xf32, #tpu.memory_space<vmem>>, vector<1x16xf32>,
        %parallel_loop3A_528 = vector.shape_cast %parallel_loop3A_527 : vector<1x16xf32> to vector<16xf32>
        %parallel_loop3A_529 = arith.index_cast %parallel_loop3A_483 : i32 to index
        %parallel_loop3A_530 = arith.constant 64 : index
        %parallel_loop3A_531 = tpu.vector_load %arg9[%parallel_loop3A_529, %parallel_loop3A_530] {strides = array<i32>} : memref<24x768xf32, #tpu.memory_space<vmem>>, vector<1x16xf32>,
        %parallel_loop3A_532 = vector.shape_cast %parallel_loop3A_531 : vector<1x16xf32> to vector<16xf32>
        %parallel_loop3A_533 = vector.shape_cast %parallel_loop3A_528 : vector<16xf32> to vector<1x16xf32>
        tpu.vector_store %arg9[%parallel_loop3A_529, %parallel_loop3A_530], %parallel_loop3A_533 {add = true, strides = array<i32>} : memref<24x768xf32, #tpu.memory_space<vmem>>, vector<1x16xf32>,
        %parallel_loop3A_534 = arith.addi %mul3A_417, %parallel_loop3A_483 : i32
        %parallel_loop3A_535 = arith.index_cast %parallel_loop3A_534 : i32 to index
        %parallel_loop3A_536 = arith.constant 80 : index
        %parallel_loop3A_537 = tpu.vector_load %arg5[%parallel_loop3A_535, %parallel_loop3A_536] {strides = array<i32>} : memref<72x768xf32, #tpu.memory_space<vmem>>, vector<1x16xf32>,
        %parallel_loop3A_538 = vector.shape_cast %parallel_loop3A_537 : vector<1x16xf32> to vector<16xf32>
        %parallel_loop3A_539 = arith.index_cast %parallel_loop3A_483 : i32 to index
        %parallel_loop3A_540 = arith.constant 80 : index
        %parallel_loop3A_541 = tpu.vector_load %arg9[%parallel_loop3A_539, %parallel_loop3A_540] {strides = array<i32>} : memref<24x768xf32, #tpu.memory_space<vmem>>, vector<1x16xf32>,
        %parallel_loop3A_542 = vector.shape_cast %parallel_loop3A_541 : vector<1x16xf32> to vector<16xf32>
        %parallel_loop3A_543 = vector.shape_cast %parallel_loop3A_538 : vector<16xf32> to vector<1x16xf32>
        tpu.vector_store %arg9[%parallel_loop3A_539, %parallel_loop3A_540], %parallel_loop3A_543 {add = true, strides = array<i32>} : memref<24x768xf32, #tpu.memory_space<vmem>>, vector<1x16xf32>,
        %parallel_loop3A_544 = arith.addi %mul3A_417, %parallel_loop3A_483 : i32
        %parallel_loop3A_545 = arith.index_cast %parallel_loop3A_544 : i32 to index
        %parallel_loop3A_546 = arith.constant 96 : index
        %parallel_loop3A_547 = tpu.vector_load %arg5[%parallel_loop3A_545, %parallel_loop3A_546] {strides = array<i32>} : memref<72x768xf32, #tpu.memory_space<vmem>>, vector<1x16xf32>,
        %parallel_loop3A_548 = vector.shape_cast %parallel_loop3A_547 : vector<1x16xf32> to vector<16xf32>
        %parallel_loop3A_549 = arith.index_cast %parallel_loop3A_483 : i32 to index
        %parallel_loop3A_550 = arith.constant 96 : index
        %parallel_loop3A_551 = tpu.vector_load %arg9[%parallel_loop3A_549, %parallel_loop3A_550] {strides = array<i32>} : memref<24x768xf32, #tpu.memory_space<vmem>>, vector<1x16xf32>,
        %parallel_loop3A_552 = vector.shape_cast %parallel_loop3A_551 : vector<1x16xf32> to vector<16xf32>
        %parallel_loop3A_553 = vector.shape_cast %parallel_loop3A_548 : vector<16xf32> to vector<1x16xf32>
        tpu.vector_store %arg9[%parallel_loop3A_549, %parallel_loop3A_550], %parallel_loop3A_553 {add = true, strides = array<i32>} : memref<24x768xf32, #tpu.memory_space<vmem>>, vector<1x16xf32>,
        %parallel_loop3A_554 = arith.addi %mul3A_417, %parallel_loop3A_483 : i32
        %parallel_loop3A_555 = arith.index_cast %parallel_loop3A_554 : i32 to index
        %parallel_loop3A_556 = arith.constant 112 : index
        %parallel_loop3A_557 = tpu.vector_load %arg5[%parallel_loop3A_555, %parallel_loop3A_556] {strides = array<i32>} : memref<72x768xf32, #tpu.memory_space<vmem>>, vector<1x16xf32>,
        %parallel_loop3A_558 = vector.shape_cast %parallel_loop3A_557 : vector<1x16xf32> to vector<16xf32>
        %parallel_loop3A_559 = arith.index_cast %parallel_loop3A_483 : i32 to index
        %parallel_loop3A_560 = arith.constant 112 : index
        %parallel_loop3A_561 = tpu.vector_load %arg9[%parallel_loop3A_559, %parallel_loop3A_560] {strides = array<i32>} : memref<24x768xf32, #tpu.memory_space<vmem>>, vector<1x16xf32>,
        %parallel_loop3A_562 = vector.shape_cast %parallel_loop3A_561 : vector<1x16xf32> to vector<16xf32>
        %parallel_loop3A_563 = vector.shape_cast %parallel_loop3A_558 : vector<16xf32> to vector<1x16xf32>
        tpu.vector_store %arg9[%parallel_loop3A_559, %parallel_loop3A_560], %parallel_loop3A_563 {add = true, strides = array<i32>} : memref<24x768xf32, #tpu.memory_space<vmem>>, vector<1x16xf32>,
        %parallel_loop3A_564 = arith.addi %mul3A_417, %parallel_loop3A_483 : i32
        %parallel_loop3A_565 = arith.index_cast %parallel_loop3A_564 : i32 to index
        %parallel_loop3A_566 = arith.constant 128 : index
        %parallel_loop3A_567 = tpu.vector_load %arg5[%parallel_loop3A_565, %parallel_loop3A_566] {strides = array<i32>} : memref<72x768xf32, #tpu.memory_space<vmem>>, vector<1x16xf32>,
        %parallel_loop3A_568 = vector.shape_cast %parallel_loop3A_567 : vector<1x16xf32> to vector<16xf32>
        %parallel_loop3A_569 = arith.index_cast %parallel_loop3A_483 : i32 to index
        %parallel_loop3A_570 = arith.constant 128 : index
        %parallel_loop3A_571 = tpu.vector_load %arg9[%parallel_loop3A_569, %parallel_loop3A_570] {strides = array<i32>} : memref<24x768xf32, #tpu.memory_space<vmem>>, vector<1x16xf32>,
        %parallel_loop3A_572 = vector.shape_cast %parallel_loop3A_571 : vector<1x16xf32> to vector<16xf32>
        %parallel_loop3A_573 = vector.shape_cast %parallel_loop3A_568 : vector<16xf32> to vector<1x16xf32>
        tpu.vector_store %arg9[%parallel_loop3A_569, %parallel_loop3A_570], %parallel_loop3A_573 {add = true, strides = array<i32>} : memref<24x768xf32, #tpu.memory_space<vmem>>, vector<1x16xf32>,
        %parallel_loop3A_574 = arith.addi %mul3A_417, %parallel_loop3A_483 : i32
        %parallel_loop3A_575 = arith.index_cast %parallel_loop3A_574 : i32 to index
        %parallel_loop3A_576 = arith.constant 144 : index
        %parallel_loop3A_577 = tpu.vector_load %arg5[%parallel_loop3A_575, %parallel_loop3A_576] {strides = array<i32>} : memref<72x768xf32, #tpu.memory_space<vmem>>, vector<1x16xf32>,
        %parallel_loop3A_578 = vector.shape_cast %parallel_loop3A_577 : vector<1x16xf32> to vector<16xf32>
        %parallel_loop3A_579 = arith.index_cast %parallel_loop3A_483 : i32 to index
        %parallel_loop3A_580 = arith.constant 144 : index
        %parallel_loop3A_581 = tpu.vector_load %arg9[%parallel_loop3A_579, %parallel_loop3A_580] {strides = array<i32>} : memref<24x768xf32, #tpu.memory_space<vmem>>, vector<1x16xf32>,
        %parallel_loop3A_582 = vector.shape_cast %parallel_loop3A_581 : vector<1x16xf32> to vector<16xf32>
        %parallel_loop3A_583 = vector.shape_cast %parallel_loop3A_578 : vector<16xf32> to vector<1x16xf32>
        tpu.vector_store %arg9[%parallel_loop3A_579, %parallel_loop3A_580], %parallel_loop3A_583 {add = true, strides = array<i32>} : memref<24x768xf32, #tpu.memory_space<vmem>>, vector<1x16xf32>,
        %parallel_loop3A_584 = arith.addi %mul3A_417, %parallel_loop3A_483 : i32
        %parallel_loop3A_585 = arith.index_cast %parallel_loop3A_584 : i32 to index
        %parallel_loop3A_586 = arith.constant 160 : index
        %parallel_loop3A_587 = tpu.vector_load %arg5[%parallel_loop3A_585, %parallel_loop3A_586] {strides = array<i32>} : memref<72x768xf32, #tpu.memory_space<vmem>>, vector<1x16xf32>,
        %parallel_loop3A_588 = vector.shape_cast %parallel_loop3A_587 : vector<1x16xf32> to vector<16xf32>
        %parallel_loop3A_589 = arith.index_cast %parallel_loop3A_483 : i32 to index
        %parallel_loop3A_590 = arith.constant 160 : index
        %parallel_loop3A_591 = tpu.vector_load %arg9[%parallel_loop3A_589, %parallel_loop3A_590] {strides = array<i32>} : memref<24x768xf32, #tpu.memory_space<vmem>>, vector<1x16xf32>,
        %parallel_loop3A_592 = vector.shape_cast %parallel_loop3A_591 : vector<1x16xf32> to vector<16xf32>
        %parallel_loop3A_593 = vector.shape_cast %parallel_loop3A_588 : vector<16xf32> to vector<1x16xf32>
        tpu.vector_store %arg9[%parallel_loop3A_589, %parallel_loop3A_590], %parallel_loop3A_593 {add = true, strides = array<i32>} : memref<24x768xf32, #tpu.memory_space<vmem>>, vector<1x16xf32>,
        %parallel_loop3A_594 = arith.addi %mul3A_417, %parallel_loop3A_483 : i32
        %parallel_loop3A_595 = arith.index_cast %parallel_loop3A_594 : i32 to index
        %parallel_loop3A_596 = arith.constant 176 : index
        %parallel_loop3A_597 = tpu.vector_load %arg5[%parallel_loop3A_595, %parallel_loop3A_596] {strides = array<i32>} : memref<72x768xf32, #tpu.memory_space<vmem>>, vector<1x16xf32>,
        %parallel_loop3A_598 = vector.shape_cast %parallel_loop3A_597 : vector<1x16xf32> to vector<16xf32>
        %parallel_loop3A_599 = arith.index_cast %parallel_loop3A_483 : i32 to index
        %parallel_loop3A_600 = arith.constant 176 : index
        %parallel_loop3A_601 = tpu.vector_load %arg9[%parallel_loop3A_599, %parallel_loop3A_600] {strides = array<i32>} : memref<24x768xf32, #tpu.memory_space<vmem>>, vector<1x16xf32>,
        %parallel_loop3A_602 = vector.shape_cast %parallel_loop3A_601 : vector<1x16xf32> to vector<16xf32>
        %parallel_loop3A_603 = vector.shape_cast %parallel_loop3A_598 : vector<16xf32> to vector<1x16xf32>
        tpu.vector_store %arg9[%parallel_loop3A_599, %parallel_loop3A_600], %parallel_loop3A_603 {add = true, strides = array<i32>} : memref<24x768xf32, #tpu.memory_space<vmem>>, vector<1x16xf32>,
        %parallel_loop3A_604 = arith.addi %mul3A_417, %parallel_loop3A_483 : i32
        %parallel_loop3A_605 = arith.index_cast %parallel_loop3A_604 : i32 to index
        %parallel_loop3A_606 = arith.constant 192 : index
        %parallel_loop3A_607 = tpu.vector_load %arg5[%parallel_loop3A_605, %parallel_loop3A_606] {strides = array<i32>} : memref<72x768xf32, #tpu.memory_space<vmem>>, vector<1x16xf32>,
        %parallel_loop3A_608 = vector.shape_cast %parallel_loop3A_607 : vector<1x16xf32> to vector<16xf32>
        %parallel_loop3A_609 = arith.index_cast %parallel_loop3A_483 : i32 to index
        %parallel_loop3A_610 = arith.constant 192 : index
        %parallel_loop3A_611 = tpu.vector_load %arg9[%parallel_loop3A_609, %parallel_loop3A_610] {strides = array<i32>} : memref<24x768xf32, #tpu.memory_space<vmem>>, vector<1x16xf32>,
        %parallel_loop3A_612 = vector.shape_cast %parallel_loop3A_611 : vector<1x16xf32> to vector<16xf32>
        %parallel_loop3A_613 = vector.shape_cast %parallel_loop3A_608 : vector<16xf32> to vector<1x16xf32>
        tpu.vector_store %arg9[%parallel_loop3A_609, %parallel_loop3A_610], %parallel_loop3A_613 {add = true, strides = array<i32>} : memref<24x768xf32, #tpu.memory_space<vmem>>, vector<1x16xf32>,
        %parallel_loop3A_614 = arith.addi %mul3A_417, %parallel_loop3A_483 : i32
        %parallel_loop3A_615 = arith.index_cast %parallel_loop3A_614 : i32 to index
        %parallel_loop3A_616 = arith.constant 208 : index
        %parallel_loop3A_617 = tpu.vector_load %arg5[%parallel_loop3A_615, %parallel_loop3A_616] {strides = array<i32>} : memref<72x768xf32, #tpu.memory_space<vmem>>, vector<1x16xf32>,
        %parallel_loop3A_618 = vector.shape_cast %parallel_loop3A_617 : vector<1x16xf32> to vector<16xf32>
        %parallel_loop3A_619 = arith.index_cast %parallel_loop3A_483 : i32 to index
        %parallel_loop3A_620 = arith.constant 208 : index
        %parallel_loop3A_621 = tpu.vector_load %arg9[%parallel_loop3A_619, %parallel_loop3A_620] {strides = array<i32>} : memref<24x768xf32, #tpu.memory_space<vmem>>, vector<1x16xf32>,
        %parallel_loop3A_622 = vector.shape_cast %parallel_loop3A_621 : vector<1x16xf32> to vector<16xf32>
        %parallel_loop3A_623 = vector.shape_cast %parallel_loop3A_618 : vector<16xf32> to vector<1x16xf32>
        tpu.vector_store %arg9[%parallel_loop3A_619, %parallel_loop3A_620], %parallel_loop3A_623 {add = true, strides = array<i32>} : memref<24x768xf32, #tpu.memory_space<vmem>>, vector<1x16xf32>,
        %parallel_loop3A_624 = arith.addi %mul3A_417, %parallel_loop3A_483 : i32
        %parallel_loop3A_625 = arith.index_cast %parallel_loop3A_624 : i32 to index
        %parallel_loop3A_626 = arith.constant 224 : index
        %parallel_loop3A_627 = tpu.vector_load %arg5[%parallel_loop3A_625, %parallel_loop3A_626] {strides = array<i32>} : memref<72x768xf32, #tpu.memory_space<vmem>>, vector<1x16xf32>,
        %parallel_loop3A_628 = vector.shape_cast %parallel_loop3A_627 : vector<1x16xf32> to vector<16xf32>
        %parallel_loop3A_629 = arith.index_cast %parallel_loop3A_483 : i32 to index
        %parallel_loop3A_630 = arith.constant 224 : index
        %parallel_loop3A_631 = tpu.vector_load %arg9[%parallel_loop3A_629, %parallel_loop3A_630] {strides = array<i32>} : memref<24x768xf32, #tpu.memory_space<vmem>>, vector<1x16xf32>,
        %parallel_loop3A_632 = vector.shape_cast %parallel_loop3A_631 : vector<1x16xf32> to vector<16xf32>
        %parallel_loop3A_633 = vector.shape_cast %parallel_loop3A_628 : vector<16xf32> to vector<1x16xf32>
        tpu.vector_store %arg9[%parallel_loop3A_629, %parallel_loop3A_630], %parallel_loop3A_633 {add = true, strides = array<i32>} : memref<24x768xf32, #tpu.memory_space<vmem>>, vector<1x16xf32>,
        %parallel_loop3A_634 = arith.addi %mul3A_417, %parallel_loop3A_483 : i32
        %parallel_loop3A_635 = arith.index_cast %parallel_loop3A_634 : i32 to index
        %parallel_loop3A_636 = arith.constant 240 : index
        %parallel_loop3A_637 = tpu.vector_load %arg5[%parallel_loop3A_635, %parallel_loop3A_636] {strides = array<i32>} : memref<72x768xf32, #tpu.memory_space<vmem>>, vector<1x16xf32>,
        %parallel_loop3A_638 = vector.shape_cast %parallel_loop3A_637 : vector<1x16xf32> to vector<16xf32>
        %parallel_loop3A_639 = arith.index_cast %parallel_loop3A_483 : i32 to index
        %parallel_loop3A_640 = arith.constant 240 : index
        %parallel_loop3A_641 = tpu.vector_load %arg9[%parallel_loop3A_639, %parallel_loop3A_640] {strides = array<i32>} : memref<24x768xf32, #tpu.memory_space<vmem>>, vector<1x16xf32>,
        %parallel_loop3A_642 = vector.shape_cast %parallel_loop3A_641 : vector<1x16xf32> to vector<16xf32>
        %parallel_loop3A_643 = vector.shape_cast %parallel_loop3A_638 : vector<16xf32> to vector<1x16xf32>
        tpu.vector_store %arg9[%parallel_loop3A_639, %parallel_loop3A_640], %parallel_loop3A_643 {add = true, strides = array<i32>} : memref<24x768xf32, #tpu.memory_space<vmem>>, vector<1x16xf32>,
        %parallel_loop3A_644 = arith.addi %mul3A_417, %parallel_loop3A_483 : i32
        %parallel_loop3A_645 = arith.index_cast %parallel_loop3A_644 : i32 to index
        %parallel_loop3A_646 = arith.constant 256 : index
        %parallel_loop3A_647 = tpu.vector_load %arg5[%parallel_loop3A_645, %parallel_loop3A_646] {strides = array<i32>} : memref<72x768xf32, #tpu.memory_space<vmem>>, vector<1x16xf32>,
        %parallel_loop3A_648 = vector.shape_cast %parallel_loop3A_647 : vector<1x16xf32> to vector<16xf32>
        %parallel_loop3A_649 = arith.index_cast %parallel_loop3A_483 : i32 to index
        %parallel_loop3A_650 = arith.constant 256 : index
        %parallel_loop3A_651 = tpu.vector_load %arg9[%parallel_loop3A_649, %parallel_loop3A_650] {strides = array<i32>} : memref<24x768xf32, #tpu.memory_space<vmem>>, vector<1x16xf32>,
        %parallel_loop3A_652 = vector.shape_cast %parallel_loop3A_651 : vector<1x16xf32> to vector<16xf32>
        %parallel_loop3A_653 = vector.shape_cast %parallel_loop3A_648 : vector<16xf32> to vector<1x16xf32>
        tpu.vector_store %arg9[%parallel_loop3A_649, %parallel_loop3A_650], %parallel_loop3A_653 {add = true, strides = array<i32>} : memref<24x768xf32, #tpu.memory_space<vmem>>, vector<1x16xf32>,
        %parallel_loop3A_654 = arith.addi %mul3A_417, %parallel_loop3A_483 : i32
        %parallel_loop3A_655 = arith.index_cast %parallel_loop3A_654 : i32 to index
        %parallel_loop3A_656 = arith.constant 272 : index
        %parallel_loop3A_657 = tpu.vector_load %arg5[%parallel_loop3A_655, %parallel_loop3A_656] {strides = array<i32>} : memref<72x768xf32, #tpu.memory_space<vmem>>, vector<1x16xf32>,
        %parallel_loop3A_658 = vector.shape_cast %parallel_loop3A_657 : vector<1x16xf32> to vector<16xf32>
        %parallel_loop3A_659 = arith.index_cast %parallel_loop3A_483 : i32 to index
        %parallel_loop3A_660 = arith.constant 272 : index
        %parallel_loop3A_661 = tpu.vector_load %arg9[%parallel_loop3A_659, %parallel_loop3A_660] {strides = array<i32>} : memref<24x768xf32, #tpu.memory_space<vmem>>, vector<1x16xf32>,
        %parallel_loop3A_662 = vector.shape_cast %parallel_loop3A_661 : vector<1x16xf32> to vector<16xf32>
        %parallel_loop3A_663 = vector.shape_cast %parallel_loop3A_658 : vector<16xf32> to vector<1x16xf32>
        tpu.vector_store %arg9[%parallel_loop3A_659, %parallel_loop3A_660], %parallel_loop3A_663 {add = true, strides = array<i32>} : memref<24x768xf32, #tpu.memory_space<vmem>>, vector<1x16xf32>,
        %parallel_loop3A_664 = arith.addi %mul3A_417, %parallel_loop3A_483 : i32
        %parallel_loop3A_665 = arith.index_cast %parallel_loop3A_664 : i32 to index
        %parallel_loop3A_666 = arith.constant 288 : index
        %parallel_loop3A_667 = tpu.vector_load %arg5[%parallel_loop3A_665, %parallel_loop3A_666] {strides = array<i32>} : memref<72x768xf32, #tpu.memory_space<vmem>>, vector<1x16xf32>,
        %parallel_loop3A_668 = vector.shape_cast %parallel_loop3A_667 : vector<1x16xf32> to vector<16xf32>
        %parallel_loop3A_669 = arith.index_cast %parallel_loop3A_483 : i32 to index
        %parallel_loop3A_670 = arith.constant 288 : index
        %parallel_loop3A_671 = tpu.vector_load %arg9[%parallel_loop3A_669, %parallel_loop3A_670] {strides = array<i32>} : memref<24x768xf32, #tpu.memory_space<vmem>>, vector<1x16xf32>,
        %parallel_loop3A_672 = vector.shape_cast %parallel_loop3A_671 : vector<1x16xf32> to vector<16xf32>
        %parallel_loop3A_673 = vector.shape_cast %parallel_loop3A_668 : vector<16xf32> to vector<1x16xf32>
        tpu.vector_store %arg9[%parallel_loop3A_669, %parallel_loop3A_670], %parallel_loop3A_673 {add = true, strides = array<i32>} : memref<24x768xf32, #tpu.memory_space<vmem>>, vector<1x16xf32>,
        %parallel_loop3A_674 = arith.addi %mul3A_417, %parallel_loop3A_483 : i32
        %parallel_loop3A_675 = arith.index_cast %parallel_loop3A_674 : i32 to index
        %parallel_loop3A_676 = arith.constant 304 : index
        %parallel_loop3A_677 = tpu.vector_load %arg5[%parallel_loop3A_675, %parallel_loop3A_676] {strides = array<i32>} : memref<72x768xf32, #tpu.memory_space<vmem>>, vector<1x16xf32>,
        %parallel_loop3A_678 = vector.shape_cast %parallel_loop3A_677 : vector<1x16xf32> to vector<16xf32>
        %parallel_loop3A_679 = arith.index_cast %parallel_loop3A_483 : i32 to index
        %parallel_loop3A_680 = arith.constant 304 : index
        %parallel_loop3A_681 = tpu.vector_load %arg9[%parallel_loop3A_679, %parallel_loop3A_680] {strides = array<i32>} : memref<24x768xf32, #tpu.memory_space<vmem>>, vector<1x16xf32>,
        %parallel_loop3A_682 = vector.shape_cast %parallel_loop3A_681 : vector<1x16xf32> to vector<16xf32>
        %parallel_loop3A_683 = vector.shape_cast %parallel_loop3A_678 : vector<16xf32> to vector<1x16xf32>
        tpu.vector_store %arg9[%parallel_loop3A_679, %parallel_loop3A_680], %parallel_loop3A_683 {add = true, strides = array<i32>} : memref<24x768xf32, #tpu.memory_space<vmem>>, vector<1x16xf32>,
        %parallel_loop3A_684 = arith.addi %mul3A_417, %parallel_loop3A_483 : i32
        %parallel_loop3A_685 = arith.index_cast %parallel_loop3A_684 : i32 to index
        %parallel_loop3A_686 = arith.constant 320 : index
        %parallel_loop3A_687 = tpu.vector_load %arg5[%parallel_loop3A_685, %parallel_loop3A_686] {strides = array<i32>} : memref<72x768xf32, #tpu.memory_space<vmem>>, vector<1x16xf32>,
        %parallel_loop3A_688 = vector.shape_cast %parallel_loop3A_687 : vector<1x16xf32> to vector<16xf32>
        %parallel_loop3A_689 = arith.index_cast %parallel_loop3A_483 : i32 to index
        %parallel_loop3A_690 = arith.constant 320 : index
        %parallel_loop3A_691 = tpu.vector_load %arg9[%parallel_loop3A_689, %parallel_loop3A_690] {strides = array<i32>} : memref<24x768xf32, #tpu.memory_space<vmem>>, vector<1x16xf32>,
        %parallel_loop3A_692 = vector.shape_cast %parallel_loop3A_691 : vector<1x16xf32> to vector<16xf32>
        %parallel_loop3A_693 = vector.shape_cast %parallel_loop3A_688 : vector<16xf32> to vector<1x16xf32>
        tpu.vector_store %arg9[%parallel_loop3A_689, %parallel_loop3A_690], %parallel_loop3A_693 {add = true, strides = array<i32>} : memref<24x768xf32, #tpu.memory_space<vmem>>, vector<1x16xf32>,
        %parallel_loop3A_694 = arith.addi %mul3A_417, %parallel_loop3A_483 : i32
        %parallel_loop3A_695 = arith.index_cast %parallel_loop3A_694 : i32 to index
        %parallel_loop3A_696 = arith.constant 336 : index
        %parallel_loop3A_697 = tpu.vector_load %arg5[%parallel_loop3A_695, %parallel_loop3A_696] {strides = array<i32>} : memref<72x768xf32, #tpu.memory_space<vmem>>, vector<1x16xf32>,
        %parallel_loop3A_698 = vector.shape_cast %parallel_loop3A_697 : vector<1x16xf32> to vector<16xf32>
        %parallel_loop3A_699 = arith.index_cast %parallel_loop3A_483 : i32 to index
        %parallel_loop3A_700 = arith.constant 336 : index
        %parallel_loop3A_701 = tpu.vector_load %arg9[%parallel_loop3A_699, %parallel_loop3A_700] {strides = array<i32>} : memref<24x768xf32, #tpu.memory_space<vmem>>, vector<1x16xf32>,
        %parallel_loop3A_702 = vector.shape_cast %parallel_loop3A_701 : vector<1x16xf32> to vector<16xf32>
        %parallel_loop3A_703 = vector.shape_cast %parallel_loop3A_698 : vector<16xf32> to vector<1x16xf32>
        tpu.vector_store %arg9[%parallel_loop3A_699, %parallel_loop3A_700], %parallel_loop3A_703 {add = true, strides = array<i32>} : memref<24x768xf32, #tpu.memory_space<vmem>>, vector<1x16xf32>,
        %parallel_loop3A_704 = arith.addi %mul3A_417, %parallel_loop3A_483 : i32
        %parallel_loop3A_705 = arith.index_cast %parallel_loop3A_704 : i32 to index
        %parallel_loop3A_706 = arith.constant 352 : index
        %parallel_loop3A_707 = tpu.vector_load %arg5[%parallel_loop3A_705, %parallel_loop3A_706] {strides = array<i32>} : memref<72x768xf32, #tpu.memory_space<vmem>>, vector<1x16xf32>,
        %parallel_loop3A_708 = vector.shape_cast %parallel_loop3A_707 : vector<1x16xf32> to vector<16xf32>
        %parallel_loop3A_709 = arith.index_cast %parallel_loop3A_483 : i32 to index
        %parallel_loop3A_710 = arith.constant 352 : index
        %parallel_loop3A_711 = tpu.vector_load %arg9[%parallel_loop3A_709, %parallel_loop3A_710] {strides = array<i32>} : memref<24x768xf32, #tpu.memory_space<vmem>>, vector<1x16xf32>,
        %parallel_loop3A_712 = vector.shape_cast %parallel_loop3A_711 : vector<1x16xf32> to vector<16xf32>
        %parallel_loop3A_713 = vector.shape_cast %parallel_loop3A_708 : vector<16xf32> to vector<1x16xf32>
        tpu.vector_store %arg9[%parallel_loop3A_709, %parallel_loop3A_710], %parallel_loop3A_713 {add = true, strides = array<i32>} : memref<24x768xf32, #tpu.memory_space<vmem>>, vector<1x16xf32>,
        %parallel_loop3A_714 = arith.addi %mul3A_417, %parallel_loop3A_483 : i32
        %parallel_loop3A_715 = arith.index_cast %parallel_loop3A_714 : i32 to index
        %parallel_loop3A_716 = arith.constant 368 : index
        %parallel_loop3A_717 = tpu.vector_load %arg5[%parallel_loop3A_715, %parallel_loop3A_716] {strides = array<i32>} : memref<72x768xf32, #tpu.memory_space<vmem>>, vector<1x16xf32>,
        %parallel_loop3A_718 = vector.shape_cast %parallel_loop3A_717 : vector<1x16xf32> to vector<16xf32>
        %parallel_loop3A_719 = arith.index_cast %parallel_loop3A_483 : i32 to index
        %parallel_loop3A_720 = arith.constant 368 : index
        %parallel_loop3A_721 = tpu.vector_load %arg9[%parallel_loop3A_719, %parallel_loop3A_720] {strides = array<i32>} : memref<24x768xf32, #tpu.memory_space<vmem>>, vector<1x16xf32>,
        %parallel_loop3A_722 = vector.shape_cast %parallel_loop3A_721 : vector<1x16xf32> to vector<16xf32>
        %parallel_loop3A_723 = vector.shape_cast %parallel_loop3A_718 : vector<16xf32> to vector<1x16xf32>
        tpu.vector_store %arg9[%parallel_loop3A_719, %parallel_loop3A_720], %parallel_loop3A_723 {add = true, strides = array<i32>} : memref<24x768xf32, #tpu.memory_space<vmem>>, vector<1x16xf32>,
        %parallel_loop3A_724 = arith.addi %mul3A_417, %parallel_loop3A_483 : i32
        %parallel_loop3A_725 = arith.index_cast %parallel_loop3A_724 : i32 to index
        %parallel_loop3A_726 = arith.constant 384 : index
        %parallel_loop3A_727 = tpu.vector_load %arg5[%parallel_loop3A_725, %parallel_loop3A_726] {strides = array<i32>} : memref<72x768xf32, #tpu.memory_space<vmem>>, vector<1x16xf32>,
        %parallel_loop3A_728 = vector.shape_cast %parallel_loop3A_727 : vector<1x16xf32> to vector<16xf32>
        %parallel_loop3A_729 = arith.index_cast %parallel_loop3A_483 : i32 to index
        %parallel_loop3A_730 = arith.constant 384 : index
        %parallel_loop3A_731 = tpu.vector_load %arg9[%parallel_loop3A_729, %parallel_loop3A_730] {strides = array<i32>} : memref<24x768xf32, #tpu.memory_space<vmem>>, vector<1x16xf32>,
        %parallel_loop3A_732 = vector.shape_cast %parallel_loop3A_731 : vector<1x16xf32> to vector<16xf32>
        %parallel_loop3A_733 = vector.shape_cast %parallel_loop3A_728 : vector<16xf32> to vector<1x16xf32>
        tpu.vector_store %arg9[%parallel_loop3A_729, %parallel_loop3A_730], %parallel_loop3A_733 {add = true, strides = array<i32>} : memref<24x768xf32, #tpu.memory_space<vmem>>, vector<1x16xf32>,
        %parallel_loop3A_734 = arith.addi %mul3A_417, %parallel_loop3A_483 : i32
        %parallel_loop3A_735 = arith.index_cast %parallel_loop3A_734 : i32 to index
        %parallel_loop3A_736 = arith.constant 400 : index
        %parallel_loop3A_737 = tpu.vector_load %arg5[%parallel_loop3A_735, %parallel_loop3A_736] {strides = array<i32>} : memref<72x768xf32, #tpu.memory_space<vmem>>, vector<1x16xf32>,
        %parallel_loop3A_738 = vector.shape_cast %parallel_loop3A_737 : vector<1x16xf32> to vector<16xf32>
        %parallel_loop3A_739 = arith.index_cast %parallel_loop3A_483 : i32 to index
        %parallel_loop3A_740 = arith.constant 400 : index
        %parallel_loop3A_741 = tpu.vector_load %arg9[%parallel_loop3A_739, %parallel_loop3A_740] {strides = array<i32>} : memref<24x768xf32, #tpu.memory_space<vmem>>, vector<1x16xf32>,
        %parallel_loop3A_742 = vector.shape_cast %parallel_loop3A_741 : vector<1x16xf32> to vector<16xf32>
        %parallel_loop3A_743 = vector.shape_cast %parallel_loop3A_738 : vector<16xf32> to vector<1x16xf32>
        tpu.vector_store %arg9[%parallel_loop3A_739, %parallel_loop3A_740], %parallel_loop3A_743 {add = true, strides = array<i32>} : memref<24x768xf32, #tpu.memory_space<vmem>>, vector<1x16xf32>,
        %parallel_loop3A_744 = arith.addi %mul3A_417, %parallel_loop3A_483 : i32
        %parallel_loop3A_745 = arith.index_cast %parallel_loop3A_744 : i32 to index
        %parallel_loop3A_746 = arith.constant 416 : index
        %parallel_loop3A_747 = tpu.vector_load %arg5[%parallel_loop3A_745, %parallel_loop3A_746] {strides = array<i32>} : memref<72x768xf32, #tpu.memory_space<vmem>>, vector<1x16xf32>,
        %parallel_loop3A_748 = vector.shape_cast %parallel_loop3A_747 : vector<1x16xf32> to vector<16xf32>
        %parallel_loop3A_749 = arith.index_cast %parallel_loop3A_483 : i32 to index
        %parallel_loop3A_750 = arith.constant 416 : index
        %parallel_loop3A_751 = tpu.vector_load %arg9[%parallel_loop3A_749, %parallel_loop3A_750] {strides = array<i32>} : memref<24x768xf32, #tpu.memory_space<vmem>>, vector<1x16xf32>,
        %parallel_loop3A_752 = vector.shape_cast %parallel_loop3A_751 : vector<1x16xf32> to vector<16xf32>
        %parallel_loop3A_753 = vector.shape_cast %parallel_loop3A_748 : vector<16xf32> to vector<1x16xf32>
        tpu.vector_store %arg9[%parallel_loop3A_749, %parallel_loop3A_750], %parallel_loop3A_753 {add = true, strides = array<i32>} : memref<24x768xf32, #tpu.memory_space<vmem>>, vector<1x16xf32>,
        %parallel_loop3A_754 = arith.addi %mul3A_417, %parallel_loop3A_483 : i32
        %parallel_loop3A_755 = arith.index_cast %parallel_loop3A_754 : i32 to index
        %parallel_loop3A_756 = arith.constant 432 : index
        %parallel_loop3A_757 = tpu.vector_load %arg5[%parallel_loop3A_755, %parallel_loop3A_756] {strides = array<i32>} : memref<72x768xf32, #tpu.memory_space<vmem>>, vector<1x16xf32>,
        %parallel_loop3A_758 = vector.shape_cast %parallel_loop3A_757 : vector<1x16xf32> to vector<16xf32>
        %parallel_loop3A_759 = arith.index_cast %parallel_loop3A_483 : i32 to index
        %parallel_loop3A_760 = arith.constant 432 : index
        %parallel_loop3A_761 = tpu.vector_load %arg9[%parallel_loop3A_759, %parallel_loop3A_760] {strides = array<i32>} : memref<24x768xf32, #tpu.memory_space<vmem>>, vector<1x16xf32>,
        %parallel_loop3A_762 = vector.shape_cast %parallel_loop3A_761 : vector<1x16xf32> to vector<16xf32>
        %parallel_loop3A_763 = vector.shape_cast %parallel_loop3A_758 : vector<16xf32> to vector<1x16xf32>
        tpu.vector_store %arg9[%parallel_loop3A_759, %parallel_loop3A_760], %parallel_loop3A_763 {add = true, strides = array<i32>} : memref<24x768xf32, #tpu.memory_space<vmem>>, vector<1x16xf32>,
        %parallel_loop3A_764 = arith.addi %mul3A_417, %parallel_loop3A_483 : i32
        %parallel_loop3A_765 = arith.index_cast %parallel_loop3A_764 : i32 to index
        %parallel_loop3A_766 = arith.constant 448 : index
        %parallel_loop3A_767 = tpu.vector_load %arg5[%parallel_loop3A_765, %parallel_loop3A_766] {strides = array<i32>} : memref<72x768xf32, #tpu.memory_space<vmem>>, vector<1x16xf32>,
        %parallel_loop3A_768 = vector.shape_cast %parallel_loop3A_767 : vector<1x16xf32> to vector<16xf32>
        %parallel_loop3A_769 = arith.index_cast %parallel_loop3A_483 : i32 to index
        %parallel_loop3A_770 = arith.constant 448 : index
        %parallel_loop3A_771 = tpu.vector_load %arg9[%parallel_loop3A_769, %parallel_loop3A_770] {strides = array<i32>} : memref<24x768xf32, #tpu.memory_space<vmem>>, vector<1x16xf32>,
        %parallel_loop3A_772 = vector.shape_cast %parallel_loop3A_771 : vector<1x16xf32> to vector<16xf32>
        %parallel_loop3A_773 = vector.shape_cast %parallel_loop3A_768 : vector<16xf32> to vector<1x16xf32>
        tpu.vector_store %arg9[%parallel_loop3A_769, %parallel_loop3A_770], %parallel_loop3A_773 {add = true, strides = array<i32>} : memref<24x768xf32, #tpu.memory_space<vmem>>, vector<1x16xf32>,
        %parallel_loop3A_774 = arith.addi %mul3A_417, %parallel_loop3A_483 : i32
        %parallel_loop3A_775 = arith.index_cast %parallel_loop3A_774 : i32 to index
        %parallel_loop3A_776 = arith.constant 464 : index
        %parallel_loop3A_777 = tpu.vector_load %arg5[%parallel_loop3A_775, %parallel_loop3A_776] {strides = array<i32>} : memref<72x768xf32, #tpu.memory_space<vmem>>, vector<1x16xf32>,
        %parallel_loop3A_778 = vector.shape_cast %parallel_loop3A_777 : vector<1x16xf32> to vector<16xf32>
        %parallel_loop3A_779 = arith.index_cast %parallel_loop3A_483 : i32 to index
        %parallel_loop3A_780 = arith.constant 464 : index
        %parallel_loop3A_781 = tpu.vector_load %arg9[%parallel_loop3A_779, %parallel_loop3A_780] {strides = array<i32>} : memref<24x768xf32, #tpu.memory_space<vmem>>, vector<1x16xf32>,
        %parallel_loop3A_782 = vector.shape_cast %parallel_loop3A_781 : vector<1x16xf32> to vector<16xf32>
        %parallel_loop3A_783 = vector.shape_cast %parallel_loop3A_778 : vector<16xf32> to vector<1x16xf32>
        tpu.vector_store %arg9[%parallel_loop3A_779, %parallel_loop3A_780], %parallel_loop3A_783 {add = true, strides = array<i32>} : memref<24x768xf32, #tpu.memory_space<vmem>>, vector<1x16xf32>,
        %parallel_loop3A_784 = arith.addi %mul3A_417, %parallel_loop3A_483 : i32
        %parallel_loop3A_785 = arith.index_cast %parallel_loop3A_784 : i32 to index
        %parallel_loop3A_786 = arith.constant 480 : index
        %parallel_loop3A_787 = tpu.vector_load %arg5[%parallel_loop3A_785, %parallel_loop3A_786] {strides = array<i32>} : memref<72x768xf32, #tpu.memory_space<vmem>>, vector<1x16xf32>,
        %parallel_loop3A_788 = vector.shape_cast %parallel_loop3A_787 : vector<1x16xf32> to vector<16xf32>
        %parallel_loop3A_789 = arith.index_cast %parallel_loop3A_483 : i32 to index
        %parallel_loop3A_790 = arith.constant 480 : index
        %parallel_loop3A_791 = tpu.vector_load %arg9[%parallel_loop3A_789, %parallel_loop3A_790] {strides = array<i32>} : memref<24x768xf32, #tpu.memory_space<vmem>>, vector<1x16xf32>,
        %parallel_loop3A_792 = vector.shape_cast %parallel_loop3A_791 : vector<1x16xf32> to vector<16xf32>
        %parallel_loop3A_793 = vector.shape_cast %parallel_loop3A_788 : vector<16xf32> to vector<1x16xf32>
        tpu.vector_store %arg9[%parallel_loop3A_789, %parallel_loop3A_790], %parallel_loop3A_793 {add = true, strides = array<i32>} : memref<24x768xf32, #tpu.memory_space<vmem>>, vector<1x16xf32>,
        %parallel_loop3A_794 = arith.addi %mul3A_417, %parallel_loop3A_483 : i32
        %parallel_loop3A_795 = arith.index_cast %parallel_loop3A_794 : i32 to index
        %parallel_loop3A_796 = arith.constant 496 : index
        %parallel_loop3A_797 = tpu.vector_load %arg5[%parallel_loop3A_795, %parallel_loop3A_796] {strides = array<i32>} : memref<72x768xf32, #tpu.memory_space<vmem>>, vector<1x16xf32>,
        %parallel_loop3A_798 = vector.shape_cast %parallel_loop3A_797 : vector<1x16xf32> to vector<16xf32>
        %parallel_loop3A_799 = arith.index_cast %parallel_loop3A_483 : i32 to index
        %parallel_loop3A_800 = arith.constant 496 : index
        %parallel_loop3A_801 = tpu.vector_load %arg9[%parallel_loop3A_799, %parallel_loop3A_800] {strides = array<i32>} : memref<24x768xf32, #tpu.memory_space<vmem>>, vector<1x16xf32>,
        %parallel_loop3A_802 = vector.shape_cast %parallel_loop3A_801 : vector<1x16xf32> to vector<16xf32>
        %parallel_loop3A_803 = vector.shape_cast %parallel_loop3A_798 : vector<16xf32> to vector<1x16xf32>
        tpu.vector_store %arg9[%parallel_loop3A_799, %parallel_loop3A_800], %parallel_loop3A_803 {add = true, strides = array<i32>} : memref<24x768xf32, #tpu.memory_space<vmem>>, vector<1x16xf32>,
        %parallel_loop3A_804 = arith.addi %mul3A_417, %parallel_loop3A_483 : i32
        %parallel_loop3A_805 = arith.index_cast %parallel_loop3A_804 : i32 to index
        %parallel_loop3A_806 = arith.constant 512 : index
        %parallel_loop3A_807 = tpu.vector_load %arg5[%parallel_loop3A_805, %parallel_loop3A_806] {strides = array<i32>} : memref<72x768xf32, #tpu.memory_space<vmem>>, vector<1x16xf32>,
        %parallel_loop3A_808 = vector.shape_cast %parallel_loop3A_807 : vector<1x16xf32> to vector<16xf32>
        %parallel_loop3A_809 = arith.index_cast %parallel_loop3A_483 : i32 to index
        %parallel_loop3A_810 = arith.constant 512 : index
        %parallel_loop3A_811 = tpu.vector_load %arg9[%parallel_loop3A_809, %parallel_loop3A_810] {strides = array<i32>} : memref<24x768xf32, #tpu.memory_space<vmem>>, vector<1x16xf32>,
        %parallel_loop3A_812 = vector.shape_cast %parallel_loop3A_811 : vector<1x16xf32> to vector<16xf32>
        %parallel_loop3A_813 = vector.shape_cast %parallel_loop3A_808 : vector<16xf32> to vector<1x16xf32>
        tpu.vector_store %arg9[%parallel_loop3A_809, %parallel_loop3A_810], %parallel_loop3A_813 {add = true, strides = array<i32>} : memref<24x768xf32, #tpu.memory_space<vmem>>, vector<1x16xf32>,
        %parallel_loop3A_814 = arith.addi %mul3A_417, %parallel_loop3A_483 : i32
        %parallel_loop3A_815 = arith.index_cast %parallel_loop3A_814 : i32 to index
        %parallel_loop3A_816 = arith.constant 528 : index
        %parallel_loop3A_817 = tpu.vector_load %arg5[%parallel_loop3A_815, %parallel_loop3A_816] {strides = array<i32>} : memref<72x768xf32, #tpu.memory_space<vmem>>, vector<1x16xf32>,
        %parallel_loop3A_818 = vector.shape_cast %parallel_loop3A_817 : vector<1x16xf32> to vector<16xf32>
        %parallel_loop3A_819 = arith.index_cast %parallel_loop3A_483 : i32 to index
        %parallel_loop3A_820 = arith.constant 528 : index
        %parallel_loop3A_821 = tpu.vector_load %arg9[%parallel_loop3A_819, %parallel_loop3A_820] {strides = array<i32>} : memref<24x768xf32, #tpu.memory_space<vmem>>, vector<1x16xf32>,
        %parallel_loop3A_822 = vector.shape_cast %parallel_loop3A_821 : vector<1x16xf32> to vector<16xf32>
        %parallel_loop3A_823 = vector.shape_cast %parallel_loop3A_818 : vector<16xf32> to vector<1x16xf32>
        tpu.vector_store %arg9[%parallel_loop3A_819, %parallel_loop3A_820], %parallel_loop3A_823 {add = true, strides = array<i32>} : memref<24x768xf32, #tpu.memory_space<vmem>>, vector<1x16xf32>,
        %parallel_loop3A_824 = arith.addi %mul3A_417, %parallel_loop3A_483 : i32
        %parallel_loop3A_825 = arith.index_cast %parallel_loop3A_824 : i32 to index
        %parallel_loop3A_826 = arith.constant 544 : index
        %parallel_loop3A_827 = tpu.vector_load %arg5[%parallel_loop3A_825, %parallel_loop3A_826] {strides = array<i32>} : memref<72x768xf32, #tpu.memory_space<vmem>>, vector<1x16xf32>,
        %parallel_loop3A_828 = vector.shape_cast %parallel_loop3A_827 : vector<1x16xf32> to vector<16xf32>
        %parallel_loop3A_829 = arith.index_cast %parallel_loop3A_483 : i32 to index
        %parallel_loop3A_830 = arith.constant 544 : index
        %parallel_loop3A_831 = tpu.vector_load %arg9[%parallel_loop3A_829, %parallel_loop3A_830] {strides = array<i32>} : memref<24x768xf32, #tpu.memory_space<vmem>>, vector<1x16xf32>,
        %parallel_loop3A_832 = vector.shape_cast %parallel_loop3A_831 : vector<1x16xf32> to vector<16xf32>
        %parallel_loop3A_833 = vector.shape_cast %parallel_loop3A_828 : vector<16xf32> to vector<1x16xf32>
        tpu.vector_store %arg9[%parallel_loop3A_829, %parallel_loop3A_830], %parallel_loop3A_833 {add = true, strides = array<i32>} : memref<24x768xf32, #tpu.memory_space<vmem>>, vector<1x16xf32>,
        %parallel_loop3A_834 = arith.addi %mul3A_417, %parallel_loop3A_483 : i32
        %parallel_loop3A_835 = arith.index_cast %parallel_loop3A_834 : i32 to index
        %parallel_loop3A_836 = arith.constant 560 : index
        %parallel_loop3A_837 = tpu.vector_load %arg5[%parallel_loop3A_835, %parallel_loop3A_836] {strides = array<i32>} : memref<72x768xf32, #tpu.memory_space<vmem>>, vector<1x16xf32>,
        %parallel_loop3A_838 = vector.shape_cast %parallel_loop3A_837 : vector<1x16xf32> to vector<16xf32>
        %parallel_loop3A_839 = arith.index_cast %parallel_loop3A_483 : i32 to index
        %parallel_loop3A_840 = arith.constant 560 : index
        %parallel_loop3A_841 = tpu.vector_load %arg9[%parallel_loop3A_839, %parallel_loop3A_840] {strides = array<i32>} : memref<24x768xf32, #tpu.memory_space<vmem>>, vector<1x16xf32>,
        %parallel_loop3A_842 = vector.shape_cast %parallel_loop3A_841 : vector<1x16xf32> to vector<16xf32>
        %parallel_loop3A_843 = vector.shape_cast %parallel_loop3A_838 : vector<16xf32> to vector<1x16xf32>
        tpu.vector_store %arg9[%parallel_loop3A_839, %parallel_loop3A_840], %parallel_loop3A_843 {add = true, strides = array<i32>} : memref<24x768xf32, #tpu.memory_space<vmem>>, vector<1x16xf32>,
        %parallel_loop3A_844 = arith.addi %mul3A_417, %parallel_loop3A_483 : i32
        %parallel_loop3A_845 = arith.index_cast %parallel_loop3A_844 : i32 to index
        %parallel_loop3A_846 = arith.constant 576 : index
        %parallel_loop3A_847 = tpu.vector_load %arg5[%parallel_loop3A_845, %parallel_loop3A_846] {strides = array<i32>} : memref<72x768xf32, #tpu.memory_space<vmem>>, vector<1x16xf32>,
        %parallel_loop3A_848 = vector.shape_cast %parallel_loop3A_847 : vector<1x16xf32> to vector<16xf32>
        %parallel_loop3A_849 = arith.index_cast %parallel_loop3A_483 : i32 to index
        %parallel_loop3A_850 = arith.constant 576 : index
        %parallel_loop3A_851 = tpu.vector_load %arg9[%parallel_loop3A_849, %parallel_loop3A_850] {strides = array<i32>} : memref<24x768xf32, #tpu.memory_space<vmem>>, vector<1x16xf32>,
        %parallel_loop3A_852 = vector.shape_cast %parallel_loop3A_851 : vector<1x16xf32> to vector<16xf32>
        %parallel_loop3A_853 = vector.shape_cast %parallel_loop3A_848 : vector<16xf32> to vector<1x16xf32>
        tpu.vector_store %arg9[%parallel_loop3A_849, %parallel_loop3A_850], %parallel_loop3A_853 {add = true, strides = array<i32>} : memref<24x768xf32, #tpu.memory_space<vmem>>, vector<1x16xf32>,
        %parallel_loop3A_854 = arith.addi %mul3A_417, %parallel_loop3A_483 : i32
        %parallel_loop3A_855 = arith.index_cast %parallel_loop3A_854 : i32 to index
        %parallel_loop3A_856 = arith.constant 592 : index
        %parallel_loop3A_857 = tpu.vector_load %arg5[%parallel_loop3A_855, %parallel_loop3A_856] {strides = array<i32>} : memref<72x768xf32, #tpu.memory_space<vmem>>, vector<1x16xf32>,
        %parallel_loop3A_858 = vector.shape_cast %parallel_loop3A_857 : vector<1x16xf32> to vector<16xf32>
        %parallel_loop3A_859 = arith.index_cast %parallel_loop3A_483 : i32 to index
        %parallel_loop3A_860 = arith.constant 592 : index
        %parallel_loop3A_861 = tpu.vector_load %arg9[%parallel_loop3A_859, %parallel_loop3A_860] {strides = array<i32>} : memref<24x768xf32, #tpu.memory_space<vmem>>, vector<1x16xf32>,
        %parallel_loop3A_862 = vector.shape_cast %parallel_loop3A_861 : vector<1x16xf32> to vector<16xf32>
        %parallel_loop3A_863 = vector.shape_cast %parallel_loop3A_858 : vector<16xf32> to vector<1x16xf32>
        tpu.vector_store %arg9[%parallel_loop3A_859, %parallel_loop3A_860], %parallel_loop3A_863 {add = true, strides = array<i32>} : memref<24x768xf32, #tpu.memory_space<vmem>>, vector<1x16xf32>,
        %parallel_loop3A_864 = arith.addi %mul3A_417, %parallel_loop3A_483 : i32
        %parallel_loop3A_865 = arith.index_cast %parallel_loop3A_864 : i32 to index
        %parallel_loop3A_866 = arith.constant 608 : index
        %parallel_loop3A_867 = tpu.vector_load %arg5[%parallel_loop3A_865, %parallel_loop3A_866] {strides = array<i32>} : memref<72x768xf32, #tpu.memory_space<vmem>>, vector<1x16xf32>,
        %parallel_loop3A_868 = vector.shape_cast %parallel_loop3A_867 : vector<1x16xf32> to vector<16xf32>
        %parallel_loop3A_869 = arith.index_cast %parallel_loop3A_483 : i32 to index
        %parallel_loop3A_870 = arith.constant 608 : index
        %parallel_loop3A_871 = tpu.vector_load %arg9[%parallel_loop3A_869, %parallel_loop3A_870] {strides = array<i32>} : memref<24x768xf32, #tpu.memory_space<vmem>>, vector<1x16xf32>,
        %parallel_loop3A_872 = vector.shape_cast %parallel_loop3A_871 : vector<1x16xf32> to vector<16xf32>
        %parallel_loop3A_873 = vector.shape_cast %parallel_loop3A_868 : vector<16xf32> to vector<1x16xf32>
        tpu.vector_store %arg9[%parallel_loop3A_869, %parallel_loop3A_870], %parallel_loop3A_873 {add = true, strides = array<i32>} : memref<24x768xf32, #tpu.memory_space<vmem>>, vector<1x16xf32>,
        %parallel_loop3A_874 = arith.addi %mul3A_417, %parallel_loop3A_483 : i32
        %parallel_loop3A_875 = arith.index_cast %parallel_loop3A_874 : i32 to index
        %parallel_loop3A_876 = arith.constant 624 : index
        %parallel_loop3A_877 = tpu.vector_load %arg5[%parallel_loop3A_875, %parallel_loop3A_876] {strides = array<i32>} : memref<72x768xf32, #tpu.memory_space<vmem>>, vector<1x16xf32>,
        %parallel_loop3A_878 = vector.shape_cast %parallel_loop3A_877 : vector<1x16xf32> to vector<16xf32>
        %parallel_loop3A_879 = arith.index_cast %parallel_loop3A_483 : i32 to index
        %parallel_loop3A_880 = arith.constant 624 : index
        %parallel_loop3A_881 = tpu.vector_load %arg9[%parallel_loop3A_879, %parallel_loop3A_880] {strides = array<i32>} : memref<24x768xf32, #tpu.memory_space<vmem>>, vector<1x16xf32>,
        %parallel_loop3A_882 = vector.shape_cast %parallel_loop3A_881 : vector<1x16xf32> to vector<16xf32>
        %parallel_loop3A_883 = vector.shape_cast %parallel_loop3A_878 : vector<16xf32> to vector<1x16xf32>
        tpu.vector_store %arg9[%parallel_loop3A_879, %parallel_loop3A_880], %parallel_loop3A_883 {add = true, strides = array<i32>} : memref<24x768xf32, #tpu.memory_space<vmem>>, vector<1x16xf32>,
        %parallel_loop3A_884 = arith.addi %mul3A_417, %parallel_loop3A_483 : i32
        %parallel_loop3A_885 = arith.index_cast %parallel_loop3A_884 : i32 to index
        %parallel_loop3A_886 = arith.constant 640 : index
        %parallel_loop3A_887 = tpu.vector_load %arg5[%parallel_loop3A_885, %parallel_loop3A_886] {strides = array<i32>} : memref<72x768xf32, #tpu.memory_space<vmem>>, vector<1x16xf32>,
        %parallel_loop3A_888 = vector.shape_cast %parallel_loop3A_887 : vector<1x16xf32> to vector<16xf32>
        %parallel_loop3A_889 = arith.index_cast %parallel_loop3A_483 : i32 to index
        %parallel_loop3A_890 = arith.constant 640 : index
        %parallel_loop3A_891 = tpu.vector_load %arg9[%parallel_loop3A_889, %parallel_loop3A_890] {strides = array<i32>} : memref<24x768xf32, #tpu.memory_space<vmem>>, vector<1x16xf32>,
        %parallel_loop3A_892 = vector.shape_cast %parallel_loop3A_891 : vector<1x16xf32> to vector<16xf32>
        %parallel_loop3A_893 = vector.shape_cast %parallel_loop3A_888 : vector<16xf32> to vector<1x16xf32>
        tpu.vector_store %arg9[%parallel_loop3A_889, %parallel_loop3A_890], %parallel_loop3A_893 {add = true, strides = array<i32>} : memref<24x768xf32, #tpu.memory_space<vmem>>, vector<1x16xf32>,
        %parallel_loop3A_894 = arith.addi %mul3A_417, %parallel_loop3A_483 : i32
        %parallel_loop3A_895 = arith.index_cast %parallel_loop3A_894 : i32 to index
        %parallel_loop3A_896 = arith.constant 656 : index
        %parallel_loop3A_897 = tpu.vector_load %arg5[%parallel_loop3A_895, %parallel_loop3A_896] {strides = array<i32>} : memref<72x768xf32, #tpu.memory_space<vmem>>, vector<1x16xf32>,
        %parallel_loop3A_898 = vector.shape_cast %parallel_loop3A_897 : vector<1x16xf32> to vector<16xf32>
        %parallel_loop3A_899 = arith.index_cast %parallel_loop3A_483 : i32 to index
        %parallel_loop3A_900 = arith.constant 656 : index
        %parallel_loop3A_901 = tpu.vector_load %arg9[%parallel_loop3A_899, %parallel_loop3A_900] {strides = array<i32>} : memref<24x768xf32, #tpu.memory_space<vmem>>, vector<1x16xf32>,
        %parallel_loop3A_902 = vector.shape_cast %parallel_loop3A_901 : vector<1x16xf32> to vector<16xf32>
        %parallel_loop3A_903 = vector.shape_cast %parallel_loop3A_898 : vector<16xf32> to vector<1x16xf32>
        tpu.vector_store %arg9[%parallel_loop3A_899, %parallel_loop3A_900], %parallel_loop3A_903 {add = true, strides = array<i32>} : memref<24x768xf32, #tpu.memory_space<vmem>>, vector<1x16xf32>,
        %parallel_loop3A_904 = arith.addi %mul3A_417, %parallel_loop3A_483 : i32
        %parallel_loop3A_905 = arith.index_cast %parallel_loop3A_904 : i32 to index
        %parallel_loop3A_906 = arith.constant 672 : index
        %parallel_loop3A_907 = tpu.vector_load %arg5[%parallel_loop3A_905, %parallel_loop3A_906] {strides = array<i32>} : memref<72x768xf32, #tpu.memory_space<vmem>>, vector<1x16xf32>,
        %parallel_loop3A_908 = vector.shape_cast %parallel_loop3A_907 : vector<1x16xf32> to vector<16xf32>
        %parallel_loop3A_909 = arith.index_cast %parallel_loop3A_483 : i32 to index
        %parallel_loop3A_910 = arith.constant 672 : index
        %parallel_loop3A_911 = tpu.vector_load %arg9[%parallel_loop3A_909, %parallel_loop3A_910] {strides = array<i32>} : memref<24x768xf32, #tpu.memory_space<vmem>>, vector<1x16xf32>,
        %parallel_loop3A_912 = vector.shape_cast %parallel_loop3A_911 : vector<1x16xf32> to vector<16xf32>
        %parallel_loop3A_913 = vector.shape_cast %parallel_loop3A_908 : vector<16xf32> to vector<1x16xf32>
        tpu.vector_store %arg9[%parallel_loop3A_909, %parallel_loop3A_910], %parallel_loop3A_913 {add = true, strides = array<i32>} : memref<24x768xf32, #tpu.memory_space<vmem>>, vector<1x16xf32>,
        %parallel_loop3A_914 = arith.addi %mul3A_417, %parallel_loop3A_483 : i32
        %parallel_loop3A_915 = arith.index_cast %parallel_loop3A_914 : i32 to index
        %parallel_loop3A_916 = arith.constant 688 : index
        %parallel_loop3A_917 = tpu.vector_load %arg5[%parallel_loop3A_915, %parallel_loop3A_916] {strides = array<i32>} : memref<72x768xf32, #tpu.memory_space<vmem>>, vector<1x16xf32>,
        %parallel_loop3A_918 = vector.shape_cast %parallel_loop3A_917 : vector<1x16xf32> to vector<16xf32>
        %parallel_loop3A_919 = arith.index_cast %parallel_loop3A_483 : i32 to index
        %parallel_loop3A_920 = arith.constant 688 : index
        %parallel_loop3A_921 = tpu.vector_load %arg9[%parallel_loop3A_919, %parallel_loop3A_920] {strides = array<i32>} : memref<24x768xf32, #tpu.memory_space<vmem>>, vector<1x16xf32>,
        %parallel_loop3A_922 = vector.shape_cast %parallel_loop3A_921 : vector<1x16xf32> to vector<16xf32>
        %parallel_loop3A_923 = vector.shape_cast %parallel_loop3A_918 : vector<16xf32> to vector<1x16xf32>
        tpu.vector_store %arg9[%parallel_loop3A_919, %parallel_loop3A_920], %parallel_loop3A_923 {add = true, strides = array<i32>} : memref<24x768xf32, #tpu.memory_space<vmem>>, vector<1x16xf32>,
        %parallel_loop3A_924 = arith.addi %mul3A_417, %parallel_loop3A_483 : i32
        %parallel_loop3A_925 = arith.index_cast %parallel_loop3A_924 : i32 to index
        %parallel_loop3A_926 = arith.constant 704 : index
        %parallel_loop3A_927 = tpu.vector_load %arg5[%parallel_loop3A_925, %parallel_loop3A_926] {strides = array<i32>} : memref<72x768xf32, #tpu.memory_space<vmem>>, vector<1x16xf32>,
        %parallel_loop3A_928 = vector.shape_cast %parallel_loop3A_927 : vector<1x16xf32> to vector<16xf32>
        %parallel_loop3A_929 = arith.index_cast %parallel_loop3A_483 : i32 to index
        %parallel_loop3A_930 = arith.constant 704 : index
        %parallel_loop3A_931 = tpu.vector_load %arg9[%parallel_loop3A_929, %parallel_loop3A_930] {strides = array<i32>} : memref<24x768xf32, #tpu.memory_space<vmem>>, vector<1x16xf32>,
        %parallel_loop3A_932 = vector.shape_cast %parallel_loop3A_931 : vector<1x16xf32> to vector<16xf32>
        %parallel_loop3A_933 = vector.shape_cast %parallel_loop3A_928 : vector<16xf32> to vector<1x16xf32>
        tpu.vector_store %arg9[%parallel_loop3A_929, %parallel_loop3A_930], %parallel_loop3A_933 {add = true, strides = array<i32>} : memref<24x768xf32, #tpu.memory_space<vmem>>, vector<1x16xf32>,
        %parallel_loop3A_934 = arith.addi %mul3A_417, %parallel_loop3A_483 : i32
        %parallel_loop3A_935 = arith.index_cast %parallel_loop3A_934 : i32 to index
        %parallel_loop3A_936 = arith.constant 720 : index
        %parallel_loop3A_937 = tpu.vector_load %arg5[%parallel_loop3A_935, %parallel_loop3A_936] {strides = array<i32>} : memref<72x768xf32, #tpu.memory_space<vmem>>, vector<1x16xf32>,
        %parallel_loop3A_938 = vector.shape_cast %parallel_loop3A_937 : vector<1x16xf32> to vector<16xf32>
        %parallel_loop3A_939 = arith.index_cast %parallel_loop3A_483 : i32 to index
        %parallel_loop3A_940 = arith.constant 720 : index
        %parallel_loop3A_941 = tpu.vector_load %arg9[%parallel_loop3A_939, %parallel_loop3A_940] {strides = array<i32>} : memref<24x768xf32, #tpu.memory_space<vmem>>, vector<1x16xf32>,
        %parallel_loop3A_942 = vector.shape_cast %parallel_loop3A_941 : vector<1x16xf32> to vector<16xf32>
        %parallel_loop3A_943 = vector.shape_cast %parallel_loop3A_938 : vector<16xf32> to vector<1x16xf32>
        tpu.vector_store %arg9[%parallel_loop3A_939, %parallel_loop3A_940], %parallel_loop3A_943 {add = true, strides = array<i32>} : memref<24x768xf32, #tpu.memory_space<vmem>>, vector<1x16xf32>,
        %parallel_loop3A_944 = arith.addi %mul3A_417, %parallel_loop3A_483 : i32
        %parallel_loop3A_945 = arith.index_cast %parallel_loop3A_944 : i32 to index
        %parallel_loop3A_946 = arith.constant 736 : index
        %parallel_loop3A_947 = tpu.vector_load %arg5[%parallel_loop3A_945, %parallel_loop3A_946] {strides = array<i32>} : memref<72x768xf32, #tpu.memory_space<vmem>>, vector<1x16xf32>,
        %parallel_loop3A_948 = vector.shape_cast %parallel_loop3A_947 : vector<1x16xf32> to vector<16xf32>
        %parallel_loop3A_949 = arith.index_cast %parallel_loop3A_483 : i32 to index
        %parallel_loop3A_950 = arith.constant 736 : index
        %parallel_loop3A_951 = tpu.vector_load %arg9[%parallel_loop3A_949, %parallel_loop3A_950] {strides = array<i32>} : memref<24x768xf32, #tpu.memory_space<vmem>>, vector<1x16xf32>,
        %parallel_loop3A_952 = vector.shape_cast %parallel_loop3A_951 : vector<1x16xf32> to vector<16xf32>
        %parallel_loop3A_953 = vector.shape_cast %parallel_loop3A_948 : vector<16xf32> to vector<1x16xf32>
        tpu.vector_store %arg9[%parallel_loop3A_949, %parallel_loop3A_950], %parallel_loop3A_953 {add = true, strides = array<i32>} : memref<24x768xf32, #tpu.memory_space<vmem>>, vector<1x16xf32>,
        %parallel_loop3A_954 = arith.addi %mul3A_417, %parallel_loop3A_483 : i32
        %parallel_loop3A_955 = arith.index_cast %parallel_loop3A_954 : i32 to index
        %parallel_loop3A_956 = arith.constant 752 : index
        %parallel_loop3A_957 = tpu.vector_load %arg5[%parallel_loop3A_955, %parallel_loop3A_956] {strides = array<i32>} : memref<72x768xf32, #tpu.memory_space<vmem>>, vector<1x16xf32>,
        %parallel_loop3A_958 = vector.shape_cast %parallel_loop3A_957 : vector<1x16xf32> to vector<16xf32>
        %parallel_loop3A_959 = arith.index_cast %parallel_loop3A_483 : i32 to index
        %parallel_loop3A_960 = arith.constant 752 : index
        %parallel_loop3A_961 = tpu.vector_load %arg9[%parallel_loop3A_959, %parallel_loop3A_960] {strides = array<i32>} : memref<24x768xf32, #tpu.memory_space<vmem>>, vector<1x16xf32>,
        %parallel_loop3A_962 = vector.shape_cast %parallel_loop3A_961 : vector<1x16xf32> to vector<16xf32>
        %parallel_loop3A_963 = vector.shape_cast %parallel_loop3A_958 : vector<16xf32> to vector<1x16xf32>
        tpu.vector_store %arg9[%parallel_loop3A_959, %parallel_loop3A_960], %parallel_loop3A_963 {add = true, strides = array<i32>} : memref<24x768xf32, #tpu.memory_space<vmem>>, vector<1x16xf32>,
      } {sc.loop_unroll_factor = 1 : i64, sc.parallel_access}
      %mul3A_421 = arith.constant 16 : i32
      %mul3A_422 = arith.muli %select_n3A, %mul3A_421 : i32
      %jit3A_423 = arith.constant 3 : i32
      %div3A_424 = arith.divsi %add3A_393, %jit3A_423 : i32
      %sign3A_425 = arith.constant 0 : i32
      %sign3A_426 = arith.cmpi sgt, %add3A_393, %sign3A_425 : i32
      %sign3A_427 = arith.extui %sign3A_426 : i1 to i32
      %sign3A_428 = arith.constant 0 : i32
      %sign3A_429 = arith.cmpi slt, %add3A_393, %sign3A_428 : i32
      %sign3A_430 = arith.extui %sign3A_429 : i1 to i32
      %sign3A_431 = arith.subi %sign3A_427, %sign3A_430 : i32
      %sign3A_432 = arith.constant 0 : i32
      %sign3A_433 = arith.cmpi sgt, %jit3A_423, %sign3A_432 : i32
      %sign3A_434 = arith.extui %sign3A_433 : i1 to i32
      %sign3A_435 = arith.constant 0 : i32
      %sign3A_436 = arith.cmpi slt, %jit3A_423, %sign3A_435 : i32
      %sign3A_437 = arith.extui %sign3A_436 : i1 to i32
      %sign3A_438 = arith.subi %sign3A_434, %sign3A_437 : i32
      %ne3A_439 = arith.cmpi ne, %sign3A_431, %sign3A_438 : i32
      %rem3A_440 = arith.remsi %add3A_393, %jit3A_423 : i32
      %ne3A_441 = arith.constant 0 : i32
      %ne3A_442 = arith.cmpi ne, %rem3A_440, %ne3A_441 : i32
      %and3A_443 = arith.andi %ne3A_439, %ne3A_442 : i1
      %sub3A_444 = arith.constant 1 : i32
      %sub3A_445 = arith.subi %div3A_424, %sub3A_444 : i32
      %select_n3A_446 = arith.select %and3A_443, %sub3A_445, %div3A_424 : i32
      %add3A_447 = arith.addi %mul3A_422, %select_n3A_446 : i32
      %jit3A_448 = arith.constant 3 : i32
      %eq3A_449 = arith.constant 0 : i32
      %eq3A_450 = arith.cmpi eq, %jit3A_448, %eq3A_449 : i32
      %jit3A_451 = arith.constant 1 : i32
      %select_n3A_452 = arith.select %eq3A_450, %jit3A_451, %jit3A_448 : i32
      %rem3A_453 = arith.remsi %add3A_393, %select_n3A_452 : i32
      %ne3A_454 = arith.constant 0 : i32
      %ne3A_455 = arith.cmpi ne, %rem3A_453, %ne3A_454 : i32
      %lt3A_456 = arith.constant 0 : i32
      %lt3A_457 = arith.cmpi slt, %rem3A_453, %lt3A_456 : i32
      %lt3A_458 = arith.constant 0 : i32
      %lt3A_459 = arith.cmpi slt, %select_n3A_452, %lt3A_458 : i32
      %ne3A_460 = arith.xori %lt3A_457, %lt3A_459 : i1
      %and3A_461 = arith.andi %ne3A_460, %ne3A_455 : i1
      %add3A_462 = arith.addi %rem3A_453, %select_n3A_452 : i32
      %select_n3A_463 = arith.select %and3A_461, %add3A_462, %rem3A_453 : i32
      %mul3A_464 = arith.constant 576 : i32
      %mul3A_465 = arith.muli %add3A_447, %mul3A_464 : i32
      %mul3A_466 = arith.constant 72 : i32
      %mul3A_467 = arith.muli %select_n3A_30, %mul3A_466 : i32
      %add3A_468 = arith.addi %mul3A_465, %mul3A_467 : i32
      %mul3A_469 = arith.constant 24 : i32
      %mul3A_470 = arith.muli %select_n3A_463, %mul3A_469 : i32
      %add3A_471 = arith.addi %add3A_468, %mul3A_470 : i32
      %dma_start3A_472 = arith.constant 0 : i32
      %dma_start3A_473 = tpu.memref_slice %arg4[%add3A_471, %dma_start3A_472] : memref<36864x768xf32, #tpu.memory_space<hbm>> -> memref<24x768xf32, #tpu.memory_space<hbm>>
      %dma_start3A_474 = arith.constant 0 : i32
      %dma_start3A_475 = tpu.memref_slice %arg4[%add3A_471, %dma_start3A_474] : memref<36864x768xf32, #tpu.memory_space<hbm>> -> memref<24x768xf32, #tpu.memory_space<hbm>>
      tpu.enqueue_dma source(%arg9 : memref<24x768xf32, #tpu.memory_space<vmem>>) target(%dma_start3A_475 : memref<24x768xf32, #tpu.memory_space<hbm>>) target_semaphore(%arg17 : memref<!tpu.dma_semaphore, #tpu.memory_space<semaphore_mem>>)
      %add3A_476 = arith.constant 3 : i32
      %add3A_477 = arith.addi %add3A_393, %add3A_476 : i32
      %lt3A_478 = arith.constant 48 : i32
      %lt3A_479 = arith.cmpi slt, %add3A_477, %lt3A_478 : i32
      %convert_element_type3A_480 = arith.extui %lt3A_479 : i1 to i32
      %cond3A_481 = arith.constant 0 : i32
      %cond3A_482 = arith.cmpi ne, %convert_element_type3A_480, %cond3A_481 : i32
      scf.if %cond3A_482 {
        %ge3A = arith.constant 1 : i32
        %ge3A_483 = arith.cmpi sge, %add3A_393, %ge3A : i32
        %convert_element_type3A_484 = arith.extui %ge3A_483 : i1 to i32
        %cond3A_485 = arith.constant 0 : i32
        %cond3A_486 = arith.cmpi ne, %convert_element_type3A_484, %cond3A_485 : i32
        scf.if %cond3A_486 {
          %dma_wait3A_544 = arith.constant 0 : i32
          %dma_wait3A_545 = arith.constant 0 : i32
          %dma_wait3A_546 = tpu.memref_slice %arg4[%dma_wait3A_544, %dma_wait3A_545] : memref<36864x768xf32, #tpu.memory_space<hbm>> -> memref<24x768xf32, #tpu.memory_space<hbm>>
          %dma_wait3A_547 = arith.constant 0 : i32
          %dma_wait3A_548 = arith.constant 0 : i32
          %dma_wait3A_549 = tpu.memref_slice %arg4[%dma_wait3A_547, %dma_wait3A_548] : memref<36864x768xf32, #tpu.memory_space<hbm>> -> memref<24x768xf32, #tpu.memory_space<hbm>>
          tpu.wait_dma2 semaphore(%arg16 : memref<!tpu.dma_semaphore, #tpu.memory_space<semaphore_mem>>) src(%arg8 : memref<24x768xf32, #tpu.memory_space<vmem>>) dst(%dma_wait3A_549 : memref<24x768xf32, #tpu.memory_space<hbm>>)
        } else {
        }
        %add3A_487 = arith.constant 3 : i32
        %add3A_488 = arith.addi %add3A_393, %add3A_487 : i32
        %mul3A_489 = arith.constant 16 : i32
        %mul3A_490 = arith.muli %select_n3A, %mul3A_489 : i32
        %jit3A_491 = arith.constant 3 : i32
        %div3A_492 = arith.divsi %add3A_488, %jit3A_491 : i32
        %sign3A_493 = arith.constant 0 : i32
        %sign3A_494 = arith.cmpi sgt, %add3A_488, %sign3A_493 : i32
        %sign3A_495 = arith.extui %sign3A_494 : i1 to i32
        %sign3A_496 = arith.constant 0 : i32
        %sign3A_497 = arith.cmpi slt, %add3A_488, %sign3A_496 : i32
        %sign3A_498 = arith.extui %sign3A_497 : i1 to i32
        %sign3A_499 = arith.subi %sign3A_495, %sign3A_498 : i32
        %sign3A_500 = arith.constant 0 : i32
        %sign3A_501 = arith.cmpi sgt, %jit3A_491, %sign3A_500 : i32
        %sign3A_502 = arith.extui %sign3A_501 : i1 to i32
        %sign3A_503 = arith.constant 0 : i32
        %sign3A_504 = arith.cmpi slt, %jit3A_491, %sign3A_503 : i32
        %sign3A_505 = arith.extui %sign3A_504 : i1 to i32
        %sign3A_506 = arith.subi %sign3A_502, %sign3A_505 : i32
        %ne3A_507 = arith.cmpi ne, %sign3A_499, %sign3A_506 : i32
        %rem3A_508 = arith.remsi %add3A_488, %jit3A_491 : i32
        %ne3A_509 = arith.constant 0 : i32
        %ne3A_510 = arith.cmpi ne, %rem3A_508, %ne3A_509 : i32
        %and3A_511 = arith.andi %ne3A_507, %ne3A_510 : i1
        %sub3A_512 = arith.constant 1 : i32
        %sub3A_513 = arith.subi %div3A_492, %sub3A_512 : i32
        %select_n3A_514 = arith.select %and3A_511, %sub3A_513, %div3A_492 : i32
        %add3A_515 = arith.addi %mul3A_490, %select_n3A_514 : i32
        %jit3A_516 = arith.constant 3 : i32
        %eq3A_517 = arith.constant 0 : i32
        %eq3A_518 = arith.cmpi eq, %jit3A_516, %eq3A_517 : i32
        %jit3A_519 = arith.constant 1 : i32
        %select_n3A_520 = arith.select %eq3A_518, %jit3A_519, %jit3A_516 : i32
        %rem3A_521 = arith.remsi %add3A_488, %select_n3A_520 : i32
        %ne3A_522 = arith.constant 0 : i32
        %ne3A_523 = arith.cmpi ne, %rem3A_521, %ne3A_522 : i32
        %lt3A_524 = arith.constant 0 : i32
        %lt3A_525 = arith.cmpi slt, %rem3A_521, %lt3A_524 : i32
        %lt3A_526 = arith.constant 0 : i32
        %lt3A_527 = arith.cmpi slt, %select_n3A_520, %lt3A_526 : i32
        %ne3A_528 = arith.xori %lt3A_525, %lt3A_527 : i1
        %and3A_529 = arith.andi %ne3A_528, %ne3A_523 : i1
        %add3A_530 = arith.addi %rem3A_521, %select_n3A_520 : i32
        %select_n3A_531 = arith.select %and3A_529, %add3A_530, %rem3A_521 : i32
        %mul3A_532 = arith.constant 576 : i32
        %mul3A_533 = arith.muli %add3A_515, %mul3A_532 : i32
        %mul3A_534 = arith.constant 72 : i32
        %mul3A_535 = arith.muli %select_n3A_30, %mul3A_534 : i32
        %add3A_536 = arith.addi %mul3A_533, %mul3A_535 : i32
        %mul3A_537 = arith.constant 24 : i32
        %mul3A_538 = arith.muli %select_n3A_531, %mul3A_537 : i32
        %add3A_539 = arith.addi %add3A_536, %mul3A_538 : i32
        %dma_start3A_540 = arith.constant 0 : i32
        %dma_start3A_541 = tpu.memref_slice %arg2[%add3A_539, %dma_start3A_540] : memref<36864x768xf32, #tpu.memory_space<hbm>> -> memref<24x768xf32, #tpu.memory_space<hbm>>
        %dma_start3A_542 = arith.constant 0 : i32
        %dma_start3A_543 = tpu.memref_slice %arg2[%add3A_539, %dma_start3A_542] : memref<36864x768xf32, #tpu.memory_space<hbm>> -> memref<24x768xf32, #tpu.memory_space<hbm>>
        tpu.enqueue_dma source(%dma_start3A_543 : memref<24x768xf32, #tpu.memory_space<hbm>>) target(%arg8 : memref<24x768xf32, #tpu.memory_space<vmem>>) target_semaphore(%arg12 : memref<!tpu.dma_semaphore, #tpu.memory_space<semaphore_mem>>)
      } else {
      }
    }
    %scan3A_88 = arith.constant 12 : i32
    %dma_wait3A_89 = arith.constant 0 : i32
    %dma_wait3A_90 = arith.constant 0 : i32
    %dma_wait3A_91 = tpu.memref_slice %arg4[%dma_wait3A_89, %dma_wait3A_90] : memref<36864x768xf32, #tpu.memory_space<hbm>> -> memref<24x768xf32, #tpu.memory_space<hbm>>
    %dma_wait3A_92 = arith.constant 0 : i32
    %dma_wait3A_93 = arith.constant 0 : i32
    %dma_wait3A_94 = tpu.memref_slice %arg4[%dma_wait3A_92, %dma_wait3A_93] : memref<36864x768xf32, #tpu.memory_space<hbm>> -> memref<24x768xf32, #tpu.memory_space<hbm>>
    tpu.wait_dma2 semaphore(%arg14 : memref<!tpu.dma_semaphore, #tpu.memory_space<semaphore_mem>>) src(%arg6 : memref<24x768xf32, #tpu.memory_space<vmem>>) dst(%dma_wait3A_94 : memref<24x768xf32, #tpu.memory_space<hbm>>)
    %dma_wait3A_95 = arith.constant 0 : i32
    %dma_wait3A_96 = arith.constant 0 : i32
    %dma_wait3A_97 = tpu.memref_slice %arg4[%dma_wait3A_95, %dma_wait3A_96] : memref<36864x768xf32, #tpu.memory_space<hbm>> -> memref<24x768xf32, #tpu.memory_space<hbm>>
    %dma_wait3A_98 = arith.constant 0 : i32
    %dma_wait3A_99 = arith.constant 0 : i32
    %dma_wait3A_100 = tpu.memref_slice %arg4[%dma_wait3A_98, %dma_wait3A_99] : memref<36864x768xf32, #tpu.memory_space<hbm>> -> memref<24x768xf32, #tpu.memory_space<hbm>>
    tpu.wait_dma2 semaphore(%arg15 : memref<!tpu.dma_semaphore, #tpu.memory_space<semaphore_mem>>) src(%arg7 : memref<24x768xf32, #tpu.memory_space<vmem>>) dst(%dma_wait3A_100 : memref<24x768xf32, #tpu.memory_space<hbm>>)
    %dma_wait3A_101 = arith.constant 0 : i32
    %dma_wait3A_102 = arith.constant 0 : i32
    %dma_wait3A_103 = tpu.memref_slice %arg4[%dma_wait3A_101, %dma_wait3A_102] : memref<36864x768xf32, #tpu.memory_space<hbm>> -> memref<24x768xf32, #tpu.memory_space<hbm>>
    %dma_wait3A_104 = arith.constant 0 : i32
    %dma_wait3A_105 = arith.constant 0 : i32
    %dma_wait3A_106 = tpu.memref_slice %arg4[%dma_wait3A_104, %dma_wait3A_105] : memref<36864x768xf32, #tpu.memory_space<hbm>> -> memref<24x768xf32, #tpu.memory_space<hbm>>
    tpu.wait_dma2 semaphore(%arg16 : memref<!tpu.dma_semaphore, #tpu.memory_space<semaphore_mem>>) src(%arg8 : memref<24x768xf32, #tpu.memory_space<vmem>>) dst(%dma_wait3A_106 : memref<24x768xf32, #tpu.memory_space<hbm>>)
    %dma_wait3A_107 = arith.constant 0 : i32
    %dma_wait3A_108 = arith.constant 0 : i32
    %dma_wait3A_109 = tpu.memref_slice %arg4[%dma_wait3A_107, %dma_wait3A_108] : memref<36864x768xf32, #tpu.memory_space<hbm>> -> memref<24x768xf32, #tpu.memory_space<hbm>>
    %dma_wait3A_110 = arith.constant 0 : i32
    %dma_wait3A_111 = arith.constant 0 : i32
    %dma_wait3A_112 = tpu.memref_slice %arg4[%dma_wait3A_110, %dma_wait3A_111] : memref<36864x768xf32, #tpu.memory_space<hbm>> -> memref<24x768xf32, #tpu.memory_space<hbm>>
    tpu.wait_dma2 semaphore(%arg17 : memref<!tpu.dma_semaphore, #tpu.memory_space<semaphore_mem>>) src(%arg9 : memref<24x768xf32, #tpu.memory_space<vmem>>) dst(%dma_wait3A_112 : memref<24x768xf32, #tpu.memory_space<hbm>>)
    return
  }
}

</mosaic_0001>

<sc_bundles>
// kernel: kernel.3.cloned.1.call-start
scs
__scs_entry_jumppad:
0x0: {  	(pc) =	sbr.rel $0x88, $3  }
0x1: {  	(tag) =	ssettag $0x0;
	lr =	simm.s32 $0x1  }
0x2: {  	[smem:$0x3F9F] =	sst lr;
	_ =	strace $0xD0000000  }
0x3: {  	_ = 	snop  }
0x4: {  	_ = 	snop  }
0x5: {  	_ = 	snop  }
0x6: {  	_ = 	snop  }
0x7: {  	_ = 	snop  }
__scs_overlays_trampoline_lowered:
0x8: {  	[smem:$0x3FAE] =	sst s0  }
0x9: {  	[smem:$0x3FAF] =	sst s1  }
0xa: {  	[smem:$0x3FB0] =	sst s2  }
0xb: {  	[smem:$0x3FB1] =	sst s3  }
0xc: {  	[smem:$0x3FB2] =	sst s4  }
0xd: {  	[smem:$0x3FB3] =	sst s5  }
0xe: {  	[smem:$0x3FB4] =	sst s6  }
0xf: {  	[smem:$0x3FB5] =	sst s7  }
0x10: {  	[smem:$0x3FB6] =	sst s8  }
0x11: {  	[smem:$0x3FB7] =	sst s9;
	s0 =	simm.s32 @!p0 $0x0  }
0x12: {  	s1 =	sld [smem:$0x3F9D];
	s0 =	simm.s32 @p0 $0x1  }
0x13: {  	[smem:$0x3FB8] =	sst s0;
	s0 =	simm.s32 @!p1 $0x0  }
0x14: {  	s2 =	sld [smem:$0x3F9C];
	s0 =	simm.s32 @p1 $0x1  }
0x15: {  	[smem:$0x3FB9] =	sst s0;
	s0 =	simm.s32 @!p2 $0x0  }
0x16: {  	s3 =	sld [smem:$0x3FDB];
	s0 =	simm.s32 @p2 $0x1  }
0x17: {  	s4 =	simm.s32 $0x1BF5;
	[smem:$0x3FBB] =	sst s0  }
0x18: {  	s0 =	sld [smem:$0x3F9E];
	_ =	swait.ge [sflag:s4], $0x0  }
0x19: {  	s7 =	sld [smem:$0x3F9F]  }
0x1a: {  	s8 =	sadd.s32 $0xFFFFE003, lr  }
0x1b: {  	s9 =	sadd.s32 $0xFFFFFEF7, lr;
	s5 =	simm.s32 $0xFFFFFFFF;
	p2 =	slt.u32 s8, $0xFFFFF086  }
0x1c: {  	p1 =	slt.u32 s9, $0xF7A;
	s5 =	simm.s32 @!p2 $0x0  }
0x1d: {  	s5 =	simm.s32 @p1 $0x1;
	p0 =	seq.s32 s7, s2  }
0x1e: {  	s7 =	smul.u32 @!p0 $0xF7A, s2;
	p2 =	seq.s32 @!p0 s5, $0x0  }
0x1f: {  	s9 =	smul.u32 $0xF7A, s1;
	s8 =	simm.s32 @!p0 $0x1BF5;
	p2 =	por !p2, p0  }
0x20: {  	[sflag:s8] =	ssyncset.s32 @!p0 $0xFFFFF086;
	s6 =	sadd.s32 @!p0 s3, s7;
	s7 =	simm.s32 @!p0 $0x108  }
0x21: {  	s3 =	sadd.s32 s3, s9;
	s6 =	sadd.s32 @!p0 $0x88, s6;
	s7 =	simm.s32 @p2 $0x1082  }
0x22: {  	[simem:s7], [sflag:s8] =	dma.local @!p0 [hbm:s6], $0xF7A  }
0x23: {  	s9 =	sor.u32 $0xD0000000, s2;
	s6 =	simm.s32 $0x108;
	_ =	swait.ge @!p0 [sflag:s8], $0x0  }
0x24: {  	s3 =	sadd.s32 $0x88, s3;
	s6 =	simm.s32 @!p1 $0x1082;
	[sflag:s4] =	ssyncset.s32 $0xFFFFF086  }
0x25: {  	[simem:s6], [sflag:s4] =	dma.local [hbm:s3], $0xF7A  }
0x26: {  	[smem:$0x3F9F] =	sst s1;
	(tag) =	ssettag s2;
	_ =	strace s9  }
0x27: {  	s1 =	sld [smem:$0x3FAF]  }
0x28: {  	s2 =	sld [smem:$0x3FB0]  }
0x29: {  	s4 =	sld [smem:$0x3FB2]  }
0x2a: {  	p0 =	seq.s32 s5, $0x0;
	s5 =	sld [smem:$0x3FB3]  }
0x2b: {  	s6 =	sld [smem:$0x3FB4]  }
0x2c: {  	s7 =	sld [smem:$0x3FB5]  }
0x2d: {  	s3 =	simm.s32 $0x108;
	s8 =	sld [smem:$0x3FB6]  }
0x2e: {  	s3 =	simm.s32 @!p0 $0x1082;
	s9 =	sld [smem:$0x3FB7]  }
0x2f: {  	lr =	sadd.s32 s0, s3;
	s0 =	sld [smem:$0x3FAE]  }
0x30: {  	s3 =	sld [smem:$0x3FB1]  }
0x31: {  	[smem:$0x3FBA] =	sst s10  }
0x32: {  	s10 =	sld [smem:$0x3FB8];
	_ =	sdelay $0x3  }
0x33: {  	p0 =	seq.s32 s10, $0x1;
	s10 =	sld [smem:$0x3FBA];
	_ =	sdelay $0x3  }
0x34: {  	[smem:$0x3FBA] =	sst s10  }
0x35: {  	s10 =	sld [smem:$0x3FB9];
	_ =	sdelay $0x3  }
0x36: {  	p1 =	seq.s32 s10, $0x1;
	s10 =	sld [smem:$0x3FBA];
	_ =	sdelay $0x3  }
0x37: {  	[smem:$0x3FBA] =	sst s10  }
0x38: {  	s10 =	sld [smem:$0x3FBB]  }
0x39: {  	_ = 	snop;
	(pc) =	sbr.ind lr, $3  }
0x3a: {  	_ = 	snop  }
0x3b: {  	_ = 	snop  }
0x3c: {  	p2 =	seq.s32 s10, $0x1;
	s10 =	sld [smem:$0x3FBA]  }
0x3d: {  	_ =	shalt  }
0x3e: {  	_ =	shalt  }
0x3f: {  	_ =	shalt  }
0x40: {  	_ =	shalt  }
0x41: {  	_ =	shalt  }
0x42: {  	_ =	shalt  }
0x43: {  	_ =	shalt  }
0x44: {  	_ =	shalt  }
0x45: {  	_ =	shalt  }
0x46: {  	_ =	shalt  }
0x47: {  	_ =	shalt  }
0x48: {  	_ =	shalt  }
0x49: {  	_ =	shalt  }
0x4a: {  	_ =	shalt  }
0x4b: {  	_ =	shalt  }
0x4c: {  	_ =	shalt  }
0x4d: {  	_ =	shalt  }
0x4e: {  	_ =	shalt  }
0x4f: {  	_ =	shalt  }
0x50: {  	_ =	shalt  }
0x51: {  	_ =	shalt  }
0x52: {  	_ =	shalt  }
0x53: {  	_ =	shalt  }
0x54: {  	_ =	shalt  }
0x55: {  	_ =	shalt  }
0x56: {  	_ =	shalt  }
0x57: {  	_ =	shalt  }
0x58: {  	_ =	shalt  }
0x59: {  	_ =	shalt  }
0x5a: {  	_ =	shalt  }
0x5b: {  	_ =	shalt  }
0x5c: {  	_ =	shalt  }
0x5d: {  	_ =	shalt  }
0x5e: {  	_ =	shalt  }
0x5f: {  	_ =	shalt  }
0x60: {  	_ =	shalt  }
0x61: {  	_ =	shalt  }
0x62: {  	_ =	shalt  }
0x63: {  	_ =	shalt  }
0x64: {  	_ =	shalt  }
0x65: {  	_ =	shalt  }
0x66: {  	_ =	shalt  }
0x67: {  	_ =	shalt  }
0x68: {  	_ =	shalt  }
0x69: {  	_ =	shalt  }
0x6a: {  	_ =	shalt  }
0x6b: {  	_ =	shalt  }
0x6c: {  	_ =	shalt  }
0x6d: {  	_ =	shalt  }
0x6e: {  	_ =	shalt  }
0x6f: {  	_ =	shalt  }
0x70: {  	_ =	shalt  }
0x71: {  	_ =	shalt  }
0x72: {  	_ =	shalt  }
0x73: {  	_ =	shalt  }
0x74: {  	_ =	shalt  }
0x75: {  	_ =	shalt  }
0x76: {  	_ =	shalt  }
0x77: {  	_ =	shalt  }
0x78: {  	_ =	shalt  }
0x79: {  	_ =	shalt  }
0x7a: {  	_ =	shalt  }
0x7b: {  	_ =	shalt  }
0x7c: {  	_ =	shalt  }
0x7d: {  	_ =	shalt  }
0x7e: {  	_ =	shalt  }
0x7f: {  	_ =	shalt  }
0x80: {  	_ =	shalt  }
0x81: {  	_ =	shalt  }
0x82: {  	_ =	shalt  }
0x83: {  	_ =	shalt  }
0x84: {  	_ =	shalt  }
0x85: {  	_ =	shalt  }
0x86: {  	_ =	shalt  }
0x87: {  	_ =	shalt  }
.Lfunc_end0:
.L_simem_size_0:
called_computation_lowered:
.L_overlay_start_0:
0x88: {  	s2 =	sld [smem:$0x3FD9]  }
0x89: {  	s3 =	sld [smem:$0x3FFE];
	_ =	sdelay $0x1  }
0x8a: {  	s1 =	srdreg.scid  }
0x8b: {  	s0 =	sand.u32 $0x1, s1  }
0x8c: {  	s18 =	sshll.u32 s0, $0xA;
	s2 =	sadd.s32 s3, s2  }
0x8d: {  	s2 =	sadd.s32 s2, s18  }
0x8e: {  	[smem:$0x3FC6] =	sst s2  }
0x8f: {  	_ = 	snop  }
0x90: {  	s2 =	sld [smem:$0x3FC9]  }
0x91: {  	s19 =	sld [smem:$0x3FC8]  }
0x92: {  	s4 =	sld [smem:$0x3FD0];
	(tm) =	ssettm $0x1  }
0x93: {  	s5 =	sld [smem:$0x3FFB];
	_ =	sdelay $0x3  }
0x94: {  	_ =	strace s5  }
0x95: {  	s5 =	sld [smem:$0x3FFC];
	_ =	sdelay $0x3  }
0x96: {  	_ =	strace s5  }
0x97: {  	s5 =	sld [smem:$0x3FFD];
	_ =	sdelay $0x3  }
0x98: {  	_ =	strace s5  }
0x99: {  	_ =	strace $0x8FFFFFFF  }
0x9a: {  	s20 =	sld [smem:$0x3FDB];
	_ =	sdelay $0x1  }
0x9b: {  	s6 =	simm.s32 $_scs_section_size  }
0x9c: {  	s7 =	simm.s32 $_size__tile_overlayer_lowered;
	s8 =	simm.s32 $_tile_overlayer_lowered  }
0x9d: {  	s23 =	simm.s32 $0x1BFF;
	s22 =	sshll.u32 s8, $0x1;
	s5 =	sadd.s32 s6, s20  }
0x9e: {  	s9 =	simm.s32 $0x0;
	s21 =	sshll.u32 s7, $0x1;
	s7 =	sadd.s32 s22, s5  }
0x9f: {  	[timem:s9], [sflag:s23] =	dma.local [hbm:s7], s21  }
0xa0: {  	_ =	swait.ge [sflag:s23], s21  }
0xa1: {  	s6 =	ssub.s32 $0x0, s21;
	[sflag:s23] =	ssyncset.done $0x0  }
0xa2: {  	[sflag:s23] =	ssyncadd.s32 s6;
	_ =	sdelay $0x1  }
0xa3: {  	s24 =	simm.s32 $0x1B8B  }
0xa4: {  	_ =	swait.ge [sflag:s24], $0x1  }
0xa5: {  	[sflag:s24] =	ssyncset.done $0x0  }
0xa6: {  	s25 =	simm.s32 $0x1B8E;
	[sflag:s24] =	ssyncadd.s32 $0xFFFFFFFF  }
0xa7: {  	s26 =	simm.s32 $execute0_lowered;
	[smem:$0x3FD2] =	sst s25  }
0xa8: {  	s6 =	sshll.u32 s26, $0x1;
	_ =	strace $0x80000046;
	[dreg:$0x1] =	wrdreg $0xFFFFFFFF  }
0xa9: {  	s28 =	simm.s32 $_size_execute0_lowered;
	s5 =	sadd.s32 s5, s6;
	[dreg:$0x0] =	wrdreg $0x0  }
0xaa: {  	s6 =	sshll.u32 s28, $0x1;
	[dreg:$0x2] =	wrdreg s5  }
0xab: {  	[dreg:$0x3] =	wrdreg s6  }
0xac: {  	[dreg:$0x4] =	wrdreg $0xC0  }
0xad: {  	_ =	task [dreg:s9], $0x5FFFF  }
0xae: {  	[dreg:$0x1] =	wrdreg $0xFFFFFFFF  }
0xaf: {  	[dreg:$0x0] =	wrdreg $0x60  }
0xb0: {  	[dreg:$0x2] =	wrdreg s2  }
0xb1: {  	[dreg:$0x3] =	wrdreg s19  }
0xb2: {  	[dreg:$0x4] =	wrdreg s4  }
0xb3: {  	[dreg:$0x5] =	wrdreg $0x9  }
0xb4: {  	_ =	task.clear_ibuf [dreg:s9], $0x6FFFF;
	_ =	strace $0x90000046  }
0xb5: {  	s29 =	simm.s32 $0x9;
	_ =	strace $0x80000048  }
0xb6: {  	_ =	swait.ge [sflag:s29], $0x1  }
0xb7: {  	[sflag:s29] =	ssyncadd.s32 $0xFFFFFFFF  }
0xb8: {  	_ =	strace $0x90000048  }
0xb9: {  	_ =	sfence  }
0xba: {  	s30 =	sld [smem:$0x0];
	_ =	sdelay $0x2  }
0xbb: {  	s31 =	sshll.u32 s1, $0xD;
	s1 =	sshrl.u32 s1, $0x2  }
0xbc: {  	s3 =	sand.u32 $0x4000, s31;
	s1 =	sadd.s32 s1, s30  }
0xbd: {  	s0 =	sor.u32 s3, s0;
	s1 =	sshll.u32 s1, $0x11  }
0xbe: {  	s0 =	sor.u32 s1, s0  }
0xbf: {  	s0 =	sadd.s32 $0x8F2B, s0  }
0xc0: {  	[sflag:s0] =	ssyncadd.remote.s32 $0x1  }
0xc1: {  	_ =	sfence.sel $0xFFFF  }
0xc2: {  	[dreg:$0x0] =	wrdreg $0xFFFFFFFF;
	(pc) =	sbr.abs _section_cstart, $3  }
0xc3: {  	[dreg:$0x1] =	wrdreg $0xFFFFFFFF  }
0xc4: {  	_ =	task.clear_ibuf [dreg:s9], $0x2FFFF;
	_ =	strace $0x9FFFFFFF  }
0xc5: {  	(tm) =	ssettm $0x7FFFFFFF  }
tec
execute0_lowered:
.L_overlay_start_1:
0x0: {  	(tag) =	ssettag $0x1  }
0x1: {  	s0 =	srdreg.scid  }
0x2: {  	s0 =	sand.u32 $0x1, s0  }
0x3: {  	s3 =	stileid.u32;
	s1 =	sshll.u32 s0, $0x4  }
0x4: {  	s6 =	sand.u32 $0x7, s3;
	s2 =	sor.u32 s3, s1  }
0x5: {  	p1 =	sne.s32 s6, $0x0;
	p0 =	seq.s32 s2, $0x0  }
0x6: {  	p0 =	por !p1, !p0  }
0x7: {  	s3 =	simm.s32 $0x1;
	p0 =	por !p0, !p0  }
0x8: {  	s2 =	sshrl.u32 s2, $0x3;
	s3 =	simm.s32 @!p0 $0x0  }
0x9: {  	s30 =	rddreg [dreg:$0x0];
	s2 =	ssub.s32 s2, s3;
	s3 =	smul.u32 $0x48, s6  }
0xa: {  	s7 =	rddreg [dreg:$0x1];
	s8 =	smul.u32 $0x2400, s2  }
0xb: {  	s23 =	rddreg [dreg:$0x2];
	s5 =	simm.s32 $0x0;
	s0 =	ssub.s32 $0x2, s0  }
0xc: {  	[smem:$0x7FF] =	sst s5;
	s10 =	sshrl.u32 s0, $0x1;
	s8 =	sor.u32 s3, s8  }
0xd: {  	s6 =	smul.u32 $0x1B00, s6;
	s9 =	sshrl.u32 s8, $0x3;
	s8 =	sadd.s32 $0x18, s8  }
0xe: {  	s0 =	ssub.s32 s0, s10;
	s9 =	smul.u32 $0x300, s9;
	s8 =	sshrl.u32 s8, $0x3  }
0xf: {  	_ =	strace $0x80000047;
	s0 =	smax.u32 s0, $0x1;
	s8 =	smul.u32 $0x300, s8  }
.Ltmp0:
0x10: {  	[dreg:$0xb] =	wrdreg s0;
	s6 =	sadd.s32 s7, s6;
	(pc) =	sbr.rel .LBB2_1-.Ltmp0, $4  }
0x11: {  	[dreg:$0x8] =	wrdreg s6;
	s4 =	sadd.s32 s30, s9  }
0x12: {  	s25 =	simm.s32 $0x16800;
	s1 =	sadd.s32 s30, s8;
	[dreg:$0x7] =	wrdreg s4  }
0x13: {  	s24 =	simm.s32 $0x1B000;
	s31 =	sadd.s32 $0x1200, s4;
	[dreg:$0x9] =	wrdreg s1  }
0x14: {  	s11 =	sshll.u32 s2, $0x4;
	s2 =	simm.s32 $0x0;
	[dreg:$0xa] =	wrdreg s31  }
.LBB2_12:
0x15: {  	s0 =	simm.s32 $0x5  }
0x16: {  	_ =	swait.ge [sflag:s0], $0x4800  }
0x17: {  	[sflag:s0] =	ssyncset.done $0x0  }
0x18: {  	s29 =	simm.s32 $0x6;
	[sflag:s0] =	ssyncadd.s32 $0xFFFFB800  }
0x19: {  	_ =	swait.ge [sflag:s29], $0x4800  }
0x1a: {  	[sflag:s29] =	ssyncset.done $0x0  }
0x1b: {  	s30 =	simm.s32 $0x7;
	[sflag:s29] =	ssyncadd.s32 $0xFFFFB800  }
0x1c: {  	_ =	swait.ge [sflag:s30], $0x4800  }
0x1d: {  	[sflag:s30] =	ssyncset.done $0x0  }
0x1e: {  	s1 =	simm.s32 $0x8;
	[sflag:s30] =	ssyncadd.s32 $0xFFFFB800  }
0x1f: {  	_ =	swait.ge [sflag:s1], $0x4800  }
0x20: {  	s2 =	rddreg [dreg:$0xc]  }
0x21: {  	s31 =	rddreg [dreg:$0xb];
	s2 =	sadd.s32 $0x1, s2  }
0x22: {  	p0 =	sne.s32 s2, s31  }
.Ltmp1:
0x23: {  	_ = 	snop;
	(pc) =	sbr.rel @!p0 .LBB2_13-.Ltmp1, $3  }
0x24: {  	_ =	sdelay $0x1  }
0x25: {  	[sflag:s1] =	ssyncset.done $0x0  }
0x26: {  	[sflag:s1] =	ssyncadd.s32 $0xFFFFB800  }
.LBB2_1:
0x27: {  	[dreg:$0xc] =	wrdreg s2  }
0x28: {  	s0 =	rddreg [dreg:$0x8]  }
0x29: {  	s19 =	rddreg [dreg:$0x7]  }
0x2a: {  	[tilespmem:s5], [sflag:$0x9] =	stream.linear.gather [hbm4b:s0+s5], $0xD800, $0x38;
	[tilespmem:$0x1F800] =	vst v63  }
0x2b: {  	s1 =	simm.s32 $0xD800;
	s20 =	rddreg [dreg:$0x9]  }
0x2c: {  	[tilespmem:s1], [sflag:$0x1] =	stream.linear.gather [hbm4b:s19+s5], $0x4800, $0x38;
	[tilespmem:$0x1F800] =	vst v63  }
0x2d: {  	s21 =	simm.s32 $0x12000;
	s22 =	rddreg [dreg:$0xa];
	s26 =	simm.s32 $0x9  }
0x2e: {  	[tilespmem:s21], [sflag:$0x2] =	stream.linear.gather [hbm4b:s20+s5], $0x4800, $0x38;
	[tilespmem:$0x1F800] =	vst v63  }
0x2f: {  	s28 =	simm.s32 $0x30;
	s29 =	simm.s32 $0x48;
	s30 =	simm.s32 $0x3  }
0x30: {  	[tilespmem:s25], [sflag:$0x3] =	stream.linear.gather [hbm4b:s22+s5], $0x4800, $0x38;
	[tilespmem:$0x1F800] =	vst v63  }
0x31: {  	s31 =	simm.s32 $0x2;
	s2 =	simm.s32 $0x1;
	_ =	swait.ge [sflag:s26], $0xD800  }
0x32: {  	s8 =	simm.s32 $0x0;
	s9 =	simm.s32 $0x0;
	[sflag:s26] =	ssyncset.done $0x0  }
0x33: {  	s0 =	simm.s32 $0x0;
	[sflag:s26] =	ssyncadd.s32 $0xFFFF2800;
	s26 =	simm.s32 $0x18  }
.LBB2_2:
0x34: {  	s6 =	smulhi.u32 $0xAAAAAAAB, s30;
	s7 =	sand.u32 $0xFF, s0  }
0x35: {  	s7 =	smul.u32 $0xAB, s7  }
0x36: {  	s10 =	smulhi.u32 $0xAAAAAAAB, s31  }
0x37: {  	s12 =	smulhi.u32 $0xAAAAAAAB, s2;
	s7 =	sshrl.u32 s7, $0x9  }
0x38: {  	s6 =	sshrl.u32 s6, $0x1;
	s7 =	smul.u32 $0x48, s7  }
0x39: {  	s10 =	sshrl.u32 s10, $0x1;
	s6 =	smul.u32 $0x48, s6  }
0x3a: {  	s12 =	sshrl.u32 s12, $0x1;
	s10 =	smul.u32 $0x48, s10;
	s7 =	ssub.s32 s8, s7  }
0x3b: {  	s12 =	smul.u32 $0x48, s12;
	s6 =	ssub.s32 s29, s6;
	s14 =	sand.u32 $0xFF, s7  }
0x3c: {  	s10 =	ssub.s32 s28, s10;
	[dreg:$0x6] =	wrdreg s6;
	s7 =	sadd.s32 $0x0, s14  }
0x3d: {  	s13 =	ssub.s32 s26, s12;
	[dreg:$0x5] =	wrdreg s10;
	s7 =	sshrl.u32 s7, $0x3  }
0x3e: {  	s1 =	simm.s32 $0x1;
	[dreg:$0x4] =	wrdreg s13;
	s15 =	smul.u32 $0x6000, s7  }
0x3f: {  	s16 =	simm.s32 $0x0;
	_ =	swait.ge [sflag:s1], $0x4800  }
0x40: {  	[sflag:s1] =	ssyncset.done $0x0;
	s7 =	sand.u32 $0x380, s16;
	s6 =	sshra.s32 s15, $0x2  }
0x41: {  	[sflag:s1] =	ssyncadd.s32 $0xFFFFB800;
	s6 =	sor.u32 s7, s6  }
0x42: {  	s17 =	simm.s32 $0x0;
	v0 =	vld [tilespmem:s6+$0x0]  }
0x43: {  	s10 =	smul.u32 $0x6000, s17;
	_ =	sdelay $0x1  }
0x44: {  	s10 =	sshra.s32 s10, $0x2  }
0x45: {  	s7 =	sor.u32 s7, s10  }
0x46: {  	[tilespmem:s7+$0xD800] =	vst.add.f32.msk $0xffff, v0  }
0x47: {  	v0 =	vld [tilespmem:s6+$0x10];
	_ =	sdelay $0x4  }
0x48: {  	[tilespmem:s7+$0xD810] =	vst.add.f32.msk $0xffff, v0  }
0x49: {  	v0 =	vld [tilespmem:s6+$0x20];
	_ =	sdelay $0x4  }
0x4a: {  	[tilespmem:s7+$0xD820] =	vst.add.f32.msk $0xffff, v0  }
0x4b: {  	v0 =	vld [tilespmem:s6+$0x30];
	_ =	sdelay $0x4  }
0x4c: {  	[tilespmem:s7+$0xD830] =	vst.add.f32.msk $0xffff, v0  }
0x4d: {  	v0 =	vld [tilespmem:s6+$0x40];
	_ =	sdelay $0x4  }
0x4e: {  	[tilespmem:s7+$0xD840] =	vst.add.f32.msk $0xffff, v0  }
0x4f: {  	v0 =	vld [tilespmem:s6+$0x50];
	_ =	sdelay $0x4  }
0x50: {  	[tilespmem:s7+$0xD850] =	vst.add.f32.msk $0xffff, v0  }
0x51: {  	v0 =	vld [tilespmem:s6+$0x60];
	_ =	sdelay $0x4  }
0x52: {  	[tilespmem:s7+$0xD860] =	vst.add.f32.msk $0xffff, v0  }
0x53: {  	v0 =	vld [tilespmem:s6+$0x70];
	_ =	sdelay $0x4  }
0x54: {  	[tilespmem:s7+$0xD870] =	vst.add.f32.msk $0xffff, v0  }
0x55: {  	v0 =	vld [tilespmem:s6+$0x400];
	_ =	sdelay $0x4  }
0x56: {  	[tilespmem:s7+$0xDC00] =	vst.add.f32.msk $0xffff, v0  }
0x57: {  	v0 =	vld [tilespmem:s6+$0x410];
	_ =	sdelay $0x4  }
0x58: {  	[tilespmem:s7+$0xDC10] =	vst.add.f32.msk $0xffff, v0  }
0x59: {  	v0 =	vld [tilespmem:s6+$0x420];
	_ =	sdelay $0x4  }
0x5a: {  	[tilespmem:s7+$0xDC20] =	vst.add.f32.msk $0xffff, v0  }
0x5b: {  	v0 =	vld [tilespmem:s6+$0x430];
	_ =	sdelay $0x4  }
0x5c: {  	[tilespmem:s7+$0xDC30] =	vst.add.f32.msk $0xffff, v0  }
0x5d: {  	v0 =	vld [tilespmem:s6+$0x440];
	_ =	sdelay $0x4  }
0x5e: {  	[tilespmem:s7+$0xDC40] =	vst.add.f32.msk $0xffff, v0  }
0x5f: {  	v0 =	vld [tilespmem:s6+$0x450];
	_ =	sdelay $0x4  }
0x60: {  	[tilespmem:s7+$0xDC50] =	vst.add.f32.msk $0xffff, v0  }
0x61: {  	v0 =	vld [tilespmem:s6+$0x460];
	_ =	sdelay $0x3  }
0x62: {  	s18 =	sadd.s32 $0x1, s14  }
0x63: {  	s10 =	sshrl.u32 s18, $0x3;
	[tilespmem:s7+$0xDC60] =	vst.add.f32.msk $0xffff, v0  }
0x64: {  	s10 =	smul.u32 $0x6000, s10;
	v0 =	vld [tilespmem:s6+$0x470]  }
0x65: {  	s19 =	simm.s32 $0x80  }
0x66: {  	s12 =	sand.u32 $0x380, s19;
	s10 =	sshra.s32 s10, $0x2  }
0x67: {  	s16 =	sor.u32 s12, s10  }
0x68: {  	s20 =	simm.s32 $0x0;
	v1 =	vld [tilespmem:s16+$0x0]  }
0x69: {  	s10 =	smul.u32 $0x6000, s20;
	[tilespmem:s7+$0xDC70] =	vst.add.f32.msk $0xffff, v0  }
0x6a: {  	v0 =	vld [tilespmem:s6+$0x800]  }
0x6b: {  	s10 =	sshra.s32 s10, $0x2  }
0x6c: {  	s12 =	sor.u32 s12, s10  }
0x6d: {  	[tilespmem:s12+$0xD800] =	vst.add.f32.msk $0xffff, v1  }
0x6e: {  	v1 =	vld [tilespmem:s16+$0x10]  }
0x6f: {  	[tilespmem:s7+$0xE000] =	vst.add.f32.msk $0xffff, v0  }
0x70: {  	v0 =	vld [tilespmem:s6+$0x810];
	_ =	sdelay $0x2  }
0x71: {  	[tilespmem:s12+$0xD810] =	vst.add.f32.msk $0xffff, v1  }
0x72: {  	v1 =	vld [tilespmem:s16+$0x20]  }
0x73: {  	[tilespmem:s7+$0xE010] =	vst.add.f32.msk $0xffff, v0  }
0x74: {  	v0 =	vld [tilespmem:s6+$0x820];
	_ =	sdelay $0x2  }
0x75: {  	[tilespmem:s12+$0xD820] =	vst.add.f32.msk $0xffff, v1  }
0x76: {  	v1 =	vld [tilespmem:s16+$0x30]  }
0x77: {  	[tilespmem:s7+$0xE020] =	vst.add.f32.msk $0xffff, v0  }
0x78: {  	v0 =	vld [tilespmem:s6+$0x830];
	_ =	sdelay $0x2  }
0x79: {  	[tilespmem:s12+$0xD830] =	vst.add.f32.msk $0xffff, v1  }
0x7a: {  	v1 =	vld [tilespmem:s16+$0x40]  }
0x7b: {  	[tilespmem:s7+$0xE030] =	vst.add.f32.msk $0xffff, v0  }
0x7c: {  	v0 =	vld [tilespmem:s6+$0x840];
	_ =	sdelay $0x2  }
0x7d: {  	[tilespmem:s12+$0xD840] =	vst.add.f32.msk $0xffff, v1  }
0x7e: {  	v1 =	vld [tilespmem:s16+$0x50]  }
0x7f: {  	[tilespmem:s7+$0xE040] =	vst.add.f32.msk $0xffff, v0  }
0x80: {  	v0 =	vld [tilespmem:s6+$0x850];
	_ =	sdelay $0x2  }
0x81: {  	[tilespmem:s12+$0xD850] =	vst.add.f32.msk $0xffff, v1  }
0x82: {  	v1 =	vld [tilespmem:s16+$0x60]  }
0x83: {  	[tilespmem:s7+$0xE050] =	vst.add.f32.msk $0xffff, v0  }
0x84: {  	v0 =	vld [tilespmem:s6+$0x860];
	_ =	sdelay $0x2  }
0x85: {  	[tilespmem:s12+$0xD860] =	vst.add.f32.msk $0xffff, v1  }
0x86: {  	v1 =	vld [tilespmem:s16+$0x70]  }
0x87: {  	[tilespmem:s7+$0xE060] =	vst.add.f32.msk $0xffff, v0  }
0x88: {  	v0 =	vld [tilespmem:s6+$0x870];
	_ =	sdelay $0x2  }
0x89: {  	[tilespmem:s12+$0xD870] =	vst.add.f32.msk $0xffff, v1  }
0x8a: {  	v1 =	vld [tilespmem:s16+$0x400]  }
0x8b: {  	[tilespmem:s7+$0xE070] =	vst.add.f32.msk $0xffff, v0  }
0x8c: {  	v0 =	vld [tilespmem:s6+$0xC00];
	_ =	sdelay $0x2  }
0x8d: {  	[tilespmem:s12+$0xDC00] =	vst.add.f32.msk $0xffff, v1  }
0x8e: {  	v1 =	vld [tilespmem:s16+$0x410]  }
0x8f: {  	[tilespmem:s7+$0xE400] =	vst.add.f32.msk $0xffff, v0  }
0x90: {  	v0 =	vld [tilespmem:s6+$0xC10];
	_ =	sdelay $0x2  }
0x91: {  	[tilespmem:s12+$0xDC10] =	vst.add.f32.msk $0xffff, v1  }
0x92: {  	v1 =	vld [tilespmem:s16+$0x420]  }
0x93: {  	[tilespmem:s7+$0xE410] =	vst.add.f32.msk $0xffff, v0  }
0x94: {  	v0 =	vld [tilespmem:s6+$0xC20];
	_ =	sdelay $0x2  }
0x95: {  	[tilespmem:s12+$0xDC20] =	vst.add.f32.msk $0xffff, v1  }
0x96: {  	v1 =	vld [tilespmem:s16+$0x430]  }
0x97: {  	[tilespmem:s7+$0xE420] =	vst.add.f32.msk $0xffff, v0  }
0x98: {  	v0 =	vld [tilespmem:s6+$0xC30];
	_ =	sdelay $0x2  }
0x99: {  	[tilespmem:s12+$0xDC30] =	vst.add.f32.msk $0xffff, v1  }
0x9a: {  	v1 =	vld [tilespmem:s16+$0x440]  }
0x9b: {  	[tilespmem:s7+$0xE430] =	vst.add.f32.msk $0xffff, v0  }
0x9c: {  	v0 =	vld [tilespmem:s6+$0xC40];
	_ =	sdelay $0x2  }
0x9d: {  	[tilespmem:s12+$0xDC40] =	vst.add.f32.msk $0xffff, v1  }
0x9e: {  	v1 =	vld [tilespmem:s16+$0x450]  }
0x9f: {  	[tilespmem:s7+$0xE440] =	vst.add.f32.msk $0xffff, v0  }
0xa0: {  	v0 =	vld [tilespmem:s6+$0xC50];
	_ =	sdelay $0x2  }
0xa1: {  	[tilespmem:s12+$0xDC50] =	vst.add.f32.msk $0xffff, v1  }
0xa2: {  	v1 =	vld [tilespmem:s16+$0x460]  }
0xa3: {  	[tilespmem:s7+$0xE450] =	vst.add.f32.msk $0xffff, v0  }
0xa4: {  	v0 =	vld [tilespmem:s6+$0xC60];
	_ =	sdelay $0x1  }
0xa5: {  	s21 =	sadd.s32 $0x2, s14  }
0xa6: {  	s10 =	sshrl.u32 s21, $0x3;
	[tilespmem:s12+$0xDC60] =	vst.add.f32.msk $0xffff, v1  }
0xa7: {  	s10 =	smul.u32 $0x6000, s10;
	v1 =	vld [tilespmem:s16+$0x470]  }
0xa8: {  	s13 =	simm.s32 $0x100;
	[tilespmem:s7+$0xE460] =	vst.add.f32.msk $0xffff, v0  }
0xa9: {  	s13 =	sand.u32 $0x380, s13;
	s10 =	sshra.s32 s10, $0x2;
	v0 =	vld [tilespmem:s6+$0xC70]  }
0xaa: {  	s21 =	sor.u32 s13, s10  }
0xab: {  	s22 =	simm.s32 $0x0;
	v2 =	vld [tilespmem:s21+$0x0]  }
0xac: {  	s10 =	smul.u32 $0x6000, s22;
	[tilespmem:s12+$0xDC70] =	vst.add.f32.msk $0xffff, v1  }
0xad: {  	v1 =	vld [tilespmem:s16+$0x800]  }
0xae: {  	s10 =	sshra.s32 s10, $0x2;
	[tilespmem:s7+$0xE470] =	vst.add.f32.msk $0xffff, v0  }
0xaf: {  	s13 =	sor.u32 s13, s10;
	v0 =	vld [tilespmem:s6+$0x1000]  }
0xb0: {  	[tilespmem:s13+$0xD800] =	vst.add.f32.msk $0xffff, v2  }
0xb1: {  	v2 =	vld [tilespmem:s21+$0x10]  }
0xb2: {  	[tilespmem:s12+$0xE000] =	vst.add.f32.msk $0xffff, v1  }
0xb3: {  	v1 =	vld [tilespmem:s16+$0x810]  }
0xb4: {  	[tilespmem:s7+$0xE800] =	vst.add.f32.msk $0xffff, v0  }
0xb5: {  	v0 =	vld [tilespmem:s6+$0x1010]  }
0xb6: {  	[tilespmem:s13+$0xD810] =	vst.add.f32.msk $0xffff, v2  }
0xb7: {  	v2 =	vld [tilespmem:s21+$0x20]  }
0xb8: {  	[tilespmem:s12+$0xE010] =	vst.add.f32.msk $0xffff, v1  }
0xb9: {  	v1 =	vld [tilespmem:s16+$0x820]  }
0xba: {  	[tilespmem:s7+$0xE810] =	vst.add.f32.msk $0xffff, v0  }
0xbb: {  	v0 =	vld [tilespmem:s6+$0x1020]  }
0xbc: {  	[tilespmem:s13+$0xD820] =	vst.add.f32.msk $0xffff, v2  }
0xbd: {  	v2 =	vld [tilespmem:s21+$0x30]  }
0xbe: {  	[tilespmem:s12+$0xE020] =	vst.add.f32.msk $0xffff, v1  }
0xbf: {  	v1 =	vld [tilespmem:s16+$0x830]  }
0xc0: {  	[tilespmem:s7+$0xE820] =	vst.add.f32.msk $0xffff, v0  }
0xc1: {  	v0 =	vld [tilespmem:s6+$0x1030]  }
0xc2: {  	[tilespmem:s13+$0xD830] =	vst.add.f32.msk $0xffff, v2  }
0xc3: {  	v2 =	vld [tilespmem:s21+$0x40]  }
0xc4: {  	[tilespmem:s12+$0xE030] =	vst.add.f32.msk $0xffff, v1  }
0xc5: {  	v1 =	vld [tilespmem:s16+$0x840]  }
0xc6: {  	[tilespmem:s7+$0xE830] =	vst.add.f32.msk $0xffff, v0  }
0xc7: {  	v0 =	vld [tilespmem:s6+$0x1040]  }
0xc8: {  	[tilespmem:s13+$0xD840] =	vst.add.f32.msk $0xffff, v2  }
0xc9: {  	v2 =	vld [tilespmem:s21+$0x50]  }
0xca: {  	[tilespmem:s12+$0xE040] =	vst.add.f32.msk $0xffff, v1  }
0xcb: {  	v1 =	vld [tilespmem:s16+$0x850]  }
0xcc: {  	[tilespmem:s7+$0xE840] =	vst.add.f32.msk $0xffff, v0  }
0xcd: {  	v0 =	vld [tilespmem:s6+$0x1050]  }
0xce: {  	[tilespmem:s13+$0xD850] =	vst.add.f32.msk $0xffff, v2  }
0xcf: {  	v2 =	vld [tilespmem:s21+$0x60]  }
0xd0: {  	[tilespmem:s12+$0xE050] =	vst.add.f32.msk $0xffff, v1  }
0xd1: {  	v1 =	vld [tilespmem:s16+$0x860]  }
0xd2: {  	[tilespmem:s7+$0xE850] =	vst.add.f32.msk $0xffff, v0  }
0xd3: {  	v0 =	vld [tilespmem:s6+$0x1060]  }
0xd4: {  	[tilespmem:s13+$0xD860] =	vst.add.f32.msk $0xffff, v2  }
0xd5: {  	v2 =	vld [tilespmem:s21+$0x70]  }
0xd6: {  	[tilespmem:s12+$0xE060] =	vst.add.f32.msk $0xffff, v1  }
0xd7: {  	v1 =	vld [tilespmem:s16+$0x870]  }
0xd8: {  	[tilespmem:s7+$0xE860] =	vst.add.f32.msk $0xffff, v0  }
0xd9: {  	v0 =	vld [tilespmem:s6+$0x1070]  }
0xda: {  	[tilespmem:s13+$0xD870] =	vst.add.f32.msk $0xffff, v2  }
0xdb: {  	v2 =	vld [tilespmem:s21+$0x400]  }
0xdc: {  	[tilespmem:s12+$0xE070] =	vst.add.f32.msk $0xffff, v1  }
0xdd: {  	v1 =	vld [tilespmem:s16+$0xC00]  }
0xde: {  	[tilespmem:s7+$0xE870] =	vst.add.f32.msk $0xffff, v0  }
0xdf: {  	v0 =	vld [tilespmem:s6+$0x1400]  }
0xe0: {  	[tilespmem:s13+$0xDC00] =	vst.add.f32.msk $0xffff, v2  }
0xe1: {  	v2 =	vld [tilespmem:s21+$0x410]  }
0xe2: {  	[tilespmem:s12+$0xE400] =	vst.add.f32.msk $0xffff, v1  }
0xe3: {  	v1 =	vld [tilespmem:s16+$0xC10]  }
0xe4: {  	[tilespmem:s7+$0xEC00] =	vst.add.f32.msk $0xffff, v0  }
0xe5: {  	v0 =	vld [tilespmem:s6+$0x1410]  }
0xe6: {  	[tilespmem:s13+$0xDC10] =	vst.add.f32.msk $0xffff, v2  }
0xe7: {  	v2 =	vld [tilespmem:s21+$0x420]  }
0xe8: {  	[tilespmem:s12+$0xE410] =	vst.add.f32.msk $0xffff, v1  }
0xe9: {  	v1 =	vld [tilespmem:s16+$0xC20]  }
0xea: {  	[tilespmem:s7+$0xEC10] =	vst.add.f32.msk $0xffff, v0  }
0xeb: {  	v0 =	vld [tilespmem:s6+$0x1420]  }
0xec: {  	[tilespmem:s13+$0xDC20] =	vst.add.f32.msk $0xffff, v2  }
0xed: {  	v2 =	vld [tilespmem:s21+$0x430]  }
0xee: {  	[tilespmem:s12+$0xE420] =	vst.add.f32.msk $0xffff, v1  }
0xef: {  	v1 =	vld [tilespmem:s16+$0xC30]  }
0xf0: {  	[tilespmem:s7+$0xEC20] =	vst.add.f32.msk $0xffff, v0  }
0xf1: {  	v0 =	vld [tilespmem:s6+$0x1430]  }
0xf2: {  	[tilespmem:s13+$0xDC30] =	vst.add.f32.msk $0xffff, v2  }
0xf3: {  	v2 =	vld [tilespmem:s21+$0x440]  }
0xf4: {  	[tilespmem:s12+$0xE430] =	vst.add.f32.msk $0xffff, v1  }
0xf5: {  	v1 =	vld [tilespmem:s16+$0xC40]  }
0xf6: {  	[tilespmem:s7+$0xEC30] =	vst.add.f32.msk $0xffff, v0  }
0xf7: {  	v0 =	vld [tilespmem:s6+$0x1440]  }
0xf8: {  	[tilespmem:s13+$0xDC40] =	vst.add.f32.msk $0xffff, v2  }
0xf9: {  	v2 =	vld [tilespmem:s21+$0x450]  }
0xfa: {  	[tilespmem:s12+$0xE440] =	vst.add.f32.msk $0xffff, v1  }
0xfb: {  	v1 =	vld [tilespmem:s16+$0xC50]  }
0xfc: {  	[tilespmem:s7+$0xEC40] =	vst.add.f32.msk $0xffff, v0  }
0xfd: {  	v0 =	vld [tilespmem:s6+$0x1450]  }
0xfe: {  	[tilespmem:s13+$0xDC50] =	vst.add.f32.msk $0xffff, v2  }
0xff: {  	v2 =	vld [tilespmem:s21+$0x460]  }
0x100: {  	s25 =	smul.u32 $0x2AC, s9;
	[tilespmem:s12+$0xE450] =	vst.add.f32.msk $0xffff, v1  }
0x101: {  	v1 =	vld [tilespmem:s16+$0xC60]  }
0x102: {  	s10 =	sshrl.u32 s25, $0x9;
	[tilespmem:s7+$0xEC50] =	vst.add.f32.msk $0xffff, v0  }
0x103: {  	s10 =	sand.u32 $0x7F, s10;
	v0 =	vld [tilespmem:s6+$0x1460]  }
0x104: {  	s17 =	sadd.s32 $0x3, s14;
	s15 =	smul.u32 $0x3, s10;
	[tilespmem:s13+$0xDC60] =	vst.add.f32.msk $0xffff, v2  }
0x105: {  	s17 =	sshrl.u32 s17, $0x3;
	s10 =	sshll.u32 s9, $0x2;
	v2 =	vld [tilespmem:s21+$0x470]  }
0x106: {  	s18 =	smul.u32 $0x6000, s17;
	s15 =	ssub.s32 s10, s15;
	[tilespmem:s12+$0xE460] =	vst.add.f32.msk $0xffff, v1  }
0x107: {  	s17 =	simm.s32 $0x180;
	s15 =	smul.u32 $0x18, s15;
	v1 =	vld [tilespmem:s16+$0xC70]  }
0x108: {  	s19 =	sshra.s32 s18, $0x2;
	s18 =	simm.s32 $0x3;
	s20 =	sand.u32 $0x380, s17;
	[tilespmem:s7+$0xEC60] =	vst.add.f32.msk $0xffff, v0  }
0x109: {  	s22 =	sor.u32 s20, s19;
	s19 =	simm.s32 $0x4;
	s15 =	sand.u32 $0xF8, s15;
	v0 =	vld [tilespmem:s6+$0x1470]  }
.LBB2_3:
0x10a: {  	p0 =	sne.s32 s19, $0x17;
	v3 =	vld [tilespmem:s22+$0x0];
	s6 =	smov.u32 s21;
	s21 =	smov.u32 s22  }
0x10b: {  	s22 =	sshrl.u32 s18, $0x3;
	s18 =	smov.u32 s19;
	[tilespmem:s13+$0xDC70] =	vst.add.f32.msk $0xffff, v2  }
0x10c: {  	s22 =	smul.u32 $0x6000, s22;
	v2 =	vld [tilespmem:s6+$0x800]  }
0x10d: {  	[tilespmem:s12+$0xE470] =	vst.add.f32.msk $0xffff, v1  }
0x10e: {  	s22 =	sshra.s32 s22, $0x2;
	[tilespmem:s7+$0xEC70] =	vst.add.f32.msk $0xffff, v0;
	s7 =	smov.u32 s12;
	s12 =	smov.u32 s13  }
0x10f: {  	s13 =	sor.u32 s20, s22;
	v0 =	vld [tilespmem:s16+$0x1000]  }
0x110: {  	[tilespmem:s13+$0xD800] =	vst.add.f32.msk $0xffff, v3  }
0x111: {  	v1 =	vld [tilespmem:s21+$0x10]  }
0x112: {  	[tilespmem:s12+$0xE000] =	vst.add.f32.msk $0xffff, v2  }
0x113: {  	v2 =	vld [tilespmem:s6+$0x810]  }
0x114: {  	[tilespmem:s7+$0xE800] =	vst.add.f32.msk $0xffff, v0  }
0x115: {  	v0 =	vld [tilespmem:s16+$0x1010]  }
0x116: {  	[tilespmem:s13+$0xD810] =	vst.add.f32.msk $0xffff, v1  }
0x117: {  	v1 =	vld [tilespmem:s21+$0x20]  }
0x118: {  	[tilespmem:s12+$0xE010] =	vst.add.f32.msk $0xffff, v2  }
0x119: {  	v2 =	vld [tilespmem:s6+$0x820]  }
0x11a: {  	[tilespmem:s7+$0xE810] =	vst.add.f32.msk $0xffff, v0  }
0x11b: {  	v0 =	vld [tilespmem:s16+$0x1020]  }
0x11c: {  	[tilespmem:s13+$0xD820] =	vst.add.f32.msk $0xffff, v1  }
0x11d: {  	v1 =	vld [tilespmem:s21+$0x30]  }
0x11e: {  	[tilespmem:s12+$0xE020] =	vst.add.f32.msk $0xffff, v2  }
0x11f: {  	v2 =	vld [tilespmem:s6+$0x830]  }
0x120: {  	[tilespmem:s7+$0xE820] =	vst.add.f32.msk $0xffff, v0  }
0x121: {  	v0 =	vld [tilespmem:s16+$0x1030]  }
0x122: {  	[tilespmem:s13+$0xD830] =	vst.add.f32.msk $0xffff, v1  }
0x123: {  	v1 =	vld [tilespmem:s21+$0x40]  }
0x124: {  	[tilespmem:s12+$0xE030] =	vst.add.f32.msk $0xffff, v2  }
0x125: {  	v2 =	vld [tilespmem:s6+$0x840]  }
0x126: {  	[tilespmem:s7+$0xE830] =	vst.add.f32.msk $0xffff, v0  }
0x127: {  	v0 =	vld [tilespmem:s16+$0x1040]  }
0x128: {  	[tilespmem:s13+$0xD840] =	vst.add.f32.msk $0xffff, v1  }
0x129: {  	v1 =	vld [tilespmem:s21+$0x50]  }
0x12a: {  	[tilespmem:s12+$0xE040] =	vst.add.f32.msk $0xffff, v2  }
0x12b: {  	v2 =	vld [tilespmem:s6+$0x850]  }
0x12c: {  	[tilespmem:s7+$0xE840] =	vst.add.f32.msk $0xffff, v0  }
0x12d: {  	v0 =	vld [tilespmem:s16+$0x1050]  }
0x12e: {  	[tilespmem:s13+$0xD850] =	vst.add.f32.msk $0xffff, v1  }
0x12f: {  	v1 =	vld [tilespmem:s21+$0x60]  }
0x130: {  	[tilespmem:s12+$0xE050] =	vst.add.f32.msk $0xffff, v2  }
0x131: {  	v2 =	vld [tilespmem:s6+$0x860]  }
0x132: {  	[tilespmem:s7+$0xE850] =	vst.add.f32.msk $0xffff, v0  }
0x133: {  	v0 =	vld [tilespmem:s16+$0x1060]  }
0x134: {  	[tilespmem:s13+$0xD860] =	vst.add.f32.msk $0xffff, v1  }
0x135: {  	v1 =	vld [tilespmem:s21+$0x70]  }
0x136: {  	[tilespmem:s12+$0xE060] =	vst.add.f32.msk $0xffff, v2  }
0x137: {  	v2 =	vld [tilespmem:s6+$0x870]  }
0x138: {  	[tilespmem:s7+$0xE860] =	vst.add.f32.msk $0xffff, v0  }
0x139: {  	v0 =	vld [tilespmem:s16+$0x1070]  }
0x13a: {  	[tilespmem:s13+$0xD870] =	vst.add.f32.msk $0xffff, v1  }
0x13b: {  	v1 =	vld [tilespmem:s21+$0x400]  }
0x13c: {  	[tilespmem:s12+$0xE070] =	vst.add.f32.msk $0xffff, v2  }
0x13d: {  	v2 =	vld [tilespmem:s6+$0xC00]  }
0x13e: {  	[tilespmem:s7+$0xE870] =	vst.add.f32.msk $0xffff, v0  }
0x13f: {  	v0 =	vld [tilespmem:s16+$0x1400]  }
0x140: {  	[tilespmem:s13+$0xDC00] =	vst.add.f32.msk $0xffff, v1  }
0x141: {  	v1 =	vld [tilespmem:s21+$0x410]  }
0x142: {  	[tilespmem:s12+$0xE400] =	vst.add.f32.msk $0xffff, v2  }
0x143: {  	v2 =	vld [tilespmem:s6+$0xC10]  }
0x144: {  	[tilespmem:s7+$0xEC00] =	vst.add.f32.msk $0xffff, v0  }
0x145: {  	v0 =	vld [tilespmem:s16+$0x1410]  }
0x146: {  	[tilespmem:s13+$0xDC10] =	vst.add.f32.msk $0xffff, v1  }
0x147: {  	v1 =	vld [tilespmem:s21+$0x420]  }
0x148: {  	[tilespmem:s12+$0xE410] =	vst.add.f32.msk $0xffff, v2  }
0x149: {  	v2 =	vld [tilespmem:s6+$0xC20]  }
0x14a: {  	[tilespmem:s7+$0xEC10] =	vst.add.f32.msk $0xffff, v0  }
0x14b: {  	v0 =	vld [tilespmem:s16+$0x1420]  }
0x14c: {  	[tilespmem:s13+$0xDC20] =	vst.add.f32.msk $0xffff, v1  }
0x14d: {  	v1 =	vld [tilespmem:s21+$0x430]  }
0x14e: {  	[tilespmem:s12+$0xE420] =	vst.add.f32.msk $0xffff, v2  }
0x14f: {  	v2 =	vld [tilespmem:s6+$0xC30]  }
0x150: {  	[tilespmem:s7+$0xEC20] =	vst.add.f32.msk $0xffff, v0  }
0x151: {  	v0 =	vld [tilespmem:s16+$0x1430]  }
0x152: {  	[tilespmem:s13+$0xDC30] =	vst.add.f32.msk $0xffff, v1  }
0x153: {  	v1 =	vld [tilespmem:s21+$0x440]  }
0x154: {  	[tilespmem:s12+$0xE430] =	vst.add.f32.msk $0xffff, v2  }
0x155: {  	v2 =	vld [tilespmem:s6+$0xC40]  }
0x156: {  	[tilespmem:s7+$0xEC30] =	vst.add.f32.msk $0xffff, v0  }
0x157: {  	v0 =	vld [tilespmem:s16+$0x1440]  }
0x158: {  	[tilespmem:s13+$0xDC40] =	vst.add.f32.msk $0xffff, v1  }
0x159: {  	v1 =	vld [tilespmem:s21+$0x450]  }
0x15a: {  	[tilespmem:s12+$0xE440] =	vst.add.f32.msk $0xffff, v2  }
0x15b: {  	v2 =	vld [tilespmem:s6+$0xC50]  }
0x15c: {  	[tilespmem:s7+$0xEC40] =	vst.add.f32.msk $0xffff, v0  }
0x15d: {  	v0 =	vld [tilespmem:s16+$0x1450]  }
0x15e: {  	[tilespmem:s13+$0xDC50] =	vst.add.f32.msk $0xffff, v1  }
0x15f: {  	v1 =	vld [tilespmem:s21+$0x460]  }
0x160: {  	[tilespmem:s12+$0xE450] =	vst.add.f32.msk $0xffff, v2  }
0x161: {  	v3 =	vld [tilespmem:s6+$0xC60]  }
0x162: {  	[tilespmem:s7+$0xEC50] =	vst.add.f32.msk $0xffff, v0  }
0x163: {  	v0 =	vld [tilespmem:s16+$0x1460]  }
0x164: {  	s20 =	sadd.s32 s19, s14;
	[tilespmem:s13+$0xDC60] =	vst.add.f32.msk $0xffff, v1  }
.Ltmp2:
0x165: {  	s20 =	sshrl.u32 s20, $0x3;
	v2 =	vld [tilespmem:s21+$0x470];
	(pc) =	sbr.rel @p0 .LBB2_3-.Ltmp2, $4  }
0x166: {  	s22 =	smul.u32 $0x6000, s20;
	[tilespmem:s12+$0xE460] =	vst.add.f32.msk $0xffff, v3  }
0x167: {  	s17 =	sadd.s32 $0x80, s17;
	v1 =	vld [tilespmem:s6+$0xC70]  }
0x168: {  	s20 =	sand.u32 $0x380, s17;
	s22 =	sshra.s32 s22, $0x2;
	[tilespmem:s7+$0xEC60] =	vst.add.f32.msk $0xffff, v0  }
0x169: {  	s19 =	sadd.s32 $0x1, s19;
	s22 =	sor.u32 s20, s22;
	v0 =	vld [tilespmem:s16+$0x1470];
	s16 =	smov.u32 s6  }
0x16a: {  	v3 =	vld [tilespmem:s22+$0x0];
	s6 =	sshrl.u32 s18, $0x3  }
0x16b: {  	s6 =	smul.u32 $0x6000, s6;
	_ =	sdelay $0x1  }
0x16c: {  	s6 =	sshra.s32 s6, $0x2  }
0x16d: {  	s6 =	sor.u32 s20, s6  }
0x16e: {  	[tilespmem:s6+$0xD800] =	vst.add.f32.msk $0xffff, v3  }
0x16f: {  	v3 =	vld [tilespmem:s22+$0x10];
	_ =	sdelay $0x4  }
0x170: {  	[tilespmem:s6+$0xD810] =	vst.add.f32.msk $0xffff, v3  }
0x171: {  	v3 =	vld [tilespmem:s22+$0x20];
	_ =	sdelay $0x4  }
0x172: {  	[tilespmem:s6+$0xD820] =	vst.add.f32.msk $0xffff, v3  }
0x173: {  	v3 =	vld [tilespmem:s22+$0x30];
	_ =	sdelay $0x4  }
0x174: {  	[tilespmem:s6+$0xD830] =	vst.add.f32.msk $0xffff, v3  }
0x175: {  	v3 =	vld [tilespmem:s22+$0x40];
	_ =	sdelay $0x4  }
0x176: {  	[tilespmem:s6+$0xD840] =	vst.add.f32.msk $0xffff, v3  }
0x177: {  	v3 =	vld [tilespmem:s22+$0x50];
	_ =	sdelay $0x4  }
0x178: {  	[tilespmem:s6+$0xD850] =	vst.add.f32.msk $0xffff, v3  }
0x179: {  	v3 =	vld [tilespmem:s22+$0x60];
	_ =	sdelay $0x4  }
0x17a: {  	[tilespmem:s6+$0xD860] =	vst.add.f32.msk $0xffff, v3  }
0x17b: {  	v3 =	vld [tilespmem:s22+$0x70];
	_ =	sdelay $0x4  }
0x17c: {  	[tilespmem:s6+$0xD870] =	vst.add.f32.msk $0xffff, v3  }
0x17d: {  	v3 =	vld [tilespmem:s22+$0x400];
	_ =	sdelay $0x4  }
0x17e: {  	[tilespmem:s6+$0xDC00] =	vst.add.f32.msk $0xffff, v3  }
0x17f: {  	v3 =	vld [tilespmem:s22+$0x410];
	_ =	sdelay $0x4  }
0x180: {  	[tilespmem:s6+$0xDC10] =	vst.add.f32.msk $0xffff, v3  }
0x181: {  	v3 =	vld [tilespmem:s22+$0x420];
	_ =	sdelay $0x4  }
0x182: {  	[tilespmem:s6+$0xDC20] =	vst.add.f32.msk $0xffff, v3  }
0x183: {  	v3 =	vld [tilespmem:s22+$0x430];
	_ =	sdelay $0x4  }
0x184: {  	[tilespmem:s6+$0xDC30] =	vst.add.f32.msk $0xffff, v3  }
0x185: {  	v3 =	vld [tilespmem:s22+$0x440];
	_ =	sdelay $0x4  }
0x186: {  	[tilespmem:s6+$0xDC40] =	vst.add.f32.msk $0xffff, v3  }
0x187: {  	v3 =	vld [tilespmem:s22+$0x450];
	_ =	sdelay $0x4  }
0x188: {  	[tilespmem:s6+$0xDC50] =	vst.add.f32.msk $0xffff, v3  }
0x189: {  	v3 =	vld [tilespmem:s22+$0x460];
	_ =	sdelay $0x4  }
0x18a: {  	[tilespmem:s6+$0xDC60] =	vst.add.f32.msk $0xffff, v3  }
0x18b: {  	v3 =	vld [tilespmem:s22+$0x470];
	_ =	sdelay $0x2  }
0x18c: {  	[tilespmem:s13+$0xDC70] =	vst.add.f32.msk $0xffff, v2  }
0x18d: {  	v2 =	vld [tilespmem:s21+$0x800]  }
0x18e: {  	[tilespmem:s6+$0xDC70] =	vst.add.f32.msk $0xffff, v3  }
0x18f: {  	v3 =	vld [tilespmem:s22+$0x800];
	_ =	sdelay $0x2  }
0x190: {  	[tilespmem:s13+$0xE000] =	vst.add.f32.msk $0xffff, v2  }
0x191: {  	v2 =	vld [tilespmem:s21+$0x810]  }
0x192: {  	[tilespmem:s6+$0xE000] =	vst.add.f32.msk $0xffff, v3  }
0x193: {  	v3 =	vld [tilespmem:s22+$0x810];
	_ =	sdelay $0x2  }
0x194: {  	[tilespmem:s13+$0xE010] =	vst.add.f32.msk $0xffff, v2  }
0x195: {  	v2 =	vld [tilespmem:s21+$0x820]  }
0x196: {  	[tilespmem:s6+$0xE010] =	vst.add.f32.msk $0xffff, v3  }
0x197: {  	v3 =	vld [tilespmem:s22+$0x820];
	_ =	sdelay $0x2  }
0x198: {  	[tilespmem:s13+$0xE020] =	vst.add.f32.msk $0xffff, v2  }
0x199: {  	v2 =	vld [tilespmem:s21+$0x830]  }
0x19a: {  	[tilespmem:s6+$0xE020] =	vst.add.f32.msk $0xffff, v3  }
0x19b: {  	v3 =	vld [tilespmem:s22+$0x830];
	_ =	sdelay $0x2  }
0x19c: {  	[tilespmem:s13+$0xE030] =	vst.add.f32.msk $0xffff, v2  }
0x19d: {  	v2 =	vld [tilespmem:s21+$0x840]  }
0x19e: {  	[tilespmem:s6+$0xE030] =	vst.add.f32.msk $0xffff, v3  }
0x19f: {  	v3 =	vld [tilespmem:s22+$0x840];
	_ =	sdelay $0x2  }
0x1a0: {  	[tilespmem:s13+$0xE040] =	vst.add.f32.msk $0xffff, v2  }
0x1a1: {  	v2 =	vld [tilespmem:s21+$0x850]  }
0x1a2: {  	[tilespmem:s6+$0xE040] =	vst.add.f32.msk $0xffff, v3  }
0x1a3: {  	v3 =	vld [tilespmem:s22+$0x850];
	_ =	sdelay $0x2  }
0x1a4: {  	[tilespmem:s13+$0xE050] =	vst.add.f32.msk $0xffff, v2  }
0x1a5: {  	v2 =	vld [tilespmem:s21+$0x860]  }
0x1a6: {  	[tilespmem:s6+$0xE050] =	vst.add.f32.msk $0xffff, v3  }
0x1a7: {  	v3 =	vld [tilespmem:s22+$0x860];
	_ =	sdelay $0x2  }
0x1a8: {  	[tilespmem:s13+$0xE060] =	vst.add.f32.msk $0xffff, v2  }
0x1a9: {  	v2 =	vld [tilespmem:s21+$0x870]  }
0x1aa: {  	[tilespmem:s6+$0xE060] =	vst.add.f32.msk $0xffff, v3  }
0x1ab: {  	v3 =	vld [tilespmem:s22+$0x870];
	_ =	sdelay $0x2  }
0x1ac: {  	[tilespmem:s13+$0xE070] =	vst.add.f32.msk $0xffff, v2  }
0x1ad: {  	v2 =	vld [tilespmem:s21+$0xC00]  }
0x1ae: {  	[tilespmem:s6+$0xE070] =	vst.add.f32.msk $0xffff, v3  }
0x1af: {  	v3 =	vld [tilespmem:s22+$0xC00];
	_ =	sdelay $0x2  }
0x1b0: {  	[tilespmem:s13+$0xE400] =	vst.add.f32.msk $0xffff, v2  }
0x1b1: {  	v2 =	vld [tilespmem:s21+$0xC10]  }
0x1b2: {  	[tilespmem:s6+$0xE400] =	vst.add.f32.msk $0xffff, v3  }
0x1b3: {  	v3 =	vld [tilespmem:s22+$0xC10];
	_ =	sdelay $0x2  }
0x1b4: {  	[tilespmem:s13+$0xE410] =	vst.add.f32.msk $0xffff, v2  }
0x1b5: {  	v2 =	vld [tilespmem:s21+$0xC20]  }
0x1b6: {  	[tilespmem:s6+$0xE410] =	vst.add.f32.msk $0xffff, v3  }
0x1b7: {  	v3 =	vld [tilespmem:s22+$0xC20];
	_ =	sdelay $0x2  }
0x1b8: {  	[tilespmem:s13+$0xE420] =	vst.add.f32.msk $0xffff, v2  }
0x1b9: {  	v2 =	vld [tilespmem:s21+$0xC30]  }
0x1ba: {  	[tilespmem:s6+$0xE420] =	vst.add.f32.msk $0xffff, v3  }
0x1bb: {  	v3 =	vld [tilespmem:s22+$0xC30];
	_ =	sdelay $0x2  }
0x1bc: {  	[tilespmem:s13+$0xE430] =	vst.add.f32.msk $0xffff, v2  }
0x1bd: {  	v2 =	vld [tilespmem:s21+$0xC40]  }
0x1be: {  	[tilespmem:s6+$0xE430] =	vst.add.f32.msk $0xffff, v3  }
0x1bf: {  	v3 =	vld [tilespmem:s22+$0xC40];
	_ =	sdelay $0x2  }
0x1c0: {  	[tilespmem:s13+$0xE440] =	vst.add.f32.msk $0xffff, v2  }
0x1c1: {  	v2 =	vld [tilespmem:s21+$0xC50]  }
0x1c2: {  	[tilespmem:s6+$0xE440] =	vst.add.f32.msk $0xffff, v3  }
0x1c3: {  	v3 =	vld [tilespmem:s22+$0xC50];
	_ =	sdelay $0x2  }
0x1c4: {  	[tilespmem:s13+$0xE450] =	vst.add.f32.msk $0xffff, v2  }
0x1c5: {  	v2 =	vld [tilespmem:s21+$0xC60]  }
0x1c6: {  	[tilespmem:s6+$0xE450] =	vst.add.f32.msk $0xffff, v3  }
0x1c7: {  	v3 =	vld [tilespmem:s22+$0xC60];
	_ =	sdelay $0x2  }
0x1c8: {  	[tilespmem:s13+$0xE460] =	vst.add.f32.msk $0xffff, v2  }
0x1c9: {  	v2 =	vld [tilespmem:s21+$0xC70]  }
0x1ca: {  	[tilespmem:s6+$0xE460] =	vst.add.f32.msk $0xffff, v3  }
0x1cb: {  	v3 =	vld [tilespmem:s22+$0xC70]  }
0x1cc: {  	[tilespmem:s12+$0xE470] =	vst.add.f32.msk $0xffff, v1  }
0x1cd: {  	v1 =	vld [tilespmem:s16+$0x1000]  }
0x1ce: {  	[tilespmem:s13+$0xE470] =	vst.add.f32.msk $0xffff, v2  }
0x1cf: {  	v2 =	vld [tilespmem:s21+$0x1000]  }
0x1d0: {  	[tilespmem:s6+$0xE470] =	vst.add.f32.msk $0xffff, v3  }
0x1d1: {  	v3 =	vld [tilespmem:s22+$0x1000]  }
0x1d2: {  	[tilespmem:s12+$0xE800] =	vst.add.f32.msk $0xffff, v1  }
0x1d3: {  	v1 =	vld [tilespmem:s16+$0x1010]  }
0x1d4: {  	[tilespmem:s13+$0xE800] =	vst.add.f32.msk $0xffff, v2  }
0x1d5: {  	v2 =	vld [tilespmem:s21+$0x1010]  }
0x1d6: {  	[tilespmem:s6+$0xE800] =	vst.add.f32.msk $0xffff, v3  }
0x1d7: {  	v3 =	vld [tilespmem:s22+$0x1010]  }
0x1d8: {  	[tilespmem:s12+$0xE810] =	vst.add.f32.msk $0xffff, v1  }
0x1d9: {  	v1 =	vld [tilespmem:s16+$0x1020]  }
0x1da: {  	[tilespmem:s13+$0xE810] =	vst.add.f32.msk $0xffff, v2  }
0x1db: {  	v2 =	vld [tilespmem:s21+$0x1020]  }
0x1dc: {  	[tilespmem:s6+$0xE810] =	vst.add.f32.msk $0xffff, v3  }
0x1dd: {  	v3 =	vld [tilespmem:s22+$0x1020]  }
0x1de: {  	[tilespmem:s12+$0xE820] =	vst.add.f32.msk $0xffff, v1  }
0x1df: {  	v1 =	vld [tilespmem:s16+$0x1030]  }
0x1e0: {  	[tilespmem:s13+$0xE820] =	vst.add.f32.msk $0xffff, v2  }
0x1e1: {  	v2 =	vld [tilespmem:s21+$0x1030]  }
0x1e2: {  	[tilespmem:s6+$0xE820] =	vst.add.f32.msk $0xffff, v3  }
0x1e3: {  	v3 =	vld [tilespmem:s22+$0x1030]  }
0x1e4: {  	[tilespmem:s12+$0xE830] =	vst.add.f32.msk $0xffff, v1  }
0x1e5: {  	v1 =	vld [tilespmem:s16+$0x1040]  }
0x1e6: {  	[tilespmem:s13+$0xE830] =	vst.add.f32.msk $0xffff, v2  }
0x1e7: {  	v2 =	vld [tilespmem:s21+$0x1040]  }
0x1e8: {  	[tilespmem:s6+$0xE830] =	vst.add.f32.msk $0xffff, v3  }
0x1e9: {  	v3 =	vld [tilespmem:s22+$0x1040]  }
0x1ea: {  	[tilespmem:s12+$0xE840] =	vst.add.f32.msk $0xffff, v1  }
0x1eb: {  	v1 =	vld [tilespmem:s16+$0x1050]  }
0x1ec: {  	[tilespmem:s13+$0xE840] =	vst.add.f32.msk $0xffff, v2  }
0x1ed: {  	v2 =	vld [tilespmem:s21+$0x1050]  }
0x1ee: {  	[tilespmem:s6+$0xE840] =	vst.add.f32.msk $0xffff, v3  }
0x1ef: {  	v3 =	vld [tilespmem:s22+$0x1050]  }
0x1f0: {  	[tilespmem:s12+$0xE850] =	vst.add.f32.msk $0xffff, v1  }
0x1f1: {  	v1 =	vld [tilespmem:s16+$0x1060]  }
0x1f2: {  	[tilespmem:s13+$0xE850] =	vst.add.f32.msk $0xffff, v2  }
0x1f3: {  	v2 =	vld [tilespmem:s21+$0x1060]  }
0x1f4: {  	[tilespmem:s6+$0xE850] =	vst.add.f32.msk $0xffff, v3  }
0x1f5: {  	v3 =	vld [tilespmem:s22+$0x1060]  }
0x1f6: {  	[tilespmem:s12+$0xE860] =	vst.add.f32.msk $0xffff, v1  }
0x1f7: {  	v1 =	vld [tilespmem:s16+$0x1070]  }
0x1f8: {  	[tilespmem:s13+$0xE860] =	vst.add.f32.msk $0xffff, v2  }
0x1f9: {  	v2 =	vld [tilespmem:s21+$0x1070]  }
0x1fa: {  	[tilespmem:s6+$0xE860] =	vst.add.f32.msk $0xffff, v3  }
0x1fb: {  	v3 =	vld [tilespmem:s22+$0x1070]  }
0x1fc: {  	[tilespmem:s12+$0xE870] =	vst.add.f32.msk $0xffff, v1  }
0x1fd: {  	v1 =	vld [tilespmem:s16+$0x1400]  }
0x1fe: {  	[tilespmem:s13+$0xE870] =	vst.add.f32.msk $0xffff, v2  }
0x1ff: {  	v2 =	vld [tilespmem:s21+$0x1400]  }
0x200: {  	[tilespmem:s6+$0xE870] =	vst.add.f32.msk $0xffff, v3  }
0x201: {  	v3 =	vld [tilespmem:s22+$0x1400]  }
0x202: {  	[tilespmem:s12+$0xEC00] =	vst.add.f32.msk $0xffff, v1  }
0x203: {  	v1 =	vld [tilespmem:s16+$0x1410]  }
0x204: {  	[tilespmem:s13+$0xEC00] =	vst.add.f32.msk $0xffff, v2  }
0x205: {  	v2 =	vld [tilespmem:s21+$0x1410]  }
0x206: {  	[tilespmem:s6+$0xEC00] =	vst.add.f32.msk $0xffff, v3  }
0x207: {  	v3 =	vld [tilespmem:s22+$0x1410]  }
0x208: {  	[tilespmem:s12+$0xEC10] =	vst.add.f32.msk $0xffff, v1  }
0x209: {  	v1 =	vld [tilespmem:s16+$0x1420]  }
0x20a: {  	[tilespmem:s13+$0xEC10] =	vst.add.f32.msk $0xffff, v2  }
0x20b: {  	v2 =	vld [tilespmem:s21+$0x1420]  }
0x20c: {  	[tilespmem:s6+$0xEC10] =	vst.add.f32.msk $0xffff, v3  }
0x20d: {  	v3 =	vld [tilespmem:s22+$0x1420]  }
0x20e: {  	[tilespmem:s12+$0xEC20] =	vst.add.f32.msk $0xffff, v1  }
0x20f: {  	v1 =	vld [tilespmem:s16+$0x1430]  }
0x210: {  	[tilespmem:s13+$0xEC20] =	vst.add.f32.msk $0xffff, v2  }
0x211: {  	v2 =	vld [tilespmem:s21+$0x1430]  }
0x212: {  	[tilespmem:s6+$0xEC20] =	vst.add.f32.msk $0xffff, v3  }
0x213: {  	v3 =	vld [tilespmem:s22+$0x1430]  }
0x214: {  	[tilespmem:s12+$0xEC30] =	vst.add.f32.msk $0xffff, v1  }
0x215: {  	v1 =	vld [tilespmem:s16+$0x1440]  }
0x216: {  	[tilespmem:s13+$0xEC30] =	vst.add.f32.msk $0xffff, v2  }
0x217: {  	v2 =	vld [tilespmem:s21+$0x1440]  }
0x218: {  	[tilespmem:s6+$0xEC30] =	vst.add.f32.msk $0xffff, v3  }
0x219: {  	v3 =	vld [tilespmem:s22+$0x1440]  }
0x21a: {  	[tilespmem:s12+$0xEC40] =	vst.add.f32.msk $0xffff, v1  }
0x21b: {  	v1 =	vld [tilespmem:s16+$0x1450]  }
0x21c: {  	[tilespmem:s13+$0xEC40] =	vst.add.f32.msk $0xffff, v2  }
0x21d: {  	v2 =	vld [tilespmem:s21+$0x1450]  }
0x21e: {  	[tilespmem:s6+$0xEC40] =	vst.add.f32.msk $0xffff, v3  }
0x21f: {  	v3 =	vld [tilespmem:s22+$0x1450]  }
0x220: {  	[tilespmem:s12+$0xEC50] =	vst.add.f32.msk $0xffff, v1  }
0x221: {  	v1 =	vld [tilespmem:s16+$0x1460]  }
0x222: {  	[tilespmem:s13+$0xEC50] =	vst.add.f32.msk $0xffff, v2  }
0x223: {  	v2 =	vld [tilespmem:s21+$0x1460]  }
0x224: {  	[tilespmem:s6+$0xEC50] =	vst.add.f32.msk $0xffff, v3  }
0x225: {  	v3 =	vld [tilespmem:s22+$0x1460]  }
0x226: {  	s14 =	smulhi.u32 $0x55555556, s10;
	[tilespmem:s12+$0xEC60] =	vst.add.f32.msk $0xffff, v1  }
0x227: {  	v1 =	vld [tilespmem:s16+$0x1470]  }
0x228: {  	s14 =	sadd.s32 s11, s14;
	[tilespmem:s13+$0xEC60] =	vst.add.f32.msk $0xffff, v2  }
0x229: {  	s14 =	smul.u32 $0x240, s14;
	v2 =	vld [tilespmem:s21+$0x1470]  }
0x22a: {  	s21 =	sor.u32 $0x3, s10;
	[tilespmem:s6+$0xEC60] =	vst.add.f32.msk $0xffff, v3  }
0x22b: {  	s14 =	sadd.s32 s3, s14;
	v3 =	vld [tilespmem:s22+$0x1470];
	s22 =	smulhi.u32 $0x55555556, s21  }
0x22c: {  	s14 =	sadd.s32 s15, s14  }
0x22d: {  	[tilespmem:s7+$0xEC70] =	vst.add.f32.msk $0xffff, v0;
	s14 =	sshrl.u32 s14, $0x3;
	s25 =	smul.u32 $0x3, s22  }
0x22e: {  	s20 =	smul.u32 $0x300, s14;
	[tilespmem:s12+$0xEC70] =	vst.add.f32.msk $0xffff, v1;
	s14 =	sadd.s32 s11, s22  }
0x22f: {  	s4 =	smov.u32 s23;
	[tilespmem:s13+$0xEC70] =	vst.add.f32.msk $0xffff, v2;
	s7 =	smul.u32 $0x240, s14;
	s13 =	ssub.s32 s21, s25  }
0x230: {  	s1 =	simm.s32 $0xD800;
	s23 =	sadd.s32 s23, s20;
	[tilespmem:s6+$0xEC70] =	vst.add.f32.msk $0xffff, v3;
	s6 =	smul.u32 $0x18, s13  }
0x231: {  	[hbm4b:s23+s5] =	stream.linear.scatter [tilespmem:s1], [sflag:$0x5], $0x4800, $0x38;
	[tilespmem:$0x1F800] =	vst v63  }
0x232: {  	p0 =	seq.s32 s9, $0x0;
	s6 =	sadd.s32 s3, s6  }
0x233: {  	s6 =	sadd.s32 s7, s6;
	s7 =	simm.s32 @!p0 $0x8  }
0x234: {  	_ =	swait.ge @!p0 [sflag:s7], $0x4800  }
0x235: {  	s6 =	sshrl.u32 s6, $0x3;
	[sflag:s7] =	ssyncset.done @!p0 $0x0  }
0x236: {  	s12 =	smul.u32 $0x300, s6;
	[sflag:s7] =	ssyncadd.s32 @!p0 $0xFFFFB800  }
0x237: {  	s15 =	rddreg [dreg:$0x0]  }
0x238: {  	s17 =	simm.s32 $0x2;
	s16 =	simm.s32 $0x0;
	s6 =	sadd.s32 s15, s12  }
0x239: {  	[tilespmem:s24], [sflag:$0x4] =	stream.linear.gather [hbm4b:s6+s16], $0x4800, $0x38;
	[tilespmem:$0x1F800] =	vst v63  }
0x23a: {  	_ =	swait.ge [sflag:s17], $0x4800  }
0x23b: {  	s18 =	rddreg [dreg:$0x4]  }
0x23c: {  	s6 =	sadd.s32 $0x0, s18  }
0x23d: {  	s6 =	sshrl.u32 s6, $0x3  }
0x23e: {  	s6 =	smul.u32 $0x6000, s6;
	_ =	sdelay $0x1  }
0x23f: {  	s7 =	sand.u32 $0x380, s16;
	[sflag:s17] =	ssyncset.done $0x0;
	s6 =	sshra.s32 s6, $0x2  }
0x240: {  	[sflag:s17] =	ssyncadd.s32 $0xFFFFB800;
	s21 =	sor.u32 s7, s6  }
0x241: {  	s19 =	simm.s32 $0x0;
	v0 =	vld [tilespmem:s21+$0x0]  }
0x242: {  	s6 =	smul.u32 $0x6000, s19;
	_ =	sdelay $0x1  }
0x243: {  	s6 =	sshra.s32 s6, $0x2  }
0x244: {  	s13 =	sor.u32 s7, s6  }
0x245: {  	[tilespmem:s13+$0x12000] =	vst.add.f32.msk $0xffff, v0  }
0x246: {  	v0 =	vld [tilespmem:s21+$0x10];
	_ =	sdelay $0x2  }
0x247: {  	s6 =	sadd.s32 $0x12000, s13  }
0x248: {  	s20 =	sor.u32 $0x10, s6  }
0x249: {  	[tilespmem:s20+$0x0] =	vst.add.f32.msk $0xffff, v0  }
0x24a: {  	v0 =	vld [tilespmem:s21+$0x20];
	_ =	sdelay $0x3  }
0x24b: {  	s22 =	sor.u32 $0x20, s6  }
0x24c: {  	[tilespmem:s22+$0x0] =	vst.add.f32.msk $0xffff, v0  }
0x24d: {  	v0 =	vld [tilespmem:s21+$0x30];
	_ =	sdelay $0x3  }
0x24e: {  	s23 =	sor.u32 $0x30, s6  }
0x24f: {  	[tilespmem:s23+$0x0] =	vst.add.f32.msk $0xffff, v0  }
0x250: {  	v0 =	vld [tilespmem:s21+$0x40];
	_ =	sdelay $0x3  }
0x251: {  	s24 =	sor.u32 $0x40, s6  }
0x252: {  	[tilespmem:s24+$0x0] =	vst.add.f32.msk $0xffff, v0  }
0x253: {  	v0 =	vld [tilespmem:s21+$0x50];
	_ =	sdelay $0x3  }
0x254: {  	s25 =	sor.u32 $0x50, s6  }
0x255: {  	[tilespmem:s25+$0x0] =	vst.add.f32.msk $0xffff, v0  }
0x256: {  	v0 =	vld [tilespmem:s21+$0x60];
	_ =	sdelay $0x3  }
0x257: {  	s1 =	sor.u32 $0x60, s6  }
0x258: {  	[tilespmem:s1+$0x0] =	vst.add.f32.msk $0xffff, v0  }
0x259: {  	v0 =	vld [tilespmem:s21+$0x70];
	_ =	sdelay $0x3  }
0x25a: {  	s14 =	sor.u32 $0x70, s6  }
0x25b: {  	[tilespmem:s14+$0x0] =	vst.add.f32.msk $0xffff, v0  }
0x25c: {  	v0 =	vld [tilespmem:s21+$0x400];
	_ =	sdelay $0x3  }
0x25d: {  	s15 =	sor.u32 $0x400, s6  }
0x25e: {  	[tilespmem:s15+$0x0] =	vst.add.f32.msk $0xffff, v0  }
0x25f: {  	v0 =	vld [tilespmem:s21+$0x410];
	_ =	sdelay $0x3  }
0x260: {  	s16 =	sor.u32 $0x410, s6  }
0x261: {  	[tilespmem:s16+$0x0] =	vst.add.f32.msk $0xffff, v0  }
0x262: {  	v0 =	vld [tilespmem:s21+$0x420];
	_ =	sdelay $0x3  }
0x263: {  	s17 =	sor.u32 $0x420, s6  }
0x264: {  	[tilespmem:s17+$0x0] =	vst.add.f32.msk $0xffff, v0  }
0x265: {  	v0 =	vld [tilespmem:s21+$0x430];
	_ =	sdelay $0x3  }
0x266: {  	s18 =	sor.u32 $0x430, s6  }
0x267: {  	[tilespmem:s18+$0x0] =	vst.add.f32.msk $0xffff, v0  }
0x268: {  	v0 =	vld [tilespmem:s21+$0x440];
	_ =	sdelay $0x3  }
0x269: {  	s19 =	sor.u32 $0x440, s6  }
0x26a: {  	[tilespmem:s19+$0x0] =	vst.add.f32.msk $0xffff, v0  }
0x26b: {  	v0 =	vld [tilespmem:s21+$0x450];
	_ =	sdelay $0x3  }
0x26c: {  	s20 =	sor.u32 $0x450, s6  }
0x26d: {  	[tilespmem:s20+$0x0] =	vst.add.f32.msk $0xffff, v0  }
0x26e: {  	v0 =	vld [tilespmem:s21+$0x460];
	_ =	sdelay $0x2  }
0x26f: {  	s22 =	rddreg [dreg:$0x4]  }
0x270: {  	s7 =	sadd.s32 $0x1, s22;
	s23 =	sor.u32 $0x460, s6  }
0x271: {  	s7 =	sshrl.u32 s7, $0x3;
	[tilespmem:s23+$0x0] =	vst.add.f32.msk $0xffff, v0  }
0x272: {  	s7 =	smul.u32 $0x6000, s7;
	v0 =	vld [tilespmem:s21+$0x470]  }
0x273: {  	s24 =	simm.s32 $0x80  }
0x274: {  	s7 =	sshra.s32 s7, $0x2;
	s14 =	sand.u32 $0x380, s24  }
0x275: {  	s7 =	sor.u32 s14, s7  }
0x276: {  	s6 =	sor.u32 $0x470, s6;
	s25 =	simm.s32 $0x0;
	v1 =	vld [tilespmem:s7+$0x0]  }
0x277: {  	s1 =	smul.u32 $0x6000, s25;
	[tilespmem:s6+$0x0] =	vst.add.f32.msk $0xffff, v0  }
0x278: {  	v0 =	vld [tilespmem:s21+$0x800]  }
0x279: {  	s6 =	sshra.s32 s1, $0x2  }
0x27a: {  	s16 =	sor.u32 s14, s6  }
0x27b: {  	[tilespmem:s16+$0x12000] =	vst.add.f32.msk $0xffff, v1  }
0x27c: {  	v1 =	vld [tilespmem:s7+$0x10]  }
0x27d: {  	[tilespmem:s13+$0x12800] =	vst.add.f32.msk $0xffff, v0  }
0x27e: {  	v0 =	vld [tilespmem:s21+$0x810]  }
0x27f: {  	s6 =	sadd.s32 $0x12000, s16  }
0x280: {  	s15 =	sor.u32 $0x10, s6  }
0x281: {  	s14 =	sadd.s32 $0x12800, s13;
	[tilespmem:s15+$0x0] =	vst.add.f32.msk $0xffff, v1  }
0x282: {  	s17 =	sor.u32 $0x10, s14;
	v1 =	vld [tilespmem:s7+$0x20]  }
0x283: {  	[tilespmem:s17+$0x0] =	vst.add.f32.msk $0xffff, v0  }
0x284: {  	v0 =	vld [tilespmem:s21+$0x820];
	_ =	sdelay $0x1  }
0x285: {  	s18 =	sor.u32 $0x20, s6  }
0x286: {  	[tilespmem:s18+$0x0] =	vst.add.f32.msk $0xffff, v1  }
0x287: {  	s19 =	sor.u32 $0x20, s14;
	v1 =	vld [tilespmem:s7+$0x30]  }
0x288: {  	[tilespmem:s19+$0x0] =	vst.add.f32.msk $0xffff, v0  }
0x289: {  	v0 =	vld [tilespmem:s21+$0x830];
	_ =	sdelay $0x1  }
0x28a: {  	s20 =	sor.u32 $0x30, s6  }
0x28b: {  	[tilespmem:s20+$0x0] =	vst.add.f32.msk $0xffff, v1  }
0x28c: {  	s22 =	sor.u32 $0x30, s14;
	v1 =	vld [tilespmem:s7+$0x40]  }
0x28d: {  	[tilespmem:s22+$0x0] =	vst.add.f32.msk $0xffff, v0  }
0x28e: {  	v0 =	vld [tilespmem:s21+$0x840];
	_ =	sdelay $0x1  }
0x28f: {  	s23 =	sor.u32 $0x40, s6  }
0x290: {  	[tilespmem:s23+$0x0] =	vst.add.f32.msk $0xffff, v1  }
0x291: {  	s24 =	sor.u32 $0x40, s14;
	v1 =	vld [tilespmem:s7+$0x50]  }
0x292: {  	[tilespmem:s24+$0x0] =	vst.add.f32.msk $0xffff, v0  }
0x293: {  	v0 =	vld [tilespmem:s21+$0x850];
	_ =	sdelay $0x1  }
0x294: {  	s25 =	sor.u32 $0x50, s6  }
0x295: {  	[tilespmem:s25+$0x0] =	vst.add.f32.msk $0xffff, v1  }
0x296: {  	s1 =	sor.u32 $0x50, s14;
	v1 =	vld [tilespmem:s7+$0x60]  }
0x297: {  	[tilespmem:s1+$0x0] =	vst.add.f32.msk $0xffff, v0  }
0x298: {  	v0 =	vld [tilespmem:s21+$0x860];
	_ =	sdelay $0x1  }
0x299: {  	s17 =	sor.u32 $0x60, s6  }
0x29a: {  	[tilespmem:s17+$0x0] =	vst.add.f32.msk $0xffff, v1  }
0x29b: {  	s18 =	sor.u32 $0x60, s14;
	v1 =	vld [tilespmem:s7+$0x70]  }
0x29c: {  	[tilespmem:s18+$0x0] =	vst.add.f32.msk $0xffff, v0  }
0x29d: {  	v0 =	vld [tilespmem:s21+$0x870];
	_ =	sdelay $0x1  }
0x29e: {  	s19 =	sor.u32 $0x70, s6  }
0x29f: {  	[tilespmem:s19+$0x0] =	vst.add.f32.msk $0xffff, v1  }
0x2a0: {  	s14 =	sor.u32 $0x70, s14;
	v1 =	vld [tilespmem:s7+$0x400]  }
0x2a1: {  	[tilespmem:s14+$0x0] =	vst.add.f32.msk $0xffff, v0  }
0x2a2: {  	v0 =	vld [tilespmem:s21+$0xC00];
	_ =	sdelay $0x1  }
0x2a3: {  	s20 =	sor.u32 $0x400, s6  }
0x2a4: {  	[tilespmem:s20+$0x0] =	vst.add.f32.msk $0xffff, v1  }
0x2a5: {  	v1 =	vld [tilespmem:s7+$0x410]  }
0x2a6: {  	[tilespmem:s13+$0x12C00] =	vst.add.f32.msk $0xffff, v0  }
0x2a7: {  	v0 =	vld [tilespmem:s21+$0xC10];
	_ =	sdelay $0x1  }
0x2a8: {  	s22 =	sor.u32 $0x410, s6  }
0x2a9: {  	s14 =	sadd.s32 $0x12C00, s13;
	[tilespmem:s22+$0x0] =	vst.add.f32.msk $0xffff, v1  }
0x2aa: {  	s23 =	sor.u32 $0x10, s14;
	v1 =	vld [tilespmem:s7+$0x420]  }
0x2ab: {  	[tilespmem:s23+$0x0] =	vst.add.f32.msk $0xffff, v0  }
0x2ac: {  	v0 =	vld [tilespmem:s21+$0xC20];
	_ =	sdelay $0x1  }
0x2ad: {  	s24 =	sor.u32 $0x420, s6  }
0x2ae: {  	[tilespmem:s24+$0x0] =	vst.add.f32.msk $0xffff, v1  }
0x2af: {  	s25 =	sor.u32 $0x20, s14;
	v1 =	vld [tilespmem:s7+$0x430]  }
0x2b0: {  	[tilespmem:s25+$0x0] =	vst.add.f32.msk $0xffff, v0  }
0x2b1: {  	v0 =	vld [tilespmem:s21+$0xC30];
	_ =	sdelay $0x1  }
0x2b2: {  	s1 =	sor.u32 $0x430, s6  }
0x2b3: {  	[tilespmem:s1+$0x0] =	vst.add.f32.msk $0xffff, v1  }
0x2b4: {  	s17 =	sor.u32 $0x30, s14;
	v1 =	vld [tilespmem:s7+$0x440]  }
0x2b5: {  	[tilespmem:s17+$0x0] =	vst.add.f32.msk $0xffff, v0  }
0x2b6: {  	v0 =	vld [tilespmem:s21+$0xC40];
	_ =	sdelay $0x1  }
0x2b7: {  	s18 =	sor.u32 $0x440, s6  }
0x2b8: {  	[tilespmem:s18+$0x0] =	vst.add.f32.msk $0xffff, v1  }
0x2b9: {  	s19 =	sor.u32 $0x40, s14;
	v1 =	vld [tilespmem:s7+$0x450]  }
0x2ba: {  	[tilespmem:s19+$0x0] =	vst.add.f32.msk $0xffff, v0  }
0x2bb: {  	v0 =	vld [tilespmem:s21+$0xC50];
	_ =	sdelay $0x1  }
0x2bc: {  	s20 =	sor.u32 $0x450, s6  }
0x2bd: {  	[tilespmem:s20+$0x0] =	vst.add.f32.msk $0xffff, v1  }
0x2be: {  	s22 =	sor.u32 $0x50, s14;
	v1 =	vld [tilespmem:s7+$0x460]  }
0x2bf: {  	[tilespmem:s22+$0x0] =	vst.add.f32.msk $0xffff, v0  }
0x2c0: {  	v0 =	vld [tilespmem:s21+$0xC60]  }
0x2c1: {  	s23 =	rddreg [dreg:$0x4]  }
0x2c2: {  	s15 =	sadd.s32 $0x2, s23;
	s17 =	sor.u32 $0x460, s6  }
0x2c3: {  	s15 =	sshrl.u32 s15, $0x3;
	[tilespmem:s17+$0x0] =	vst.add.f32.msk $0xffff, v1  }
0x2c4: {  	s24 =	sor.u32 $0x60, s14;
	s15 =	smul.u32 $0x6000, s15;
	v1 =	vld [tilespmem:s7+$0x470]  }
0x2c5: {  	s17 =	simm.s32 $0x100;
	[tilespmem:s24+$0x0] =	vst.add.f32.msk $0xffff, v0  }
0x2c6: {  	s15 =	sshra.s32 s15, $0x2;
	s25 =	sand.u32 $0x380, s17;
	v0 =	vld [tilespmem:s21+$0xC70]  }
0x2c7: {  	s22 =	sor.u32 s25, s15  }
0x2c8: {  	s1 =	simm.s32 $0x0;
	s6 =	sor.u32 $0x470, s6;
	v2 =	vld [tilespmem:s22+$0x0]  }
0x2c9: {  	s19 =	smul.u32 $0x6000, s1;
	[tilespmem:s6+$0x0] =	vst.add.f32.msk $0xffff, v1  }
0x2ca: {  	s14 =	sor.u32 $0x70, s14;
	v1 =	vld [tilespmem:s7+$0x800]  }
0x2cb: {  	s6 =	sshra.s32 s19, $0x2;
	[tilespmem:s14+$0x0] =	vst.add.f32.msk $0xffff, v0  }
0x2cc: {  	s24 =	sor.u32 s25, s6;
	v0 =	vld [tilespmem:s21+$0x1000]  }
0x2cd: {  	[tilespmem:s24+$0x12000] =	vst.add.f32.msk $0xffff, v2  }
0x2ce: {  	v2 =	vld [tilespmem:s22+$0x10]  }
0x2cf: {  	[tilespmem:s16+$0x12800] =	vst.add.f32.msk $0xffff, v1  }
0x2d0: {  	v1 =	vld [tilespmem:s7+$0x810]  }
0x2d1: {  	s15 =	sadd.s32 $0x12000, s24;
	[tilespmem:s13+$0x13000] =	vst.add.f32.msk $0xffff, v0  }
0x2d2: {  	s20 =	sor.u32 $0x10, s15;
	v0 =	vld [tilespmem:s21+$0x1010]  }
0x2d3: {  	s6 =	sadd.s32 $0x12800, s16;
	[tilespmem:s20+$0x0] =	vst.add.f32.msk $0xffff, v2  }
0x2d4: {  	s23 =	sor.u32 $0x10, s6;
	v2 =	vld [tilespmem:s22+$0x20]  }
0x2d5: {  	s14 =	sadd.s32 $0x13000, s13;
	[tilespmem:s23+$0x0] =	vst.add.f32.msk $0xffff, v1  }
0x2d6: {  	s25 =	sor.u32 $0x10, s14;
	v1 =	vld [tilespmem:s7+$0x820]  }
0x2d7: {  	[tilespmem:s25+$0x0] =	vst.add.f32.msk $0xffff, v0  }
0x2d8: {  	s1 =	sor.u32 $0x20, s15;
	v0 =	vld [tilespmem:s21+$0x1020]  }
0x2d9: {  	[tilespmem:s1+$0x0] =	vst.add.f32.msk $0xffff, v2  }
0x2da: {  	s19 =	sor.u32 $0x20, s6;
	v2 =	vld [tilespmem:s22+$0x30]  }
0x2db: {  	[tilespmem:s19+$0x0] =	vst.add.f32.msk $0xffff, v1  }
0x2dc: {  	s20 =	sor.u32 $0x20, s14;
	v1 =	vld [tilespmem:s7+$0x830]  }
0x2dd: {  	[tilespmem:s20+$0x0] =	vst.add.f32.msk $0xffff, v0  }
0x2de: {  	s23 =	sor.u32 $0x30, s15;
	v0 =	vld [tilespmem:s21+$0x1030]  }
0x2df: {  	[tilespmem:s23+$0x0] =	vst.add.f32.msk $0xffff, v2  }
0x2e0: {  	s25 =	sor.u32 $0x30, s6;
	v2 =	vld [tilespmem:s22+$0x40]  }
0x2e1: {  	[tilespmem:s25+$0x0] =	vst.add.f32.msk $0xffff, v1  }
0x2e2: {  	s1 =	sor.u32 $0x30, s14;
	v1 =	vld [tilespmem:s7+$0x840]  }
0x2e3: {  	[tilespmem:s1+$0x0] =	vst.add.f32.msk $0xffff, v0  }
0x2e4: {  	s19 =	sor.u32 $0x40, s15;
	v0 =	vld [tilespmem:s21+$0x1040]  }
0x2e5: {  	[tilespmem:s19+$0x0] =	vst.add.f32.msk $0xffff, v2  }
0x2e6: {  	s20 =	sor.u32 $0x40, s6;
	v2 =	vld [tilespmem:s22+$0x50]  }
0x2e7: {  	[tilespmem:s20+$0x0] =	vst.add.f32.msk $0xffff, v1  }
0x2e8: {  	s23 =	sor.u32 $0x40, s14;
	v1 =	vld [tilespmem:s7+$0x850]  }
0x2e9: {  	[tilespmem:s23+$0x0] =	vst.add.f32.msk $0xffff, v0  }
0x2ea: {  	s25 =	sor.u32 $0x50, s15;
	v0 =	vld [tilespmem:s21+$0x1050]  }
0x2eb: {  	[tilespmem:s25+$0x0] =	vst.add.f32.msk $0xffff, v2  }
0x2ec: {  	s1 =	sor.u32 $0x50, s6;
	v2 =	vld [tilespmem:s22+$0x60]  }
0x2ed: {  	[tilespmem:s1+$0x0] =	vst.add.f32.msk $0xffff, v1  }
0x2ee: {  	s19 =	sor.u32 $0x50, s14;
	v1 =	vld [tilespmem:s7+$0x860]  }
0x2ef: {  	[tilespmem:s19+$0x0] =	vst.add.f32.msk $0xffff, v0  }
0x2f0: {  	s20 =	sor.u32 $0x60, s15;
	v0 =	vld [tilespmem:s21+$0x1060]  }
0x2f1: {  	[tilespmem:s20+$0x0] =	vst.add.f32.msk $0xffff, v2  }
0x2f2: {  	s23 =	sor.u32 $0x60, s6;
	v2 =	vld [tilespmem:s22+$0x70]  }
0x2f3: {  	[tilespmem:s23+$0x0] =	vst.add.f32.msk $0xffff, v1  }
0x2f4: {  	s25 =	sor.u32 $0x60, s14;
	v1 =	vld [tilespmem:s7+$0x870]  }
0x2f5: {  	[tilespmem:s25+$0x0] =	vst.add.f32.msk $0xffff, v0  }
0x2f6: {  	s1 =	sor.u32 $0x70, s15;
	v0 =	vld [tilespmem:s21+$0x1070]  }
0x2f7: {  	[tilespmem:s1+$0x0] =	vst.add.f32.msk $0xffff, v2  }
0x2f8: {  	s6 =	sor.u32 $0x70, s6;
	v2 =	vld [tilespmem:s22+$0x400]  }
0x2f9: {  	[tilespmem:s6+$0x0] =	vst.add.f32.msk $0xffff, v1  }
0x2fa: {  	s18 =	sor.u32 $0x70, s14;
	v1 =	vld [tilespmem:s7+$0xC00]  }
0x2fb: {  	[tilespmem:s18+$0x0] =	vst.add.f32.msk $0xffff, v0  }
0x2fc: {  	s19 =	sor.u32 $0x400, s15;
	v0 =	vld [tilespmem:s21+$0x1400]  }
0x2fd: {  	[tilespmem:s19+$0x0] =	vst.add.f32.msk $0xffff, v2  }
0x2fe: {  	v2 =	vld [tilespmem:s22+$0x410]  }
0x2ff: {  	[tilespmem:s16+$0x12C00] =	vst.add.f32.msk $0xffff, v1  }
0x300: {  	v1 =	vld [tilespmem:s7+$0xC10]  }
0x301: {  	[tilespmem:s13+$0x13400] =	vst.add.f32.msk $0xffff, v0  }
0x302: {  	s20 =	sor.u32 $0x410, s15;
	v0 =	vld [tilespmem:s21+$0x1410]  }
0x303: {  	s6 =	sadd.s32 $0x12C00, s16;
	[tilespmem:s20+$0x0] =	vst.add.f32.msk $0xffff, v2  }
0x304: {  	s23 =	sor.u32 $0x10, s6;
	v2 =	vld [tilespmem:s22+$0x420]  }
0x305: {  	s14 =	sadd.s32 $0x13400, s13;
	[tilespmem:s23+$0x0] =	vst.add.f32.msk $0xffff, v1  }
0x306: {  	s13 =	sor.u32 $0x10, s14;
	v1 =	vld [tilespmem:s7+$0xC20]  }
0x307: {  	[tilespmem:s13+$0x0] =	vst.add.f32.msk $0xffff, v0  }
0x308: {  	s25 =	sor.u32 $0x420, s15;
	v0 =	vld [tilespmem:s21+$0x1420]  }
0x309: {  	[tilespmem:s25+$0x0] =	vst.add.f32.msk $0xffff, v2  }
0x30a: {  	s1 =	sor.u32 $0x20, s6;
	v2 =	vld [tilespmem:s22+$0x430]  }
0x30b: {  	[tilespmem:s1+$0x0] =	vst.add.f32.msk $0xffff, v1  }
0x30c: {  	s18 =	sor.u32 $0x20, s14;
	v1 =	vld [tilespmem:s7+$0xC30]  }
0x30d: {  	[tilespmem:s18+$0x0] =	vst.add.f32.msk $0xffff, v0  }
0x30e: {  	s19 =	sor.u32 $0x430, s15;
	v0 =	vld [tilespmem:s21+$0x1430]  }
0x30f: {  	[tilespmem:s19+$0x0] =	vst.add.f32.msk $0xffff, v2  }
0x310: {  	s20 =	sor.u32 $0x30, s6;
	v2 =	vld [tilespmem:s22+$0x440]  }
0x311: {  	[tilespmem:s20+$0x0] =	vst.add.f32.msk $0xffff, v1  }
0x312: {  	s23 =	sor.u32 $0x30, s14;
	v1 =	vld [tilespmem:s7+$0xC40]  }
0x313: {  	[tilespmem:s23+$0x0] =	vst.add.f32.msk $0xffff, v0  }
0x314: {  	s25 =	sor.u32 $0x440, s15;
	v0 =	vld [tilespmem:s21+$0x1440]  }
0x315: {  	[tilespmem:s25+$0x0] =	vst.add.f32.msk $0xffff, v2  }
0x316: {  	s1 =	sor.u32 $0x40, s6;
	v2 =	vld [tilespmem:s22+$0x450]  }
0x317: {  	[tilespmem:s1+$0x0] =	vst.add.f32.msk $0xffff, v1  }
0x318: {  	s18 =	sor.u32 $0x40, s14;
	v1 =	vld [tilespmem:s7+$0xC50]  }
0x319: {  	[tilespmem:s18+$0x0] =	vst.add.f32.msk $0xffff, v0  }
0x31a: {  	s19 =	sor.u32 $0x450, s15;
	v0 =	vld [tilespmem:s21+$0x1450]  }
0x31b: {  	[tilespmem:s19+$0x0] =	vst.add.f32.msk $0xffff, v2  }
0x31c: {  	s13 =	sor.u32 $0x1, s10;
	s20 =	sor.u32 $0x50, s6;
	v2 =	vld [tilespmem:s22+$0x460]  }
0x31d: {  	s25 =	smulhi.u32 $0x55555556, s13;
	[tilespmem:s20+$0x0] =	vst.add.f32.msk $0xffff, v1  }
0x31e: {  	s19 =	sor.u32 $0x50, s14;
	v3 =	vld [tilespmem:s7+$0xC60]  }
0x31f: {  	s23 =	smul.u32 $0x3, s25;
	[tilespmem:s19+$0x0] =	vst.add.f32.msk $0xffff, v0  }
0x320: {  	s1 =	sor.u32 $0x460, s15;
	s18 =	rddreg [dreg:$0x4];
	v0 =	vld [tilespmem:s21+$0x1460]  }
0x321: {  	s13 =	ssub.s32 s13, s23;
	s18 =	sadd.s32 $0x3, s18;
	[tilespmem:s1+$0x0] =	vst.add.f32.msk $0xffff, v2  }
0x322: {  	s13 =	smul.u32 $0x18, s13;
	s23 =	sshrl.u32 s18, $0x3;
	s1 =	sor.u32 $0x60, s6;
	v1 =	vld [tilespmem:s22+$0x470]  }
0x323: {  	s18 =	simm.s32 $0x3;
	s20 =	smul.u32 $0x6000, s23;
	s19 =	simm.s32 $0x4;
	[tilespmem:s1+$0x0] =	vst.add.f32.msk $0xffff, v3  }
.LBB2_5:
0x324: {  	s17 =	sadd.s32 $0x80, s17;
	v2 =	vld [tilespmem:s7+$0xC70];
	s23 =	sor.u32 $0x60, s14  }
0x325: {  	s1 =	sand.u32 $0x380, s17;
	s20 =	sshra.s32 s20, $0x2;
	[tilespmem:s23+$0x0] =	vst.add.f32.msk $0xffff, v0  }
0x326: {  	v0 =	vld [tilespmem:s21+$0x1470];
	s21 =	smov.u32 s7;
	s7 =	smov.u32 s22;
	s22 =	sor.u32 s1, s20  }
0x327: {  	s15 =	sor.u32 $0x470, s15;
	v3 =	vld [tilespmem:s22+$0x0]  }
0x328: {  	s23 =	sshrl.u32 s18, $0x3;
	[tilespmem:s15+$0x0] =	vst.add.f32.msk $0xffff, v1  }
0x329: {  	s6 =	sor.u32 $0x70, s6;
	s23 =	smul.u32 $0x6000, s23;
	v1 =	vld [tilespmem:s7+$0x800]  }
0x32a: {  	s20 =	sor.u32 $0x70, s14;
	[tilespmem:s6+$0x0] =	vst.add.f32.msk $0xffff, v2  }
0x32b: {  	s23 =	sshra.s32 s23, $0x2;
	[tilespmem:s20+$0x0] =	vst.add.f32.msk $0xffff, v0  }
0x32c: {  	s20 =	sor.u32 s1, s23;
	v0 =	vld [tilespmem:s21+$0x1000]  }
0x32d: {  	[tilespmem:s20+$0x12000] =	vst.add.f32.msk $0xffff, v3  }
0x32e: {  	v2 =	vld [tilespmem:s22+$0x10]  }
0x32f: {  	[tilespmem:s24+$0x12800] =	vst.add.f32.msk $0xffff, v1  }
0x330: {  	v1 =	vld [tilespmem:s7+$0x810]  }
0x331: {  	s15 =	sadd.s32 $0x12000, s20;
	[tilespmem:s16+$0x13000] =	vst.add.f32.msk $0xffff, v0  }
0x332: {  	s6 =	sor.u32 $0x10, s15;
	v0 =	vld [tilespmem:s21+$0x1010]  }
0x333: {  	[tilespmem:s6+$0x0] =	vst.add.f32.msk $0xffff, v2;
	s6 =	sadd.s32 $0x12800, s24  }
0x334: {  	v2 =	vld [tilespmem:s22+$0x20];
	s14 =	sor.u32 $0x10, s6  }
0x335: {  	[tilespmem:s14+$0x0] =	vst.add.f32.msk $0xffff, v1;
	s14 =	sadd.s32 $0x13000, s16  }
0x336: {  	v1 =	vld [tilespmem:s7+$0x820];
	s23 =	sor.u32 $0x10, s14  }
0x337: {  	[tilespmem:s23+$0x0] =	vst.add.f32.msk $0xffff, v0  }
0x338: {  	s23 =	sor.u32 $0x20, s15;
	v0 =	vld [tilespmem:s21+$0x1020]  }
0x339: {  	[tilespmem:s23+$0x0] =	vst.add.f32.msk $0xffff, v2  }
0x33a: {  	s23 =	sor.u32 $0x20, s6;
	v2 =	vld [tilespmem:s22+$0x30]  }
0x33b: {  	[tilespmem:s23+$0x0] =	vst.add.f32.msk $0xffff, v1  }
0x33c: {  	s23 =	sor.u32 $0x20, s14;
	v1 =	vld [tilespmem:s7+$0x830]  }
0x33d: {  	[tilespmem:s23+$0x0] =	vst.add.f32.msk $0xffff, v0  }
0x33e: {  	s23 =	sor.u32 $0x30, s15;
	v0 =	vld [tilespmem:s21+$0x1030]  }
0x33f: {  	[tilespmem:s23+$0x0] =	vst.add.f32.msk $0xffff, v2  }
0x340: {  	s23 =	sor.u32 $0x30, s6;
	v2 =	vld [tilespmem:s22+$0x40]  }
0x341: {  	[tilespmem:s23+$0x0] =	vst.add.f32.msk $0xffff, v1  }
0x342: {  	s23 =	sor.u32 $0x30, s14;
	v1 =	vld [tilespmem:s7+$0x840]  }
0x343: {  	[tilespmem:s23+$0x0] =	vst.add.f32.msk $0xffff, v0  }
0x344: {  	s23 =	sor.u32 $0x40, s15;
	v0 =	vld [tilespmem:s21+$0x1040]  }
0x345: {  	[tilespmem:s23+$0x0] =	vst.add.f32.msk $0xffff, v2  }
0x346: {  	s23 =	sor.u32 $0x40, s6;
	v2 =	vld [tilespmem:s22+$0x50]  }
0x347: {  	[tilespmem:s23+$0x0] =	vst.add.f32.msk $0xffff, v1  }
0x348: {  	s23 =	sor.u32 $0x40, s14;
	v1 =	vld [tilespmem:s7+$0x850]  }
0x349: {  	[tilespmem:s23+$0x0] =	vst.add.f32.msk $0xffff, v0  }
0x34a: {  	s23 =	sor.u32 $0x50, s15;
	v0 =	vld [tilespmem:s21+$0x1050]  }
0x34b: {  	[tilespmem:s23+$0x0] =	vst.add.f32.msk $0xffff, v2  }
0x34c: {  	s23 =	sor.u32 $0x50, s6;
	v2 =	vld [tilespmem:s22+$0x60]  }
0x34d: {  	[tilespmem:s23+$0x0] =	vst.add.f32.msk $0xffff, v1  }
0x34e: {  	s23 =	sor.u32 $0x50, s14;
	v1 =	vld [tilespmem:s7+$0x860]  }
0x34f: {  	[tilespmem:s23+$0x0] =	vst.add.f32.msk $0xffff, v0  }
0x350: {  	s23 =	sor.u32 $0x60, s15;
	v0 =	vld [tilespmem:s21+$0x1060]  }
0x351: {  	[tilespmem:s23+$0x0] =	vst.add.f32.msk $0xffff, v2  }
0x352: {  	s23 =	sor.u32 $0x60, s6;
	v2 =	vld [tilespmem:s22+$0x70]  }
0x353: {  	[tilespmem:s23+$0x0] =	vst.add.f32.msk $0xffff, v1  }
0x354: {  	s23 =	sor.u32 $0x60, s14;
	v1 =	vld [tilespmem:s7+$0x870]  }
0x355: {  	[tilespmem:s23+$0x0] =	vst.add.f32.msk $0xffff, v0  }
0x356: {  	s23 =	sor.u32 $0x70, s15;
	v0 =	vld [tilespmem:s21+$0x1070]  }
0x357: {  	[tilespmem:s23+$0x0] =	vst.add.f32.msk $0xffff, v2  }
0x358: {  	s6 =	sor.u32 $0x70, s6;
	v2 =	vld [tilespmem:s22+$0x400]  }
0x359: {  	[tilespmem:s6+$0x0] =	vst.add.f32.msk $0xffff, v1  }
0x35a: {  	s14 =	sor.u32 $0x70, s14;
	v1 =	vld [tilespmem:s7+$0xC00]  }
0x35b: {  	[tilespmem:s14+$0x0] =	vst.add.f32.msk $0xffff, v0  }
0x35c: {  	s23 =	sor.u32 $0x400, s15;
	v0 =	vld [tilespmem:s21+$0x1400]  }
0x35d: {  	[tilespmem:s23+$0x0] =	vst.add.f32.msk $0xffff, v2  }
0x35e: {  	v2 =	vld [tilespmem:s22+$0x410]  }
0x35f: {  	[tilespmem:s24+$0x12C00] =	vst.add.f32.msk $0xffff, v1  }
0x360: {  	v1 =	vld [tilespmem:s7+$0xC10]  }
0x361: {  	[tilespmem:s16+$0x13400] =	vst.add.f32.msk $0xffff, v0  }
0x362: {  	s6 =	sor.u32 $0x410, s15;
	v0 =	vld [tilespmem:s21+$0x1410]  }
0x363: {  	[tilespmem:s6+$0x0] =	vst.add.f32.msk $0xffff, v2;
	s6 =	sadd.s32 $0x12C00, s24  }
0x364: {  	v2 =	vld [tilespmem:s22+$0x420];
	s14 =	sor.u32 $0x10, s6  }
0x365: {  	[tilespmem:s14+$0x0] =	vst.add.f32.msk $0xffff, v1;
	s14 =	sadd.s32 $0x13400, s16  }
0x366: {  	v1 =	vld [tilespmem:s7+$0xC20];
	s23 =	sor.u32 $0x10, s14  }
0x367: {  	[tilespmem:s23+$0x0] =	vst.add.f32.msk $0xffff, v0  }
0x368: {  	s16 =	smov.u32 s24;
	s24 =	smov.u32 s20;
	s20 =	sor.u32 $0x420, s15;
	v0 =	vld [tilespmem:s21+$0x1420]  }
0x369: {  	[tilespmem:s20+$0x0] =	vst.add.f32.msk $0xffff, v2  }
0x36a: {  	s23 =	sor.u32 $0x20, s6;
	v2 =	vld [tilespmem:s22+$0x430]  }
0x36b: {  	[tilespmem:s23+$0x0] =	vst.add.f32.msk $0xffff, v1  }
0x36c: {  	s20 =	sor.u32 $0x20, s14;
	v1 =	vld [tilespmem:s7+$0xC30]  }
0x36d: {  	[tilespmem:s20+$0x0] =	vst.add.f32.msk $0xffff, v0  }
0x36e: {  	s23 =	sor.u32 $0x430, s15;
	v0 =	vld [tilespmem:s21+$0x1430]  }
0x36f: {  	[tilespmem:s23+$0x0] =	vst.add.f32.msk $0xffff, v2  }
0x370: {  	s20 =	sor.u32 $0x30, s6;
	v2 =	vld [tilespmem:s22+$0x440]  }
0x371: {  	[tilespmem:s20+$0x0] =	vst.add.f32.msk $0xffff, v1  }
0x372: {  	s23 =	sor.u32 $0x30, s14;
	v1 =	vld [tilespmem:s7+$0xC40]  }
0x373: {  	[tilespmem:s23+$0x0] =	vst.add.f32.msk $0xffff, v0  }
0x374: {  	s20 =	sor.u32 $0x440, s15;
	v0 =	vld [tilespmem:s21+$0x1440]  }
0x375: {  	[tilespmem:s20+$0x0] =	vst.add.f32.msk $0xffff, v2  }
0x376: {  	s23 =	sor.u32 $0x40, s6;
	v2 =	vld [tilespmem:s22+$0x450]  }
0x377: {  	[tilespmem:s23+$0x0] =	vst.add.f32.msk $0xffff, v1  }
0x378: {  	s20 =	sor.u32 $0x40, s14;
	v1 =	vld [tilespmem:s7+$0xC50]  }
0x379: {  	[tilespmem:s20+$0x0] =	vst.add.f32.msk $0xffff, v0  }
0x37a: {  	s23 =	sor.u32 $0x450, s15;
	v0 =	vld [tilespmem:s21+$0x1450]  }
0x37b: {  	[tilespmem:s23+$0x0] =	vst.add.f32.msk $0xffff, v2  }
0x37c: {  	s20 =	sor.u32 $0x50, s6;
	v2 =	vld [tilespmem:s22+$0x460]  }
0x37d: {  	[tilespmem:s20+$0x0] =	vst.add.f32.msk $0xffff, v1  }
0x37e: {  	p0 =	sne.s32 s19, $0x17;
	s23 =	sor.u32 $0x50, s14;
	v3 =	vld [tilespmem:s7+$0xC60]  }
.Ltmp3:
0x37f: {  	[tilespmem:s23+$0x0] =	vst.add.f32.msk $0xffff, v0;
	(pc) =	sbr.rel @p0 .LBB2_5-.Ltmp3, $4  }
0x380: {  	s1 =	rddreg [dreg:$0x4];
	s23 =	sor.u32 $0x460, s15;
	v0 =	vld [tilespmem:s21+$0x1460]  }
0x381: {  	s1 =	sadd.s32 s19, s1;
	[tilespmem:s23+$0x0] =	vst.add.f32.msk $0xffff, v2  }
0x382: {  	s1 =	sshrl.u32 s1, $0x3;
	s23 =	sor.u32 $0x60, s6;
	v1 =	vld [tilespmem:s22+$0x470]  }
0x383: {  	s18 =	smov.u32 s19;
	s19 =	sadd.s32 $0x1, s19;
	s20 =	smul.u32 $0x6000, s1;
	[tilespmem:s23+$0x0] =	vst.add.f32.msk $0xffff, v3  }
0x384: {  	s1 =	sadd.s32 $0x80, s17  }
0x385: {  	s1 =	sand.u32 $0x380, s1;
	s20 =	sshra.s32 s20, $0x2  }
0x386: {  	s17 =	sor.u32 s1, s20  }
0x387: {  	s18 =	sshrl.u32 s18, $0x3;
	v2 =	vld [tilespmem:s17+$0x0]  }
0x388: {  	s18 =	smul.u32 $0x6000, s18;
	_ =	sdelay $0x1  }
0x389: {  	s18 =	sshra.s32 s18, $0x2  }
0x38a: {  	s18 =	sor.u32 s1, s18  }
0x38b: {  	[tilespmem:s18+$0x12000] =	vst.add.f32.msk $0xffff, v2  }
0x38c: {  	v2 =	vld [tilespmem:s17+$0x10];
	_ =	sdelay $0x2  }
0x38d: {  	s1 =	sadd.s32 $0x12000, s18  }
0x38e: {  	s19 =	sor.u32 $0x10, s1  }
0x38f: {  	[tilespmem:s19+$0x0] =	vst.add.f32.msk $0xffff, v2  }
0x390: {  	v2 =	vld [tilespmem:s17+$0x20];
	_ =	sdelay $0x3  }
0x391: {  	s23 =	sor.u32 $0x20, s1  }
0x392: {  	[tilespmem:s23+$0x0] =	vst.add.f32.msk $0xffff, v2  }
0x393: {  	v2 =	vld [tilespmem:s17+$0x30];
	_ =	sdelay $0x3  }
0x394: {  	s20 =	sor.u32 $0x30, s1  }
0x395: {  	[tilespmem:s20+$0x0] =	vst.add.f32.msk $0xffff, v2  }
0x396: {  	v2 =	vld [tilespmem:s17+$0x40];
	_ =	sdelay $0x3  }
0x397: {  	s23 =	sor.u32 $0x40, s1  }
0x398: {  	[tilespmem:s23+$0x0] =	vst.add.f32.msk $0xffff, v2  }
0x399: {  	v2 =	vld [tilespmem:s17+$0x50];
	_ =	sdelay $0x3  }
0x39a: {  	s20 =	sor.u32 $0x50, s1  }
0x39b: {  	[tilespmem:s20+$0x0] =	vst.add.f32.msk $0xffff, v2  }
0x39c: {  	v2 =	vld [tilespmem:s17+$0x60];
	_ =	sdelay $0x3  }
0x39d: {  	s23 =	sor.u32 $0x60, s1  }
0x39e: {  	[tilespmem:s23+$0x0] =	vst.add.f32.msk $0xffff, v2  }
0x39f: {  	v2 =	vld [tilespmem:s17+$0x70];
	_ =	sdelay $0x3  }
0x3a0: {  	s20 =	sor.u32 $0x70, s1  }
0x3a1: {  	[tilespmem:s20+$0x0] =	vst.add.f32.msk $0xffff, v2  }
0x3a2: {  	v2 =	vld [tilespmem:s17+$0x400];
	_ =	sdelay $0x3  }
0x3a3: {  	s23 =	sor.u32 $0x400, s1  }
0x3a4: {  	[tilespmem:s23+$0x0] =	vst.add.f32.msk $0xffff, v2  }
0x3a5: {  	v2 =	vld [tilespmem:s17+$0x410];
	_ =	sdelay $0x3  }
0x3a6: {  	s20 =	sor.u32 $0x410, s1  }
0x3a7: {  	[tilespmem:s20+$0x0] =	vst.add.f32.msk $0xffff, v2  }
0x3a8: {  	v2 =	vld [tilespmem:s17+$0x420];
	_ =	sdelay $0x3  }
0x3a9: {  	s23 =	sor.u32 $0x420, s1  }
0x3aa: {  	[tilespmem:s23+$0x0] =	vst.add.f32.msk $0xffff, v2  }
0x3ab: {  	v2 =	vld [tilespmem:s17+$0x430];
	_ =	sdelay $0x3  }
0x3ac: {  	s20 =	sor.u32 $0x430, s1  }
0x3ad: {  	[tilespmem:s20+$0x0] =	vst.add.f32.msk $0xffff, v2  }
0x3ae: {  	v2 =	vld [tilespmem:s17+$0x440];
	_ =	sdelay $0x3  }
0x3af: {  	s23 =	sor.u32 $0x440, s1  }
0x3b0: {  	[tilespmem:s23+$0x0] =	vst.add.f32.msk $0xffff, v2  }
0x3b1: {  	v2 =	vld [tilespmem:s17+$0x450];
	_ =	sdelay $0x3  }
0x3b2: {  	s20 =	sor.u32 $0x450, s1  }
0x3b3: {  	[tilespmem:s20+$0x0] =	vst.add.f32.msk $0xffff, v2  }
0x3b4: {  	v2 =	vld [tilespmem:s17+$0x460];
	_ =	sdelay $0x3  }
0x3b5: {  	s23 =	sor.u32 $0x460, s1  }
0x3b6: {  	[tilespmem:s23+$0x0] =	vst.add.f32.msk $0xffff, v2  }
0x3b7: {  	v2 =	vld [tilespmem:s17+$0x470];
	_ =	sdelay $0x1  }
0x3b8: {  	s15 =	sor.u32 $0x470, s15  }
0x3b9: {  	[tilespmem:s15+$0x0] =	vst.add.f32.msk $0xffff, v1  }
0x3ba: {  	v1 =	vld [tilespmem:s22+$0x800];
	s1 =	sor.u32 $0x470, s1  }
0x3bb: {  	[tilespmem:s1+$0x0] =	vst.add.f32.msk $0xffff, v2  }
0x3bc: {  	v2 =	vld [tilespmem:s17+$0x800];
	_ =	sdelay $0x2  }
0x3bd: {  	[tilespmem:s24+$0x12800] =	vst.add.f32.msk $0xffff, v1  }
0x3be: {  	v1 =	vld [tilespmem:s22+$0x810]  }
0x3bf: {  	[tilespmem:s18+$0x12800] =	vst.add.f32.msk $0xffff, v2  }
0x3c0: {  	v2 =	vld [tilespmem:s17+$0x810]  }
0x3c1: {  	s1 =	sadd.s32 $0x12800, s24  }
0x3c2: {  	s20 =	sor.u32 $0x10, s1  }
0x3c3: {  	s15 =	sadd.s32 $0x12800, s18;
	[tilespmem:s20+$0x0] =	vst.add.f32.msk $0xffff, v1  }
0x3c4: {  	s23 =	sor.u32 $0x10, s15;
	v1 =	vld [tilespmem:s22+$0x820]  }
0x3c5: {  	[tilespmem:s23+$0x0] =	vst.add.f32.msk $0xffff, v2  }
0x3c6: {  	v2 =	vld [tilespmem:s17+$0x820];
	_ =	sdelay $0x1  }
0x3c7: {  	s20 =	sor.u32 $0x20, s1  }
0x3c8: {  	[tilespmem:s20+$0x0] =	vst.add.f32.msk $0xffff, v1  }
0x3c9: {  	v1 =	vld [tilespmem:s22+$0x830];
	s23 =	sor.u32 $0x20, s15  }
0x3ca: {  	[tilespmem:s23+$0x0] =	vst.add.f32.msk $0xffff, v2  }
0x3cb: {  	v2 =	vld [tilespmem:s17+$0x830];
	_ =	sdelay $0x1  }
0x3cc: {  	s20 =	sor.u32 $0x30, s1  }
0x3cd: {  	[tilespmem:s20+$0x0] =	vst.add.f32.msk $0xffff, v1  }
0x3ce: {  	v1 =	vld [tilespmem:s22+$0x840];
	s23 =	sor.u32 $0x30, s15  }
0x3cf: {  	[tilespmem:s23+$0x0] =	vst.add.f32.msk $0xffff, v2  }
0x3d0: {  	v2 =	vld [tilespmem:s17+$0x840];
	_ =	sdelay $0x1  }
0x3d1: {  	s20 =	sor.u32 $0x40, s1  }
0x3d2: {  	[tilespmem:s20+$0x0] =	vst.add.f32.msk $0xffff, v1  }
0x3d3: {  	v1 =	vld [tilespmem:s22+$0x850];
	s23 =	sor.u32 $0x40, s15  }
0x3d4: {  	[tilespmem:s23+$0x0] =	vst.add.f32.msk $0xffff, v2  }
0x3d5: {  	v2 =	vld [tilespmem:s17+$0x850];
	_ =	sdelay $0x1  }
0x3d6: {  	s20 =	sor.u32 $0x50, s1  }
0x3d7: {  	[tilespmem:s20+$0x0] =	vst.add.f32.msk $0xffff, v1  }
0x3d8: {  	v1 =	vld [tilespmem:s22+$0x860];
	s23 =	sor.u32 $0x50, s15  }
0x3d9: {  	[tilespmem:s23+$0x0] =	vst.add.f32.msk $0xffff, v2  }
0x3da: {  	v2 =	vld [tilespmem:s17+$0x860];
	_ =	sdelay $0x1  }
0x3db: {  	s20 =	sor.u32 $0x60, s1  }
0x3dc: {  	[tilespmem:s20+$0x0] =	vst.add.f32.msk $0xffff, v1  }
0x3dd: {  	v1 =	vld [tilespmem:s22+$0x870];
	s23 =	sor.u32 $0x60, s15  }
0x3de: {  	[tilespmem:s23+$0x0] =	vst.add.f32.msk $0xffff, v2  }
0x3df: {  	v2 =	vld [tilespmem:s17+$0x870];
	_ =	sdelay $0x1  }
0x3e0: {  	s1 =	sor.u32 $0x70, s1  }
0x3e1: {  	[tilespmem:s1+$0x0] =	vst.add.f32.msk $0xffff, v1  }
0x3e2: {  	s19 =	sor.u32 $0x70, s15;
	v1 =	vld [tilespmem:s22+$0xC00]  }
0x3e3: {  	[tilespmem:s19+$0x0] =	vst.add.f32.msk $0xffff, v2  }
0x3e4: {  	v2 =	vld [tilespmem:s17+$0xC00];
	_ =	sdelay $0x2  }
0x3e5: {  	[tilespmem:s24+$0x12C00] =	vst.add.f32.msk $0xffff, v1  }
0x3e6: {  	v1 =	vld [tilespmem:s22+$0xC10]  }
0x3e7: {  	[tilespmem:s18+$0x12C00] =	vst.add.f32.msk $0xffff, v2  }
0x3e8: {  	v2 =	vld [tilespmem:s17+$0xC10]  }
0x3e9: {  	s1 =	sadd.s32 $0x12C00, s24  }
0x3ea: {  	s20 =	sor.u32 $0x10, s1  }
0x3eb: {  	s15 =	sadd.s32 $0x12C00, s18;
	[tilespmem:s20+$0x0] =	vst.add.f32.msk $0xffff, v1  }
0x3ec: {  	s23 =	sor.u32 $0x10, s15;
	v1 =	vld [tilespmem:s22+$0xC20]  }
0x3ed: {  	[tilespmem:s23+$0x0] =	vst.add.f32.msk $0xffff, v2  }
0x3ee: {  	v2 =	vld [tilespmem:s17+$0xC20];
	_ =	sdelay $0x1  }
0x3ef: {  	s20 =	sor.u32 $0x20, s1  }
0x3f0: {  	[tilespmem:s20+$0x0] =	vst.add.f32.msk $0xffff, v1  }
0x3f1: {  	v1 =	vld [tilespmem:s22+$0xC30];
	s23 =	sor.u32 $0x20, s15  }
0x3f2: {  	[tilespmem:s23+$0x0] =	vst.add.f32.msk $0xffff, v2  }
0x3f3: {  	v2 =	vld [tilespmem:s17+$0xC30];
	_ =	sdelay $0x1  }
0x3f4: {  	s20 =	sor.u32 $0x30, s1  }
0x3f5: {  	[tilespmem:s20+$0x0] =	vst.add.f32.msk $0xffff, v1  }
0x3f6: {  	v1 =	vld [tilespmem:s22+$0xC40];
	s23 =	sor.u32 $0x30, s15  }
0x3f7: {  	[tilespmem:s23+$0x0] =	vst.add.f32.msk $0xffff, v2  }
0x3f8: {  	v2 =	vld [tilespmem:s17+$0xC40];
	_ =	sdelay $0x1  }
0x3f9: {  	s20 =	sor.u32 $0x40, s1  }
0x3fa: {  	[tilespmem:s20+$0x0] =	vst.add.f32.msk $0xffff, v1  }
0x3fb: {  	v1 =	vld [tilespmem:s22+$0xC50];
	s23 =	sor.u32 $0x40, s15  }
0x3fc: {  	[tilespmem:s23+$0x0] =	vst.add.f32.msk $0xffff, v2  }
0x3fd: {  	v2 =	vld [tilespmem:s17+$0xC50];
	_ =	sdelay $0x1  }
0x3fe: {  	v3 =	vld [tilespmem:s7+$0xC70];
	s20 =	sor.u32 $0x50, s1  }
0x3ff: {  	[tilespmem:s20+$0x0] =	vst.add.f32.msk $0xffff, v1  }
0x400: {  	v1 =	vld [tilespmem:s22+$0xC60];
	s23 =	sor.u32 $0x50, s15  }
0x401: {  	[tilespmem:s23+$0x0] =	vst.add.f32.msk $0xffff, v2  }
0x402: {  	s20 =	sor.u32 $0x60, s14;
	v2 =	vld [tilespmem:s17+$0xC60]  }
0x403: {  	[tilespmem:s20+$0x0] =	vst.add.f32.msk $0xffff, v0  }
0x404: {  	v0 =	vld [tilespmem:s21+$0x1470];
	s21 =	sor.u32 $0x60, s1  }
0x405: {  	[tilespmem:s21+$0x0] =	vst.add.f32.msk $0xffff, v1  }
0x406: {  	v1 =	vld [tilespmem:s22+$0xC70];
	s23 =	sor.u32 $0x60, s15  }
0x407: {  	[tilespmem:s23+$0x0] =	vst.add.f32.msk $0xffff, v2  }
0x408: {  	s6 =	sor.u32 $0x70, s6;
	v2 =	vld [tilespmem:s17+$0xC70]  }
0x409: {  	[tilespmem:s6+$0x0] =	vst.add.f32.msk $0xffff, v3  }
0x40a: {  	v3 =	vld [tilespmem:s7+$0x1000];
	s1 =	sor.u32 $0x70, s1  }
0x40b: {  	[tilespmem:s1+$0x0] =	vst.add.f32.msk $0xffff, v1  }
0x40c: {  	s19 =	sor.u32 $0x70, s15;
	v1 =	vld [tilespmem:s22+$0x1000]  }
0x40d: {  	[tilespmem:s19+$0x0] =	vst.add.f32.msk $0xffff, v2  }
0x40e: {  	v2 =	vld [tilespmem:s17+$0x1000]  }
0x40f: {  	[tilespmem:s16+$0x13000] =	vst.add.f32.msk $0xffff, v3  }
0x410: {  	v3 =	vld [tilespmem:s7+$0x1010]  }
0x411: {  	[tilespmem:s24+$0x13000] =	vst.add.f32.msk $0xffff, v1  }
0x412: {  	v1 =	vld [tilespmem:s22+$0x1010]  }
0x413: {  	s1 =	sadd.s32 $0x13000, s16;
	[tilespmem:s18+$0x13000] =	vst.add.f32.msk $0xffff, v2  }
0x414: {  	s20 =	sor.u32 $0x10, s1;
	v2 =	vld [tilespmem:s17+$0x1010]  }
0x415: {  	s6 =	sadd.s32 $0x13000, s24;
	[tilespmem:s20+$0x0] =	vst.add.f32.msk $0xffff, v3  }
0x416: {  	s21 =	sor.u32 $0x10, s6;
	v3 =	vld [tilespmem:s7+$0x1020]  }
0x417: {  	s15 =	sadd.s32 $0x13000, s18;
	[tilespmem:s21+$0x0] =	vst.add.f32.msk $0xffff, v1  }
0x418: {  	s23 =	sor.u32 $0x10, s15;
	v1 =	vld [tilespmem:s22+$0x1020]  }
0x419: {  	[tilespmem:s23+$0x0] =	vst.add.f32.msk $0xffff, v2  }
0x41a: {  	s20 =	sor.u32 $0x20, s1;
	v2 =	vld [tilespmem:s17+$0x1020]  }
0x41b: {  	[tilespmem:s20+$0x0] =	vst.add.f32.msk $0xffff, v3  }
0x41c: {  	v3 =	vld [tilespmem:s7+$0x1030];
	s21 =	sor.u32 $0x20, s6  }
0x41d: {  	[tilespmem:s21+$0x0] =	vst.add.f32.msk $0xffff, v1  }
0x41e: {  	v1 =	vld [tilespmem:s22+$0x1030];
	s23 =	sor.u32 $0x20, s15  }
0x41f: {  	[tilespmem:s23+$0x0] =	vst.add.f32.msk $0xffff, v2  }
0x420: {  	s20 =	sor.u32 $0x30, s1;
	v2 =	vld [tilespmem:s17+$0x1030]  }
0x421: {  	[tilespmem:s20+$0x0] =	vst.add.f32.msk $0xffff, v3  }
0x422: {  	v3 =	vld [tilespmem:s7+$0x1040];
	s21 =	sor.u32 $0x30, s6  }
0x423: {  	[tilespmem:s21+$0x0] =	vst.add.f32.msk $0xffff, v1  }
0x424: {  	v1 =	vld [tilespmem:s22+$0x1040];
	s23 =	sor.u32 $0x30, s15  }
0x425: {  	[tilespmem:s23+$0x0] =	vst.add.f32.msk $0xffff, v2  }
0x426: {  	s20 =	sor.u32 $0x40, s1;
	v2 =	vld [tilespmem:s17+$0x1040]  }
0x427: {  	[tilespmem:s20+$0x0] =	vst.add.f32.msk $0xffff, v3  }
0x428: {  	v3 =	vld [tilespmem:s7+$0x1050];
	s21 =	sor.u32 $0x40, s6  }
0x429: {  	[tilespmem:s21+$0x0] =	vst.add.f32.msk $0xffff, v1  }
0x42a: {  	v1 =	vld [tilespmem:s22+$0x1050];
	s23 =	sor.u32 $0x40, s15  }
0x42b: {  	[tilespmem:s23+$0x0] =	vst.add.f32.msk $0xffff, v2  }
0x42c: {  	s20 =	sor.u32 $0x50, s1;
	v2 =	vld [tilespmem:s17+$0x1050]  }
0x42d: {  	[tilespmem:s20+$0x0] =	vst.add.f32.msk $0xffff, v3  }
0x42e: {  	v3 =	vld [tilespmem:s7+$0x1060];
	s21 =	sor.u32 $0x50, s6  }
0x42f: {  	[tilespmem:s21+$0x0] =	vst.add.f32.msk $0xffff, v1  }
0x430: {  	v1 =	vld [tilespmem:s22+$0x1060];
	s23 =	sor.u32 $0x50, s15  }
0x431: {  	[tilespmem:s23+$0x0] =	vst.add.f32.msk $0xffff, v2  }
0x432: {  	s20 =	sor.u32 $0x60, s1;
	v2 =	vld [tilespmem:s17+$0x1060]  }
0x433: {  	[tilespmem:s20+$0x0] =	vst.add.f32.msk $0xffff, v3  }
0x434: {  	v3 =	vld [tilespmem:s7+$0x1070];
	s21 =	sor.u32 $0x60, s6  }
0x435: {  	[tilespmem:s21+$0x0] =	vst.add.f32.msk $0xffff, v1  }
0x436: {  	v1 =	vld [tilespmem:s22+$0x1070];
	s23 =	sor.u32 $0x60, s15  }
0x437: {  	[tilespmem:s23+$0x0] =	vst.add.f32.msk $0xffff, v2  }
0x438: {  	s1 =	sor.u32 $0x70, s1;
	v2 =	vld [tilespmem:s17+$0x1070]  }
0x439: {  	[tilespmem:s1+$0x0] =	vst.add.f32.msk $0xffff, v3  }
0x43a: {  	s6 =	sor.u32 $0x70, s6;
	v3 =	vld [tilespmem:s7+$0x1400]  }
0x43b: {  	[tilespmem:s6+$0x0] =	vst.add.f32.msk $0xffff, v1  }
0x43c: {  	s19 =	sor.u32 $0x70, s15;
	v1 =	vld [tilespmem:s22+$0x1400]  }
0x43d: {  	[tilespmem:s19+$0x0] =	vst.add.f32.msk $0xffff, v2  }
0x43e: {  	v2 =	vld [tilespmem:s17+$0x1400]  }
0x43f: {  	[tilespmem:s16+$0x13400] =	vst.add.f32.msk $0xffff, v3  }
0x440: {  	v3 =	vld [tilespmem:s7+$0x1410]  }
0x441: {  	[tilespmem:s24+$0x13400] =	vst.add.f32.msk $0xffff, v1  }
0x442: {  	v1 =	vld [tilespmem:s22+$0x1410]  }
0x443: {  	s6 =	sadd.s32 $0x13400, s16;
	[tilespmem:s18+$0x13400] =	vst.add.f32.msk $0xffff, v2  }
0x444: {  	s20 =	sor.u32 $0x10, s6;
	v2 =	vld [tilespmem:s17+$0x1410]  }
0x445: {  	s15 =	sadd.s32 $0x13400, s24;
	[tilespmem:s20+$0x0] =	vst.add.f32.msk $0xffff, v3  }
0x446: {  	s21 =	sor.u32 $0x10, s15;
	v3 =	vld [tilespmem:s7+$0x1420]  }
0x447: {  	s16 =	sadd.s32 $0x13400, s18;
	[tilespmem:s21+$0x0] =	vst.add.f32.msk $0xffff, v1  }
0x448: {  	s23 =	sor.u32 $0x10, s16;
	v1 =	vld [tilespmem:s22+$0x1420]  }
0x449: {  	[tilespmem:s23+$0x0] =	vst.add.f32.msk $0xffff, v2  }
0x44a: {  	s24 =	sor.u32 $0x20, s6;
	v2 =	vld [tilespmem:s17+$0x1420]  }
0x44b: {  	[tilespmem:s24+$0x0] =	vst.add.f32.msk $0xffff, v3  }
0x44c: {  	v3 =	vld [tilespmem:s7+$0x1430];
	s18 =	sor.u32 $0x20, s15  }
0x44d: {  	[tilespmem:s18+$0x0] =	vst.add.f32.msk $0xffff, v1  }
0x44e: {  	s19 =	sor.u32 $0x20, s16;
	v1 =	vld [tilespmem:s22+$0x1430]  }
0x44f: {  	[tilespmem:s19+$0x0] =	vst.add.f32.msk $0xffff, v2  }
0x450: {  	s20 =	sor.u32 $0x30, s6;
	v2 =	vld [tilespmem:s17+$0x1430]  }
0x451: {  	[tilespmem:s20+$0x0] =	vst.add.f32.msk $0xffff, v3  }
0x452: {  	s21 =	sor.u32 $0x30, s15;
	v3 =	vld [tilespmem:s7+$0x1440]  }
0x453: {  	[tilespmem:s21+$0x0] =	vst.add.f32.msk $0xffff, v1  }
0x454: {  	s23 =	sor.u32 $0x30, s16;
	v1 =	vld [tilespmem:s22+$0x1440]  }
0x455: {  	[tilespmem:s23+$0x0] =	vst.add.f32.msk $0xffff, v2  }
0x456: {  	s24 =	sor.u32 $0x40, s6;
	v2 =	vld [tilespmem:s17+$0x1440]  }
0x457: {  	[tilespmem:s24+$0x0] =	vst.add.f32.msk $0xffff, v3  }
0x458: {  	s18 =	sor.u32 $0x40, s15;
	v3 =	vld [tilespmem:s7+$0x1450]  }
0x459: {  	[tilespmem:s18+$0x0] =	vst.add.f32.msk $0xffff, v1  }
0x45a: {  	s19 =	sor.u32 $0x40, s16;
	v1 =	vld [tilespmem:s22+$0x1450]  }
0x45b: {  	[tilespmem:s19+$0x0] =	vst.add.f32.msk $0xffff, v2  }
0x45c: {  	s20 =	sor.u32 $0x50, s6;
	v2 =	vld [tilespmem:s17+$0x1450]  }
0x45d: {  	[tilespmem:s20+$0x0] =	vst.add.f32.msk $0xffff, v3  }
0x45e: {  	s21 =	sor.u32 $0x50, s15;
	v3 =	vld [tilespmem:s7+$0x1460]  }
0x45f: {  	[tilespmem:s21+$0x0] =	vst.add.f32.msk $0xffff, v1  }
0x460: {  	s23 =	sor.u32 $0x50, s16;
	v1 =	vld [tilespmem:s22+$0x1460]  }
0x461: {  	[tilespmem:s23+$0x0] =	vst.add.f32.msk $0xffff, v2  }
0x462: {  	s24 =	sor.u32 $0x60, s6;
	v2 =	vld [tilespmem:s17+$0x1460]  }
0x463: {  	[tilespmem:s24+$0x0] =	vst.add.f32.msk $0xffff, v3  }
0x464: {  	v3 =	vld [tilespmem:s7+$0x1470];
	s7 =	sor.u32 $0x60, s15  }
0x465: {  	s18 =	sadd.s32 s11, s25;
	[tilespmem:s7+$0x0] =	vst.add.f32.msk $0xffff, v1  }
0x466: {  	s1 =	smul.u32 $0x240, s18;
	s19 =	sor.u32 $0x60, s16;
	v1 =	vld [tilespmem:s22+$0x1470]  }
0x467: {  	s20 =	sadd.s32 s3, s13;
	[tilespmem:s19+$0x0] =	vst.add.f32.msk $0xffff, v2  }
0x468: {  	s1 =	sadd.s32 s1, s20;
	v2 =	vld [tilespmem:s17+$0x1470]  }
0x469: {  	p0 =	seq.s32 s9, $0xB;
	s1 =	sshrl.u32 s1, $0x3;
	s21 =	sor.u32 $0x70, s14  }
0x46a: {  	s6 =	sor.u32 $0x70, s6;
	s1 =	smul.u32 $0x300, s1;
	[tilespmem:s21+$0x0] =	vst.add.f32.msk $0xffff, v0;
	s7 =	sadd.s32 @!p0 $0x4, s10  }
0x46b: {  	[tilespmem:s6+$0x0] =	vst.add.f32.msk $0xffff, v3;
	s22 =	sor.u32 $0x70, s15;
	s13 =	smulhi.u32 @!p0 $0x55555556, s7  }
0x46c: {  	s23 =	sor.u32 $0x70, s16;
	[tilespmem:s22+$0x0] =	vst.add.f32.msk $0xffff, v1  }
0x46d: {  	s24 =	simm.s32 $0x12000;
	s1 =	sadd.s32 s4, s1;
	s6 =	smul.u32 @!p0 $0x3, s13;
	[tilespmem:s23+$0x0] =	vst.add.f32.msk $0xffff, v2  }
0x46e: {  	[hbm4b:s1+s5] =	stream.linear.scatter [tilespmem:s24], [sflag:$0x6], $0x4800, $0x38;
	[tilespmem:$0x1F800] =	vst v63  }
0x46f: {  	s1 =	ssub.s32 @!p0 s7, s6  }
0x470: {  	s6 =	sadd.s32 @!p0 s11, s13;
	s1 =	smul.u32 @!p0 $0x18, s1  }
0x471: {  	s6 =	smul.u32 @!p0 $0x240, s6  }
0x472: {  	s7 =	simm.s32 @!p0 $0x5;
	s1 =	sadd.s32 @!p0 s3, s1  }
0x473: {  	_ =	swait.ge @!p0 [sflag:s7], $0x4800;
	s1 =	sadd.s32 @!p0 s6, s1  }
0x474: {  	[sflag:s7] =	ssyncset.done @!p0 $0x0;
	s1 =	sshrl.u32 @!p0 s1, $0x3  }
0x475: {  	[sflag:s7] =	ssyncadd.s32 @!p0 $0xFFFFB800;
	s1 =	smul.u32 @!p0 $0x300, s1  }
0x476: {  	s25 =	simm.s32 $0x3;
	s6 =	rddreg [dreg:$0x0]  }
0x477: {  	s7 =	simm.s32 @!p0 $0xD800;
	s1 =	sadd.s32 @!p0 s6, s1;
	s6 =	simm.s32 @!p0 $0x0  }
0x478: {  	[tilespmem:s7], [sflag:$0x1] =	stream.linear.gather @!p0 [hbm4b:s1+s6], $0x4800, $0x38;
	[tilespmem:$0x1F800] =	vst v63  }
0x479: {  	_ =	swait.ge [sflag:s25], $0x4800  }
0x47a: {  	s13 =	rddreg [dreg:$0x5]  }
0x47b: {  	s1 =	sadd.s32 $0x0, s13  }
0x47c: {  	s1 =	sshrl.u32 s1, $0x3  }
0x47d: {  	s1 =	smul.u32 $0x6000, s1  }
0x47e: {  	s14 =	simm.s32 $0x0  }
0x47f: {  	s6 =	sand.u32 $0x380, s14;
	[sflag:s25] =	ssyncset.done $0x0;
	s1 =	sshra.s32 s1, $0x2  }
0x480: {  	[sflag:s25] =	ssyncadd.s32 $0xFFFFB800;
	s21 =	sor.u32 s6, s1  }
0x481: {  	s15 =	simm.s32 $0x0;
	v0 =	vld [tilespmem:s21+$0x0]  }
0x482: {  	s1 =	smul.u32 $0x6000, s15;
	_ =	sdelay $0x1  }
0x483: {  	s1 =	sshra.s32 s1, $0x2  }
0x484: {  	s13 =	sor.u32 s6, s1  }
0x485: {  	[tilespmem:s13+$0x16800] =	vst.add.f32.msk $0xffff, v0  }
0x486: {  	v0 =	vld [tilespmem:s21+$0x10];
	_ =	sdelay $0x2  }
0x487: {  	s1 =	sadd.s32 $0x16800, s13  }
0x488: {  	s16 =	sor.u32 $0x10, s1  }
0x489: {  	[tilespmem:s16+$0x0] =	vst.add.f32.msk $0xffff, v0  }
0x48a: {  	v0 =	vld [tilespmem:s21+$0x20];
	_ =	sdelay $0x3  }
0x48b: {  	s17 =	sor.u32 $0x20, s1  }
0x48c: {  	[tilespmem:s17+$0x0] =	vst.add.f32.msk $0xffff, v0  }
0x48d: {  	v0 =	vld [tilespmem:s21+$0x30];
	_ =	sdelay $0x3  }
0x48e: {  	s18 =	sor.u32 $0x30, s1  }
0x48f: {  	[tilespmem:s18+$0x0] =	vst.add.f32.msk $0xffff, v0  }
0x490: {  	v0 =	vld [tilespmem:s21+$0x40];
	_ =	sdelay $0x3  }
0x491: {  	s19 =	sor.u32 $0x40, s1  }
0x492: {  	[tilespmem:s19+$0x0] =	vst.add.f32.msk $0xffff, v0  }
0x493: {  	v0 =	vld [tilespmem:s21+$0x50];
	_ =	sdelay $0x3  }
0x494: {  	s20 =	sor.u32 $0x50, s1  }
0x495: {  	[tilespmem:s20+$0x0] =	vst.add.f32.msk $0xffff, v0  }
0x496: {  	v0 =	vld [tilespmem:s21+$0x60];
	_ =	sdelay $0x3  }
0x497: {  	s22 =	sor.u32 $0x60, s1  }
0x498: {  	[tilespmem:s22+$0x0] =	vst.add.f32.msk $0xffff, v0  }
0x499: {  	v0 =	vld [tilespmem:s21+$0x70];
	_ =	sdelay $0x3  }
0x49a: {  	s23 =	sor.u32 $0x70, s1  }
0x49b: {  	[tilespmem:s23+$0x0] =	vst.add.f32.msk $0xffff, v0  }
0x49c: {  	v0 =	vld [tilespmem:s21+$0x400];
	_ =	sdelay $0x3  }
0x49d: {  	s24 =	sor.u32 $0x400, s1  }
0x49e: {  	[tilespmem:s24+$0x0] =	vst.add.f32.msk $0xffff, v0  }
0x49f: {  	v0 =	vld [tilespmem:s21+$0x410];
	_ =	sdelay $0x3  }
0x4a0: {  	s25 =	sor.u32 $0x410, s1  }
0x4a1: {  	[tilespmem:s25+$0x0] =	vst.add.f32.msk $0xffff, v0  }
0x4a2: {  	v0 =	vld [tilespmem:s21+$0x420];
	_ =	sdelay $0x3  }
0x4a3: {  	s7 =	sor.u32 $0x420, s1  }
0x4a4: {  	[tilespmem:s7+$0x0] =	vst.add.f32.msk $0xffff, v0  }
0x4a5: {  	v0 =	vld [tilespmem:s21+$0x430];
	_ =	sdelay $0x3  }
0x4a6: {  	s14 =	sor.u32 $0x430, s1  }
0x4a7: {  	[tilespmem:s14+$0x0] =	vst.add.f32.msk $0xffff, v0  }
0x4a8: {  	v0 =	vld [tilespmem:s21+$0x440];
	_ =	sdelay $0x3  }
0x4a9: {  	s15 =	sor.u32 $0x440, s1  }
0x4aa: {  	[tilespmem:s15+$0x0] =	vst.add.f32.msk $0xffff, v0  }
0x4ab: {  	v0 =	vld [tilespmem:s21+$0x450];
	_ =	sdelay $0x3  }
0x4ac: {  	s16 =	sor.u32 $0x450, s1  }
0x4ad: {  	[tilespmem:s16+$0x0] =	vst.add.f32.msk $0xffff, v0  }
0x4ae: {  	v0 =	vld [tilespmem:s21+$0x460];
	_ =	sdelay $0x2  }
0x4af: {  	s17 =	rddreg [dreg:$0x5]  }
0x4b0: {  	s6 =	sadd.s32 $0x1, s17;
	s18 =	sor.u32 $0x460, s1  }
0x4b1: {  	s6 =	sshrl.u32 s6, $0x3;
	[tilespmem:s18+$0x0] =	vst.add.f32.msk $0xffff, v0  }
0x4b2: {  	s6 =	smul.u32 $0x6000, s6;
	v0 =	vld [tilespmem:s21+$0x470]  }
0x4b3: {  	s19 =	simm.s32 $0x80  }
0x4b4: {  	s6 =	sshra.s32 s6, $0x2;
	s20 =	sand.u32 $0x380, s19  }
0x4b5: {  	s7 =	sor.u32 s20, s6  }
0x4b6: {  	s1 =	sor.u32 $0x470, s1;
	s22 =	simm.s32 $0x0;
	v1 =	vld [tilespmem:s7+$0x0]  }
0x4b7: {  	s23 =	smul.u32 $0x6000, s22;
	[tilespmem:s1+$0x0] =	vst.add.f32.msk $0xffff, v0  }
0x4b8: {  	v0 =	vld [tilespmem:s21+$0x800]  }
0x4b9: {  	s1 =	sshra.s32 s23, $0x2  }
0x4ba: {  	s16 =	sor.u32 s20, s1  }
0x4bb: {  	[tilespmem:s16+$0x16800] =	vst.add.f32.msk $0xffff, v1  }
0x4bc: {  	v1 =	vld [tilespmem:s7+$0x10]  }
0x4bd: {  	[tilespmem:s13+$0x17000] =	vst.add.f32.msk $0xffff, v0  }
0x4be: {  	v0 =	vld [tilespmem:s21+$0x810]  }
0x4bf: {  	s6 =	sadd.s32 $0x16800, s16  }
0x4c0: {  	s24 =	sor.u32 $0x10, s6  }
0x4c1: {  	s1 =	sadd.s32 $0x17000, s13;
	[tilespmem:s24+$0x0] =	vst.add.f32.msk $0xffff, v1  }
0x4c2: {  	s25 =	sor.u32 $0x10, s1;
	v1 =	vld [tilespmem:s7+$0x20]  }
0x4c3: {  	[tilespmem:s25+$0x0] =	vst.add.f32.msk $0xffff, v0  }
0x4c4: {  	v0 =	vld [tilespmem:s21+$0x820];
	_ =	sdelay $0x1  }
0x4c5: {  	s15 =	sor.u32 $0x20, s6  }
0x4c6: {  	[tilespmem:s15+$0x0] =	vst.add.f32.msk $0xffff, v1  }
0x4c7: {  	s17 =	sor.u32 $0x20, s1;
	v1 =	vld [tilespmem:s7+$0x30]  }
0x4c8: {  	[tilespmem:s17+$0x0] =	vst.add.f32.msk $0xffff, v0  }
0x4c9: {  	v0 =	vld [tilespmem:s21+$0x830];
	_ =	sdelay $0x1  }
0x4ca: {  	s18 =	sor.u32 $0x30, s6  }
0x4cb: {  	[tilespmem:s18+$0x0] =	vst.add.f32.msk $0xffff, v1  }
0x4cc: {  	s19 =	sor.u32 $0x30, s1;
	v1 =	vld [tilespmem:s7+$0x40]  }
0x4cd: {  	[tilespmem:s19+$0x0] =	vst.add.f32.msk $0xffff, v0  }
0x4ce: {  	v0 =	vld [tilespmem:s21+$0x840];
	_ =	sdelay $0x1  }
0x4cf: {  	s20 =	sor.u32 $0x40, s6  }
0x4d0: {  	[tilespmem:s20+$0x0] =	vst.add.f32.msk $0xffff, v1  }
0x4d1: {  	s22 =	sor.u32 $0x40, s1;
	v1 =	vld [tilespmem:s7+$0x50]  }
0x4d2: {  	[tilespmem:s22+$0x0] =	vst.add.f32.msk $0xffff, v0  }
0x4d3: {  	v0 =	vld [tilespmem:s21+$0x850];
	_ =	sdelay $0x1  }
0x4d4: {  	s23 =	sor.u32 $0x50, s6  }
0x4d5: {  	[tilespmem:s23+$0x0] =	vst.add.f32.msk $0xffff, v1  }
0x4d6: {  	s24 =	sor.u32 $0x50, s1;
	v1 =	vld [tilespmem:s7+$0x60]  }
0x4d7: {  	[tilespmem:s24+$0x0] =	vst.add.f32.msk $0xffff, v0  }
0x4d8: {  	v0 =	vld [tilespmem:s21+$0x860];
	_ =	sdelay $0x1  }
0x4d9: {  	s25 =	sor.u32 $0x60, s6  }
0x4da: {  	[tilespmem:s25+$0x0] =	vst.add.f32.msk $0xffff, v1  }
0x4db: {  	s15 =	sor.u32 $0x60, s1;
	v1 =	vld [tilespmem:s7+$0x70]  }
0x4dc: {  	[tilespmem:s15+$0x0] =	vst.add.f32.msk $0xffff, v0  }
0x4dd: {  	v0 =	vld [tilespmem:s21+$0x870];
	_ =	sdelay $0x1  }
0x4de: {  	s17 =	sor.u32 $0x70, s6  }
0x4df: {  	[tilespmem:s17+$0x0] =	vst.add.f32.msk $0xffff, v1  }
0x4e0: {  	s1 =	sor.u32 $0x70, s1;
	v1 =	vld [tilespmem:s7+$0x400]  }
0x4e1: {  	[tilespmem:s1+$0x0] =	vst.add.f32.msk $0xffff, v0  }
0x4e2: {  	v0 =	vld [tilespmem:s21+$0xC00];
	_ =	sdelay $0x1  }
0x4e3: {  	s18 =	sor.u32 $0x400, s6  }
0x4e4: {  	[tilespmem:s18+$0x0] =	vst.add.f32.msk $0xffff, v1  }
0x4e5: {  	v1 =	vld [tilespmem:s7+$0x410]  }
0x4e6: {  	[tilespmem:s13+$0x17400] =	vst.add.f32.msk $0xffff, v0  }
0x4e7: {  	v0 =	vld [tilespmem:s21+$0xC10];
	_ =	sdelay $0x1  }
0x4e8: {  	s19 =	sor.u32 $0x410, s6  }
0x4e9: {  	s1 =	sadd.s32 $0x17400, s13;
	[tilespmem:s19+$0x0] =	vst.add.f32.msk $0xffff, v1  }
0x4ea: {  	s20 =	sor.u32 $0x10, s1;
	v1 =	vld [tilespmem:s7+$0x420]  }
0x4eb: {  	[tilespmem:s20+$0x0] =	vst.add.f32.msk $0xffff, v0  }
0x4ec: {  	v0 =	vld [tilespmem:s21+$0xC20];
	_ =	sdelay $0x1  }
0x4ed: {  	s22 =	sor.u32 $0x420, s6  }
0x4ee: {  	[tilespmem:s22+$0x0] =	vst.add.f32.msk $0xffff, v1  }
0x4ef: {  	s23 =	sor.u32 $0x20, s1;
	v1 =	vld [tilespmem:s7+$0x430]  }
0x4f0: {  	[tilespmem:s23+$0x0] =	vst.add.f32.msk $0xffff, v0  }
0x4f1: {  	v0 =	vld [tilespmem:s21+$0xC30];
	_ =	sdelay $0x1  }
0x4f2: {  	s24 =	sor.u32 $0x430, s6  }
0x4f3: {  	[tilespmem:s24+$0x0] =	vst.add.f32.msk $0xffff, v1  }
0x4f4: {  	s25 =	sor.u32 $0x30, s1;
	v1 =	vld [tilespmem:s7+$0x440]  }
0x4f5: {  	[tilespmem:s25+$0x0] =	vst.add.f32.msk $0xffff, v0  }
0x4f6: {  	v0 =	vld [tilespmem:s21+$0xC40];
	_ =	sdelay $0x1  }
0x4f7: {  	s15 =	sor.u32 $0x440, s6  }
0x4f8: {  	[tilespmem:s15+$0x0] =	vst.add.f32.msk $0xffff, v1  }
0x4f9: {  	s17 =	sor.u32 $0x40, s1;
	v1 =	vld [tilespmem:s7+$0x450]  }
0x4fa: {  	[tilespmem:s17+$0x0] =	vst.add.f32.msk $0xffff, v0  }
0x4fb: {  	v0 =	vld [tilespmem:s21+$0xC50];
	_ =	sdelay $0x1  }
0x4fc: {  	s18 =	sor.u32 $0x450, s6  }
0x4fd: {  	[tilespmem:s18+$0x0] =	vst.add.f32.msk $0xffff, v1  }
0x4fe: {  	s19 =	sor.u32 $0x50, s1;
	v1 =	vld [tilespmem:s7+$0x460]  }
0x4ff: {  	[tilespmem:s19+$0x0] =	vst.add.f32.msk $0xffff, v0  }
0x500: {  	v0 =	vld [tilespmem:s21+$0xC60]  }
0x501: {  	s20 =	rddreg [dreg:$0x5]  }
0x502: {  	s14 =	sadd.s32 $0x2, s20;
	s22 =	sor.u32 $0x460, s6  }
0x503: {  	s14 =	sshrl.u32 s14, $0x3;
	[tilespmem:s22+$0x0] =	vst.add.f32.msk $0xffff, v1  }
0x504: {  	s14 =	smul.u32 $0x6000, s14;
	s23 =	sor.u32 $0x60, s1;
	v1 =	vld [tilespmem:s7+$0x470]  }
0x505: {  	s17 =	simm.s32 $0x100;
	[tilespmem:s23+$0x0] =	vst.add.f32.msk $0xffff, v0  }
0x506: {  	s14 =	sshra.s32 s14, $0x2;
	s24 =	sand.u32 $0x380, s17;
	v0 =	vld [tilespmem:s21+$0xC70]  }
0x507: {  	s22 =	sor.u32 s24, s14  }
0x508: {  	s6 =	sor.u32 $0x470, s6;
	s25 =	simm.s32 $0x0;
	v2 =	vld [tilespmem:s22+$0x0]  }
0x509: {  	s14 =	smul.u32 $0x6000, s25;
	[tilespmem:s6+$0x0] =	vst.add.f32.msk $0xffff, v1  }
0x50a: {  	s1 =	sor.u32 $0x70, s1;
	v1 =	vld [tilespmem:s7+$0x800]  }
0x50b: {  	s18 =	sshra.s32 s14, $0x2;
	[tilespmem:s1+$0x0] =	vst.add.f32.msk $0xffff, v0  }
0x50c: {  	s24 =	sor.u32 s24, s18;
	v0 =	vld [tilespmem:s21+$0x1000]  }
0x50d: {  	[tilespmem:s24+$0x16800] =	vst.add.f32.msk $0xffff, v2  }
0x50e: {  	v2 =	vld [tilespmem:s22+$0x10]  }
0x50f: {  	[tilespmem:s16+$0x17000] =	vst.add.f32.msk $0xffff, v1  }
0x510: {  	v1 =	vld [tilespmem:s7+$0x810]  }
0x511: {  	s15 =	sadd.s32 $0x16800, s24;
	[tilespmem:s13+$0x17800] =	vst.add.f32.msk $0xffff, v0  }
0x512: {  	s19 =	sor.u32 $0x10, s15;
	v0 =	vld [tilespmem:s21+$0x1010]  }
0x513: {  	s1 =	sadd.s32 $0x17000, s16;
	[tilespmem:s19+$0x0] =	vst.add.f32.msk $0xffff, v2  }
0x514: {  	s20 =	sor.u32 $0x10, s1;
	v2 =	vld [tilespmem:s22+$0x20]  }
0x515: {  	s6 =	sadd.s32 $0x17800, s13;
	[tilespmem:s20+$0x0] =	vst.add.f32.msk $0xffff, v1  }
0x516: {  	s23 =	sor.u32 $0x10, s6;
	v1 =	vld [tilespmem:s7+$0x820]  }
0x517: {  	[tilespmem:s23+$0x0] =	vst.add.f32.msk $0xffff, v0  }
0x518: {  	s25 =	sor.u32 $0x20, s15;
	v0 =	vld [tilespmem:s21+$0x1020]  }
0x519: {  	[tilespmem:s25+$0x0] =	vst.add.f32.msk $0xffff, v2  }
0x51a: {  	s18 =	sor.u32 $0x20, s1;
	v2 =	vld [tilespmem:s22+$0x30]  }
0x51b: {  	[tilespmem:s18+$0x0] =	vst.add.f32.msk $0xffff, v1  }
0x51c: {  	s19 =	sor.u32 $0x20, s6;
	v1 =	vld [tilespmem:s7+$0x830]  }
0x51d: {  	[tilespmem:s19+$0x0] =	vst.add.f32.msk $0xffff, v0  }
0x51e: {  	s20 =	sor.u32 $0x30, s15;
	v0 =	vld [tilespmem:s21+$0x1030]  }
0x51f: {  	[tilespmem:s20+$0x0] =	vst.add.f32.msk $0xffff, v2  }
0x520: {  	s23 =	sor.u32 $0x30, s1;
	v2 =	vld [tilespmem:s22+$0x40]  }
0x521: {  	[tilespmem:s23+$0x0] =	vst.add.f32.msk $0xffff, v1  }
0x522: {  	s25 =	sor.u32 $0x30, s6;
	v1 =	vld [tilespmem:s7+$0x840]  }
0x523: {  	[tilespmem:s25+$0x0] =	vst.add.f32.msk $0xffff, v0  }
0x524: {  	s18 =	sor.u32 $0x40, s15;
	v0 =	vld [tilespmem:s21+$0x1040]  }
0x525: {  	[tilespmem:s18+$0x0] =	vst.add.f32.msk $0xffff, v2  }
0x526: {  	s19 =	sor.u32 $0x40, s1;
	v2 =	vld [tilespmem:s22+$0x50]  }
0x527: {  	[tilespmem:s19+$0x0] =	vst.add.f32.msk $0xffff, v1  }
0x528: {  	s20 =	sor.u32 $0x40, s6;
	v1 =	vld [tilespmem:s7+$0x850]  }
0x529: {  	[tilespmem:s20+$0x0] =	vst.add.f32.msk $0xffff, v0  }
0x52a: {  	s23 =	sor.u32 $0x50, s15;
	v0 =	vld [tilespmem:s21+$0x1050]  }
0x52b: {  	[tilespmem:s23+$0x0] =	vst.add.f32.msk $0xffff, v2  }
0x52c: {  	s25 =	sor.u32 $0x50, s1;
	v2 =	vld [tilespmem:s22+$0x60]  }
0x52d: {  	[tilespmem:s25+$0x0] =	vst.add.f32.msk $0xffff, v1  }
0x52e: {  	s18 =	sor.u32 $0x50, s6;
	v1 =	vld [tilespmem:s7+$0x860]  }
0x52f: {  	[tilespmem:s18+$0x0] =	vst.add.f32.msk $0xffff, v0  }
0x530: {  	s19 =	sor.u32 $0x60, s15;
	v0 =	vld [tilespmem:s21+$0x1060]  }
0x531: {  	[tilespmem:s19+$0x0] =	vst.add.f32.msk $0xffff, v2  }
0x532: {  	s20 =	sor.u32 $0x60, s1;
	v2 =	vld [tilespmem:s22+$0x70]  }
0x533: {  	[tilespmem:s20+$0x0] =	vst.add.f32.msk $0xffff, v1  }
0x534: {  	s23 =	sor.u32 $0x60, s6;
	v1 =	vld [tilespmem:s7+$0x870]  }
0x535: {  	[tilespmem:s23+$0x0] =	vst.add.f32.msk $0xffff, v0  }
0x536: {  	s25 =	sor.u32 $0x70, s15;
	v0 =	vld [tilespmem:s21+$0x1070]  }
0x537: {  	[tilespmem:s25+$0x0] =	vst.add.f32.msk $0xffff, v2  }
0x538: {  	s1 =	sor.u32 $0x70, s1;
	v2 =	vld [tilespmem:s22+$0x400]  }
0x539: {  	[tilespmem:s1+$0x0] =	vst.add.f32.msk $0xffff, v1  }
0x53a: {  	s6 =	sor.u32 $0x70, s6;
	v1 =	vld [tilespmem:s7+$0xC00]  }
0x53b: {  	[tilespmem:s6+$0x0] =	vst.add.f32.msk $0xffff, v0  }
0x53c: {  	s14 =	sor.u32 $0x400, s15;
	v0 =	vld [tilespmem:s21+$0x1400]  }
0x53d: {  	[tilespmem:s14+$0x0] =	vst.add.f32.msk $0xffff, v2  }
0x53e: {  	v2 =	vld [tilespmem:s22+$0x410]  }
0x53f: {  	[tilespmem:s16+$0x17400] =	vst.add.f32.msk $0xffff, v1  }
0x540: {  	v1 =	vld [tilespmem:s7+$0xC10]  }
0x541: {  	[tilespmem:s13+$0x17C00] =	vst.add.f32.msk $0xffff, v0  }
0x542: {  	s18 =	sor.u32 $0x410, s15;
	v0 =	vld [tilespmem:s21+$0x1410]  }
0x543: {  	s6 =	sadd.s32 $0x17400, s16;
	[tilespmem:s18+$0x0] =	vst.add.f32.msk $0xffff, v2  }
0x544: {  	s19 =	sor.u32 $0x10, s6;
	v2 =	vld [tilespmem:s22+$0x420]  }
0x545: {  	s14 =	sadd.s32 $0x17C00, s13;
	[tilespmem:s19+$0x0] =	vst.add.f32.msk $0xffff, v1  }
0x546: {  	s20 =	sor.u32 $0x10, s14;
	v1 =	vld [tilespmem:s7+$0xC20]  }
0x547: {  	[tilespmem:s20+$0x0] =	vst.add.f32.msk $0xffff, v0  }
0x548: {  	s23 =	sor.u32 $0x420, s15;
	v0 =	vld [tilespmem:s21+$0x1420]  }
0x549: {  	[tilespmem:s23+$0x0] =	vst.add.f32.msk $0xffff, v2  }
0x54a: {  	s25 =	sor.u32 $0x20, s6;
	v2 =	vld [tilespmem:s22+$0x430]  }
0x54b: {  	[tilespmem:s25+$0x0] =	vst.add.f32.msk $0xffff, v1  }
0x54c: {  	s13 =	sor.u32 $0x20, s14;
	v1 =	vld [tilespmem:s7+$0xC30]  }
0x54d: {  	[tilespmem:s13+$0x0] =	vst.add.f32.msk $0xffff, v0  }
0x54e: {  	s18 =	sor.u32 $0x430, s15;
	v0 =	vld [tilespmem:s21+$0x1430]  }
0x54f: {  	[tilespmem:s18+$0x0] =	vst.add.f32.msk $0xffff, v2  }
0x550: {  	s19 =	sor.u32 $0x30, s6;
	v2 =	vld [tilespmem:s22+$0x440]  }
0x551: {  	[tilespmem:s19+$0x0] =	vst.add.f32.msk $0xffff, v1  }
0x552: {  	s20 =	sor.u32 $0x30, s14;
	v1 =	vld [tilespmem:s7+$0xC40]  }
0x553: {  	[tilespmem:s20+$0x0] =	vst.add.f32.msk $0xffff, v0  }
0x554: {  	s23 =	sor.u32 $0x440, s15;
	v0 =	vld [tilespmem:s21+$0x1440]  }
0x555: {  	[tilespmem:s23+$0x0] =	vst.add.f32.msk $0xffff, v2  }
0x556: {  	s25 =	sor.u32 $0x40, s6;
	v2 =	vld [tilespmem:s22+$0x450]  }
0x557: {  	[tilespmem:s25+$0x0] =	vst.add.f32.msk $0xffff, v1  }
0x558: {  	s13 =	sor.u32 $0x40, s14;
	v1 =	vld [tilespmem:s7+$0xC50]  }
0x559: {  	[tilespmem:s13+$0x0] =	vst.add.f32.msk $0xffff, v0  }
0x55a: {  	s18 =	sor.u32 $0x450, s15;
	v0 =	vld [tilespmem:s21+$0x1450]  }
0x55b: {  	[tilespmem:s18+$0x0] =	vst.add.f32.msk $0xffff, v2  }
0x55c: {  	s1 =	sor.u32 $0x2, s10;
	s19 =	sor.u32 $0x50, s6;
	v2 =	vld [tilespmem:s22+$0x460]  }
0x55d: {  	s25 =	smulhi.u32 $0x55555556, s1;
	[tilespmem:s19+$0x0] =	vst.add.f32.msk $0xffff, v1  }
0x55e: {  	s20 =	sor.u32 $0x50, s14;
	v3 =	vld [tilespmem:s7+$0xC60]  }
0x55f: {  	s23 =	smul.u32 $0x3, s25;
	[tilespmem:s20+$0x0] =	vst.add.f32.msk $0xffff, v0  }
0x560: {  	s13 =	rddreg [dreg:$0x5];
	s20 =	sor.u32 $0x460, s15;
	v0 =	vld [tilespmem:s21+$0x1460]  }
0x561: {  	s1 =	ssub.s32 s1, s23;
	s23 =	sadd.s32 $0x3, s13;
	[tilespmem:s20+$0x0] =	vst.add.f32.msk $0xffff, v2  }
0x562: {  	s13 =	smul.u32 $0x18, s1;
	s20 =	sshrl.u32 s23, $0x3;
	s23 =	sor.u32 $0x60, s6;
	v1 =	vld [tilespmem:s22+$0x470]  }
0x563: {  	s18 =	simm.s32 $0x3;
	s19 =	simm.s32 $0x4;
	s20 =	smul.u32 $0x6000, s20;
	[tilespmem:s23+$0x0] =	vst.add.f32.msk $0xffff, v3  }
.LBB2_7:
0x564: {  	s17 =	sadd.s32 $0x80, s17;
	v2 =	vld [tilespmem:s7+$0xC70];
	s1 =	sor.u32 $0x60, s14  }
0x565: {  	s23 =	sand.u32 $0x380, s17;
	s20 =	sshra.s32 s20, $0x2;
	[tilespmem:s1+$0x0] =	vst.add.f32.msk $0xffff, v0  }
0x566: {  	v0 =	vld [tilespmem:s21+$0x1470];
	s21 =	smov.u32 s7;
	s7 =	smov.u32 s22;
	s22 =	sor.u32 s23, s20  }
0x567: {  	s15 =	sor.u32 $0x470, s15;
	v3 =	vld [tilespmem:s22+$0x0]  }
0x568: {  	s20 =	sshrl.u32 s18, $0x3;
	[tilespmem:s15+$0x0] =	vst.add.f32.msk $0xffff, v1  }
0x569: {  	s6 =	sor.u32 $0x70, s6;
	s15 =	smul.u32 $0x6000, s20;
	v1 =	vld [tilespmem:s7+$0x800]  }
0x56a: {  	s20 =	sor.u32 $0x70, s14;
	[tilespmem:s6+$0x0] =	vst.add.f32.msk $0xffff, v2  }
0x56b: {  	s1 =	sshra.s32 s15, $0x2;
	[tilespmem:s20+$0x0] =	vst.add.f32.msk $0xffff, v0  }
0x56c: {  	s20 =	sor.u32 s23, s1;
	v0 =	vld [tilespmem:s21+$0x1000]  }
0x56d: {  	[tilespmem:s20+$0x16800] =	vst.add.f32.msk $0xffff, v3  }
0x56e: {  	v2 =	vld [tilespmem:s22+$0x10]  }
0x56f: {  	[tilespmem:s24+$0x17000] =	vst.add.f32.msk $0xffff, v1  }
0x570: {  	v1 =	vld [tilespmem:s7+$0x810]  }
0x571: {  	s15 =	sadd.s32 $0x16800, s20;
	[tilespmem:s16+$0x17800] =	vst.add.f32.msk $0xffff, v0  }
0x572: {  	s6 =	sor.u32 $0x10, s15;
	v0 =	vld [tilespmem:s21+$0x1010]  }
0x573: {  	[tilespmem:s6+$0x0] =	vst.add.f32.msk $0xffff, v2;
	s6 =	sadd.s32 $0x17000, s24  }
0x574: {  	v2 =	vld [tilespmem:s22+$0x20];
	s14 =	sor.u32 $0x10, s6  }
0x575: {  	[tilespmem:s14+$0x0] =	vst.add.f32.msk $0xffff, v1;
	s14 =	sadd.s32 $0x17800, s16  }
0x576: {  	v1 =	vld [tilespmem:s7+$0x820];
	s23 =	sor.u32 $0x10, s14  }
0x577: {  	[tilespmem:s23+$0x0] =	vst.add.f32.msk $0xffff, v0  }
0x578: {  	s23 =	sor.u32 $0x20, s15;
	v0 =	vld [tilespmem:s21+$0x1020]  }
0x579: {  	[tilespmem:s23+$0x0] =	vst.add.f32.msk $0xffff, v2  }
0x57a: {  	s23 =	sor.u32 $0x20, s6;
	v2 =	vld [tilespmem:s22+$0x30]  }
0x57b: {  	[tilespmem:s23+$0x0] =	vst.add.f32.msk $0xffff, v1  }
0x57c: {  	s23 =	sor.u32 $0x20, s14;
	v1 =	vld [tilespmem:s7+$0x830]  }
0x57d: {  	[tilespmem:s23+$0x0] =	vst.add.f32.msk $0xffff, v0  }
0x57e: {  	s23 =	sor.u32 $0x30, s15;
	v0 =	vld [tilespmem:s21+$0x1030]  }
0x57f: {  	[tilespmem:s23+$0x0] =	vst.add.f32.msk $0xffff, v2  }
0x580: {  	s23 =	sor.u32 $0x30, s6;
	v2 =	vld [tilespmem:s22+$0x40]  }
0x581: {  	[tilespmem:s23+$0x0] =	vst.add.f32.msk $0xffff, v1  }
0x582: {  	s23 =	sor.u32 $0x30, s14;
	v1 =	vld [tilespmem:s7+$0x840]  }
0x583: {  	[tilespmem:s23+$0x0] =	vst.add.f32.msk $0xffff, v0  }
0x584: {  	s23 =	sor.u32 $0x40, s15;
	v0 =	vld [tilespmem:s21+$0x1040]  }
0x585: {  	[tilespmem:s23+$0x0] =	vst.add.f32.msk $0xffff, v2  }
0x586: {  	s23 =	sor.u32 $0x40, s6;
	v2 =	vld [tilespmem:s22+$0x50]  }
0x587: {  	[tilespmem:s23+$0x0] =	vst.add.f32.msk $0xffff, v1  }
0x588: {  	s23 =	sor.u32 $0x40, s14;
	v1 =	vld [tilespmem:s7+$0x850]  }
0x589: {  	[tilespmem:s23+$0x0] =	vst.add.f32.msk $0xffff, v0  }
0x58a: {  	s23 =	sor.u32 $0x50, s15;
	v0 =	vld [tilespmem:s21+$0x1050]  }
0x58b: {  	[tilespmem:s23+$0x0] =	vst.add.f32.msk $0xffff, v2  }
0x58c: {  	s23 =	sor.u32 $0x50, s6;
	v2 =	vld [tilespmem:s22+$0x60]  }
0x58d: {  	[tilespmem:s23+$0x0] =	vst.add.f32.msk $0xffff, v1  }
0x58e: {  	s23 =	sor.u32 $0x50, s14;
	v1 =	vld [tilespmem:s7+$0x860]  }
0x58f: {  	[tilespmem:s23+$0x0] =	vst.add.f32.msk $0xffff, v0  }
0x590: {  	s23 =	sor.u32 $0x60, s15;
	v0 =	vld [tilespmem:s21+$0x1060]  }
0x591: {  	[tilespmem:s23+$0x0] =	vst.add.f32.msk $0xffff, v2  }
0x592: {  	s23 =	sor.u32 $0x60, s6;
	v2 =	vld [tilespmem:s22+$0x70]  }
0x593: {  	[tilespmem:s23+$0x0] =	vst.add.f32.msk $0xffff, v1  }
0x594: {  	s23 =	sor.u32 $0x60, s14;
	v1 =	vld [tilespmem:s7+$0x870]  }
0x595: {  	[tilespmem:s23+$0x0] =	vst.add.f32.msk $0xffff, v0  }
0x596: {  	s23 =	sor.u32 $0x70, s15;
	v0 =	vld [tilespmem:s21+$0x1070]  }
0x597: {  	[tilespmem:s23+$0x0] =	vst.add.f32.msk $0xffff, v2  }
0x598: {  	s6 =	sor.u32 $0x70, s6;
	v2 =	vld [tilespmem:s22+$0x400]  }
0x599: {  	[tilespmem:s6+$0x0] =	vst.add.f32.msk $0xffff, v1  }
0x59a: {  	s14 =	sor.u32 $0x70, s14;
	v1 =	vld [tilespmem:s7+$0xC00]  }
0x59b: {  	[tilespmem:s14+$0x0] =	vst.add.f32.msk $0xffff, v0  }
0x59c: {  	s23 =	sor.u32 $0x400, s15;
	v0 =	vld [tilespmem:s21+$0x1400]  }
0x59d: {  	[tilespmem:s23+$0x0] =	vst.add.f32.msk $0xffff, v2  }
0x59e: {  	v2 =	vld [tilespmem:s22+$0x410]  }
0x59f: {  	[tilespmem:s24+$0x17400] =	vst.add.f32.msk $0xffff, v1  }
0x5a0: {  	v1 =	vld [tilespmem:s7+$0xC10]  }
0x5a1: {  	[tilespmem:s16+$0x17C00] =	vst.add.f32.msk $0xffff, v0  }
0x5a2: {  	s6 =	sor.u32 $0x410, s15;
	v0 =	vld [tilespmem:s21+$0x1410]  }
0x5a3: {  	[tilespmem:s6+$0x0] =	vst.add.f32.msk $0xffff, v2;
	s6 =	sadd.s32 $0x17400, s24  }
0x5a4: {  	v2 =	vld [tilespmem:s22+$0x420];
	s14 =	sor.u32 $0x10, s6  }
0x5a5: {  	[tilespmem:s14+$0x0] =	vst.add.f32.msk $0xffff, v1;
	s14 =	sadd.s32 $0x17C00, s16  }
0x5a6: {  	v1 =	vld [tilespmem:s7+$0xC20];
	s23 =	sor.u32 $0x10, s14  }
0x5a7: {  	[tilespmem:s23+$0x0] =	vst.add.f32.msk $0xffff, v0  }
0x5a8: {  	s16 =	smov.u32 s24;
	s24 =	smov.u32 s20;
	s20 =	sor.u32 $0x420, s15;
	v0 =	vld [tilespmem:s21+$0x1420]  }
0x5a9: {  	[tilespmem:s20+$0x0] =	vst.add.f32.msk $0xffff, v2  }
0x5aa: {  	s23 =	sor.u32 $0x20, s6;
	v2 =	vld [tilespmem:s22+$0x430]  }
0x5ab: {  	[tilespmem:s23+$0x0] =	vst.add.f32.msk $0xffff, v1  }
0x5ac: {  	s20 =	sor.u32 $0x20, s14;
	v1 =	vld [tilespmem:s7+$0xC30]  }
0x5ad: {  	[tilespmem:s20+$0x0] =	vst.add.f32.msk $0xffff, v0  }
0x5ae: {  	s23 =	sor.u32 $0x430, s15;
	v0 =	vld [tilespmem:s21+$0x1430]  }
0x5af: {  	[tilespmem:s23+$0x0] =	vst.add.f32.msk $0xffff, v2  }
0x5b0: {  	s20 =	sor.u32 $0x30, s6;
	v2 =	vld [tilespmem:s22+$0x440]  }
0x5b1: {  	[tilespmem:s20+$0x0] =	vst.add.f32.msk $0xffff, v1  }
0x5b2: {  	s23 =	sor.u32 $0x30, s14;
	v1 =	vld [tilespmem:s7+$0xC40]  }
0x5b3: {  	[tilespmem:s23+$0x0] =	vst.add.f32.msk $0xffff, v0  }
0x5b4: {  	s20 =	sor.u32 $0x440, s15;
	v0 =	vld [tilespmem:s21+$0x1440]  }
0x5b5: {  	[tilespmem:s20+$0x0] =	vst.add.f32.msk $0xffff, v2  }
0x5b6: {  	s23 =	sor.u32 $0x40, s6;
	v2 =	vld [tilespmem:s22+$0x450]  }
0x5b7: {  	[tilespmem:s23+$0x0] =	vst.add.f32.msk $0xffff, v1  }
0x5b8: {  	s20 =	sor.u32 $0x40, s14;
	v1 =	vld [tilespmem:s7+$0xC50]  }
0x5b9: {  	[tilespmem:s20+$0x0] =	vst.add.f32.msk $0xffff, v0  }
0x5ba: {  	s23 =	sor.u32 $0x450, s15;
	v0 =	vld [tilespmem:s21+$0x1450]  }
0x5bb: {  	[tilespmem:s23+$0x0] =	vst.add.f32.msk $0xffff, v2  }
0x5bc: {  	s20 =	sor.u32 $0x50, s6;
	v2 =	vld [tilespmem:s22+$0x460]  }
0x5bd: {  	[tilespmem:s20+$0x0] =	vst.add.f32.msk $0xffff, v1  }
0x5be: {  	p1 =	sne.s32 s19, $0x17;
	s23 =	sor.u32 $0x50, s14;
	v3 =	vld [tilespmem:s7+$0xC60]  }
.Ltmp4:
0x5bf: {  	[tilespmem:s23+$0x0] =	vst.add.f32.msk $0xffff, v0;
	(pc) =	sbr.rel @p1 .LBB2_7-.Ltmp4, $4  }
0x5c0: {  	s1 =	rddreg [dreg:$0x5];
	s23 =	sor.u32 $0x460, s15;
	v0 =	vld [tilespmem:s21+$0x1460]  }
0x5c1: {  	s1 =	sadd.s32 s19, s1;
	[tilespmem:s23+$0x0] =	vst.add.f32.msk $0xffff, v2  }
0x5c2: {  	s1 =	sshrl.u32 s1, $0x3;
	s23 =	sor.u32 $0x60, s6;
	v1 =	vld [tilespmem:s22+$0x470]  }
0x5c3: {  	s18 =	smov.u32 s19;
	s19 =	sadd.s32 $0x1, s19;
	s20 =	smul.u32 $0x6000, s1;
	[tilespmem:s23+$0x0] =	vst.add.f32.msk $0xffff, v3  }
0x5c4: {  	s1 =	sadd.s32 $0x80, s17  }
0x5c5: {  	s1 =	sand.u32 $0x380, s1;
	s20 =	sshra.s32 s20, $0x2  }
0x5c6: {  	s17 =	sor.u32 s1, s20  }
0x5c7: {  	s18 =	sshrl.u32 s18, $0x3;
	v2 =	vld [tilespmem:s17+$0x0]  }
0x5c8: {  	s18 =	smul.u32 $0x6000, s18;
	_ =	sdelay $0x1  }
0x5c9: {  	s18 =	sshra.s32 s18, $0x2  }
0x5ca: {  	s18 =	sor.u32 s1, s18  }
0x5cb: {  	[tilespmem:s18+$0x16800] =	vst.add.f32.msk $0xffff, v2  }
0x5cc: {  	v2 =	vld [tilespmem:s17+$0x10];
	_ =	sdelay $0x2  }
0x5cd: {  	s1 =	sadd.s32 $0x16800, s18  }
0x5ce: {  	s19 =	sor.u32 $0x10, s1  }
0x5cf: {  	[tilespmem:s19+$0x0] =	vst.add.f32.msk $0xffff, v2  }
0x5d0: {  	v2 =	vld [tilespmem:s17+$0x20];
	_ =	sdelay $0x3  }
0x5d1: {  	s23 =	sor.u32 $0x20, s1  }
0x5d2: {  	[tilespmem:s23+$0x0] =	vst.add.f32.msk $0xffff, v2  }
0x5d3: {  	v2 =	vld [tilespmem:s17+$0x30];
	_ =	sdelay $0x3  }
0x5d4: {  	s20 =	sor.u32 $0x30, s1  }
0x5d5: {  	[tilespmem:s20+$0x0] =	vst.add.f32.msk $0xffff, v2  }
0x5d6: {  	v2 =	vld [tilespmem:s17+$0x40];
	_ =	sdelay $0x3  }
0x5d7: {  	s23 =	sor.u32 $0x40, s1  }
0x5d8: {  	[tilespmem:s23+$0x0] =	vst.add.f32.msk $0xffff, v2  }
0x5d9: {  	v2 =	vld [tilespmem:s17+$0x50];
	_ =	sdelay $0x3  }
0x5da: {  	s20 =	sor.u32 $0x50, s1  }
0x5db: {  	[tilespmem:s20+$0x0] =	vst.add.f32.msk $0xffff, v2  }
0x5dc: {  	v2 =	vld [tilespmem:s17+$0x60];
	_ =	sdelay $0x3  }
0x5dd: {  	s23 =	sor.u32 $0x60, s1  }
0x5de: {  	[tilespmem:s23+$0x0] =	vst.add.f32.msk $0xffff, v2  }
0x5df: {  	v2 =	vld [tilespmem:s17+$0x70];
	_ =	sdelay $0x3  }
0x5e0: {  	s20 =	sor.u32 $0x70, s1  }
0x5e1: {  	[tilespmem:s20+$0x0] =	vst.add.f32.msk $0xffff, v2  }
0x5e2: {  	v2 =	vld [tilespmem:s17+$0x400];
	_ =	sdelay $0x3  }
0x5e3: {  	s23 =	sor.u32 $0x400, s1  }
0x5e4: {  	[tilespmem:s23+$0x0] =	vst.add.f32.msk $0xffff, v2  }
0x5e5: {  	v2 =	vld [tilespmem:s17+$0x410];
	_ =	sdelay $0x3  }
0x5e6: {  	s20 =	sor.u32 $0x410, s1  }
0x5e7: {  	[tilespmem:s20+$0x0] =	vst.add.f32.msk $0xffff, v2  }
0x5e8: {  	v2 =	vld [tilespmem:s17+$0x420];
	_ =	sdelay $0x3  }
0x5e9: {  	s23 =	sor.u32 $0x420, s1  }
0x5ea: {  	[tilespmem:s23+$0x0] =	vst.add.f32.msk $0xffff, v2  }
0x5eb: {  	v2 =	vld [tilespmem:s17+$0x430];
	_ =	sdelay $0x3  }
0x5ec: {  	s20 =	sor.u32 $0x430, s1  }
0x5ed: {  	[tilespmem:s20+$0x0] =	vst.add.f32.msk $0xffff, v2  }
0x5ee: {  	v2 =	vld [tilespmem:s17+$0x440];
	_ =	sdelay $0x3  }
0x5ef: {  	s23 =	sor.u32 $0x440, s1  }
0x5f0: {  	[tilespmem:s23+$0x0] =	vst.add.f32.msk $0xffff, v2  }
0x5f1: {  	v2 =	vld [tilespmem:s17+$0x450];
	_ =	sdelay $0x3  }
0x5f2: {  	s20 =	sor.u32 $0x450, s1  }
0x5f3: {  	[tilespmem:s20+$0x0] =	vst.add.f32.msk $0xffff, v2  }
0x5f4: {  	v2 =	vld [tilespmem:s17+$0x460];
	_ =	sdelay $0x3  }
0x5f5: {  	s23 =	sor.u32 $0x460, s1  }
0x5f6: {  	[tilespmem:s23+$0x0] =	vst.add.f32.msk $0xffff, v2  }
0x5f7: {  	v2 =	vld [tilespmem:s17+$0x470];
	_ =	sdelay $0x1  }
0x5f8: {  	s15 =	sor.u32 $0x470, s15  }
0x5f9: {  	[tilespmem:s15+$0x0] =	vst.add.f32.msk $0xffff, v1  }
0x5fa: {  	v1 =	vld [tilespmem:s22+$0x800];
	s1 =	sor.u32 $0x470, s1  }
0x5fb: {  	[tilespmem:s1+$0x0] =	vst.add.f32.msk $0xffff, v2  }
0x5fc: {  	v2 =	vld [tilespmem:s17+$0x800];
	_ =	sdelay $0x2  }
0x5fd: {  	[tilespmem:s24+$0x17000] =	vst.add.f32.msk $0xffff, v1  }
0x5fe: {  	v1 =	vld [tilespmem:s22+$0x810]  }
0x5ff: {  	[tilespmem:s18+$0x17000] =	vst.add.f32.msk $0xffff, v2  }
0x600: {  	v2 =	vld [tilespmem:s17+$0x810]  }
0x601: {  	s1 =	sadd.s32 $0x17000, s24  }
0x602: {  	s20 =	sor.u32 $0x10, s1  }
0x603: {  	s15 =	sadd.s32 $0x17000, s18;
	[tilespmem:s20+$0x0] =	vst.add.f32.msk $0xffff, v1  }
0x604: {  	s23 =	sor.u32 $0x10, s15;
	v1 =	vld [tilespmem:s22+$0x820]  }
0x605: {  	[tilespmem:s23+$0x0] =	vst.add.f32.msk $0xffff, v2  }
0x606: {  	v2 =	vld [tilespmem:s17+$0x820];
	_ =	sdelay $0x1  }
0x607: {  	s20 =	sor.u32 $0x20, s1  }
0x608: {  	[tilespmem:s20+$0x0] =	vst.add.f32.msk $0xffff, v1  }
0x609: {  	v1 =	vld [tilespmem:s22+$0x830];
	s23 =	sor.u32 $0x20, s15  }
0x60a: {  	[tilespmem:s23+$0x0] =	vst.add.f32.msk $0xffff, v2  }
0x60b: {  	v2 =	vld [tilespmem:s17+$0x830];
	_ =	sdelay $0x1  }
0x60c: {  	s20 =	sor.u32 $0x30, s1  }
0x60d: {  	[tilespmem:s20+$0x0] =	vst.add.f32.msk $0xffff, v1  }
0x60e: {  	v1 =	vld [tilespmem:s22+$0x840];
	s23 =	sor.u32 $0x30, s15  }
0x60f: {  	[tilespmem:s23+$0x0] =	vst.add.f32.msk $0xffff, v2  }
0x610: {  	v2 =	vld [tilespmem:s17+$0x840];
	_ =	sdelay $0x1  }
0x611: {  	s20 =	sor.u32 $0x40, s1  }
0x612: {  	[tilespmem:s20+$0x0] =	vst.add.f32.msk $0xffff, v1  }
0x613: {  	v1 =	vld [tilespmem:s22+$0x850];
	s23 =	sor.u32 $0x40, s15  }
0x614: {  	[tilespmem:s23+$0x0] =	vst.add.f32.msk $0xffff, v2  }
0x615: {  	v2 =	vld [tilespmem:s17+$0x850];
	_ =	sdelay $0x1  }
0x616: {  	s20 =	sor.u32 $0x50, s1  }
0x617: {  	[tilespmem:s20+$0x0] =	vst.add.f32.msk $0xffff, v1  }
0x618: {  	v1 =	vld [tilespmem:s22+$0x860];
	s23 =	sor.u32 $0x50, s15  }
0x619: {  	[tilespmem:s23+$0x0] =	vst.add.f32.msk $0xffff, v2  }
0x61a: {  	v2 =	vld [tilespmem:s17+$0x860];
	_ =	sdelay $0x1  }
0x61b: {  	s20 =	sor.u32 $0x60, s1  }
0x61c: {  	[tilespmem:s20+$0x0] =	vst.add.f32.msk $0xffff, v1  }
0x61d: {  	v1 =	vld [tilespmem:s22+$0x870];
	s23 =	sor.u32 $0x60, s15  }
0x61e: {  	[tilespmem:s23+$0x0] =	vst.add.f32.msk $0xffff, v2  }
0x61f: {  	v2 =	vld [tilespmem:s17+$0x870];
	_ =	sdelay $0x1  }
0x620: {  	s1 =	sor.u32 $0x70, s1  }
0x621: {  	[tilespmem:s1+$0x0] =	vst.add.f32.msk $0xffff, v1  }
0x622: {  	s19 =	sor.u32 $0x70, s15;
	v1 =	vld [tilespmem:s22+$0xC00]  }
0x623: {  	[tilespmem:s19+$0x0] =	vst.add.f32.msk $0xffff, v2  }
0x624: {  	v2 =	vld [tilespmem:s17+$0xC00];
	_ =	sdelay $0x2  }
0x625: {  	[tilespmem:s24+$0x17400] =	vst.add.f32.msk $0xffff, v1  }
0x626: {  	v1 =	vld [tilespmem:s22+$0xC10]  }
0x627: {  	[tilespmem:s18+$0x17400] =	vst.add.f32.msk $0xffff, v2  }
0x628: {  	v2 =	vld [tilespmem:s17+$0xC10]  }
0x629: {  	s1 =	sadd.s32 $0x17400, s24  }
0x62a: {  	s20 =	sor.u32 $0x10, s1  }
0x62b: {  	s15 =	sadd.s32 $0x17400, s18;
	[tilespmem:s20+$0x0] =	vst.add.f32.msk $0xffff, v1  }
0x62c: {  	s23 =	sor.u32 $0x10, s15;
	v1 =	vld [tilespmem:s22+$0xC20]  }
0x62d: {  	[tilespmem:s23+$0x0] =	vst.add.f32.msk $0xffff, v2  }
0x62e: {  	v2 =	vld [tilespmem:s17+$0xC20];
	_ =	sdelay $0x1  }
0x62f: {  	s20 =	sor.u32 $0x20, s1  }
0x630: {  	[tilespmem:s20+$0x0] =	vst.add.f32.msk $0xffff, v1  }
0x631: {  	v1 =	vld [tilespmem:s22+$0xC30];
	s23 =	sor.u32 $0x20, s15  }
0x632: {  	[tilespmem:s23+$0x0] =	vst.add.f32.msk $0xffff, v2  }
0x633: {  	v2 =	vld [tilespmem:s17+$0xC30];
	_ =	sdelay $0x1  }
0x634: {  	s20 =	sor.u32 $0x30, s1  }
0x635: {  	[tilespmem:s20+$0x0] =	vst.add.f32.msk $0xffff, v1  }
0x636: {  	v1 =	vld [tilespmem:s22+$0xC40];
	s23 =	sor.u32 $0x30, s15  }
0x637: {  	[tilespmem:s23+$0x0] =	vst.add.f32.msk $0xffff, v2  }
0x638: {  	v2 =	vld [tilespmem:s17+$0xC40];
	_ =	sdelay $0x1  }
0x639: {  	s20 =	sor.u32 $0x40, s1  }
0x63a: {  	[tilespmem:s20+$0x0] =	vst.add.f32.msk $0xffff, v1  }
0x63b: {  	v1 =	vld [tilespmem:s22+$0xC50];
	s23 =	sor.u32 $0x40, s15  }
0x63c: {  	[tilespmem:s23+$0x0] =	vst.add.f32.msk $0xffff, v2  }
0x63d: {  	v2 =	vld [tilespmem:s17+$0xC50];
	_ =	sdelay $0x1  }
0x63e: {  	v3 =	vld [tilespmem:s7+$0xC70];
	s20 =	sor.u32 $0x50, s1  }
0x63f: {  	[tilespmem:s20+$0x0] =	vst.add.f32.msk $0xffff, v1  }
0x640: {  	v1 =	vld [tilespmem:s22+$0xC60];
	s23 =	sor.u32 $0x50, s15  }
0x641: {  	[tilespmem:s23+$0x0] =	vst.add.f32.msk $0xffff, v2  }
0x642: {  	s20 =	sor.u32 $0x60, s14;
	v2 =	vld [tilespmem:s17+$0xC60]  }
0x643: {  	[tilespmem:s20+$0x0] =	vst.add.f32.msk $0xffff, v0  }
0x644: {  	v0 =	vld [tilespmem:s21+$0x1470];
	s21 =	sor.u32 $0x60, s1  }
0x645: {  	[tilespmem:s21+$0x0] =	vst.add.f32.msk $0xffff, v1  }
0x646: {  	v1 =	vld [tilespmem:s22+$0xC70];
	s23 =	sor.u32 $0x60, s15  }
0x647: {  	[tilespmem:s23+$0x0] =	vst.add.f32.msk $0xffff, v2  }
0x648: {  	s6 =	sor.u32 $0x70, s6;
	v2 =	vld [tilespmem:s17+$0xC70]  }
0x649: {  	[tilespmem:s6+$0x0] =	vst.add.f32.msk $0xffff, v3  }
0x64a: {  	v3 =	vld [tilespmem:s7+$0x1000];
	s1 =	sor.u32 $0x70, s1  }
0x64b: {  	[tilespmem:s1+$0x0] =	vst.add.f32.msk $0xffff, v1  }
0x64c: {  	s19 =	sor.u32 $0x70, s15;
	v1 =	vld [tilespmem:s22+$0x1000]  }
0x64d: {  	[tilespmem:s19+$0x0] =	vst.add.f32.msk $0xffff, v2  }
0x64e: {  	v2 =	vld [tilespmem:s17+$0x1000]  }
0x64f: {  	[tilespmem:s16+$0x17800] =	vst.add.f32.msk $0xffff, v3  }
0x650: {  	v3 =	vld [tilespmem:s7+$0x1010]  }
0x651: {  	[tilespmem:s24+$0x17800] =	vst.add.f32.msk $0xffff, v1  }
0x652: {  	v1 =	vld [tilespmem:s22+$0x1010]  }
0x653: {  	s1 =	sadd.s32 $0x17800, s16;
	[tilespmem:s18+$0x17800] =	vst.add.f32.msk $0xffff, v2  }
0x654: {  	s20 =	sor.u32 $0x10, s1;
	v2 =	vld [tilespmem:s17+$0x1010]  }
0x655: {  	s6 =	sadd.s32 $0x17800, s24;
	[tilespmem:s20+$0x0] =	vst.add.f32.msk $0xffff, v3  }
0x656: {  	s21 =	sor.u32 $0x10, s6;
	v3 =	vld [tilespmem:s7+$0x1020]  }
0x657: {  	s15 =	sadd.s32 $0x17800, s18;
	[tilespmem:s21+$0x0] =	vst.add.f32.msk $0xffff, v1  }
0x658: {  	s23 =	sor.u32 $0x10, s15;
	v1 =	vld [tilespmem:s22+$0x1020]  }
0x659: {  	[tilespmem:s23+$0x0] =	vst.add.f32.msk $0xffff, v2  }
0x65a: {  	s20 =	sor.u32 $0x20, s1;
	v2 =	vld [tilespmem:s17+$0x1020]  }
0x65b: {  	[tilespmem:s20+$0x0] =	vst.add.f32.msk $0xffff, v3  }
0x65c: {  	v3 =	vld [tilespmem:s7+$0x1030];
	s21 =	sor.u32 $0x20, s6  }
0x65d: {  	[tilespmem:s21+$0x0] =	vst.add.f32.msk $0xffff, v1  }
0x65e: {  	v1 =	vld [tilespmem:s22+$0x1030];
	s23 =	sor.u32 $0x20, s15  }
0x65f: {  	[tilespmem:s23+$0x0] =	vst.add.f32.msk $0xffff, v2  }
0x660: {  	s20 =	sor.u32 $0x30, s1;
	v2 =	vld [tilespmem:s17+$0x1030]  }
0x661: {  	[tilespmem:s20+$0x0] =	vst.add.f32.msk $0xffff, v3  }
0x662: {  	v3 =	vld [tilespmem:s7+$0x1040];
	s21 =	sor.u32 $0x30, s6  }
0x663: {  	[tilespmem:s21+$0x0] =	vst.add.f32.msk $0xffff, v1  }
0x664: {  	v1 =	vld [tilespmem:s22+$0x1040];
	s23 =	sor.u32 $0x30, s15  }
0x665: {  	[tilespmem:s23+$0x0] =	vst.add.f32.msk $0xffff, v2  }
0x666: {  	s20 =	sor.u32 $0x40, s1;
	v2 =	vld [tilespmem:s17+$0x1040]  }
0x667: {  	[tilespmem:s20+$0x0] =	vst.add.f32.msk $0xffff, v3  }
0x668: {  	v3 =	vld [tilespmem:s7+$0x1050];
	s21 =	sor.u32 $0x40, s6  }
0x669: {  	[tilespmem:s21+$0x0] =	vst.add.f32.msk $0xffff, v1  }
0x66a: {  	v1 =	vld [tilespmem:s22+$0x1050];
	s23 =	sor.u32 $0x40, s15  }
0x66b: {  	[tilespmem:s23+$0x0] =	vst.add.f32.msk $0xffff, v2  }
0x66c: {  	s20 =	sor.u32 $0x50, s1;
	v2 =	vld [tilespmem:s17+$0x1050]  }
0x66d: {  	[tilespmem:s20+$0x0] =	vst.add.f32.msk $0xffff, v3  }
0x66e: {  	v3 =	vld [tilespmem:s7+$0x1060];
	s21 =	sor.u32 $0x50, s6  }
0x66f: {  	[tilespmem:s21+$0x0] =	vst.add.f32.msk $0xffff, v1  }
0x670: {  	v1 =	vld [tilespmem:s22+$0x1060];
	s23 =	sor.u32 $0x50, s15  }
0x671: {  	[tilespmem:s23+$0x0] =	vst.add.f32.msk $0xffff, v2  }
0x672: {  	s20 =	sor.u32 $0x60, s1;
	v2 =	vld [tilespmem:s17+$0x1060]  }
0x673: {  	[tilespmem:s20+$0x0] =	vst.add.f32.msk $0xffff, v3  }
0x674: {  	v3 =	vld [tilespmem:s7+$0x1070];
	s21 =	sor.u32 $0x60, s6  }
0x675: {  	[tilespmem:s21+$0x0] =	vst.add.f32.msk $0xffff, v1  }
0x676: {  	v1 =	vld [tilespmem:s22+$0x1070];
	s23 =	sor.u32 $0x60, s15  }
0x677: {  	[tilespmem:s23+$0x0] =	vst.add.f32.msk $0xffff, v2  }
0x678: {  	s1 =	sor.u32 $0x70, s1;
	v2 =	vld [tilespmem:s17+$0x1070]  }
0x679: {  	[tilespmem:s1+$0x0] =	vst.add.f32.msk $0xffff, v3  }
0x67a: {  	s6 =	sor.u32 $0x70, s6;
	v3 =	vld [tilespmem:s7+$0x1400]  }
0x67b: {  	[tilespmem:s6+$0x0] =	vst.add.f32.msk $0xffff, v1  }
0x67c: {  	s15 =	sor.u32 $0x70, s15;
	v1 =	vld [tilespmem:s22+$0x1400]  }
0x67d: {  	[tilespmem:s15+$0x0] =	vst.add.f32.msk $0xffff, v2  }
0x67e: {  	v2 =	vld [tilespmem:s17+$0x1400]  }
0x67f: {  	[tilespmem:s16+$0x17C00] =	vst.add.f32.msk $0xffff, v3  }
0x680: {  	v3 =	vld [tilespmem:s7+$0x1410]  }
0x681: {  	[tilespmem:s24+$0x17C00] =	vst.add.f32.msk $0xffff, v1  }
0x682: {  	v1 =	vld [tilespmem:s22+$0x1410]  }
0x683: {  	s6 =	sadd.s32 $0x17C00, s16;
	[tilespmem:s18+$0x17C00] =	vst.add.f32.msk $0xffff, v2  }
0x684: {  	s16 =	sor.u32 $0x10, s6;
	v2 =	vld [tilespmem:s17+$0x1410]  }
0x685: {  	[tilespmem:s16+$0x0] =	vst.add.f32.msk $0xffff, v3;
	s15 =	sadd.s32 $0x17C00, s24  }
0x686: {  	v3 =	vld [tilespmem:s7+$0x1420];
	s19 =	sor.u32 $0x10, s15  }
0x687: {  	s16 =	sadd.s32 $0x17C00, s18;
	[tilespmem:s19+$0x0] =	vst.add.f32.msk $0xffff, v1  }
0x688: {  	s20 =	sor.u32 $0x10, s16;
	v1 =	vld [tilespmem:s22+$0x1420]  }
0x689: {  	[tilespmem:s20+$0x0] =	vst.add.f32.msk $0xffff, v2  }
0x68a: {  	s21 =	sor.u32 $0x20, s6;
	v2 =	vld [tilespmem:s17+$0x1420]  }
0x68b: {  	[tilespmem:s21+$0x0] =	vst.add.f32.msk $0xffff, v3  }
0x68c: {  	v3 =	vld [tilespmem:s7+$0x1430];
	s23 =	sor.u32 $0x20, s15  }
0x68d: {  	[tilespmem:s23+$0x0] =	vst.add.f32.msk $0xffff, v1  }
0x68e: {  	s24 =	sor.u32 $0x20, s16;
	v1 =	vld [tilespmem:s22+$0x1430]  }
0x68f: {  	[tilespmem:s24+$0x0] =	vst.add.f32.msk $0xffff, v2  }
0x690: {  	s18 =	sor.u32 $0x30, s6;
	v2 =	vld [tilespmem:s17+$0x1430]  }
0x691: {  	[tilespmem:s18+$0x0] =	vst.add.f32.msk $0xffff, v3  }
0x692: {  	s19 =	sor.u32 $0x30, s15;
	v3 =	vld [tilespmem:s7+$0x1440]  }
0x693: {  	[tilespmem:s19+$0x0] =	vst.add.f32.msk $0xffff, v1  }
0x694: {  	s20 =	sor.u32 $0x30, s16;
	v1 =	vld [tilespmem:s22+$0x1440]  }
0x695: {  	[tilespmem:s20+$0x0] =	vst.add.f32.msk $0xffff, v2  }
0x696: {  	s21 =	sor.u32 $0x40, s6;
	v2 =	vld [tilespmem:s17+$0x1440]  }
0x697: {  	[tilespmem:s21+$0x0] =	vst.add.f32.msk $0xffff, v3  }
0x698: {  	s23 =	sor.u32 $0x40, s15;
	v3 =	vld [tilespmem:s7+$0x1450]  }
0x699: {  	[tilespmem:s23+$0x0] =	vst.add.f32.msk $0xffff, v1  }
0x69a: {  	s24 =	sor.u32 $0x40, s16;
	v1 =	vld [tilespmem:s22+$0x1450]  }
0x69b: {  	[tilespmem:s24+$0x0] =	vst.add.f32.msk $0xffff, v2  }
0x69c: {  	s18 =	sor.u32 $0x50, s6;
	v2 =	vld [tilespmem:s17+$0x1450]  }
0x69d: {  	[tilespmem:s18+$0x0] =	vst.add.f32.msk $0xffff, v3  }
0x69e: {  	s19 =	sor.u32 $0x50, s15;
	v3 =	vld [tilespmem:s7+$0x1460]  }
0x69f: {  	[tilespmem:s19+$0x0] =	vst.add.f32.msk $0xffff, v1  }
0x6a0: {  	s20 =	sor.u32 $0x50, s16;
	v1 =	vld [tilespmem:s22+$0x1460]  }
0x6a1: {  	[tilespmem:s20+$0x0] =	vst.add.f32.msk $0xffff, v2  }
0x6a2: {  	s21 =	sor.u32 $0x60, s6;
	v2 =	vld [tilespmem:s17+$0x1460]  }
0x6a3: {  	[tilespmem:s21+$0x0] =	vst.add.f32.msk $0xffff, v3  }
0x6a4: {  	s23 =	sor.u32 $0x60, s15;
	v3 =	vld [tilespmem:s7+$0x1470]  }
0x6a5: {  	[tilespmem:s23+$0x0] =	vst.add.f32.msk $0xffff, v1  }
0x6a6: {  	s24 =	sadd.s32 s11, s25;
	s25 =	sor.u32 $0x60, s16;
	v1 =	vld [tilespmem:s22+$0x1470]  }
0x6a7: {  	s1 =	smul.u32 $0x240, s24;
	[tilespmem:s25+$0x0] =	vst.add.f32.msk $0xffff, v2  }
0x6a8: {  	s13 =	sadd.s32 s3, s13;
	v2 =	vld [tilespmem:s17+$0x1470]  }
0x6a9: {  	s14 =	sor.u32 $0x70, s14;
	s7 =	sadd.s32 @!p0 $0x5, s10;
	s1 =	sadd.s32 s1, s13  }
0x6aa: {  	[tilespmem:s14+$0x0] =	vst.add.f32.msk $0xffff, v0;
	s6 =	sor.u32 $0x70, s6;
	s13 =	smulhi.u32 @!p0 $0x55555556, s7;
	s1 =	sshrl.u32 s1, $0x3  }
0x6ab: {  	[tilespmem:s6+$0x0] =	vst.add.f32.msk $0xffff, v3;
	s1 =	smul.u32 $0x300, s1;
	s17 =	sor.u32 $0x70, s15  }
0x6ac: {  	s18 =	sor.u32 $0x70, s16;
	[tilespmem:s17+$0x0] =	vst.add.f32.msk $0xffff, v1  }
0x6ad: {  	s6 =	smul.u32 @!p0 $0x3, s13;
	s1 =	sadd.s32 s4, s1;
	s25 =	simm.s32 $0x16800;
	[tilespmem:s18+$0x0] =	vst.add.f32.msk $0xffff, v2  }
0x6ae: {  	[hbm4b:s1+s5] =	stream.linear.scatter [tilespmem:s25], [sflag:$0x7], $0x4800, $0x38;
	[tilespmem:$0x1F800] =	vst v63  }
0x6af: {  	s1 =	ssub.s32 @!p0 s7, s6  }
0x6b0: {  	s6 =	sadd.s32 @!p0 s11, s13;
	s1 =	smul.u32 @!p0 $0x18, s1  }
0x6b1: {  	s6 =	smul.u32 @!p0 $0x240, s6  }
0x6b2: {  	s7 =	simm.s32 @!p0 $0x6;
	s1 =	sadd.s32 @!p0 s3, s1  }
0x6b3: {  	_ =	swait.ge @!p0 [sflag:s7], $0x4800;
	s1 =	sadd.s32 @!p0 s6, s1  }
0x6b4: {  	[sflag:s7] =	ssyncset.done @!p0 $0x0;
	s1 =	sshrl.u32 @!p0 s1, $0x3  }
0x6b5: {  	[sflag:s7] =	ssyncadd.s32 @!p0 $0xFFFFB800;
	s1 =	smul.u32 @!p0 $0x300, s1  }
0x6b6: {  	s19 =	simm.s32 $0x4;
	s23 =	smov.u32 s4;
	s4 =	rddreg [dreg:$0x0]  }
0x6b7: {  	s7 =	simm.s32 @!p0 $0x12000;
	s6 =	simm.s32 @!p0 $0x0;
	s1 =	sadd.s32 @!p0 s4, s1  }
0x6b8: {  	[tilespmem:s7], [sflag:$0x2] =	stream.linear.gather @!p0 [hbm4b:s1+s6], $0x4800, $0x38;
	[tilespmem:$0x1F800] =	vst v63  }
0x6b9: {  	_ =	swait.ge [sflag:s19], $0x4800  }
0x6ba: {  	s20 =	rddreg [dreg:$0x6]  }
0x6bb: {  	s1 =	sadd.s32 $0x0, s20  }
0x6bc: {  	s1 =	sshrl.u32 s1, $0x3  }
0x6bd: {  	s1 =	smul.u32 $0x6000, s1  }
0x6be: {  	s21 =	simm.s32 $0x0  }
0x6bf: {  	s6 =	sand.u32 $0x380, s21;
	[sflag:s19] =	ssyncset.done $0x0;
	s1 =	sshra.s32 s1, $0x2  }
0x6c0: {  	[sflag:s19] =	ssyncadd.s32 $0xFFFFB800;
	s21 =	sor.u32 s6, s1  }
0x6c1: {  	s22 =	simm.s32 $0x0;
	v0 =	vld [tilespmem:s21+$0x0]  }
0x6c2: {  	s1 =	smul.u32 $0x6000, s22;
	_ =	sdelay $0x1  }
0x6c3: {  	s1 =	sshra.s32 s1, $0x2  }
0x6c4: {  	s13 =	sor.u32 s6, s1  }
0x6c5: {  	[tilespmem:s13+$0x1B000] =	vst.add.f32.msk $0xffff, v0  }
0x6c6: {  	v0 =	vld [tilespmem:s21+$0x10];
	_ =	sdelay $0x2  }
0x6c7: {  	s1 =	sadd.s32 $0x1B000, s13  }
0x6c8: {  	s24 =	sor.u32 $0x10, s1  }
0x6c9: {  	[tilespmem:s24+$0x0] =	vst.add.f32.msk $0xffff, v0  }
0x6ca: {  	v0 =	vld [tilespmem:s21+$0x20];
	_ =	sdelay $0x3  }
0x6cb: {  	s4 =	sor.u32 $0x20, s1  }
0x6cc: {  	[tilespmem:s4+$0x0] =	vst.add.f32.msk $0xffff, v0  }
0x6cd: {  	v0 =	vld [tilespmem:s21+$0x30];
	_ =	sdelay $0x3  }
0x6ce: {  	s7 =	sor.u32 $0x30, s1  }
0x6cf: {  	[tilespmem:s7+$0x0] =	vst.add.f32.msk $0xffff, v0  }
0x6d0: {  	v0 =	vld [tilespmem:s21+$0x40];
	_ =	sdelay $0x3  }
0x6d1: {  	s14 =	sor.u32 $0x40, s1  }
0x6d2: {  	[tilespmem:s14+$0x0] =	vst.add.f32.msk $0xffff, v0  }
0x6d3: {  	v0 =	vld [tilespmem:s21+$0x50];
	_ =	sdelay $0x3  }
0x6d4: {  	s15 =	sor.u32 $0x50, s1  }
0x6d5: {  	[tilespmem:s15+$0x0] =	vst.add.f32.msk $0xffff, v0  }
0x6d6: {  	v0 =	vld [tilespmem:s21+$0x60];
	_ =	sdelay $0x3  }
0x6d7: {  	s16 =	sor.u32 $0x60, s1  }
0x6d8: {  	[tilespmem:s16+$0x0] =	vst.add.f32.msk $0xffff, v0  }
0x6d9: {  	v0 =	vld [tilespmem:s21+$0x70];
	_ =	sdelay $0x3  }
0x6da: {  	s17 =	sor.u32 $0x70, s1  }
0x6db: {  	[tilespmem:s17+$0x0] =	vst.add.f32.msk $0xffff, v0  }
0x6dc: {  	v0 =	vld [tilespmem:s21+$0x400];
	_ =	sdelay $0x3  }
0x6dd: {  	s18 =	sor.u32 $0x400, s1  }
0x6de: {  	[tilespmem:s18+$0x0] =	vst.add.f32.msk $0xffff, v0  }
0x6df: {  	v0 =	vld [tilespmem:s21+$0x410];
	_ =	sdelay $0x3  }
0x6e0: {  	s19 =	sor.u32 $0x410, s1  }
0x6e1: {  	[tilespmem:s19+$0x0] =	vst.add.f32.msk $0xffff, v0  }
0x6e2: {  	v0 =	vld [tilespmem:s21+$0x420];
	_ =	sdelay $0x3  }
0x6e3: {  	s20 =	sor.u32 $0x420, s1  }
0x6e4: {  	[tilespmem:s20+$0x0] =	vst.add.f32.msk $0xffff, v0  }
0x6e5: {  	v0 =	vld [tilespmem:s21+$0x430];
	_ =	sdelay $0x3  }
0x6e6: {  	s22 =	sor.u32 $0x430, s1  }
0x6e7: {  	[tilespmem:s22+$0x0] =	vst.add.f32.msk $0xffff, v0  }
0x6e8: {  	v0 =	vld [tilespmem:s21+$0x440];
	_ =	sdelay $0x3  }
0x6e9: {  	s24 =	sor.u32 $0x440, s1  }
0x6ea: {  	[tilespmem:s24+$0x0] =	vst.add.f32.msk $0xffff, v0  }
0x6eb: {  	v0 =	vld [tilespmem:s21+$0x450];
	_ =	sdelay $0x3  }
0x6ec: {  	s4 =	sor.u32 $0x450, s1  }
0x6ed: {  	[tilespmem:s4+$0x0] =	vst.add.f32.msk $0xffff, v0  }
0x6ee: {  	v0 =	vld [tilespmem:s21+$0x460];
	_ =	sdelay $0x2  }
0x6ef: {  	s7 =	rddreg [dreg:$0x6]  }
0x6f0: {  	s6 =	sadd.s32 $0x1, s7;
	s14 =	sor.u32 $0x460, s1  }
0x6f1: {  	s6 =	sshrl.u32 s6, $0x3;
	[tilespmem:s14+$0x0] =	vst.add.f32.msk $0xffff, v0  }
0x6f2: {  	s6 =	smul.u32 $0x6000, s6;
	v0 =	vld [tilespmem:s21+$0x470]  }
0x6f3: {  	s15 =	simm.s32 $0x80  }
0x6f4: {  	s6 =	sshra.s32 s6, $0x2;
	s16 =	sand.u32 $0x380, s15  }
0x6f5: {  	s7 =	sor.u32 s16, s6  }
0x6f6: {  	s1 =	sor.u32 $0x470, s1;
	v1 =	vld [tilespmem:s7+$0x0];
	s17 =	simm.s32 $0x0  }
0x6f7: {  	s18 =	smul.u32 $0x6000, s17;
	[tilespmem:s1+$0x0] =	vst.add.f32.msk $0xffff, v0  }
0x6f8: {  	v0 =	vld [tilespmem:s21+$0x800]  }
0x6f9: {  	s1 =	sshra.s32 s18, $0x2  }
0x6fa: {  	s16 =	sor.u32 s16, s1  }
0x6fb: {  	[tilespmem:s16+$0x1B000] =	vst.add.f32.msk $0xffff, v1  }
0x6fc: {  	v1 =	vld [tilespmem:s7+$0x10]  }
0x6fd: {  	[tilespmem:s13+$0x1B800] =	vst.add.f32.msk $0xffff, v0  }
0x6fe: {  	v0 =	vld [tilespmem:s21+$0x810]  }
0x6ff: {  	s6 =	sadd.s32 $0x1B000, s16  }
0x700: {  	s19 =	sor.u32 $0x10, s6  }
0x701: {  	s1 =	sadd.s32 $0x1B800, s13;
	[tilespmem:s19+$0x0] =	vst.add.f32.msk $0xffff, v1  }
0x702: {  	s20 =	sor.u32 $0x10, s1;
	v1 =	vld [tilespmem:s7+$0x20]  }
0x703: {  	[tilespmem:s20+$0x0] =	vst.add.f32.msk $0xffff, v0  }
0x704: {  	v0 =	vld [tilespmem:s21+$0x820];
	_ =	sdelay $0x1  }
0x705: {  	s22 =	sor.u32 $0x20, s6  }
0x706: {  	[tilespmem:s22+$0x0] =	vst.add.f32.msk $0xffff, v1  }
0x707: {  	s24 =	sor.u32 $0x20, s1;
	v1 =	vld [tilespmem:s7+$0x30]  }
0x708: {  	[tilespmem:s24+$0x0] =	vst.add.f32.msk $0xffff, v0  }
0x709: {  	v0 =	vld [tilespmem:s21+$0x830];
	_ =	sdelay $0x1  }
0x70a: {  	s4 =	sor.u32 $0x30, s6  }
0x70b: {  	[tilespmem:s4+$0x0] =	vst.add.f32.msk $0xffff, v1  }
0x70c: {  	s15 =	sor.u32 $0x30, s1;
	v1 =	vld [tilespmem:s7+$0x40]  }
0x70d: {  	[tilespmem:s15+$0x0] =	vst.add.f32.msk $0xffff, v0  }
0x70e: {  	v0 =	vld [tilespmem:s21+$0x840];
	_ =	sdelay $0x1  }
0x70f: {  	s17 =	sor.u32 $0x40, s6  }
0x710: {  	[tilespmem:s17+$0x0] =	vst.add.f32.msk $0xffff, v1  }
0x711: {  	s18 =	sor.u32 $0x40, s1;
	v1 =	vld [tilespmem:s7+$0x50]  }
0x712: {  	[tilespmem:s18+$0x0] =	vst.add.f32.msk $0xffff, v0  }
0x713: {  	v0 =	vld [tilespmem:s21+$0x850];
	_ =	sdelay $0x1  }
0x714: {  	s19 =	sor.u32 $0x50, s6  }
0x715: {  	[tilespmem:s19+$0x0] =	vst.add.f32.msk $0xffff, v1  }
0x716: {  	s20 =	sor.u32 $0x50, s1;
	v1 =	vld [tilespmem:s7+$0x60]  }
0x717: {  	[tilespmem:s20+$0x0] =	vst.add.f32.msk $0xffff, v0  }
0x718: {  	v0 =	vld [tilespmem:s21+$0x860];
	_ =	sdelay $0x1  }
0x719: {  	s22 =	sor.u32 $0x60, s6  }
0x71a: {  	[tilespmem:s22+$0x0] =	vst.add.f32.msk $0xffff, v1  }
0x71b: {  	s24 =	sor.u32 $0x60, s1;
	v1 =	vld [tilespmem:s7+$0x70]  }
0x71c: {  	[tilespmem:s24+$0x0] =	vst.add.f32.msk $0xffff, v0  }
0x71d: {  	v0 =	vld [tilespmem:s21+$0x870];
	_ =	sdelay $0x1  }
0x71e: {  	s4 =	sor.u32 $0x70, s6  }
0x71f: {  	[tilespmem:s4+$0x0] =	vst.add.f32.msk $0xffff, v1  }
0x720: {  	s1 =	sor.u32 $0x70, s1;
	v1 =	vld [tilespmem:s7+$0x400]  }
0x721: {  	[tilespmem:s1+$0x0] =	vst.add.f32.msk $0xffff, v0  }
0x722: {  	v0 =	vld [tilespmem:s21+$0xC00];
	_ =	sdelay $0x1  }
0x723: {  	s15 =	sor.u32 $0x400, s6  }
0x724: {  	[tilespmem:s15+$0x0] =	vst.add.f32.msk $0xffff, v1  }
0x725: {  	v1 =	vld [tilespmem:s7+$0x410]  }
0x726: {  	[tilespmem:s13+$0x1BC00] =	vst.add.f32.msk $0xffff, v0  }
0x727: {  	v0 =	vld [tilespmem:s21+$0xC10];
	_ =	sdelay $0x1  }
0x728: {  	s17 =	sor.u32 $0x410, s6  }
0x729: {  	s1 =	sadd.s32 $0x1BC00, s13;
	[tilespmem:s17+$0x0] =	vst.add.f32.msk $0xffff, v1  }
0x72a: {  	s18 =	sor.u32 $0x10, s1;
	v1 =	vld [tilespmem:s7+$0x420]  }
0x72b: {  	[tilespmem:s18+$0x0] =	vst.add.f32.msk $0xffff, v0  }
0x72c: {  	v0 =	vld [tilespmem:s21+$0xC20];
	_ =	sdelay $0x1  }
0x72d: {  	s19 =	sor.u32 $0x420, s6  }
0x72e: {  	[tilespmem:s19+$0x0] =	vst.add.f32.msk $0xffff, v1  }
0x72f: {  	s20 =	sor.u32 $0x20, s1;
	v1 =	vld [tilespmem:s7+$0x430]  }
0x730: {  	[tilespmem:s20+$0x0] =	vst.add.f32.msk $0xffff, v0  }
0x731: {  	v0 =	vld [tilespmem:s21+$0xC30];
	_ =	sdelay $0x1  }
0x732: {  	s22 =	sor.u32 $0x430, s6  }
0x733: {  	[tilespmem:s22+$0x0] =	vst.add.f32.msk $0xffff, v1  }
0x734: {  	s24 =	sor.u32 $0x30, s1;
	v1 =	vld [tilespmem:s7+$0x440]  }
0x735: {  	[tilespmem:s24+$0x0] =	vst.add.f32.msk $0xffff, v0  }
0x736: {  	v0 =	vld [tilespmem:s21+$0xC40];
	_ =	sdelay $0x1  }
0x737: {  	s4 =	sor.u32 $0x440, s6  }
0x738: {  	[tilespmem:s4+$0x0] =	vst.add.f32.msk $0xffff, v1  }
0x739: {  	s15 =	sor.u32 $0x40, s1;
	v1 =	vld [tilespmem:s7+$0x450]  }
0x73a: {  	[tilespmem:s15+$0x0] =	vst.add.f32.msk $0xffff, v0  }
0x73b: {  	v0 =	vld [tilespmem:s21+$0xC50];
	_ =	sdelay $0x1  }
0x73c: {  	s17 =	sor.u32 $0x450, s6  }
0x73d: {  	[tilespmem:s17+$0x0] =	vst.add.f32.msk $0xffff, v1  }
0x73e: {  	s18 =	sor.u32 $0x50, s1;
	v1 =	vld [tilespmem:s7+$0x460]  }
0x73f: {  	[tilespmem:s18+$0x0] =	vst.add.f32.msk $0xffff, v0  }
0x740: {  	v0 =	vld [tilespmem:s21+$0xC60]  }
0x741: {  	s19 =	rddreg [dreg:$0x6]  }
0x742: {  	s14 =	sadd.s32 $0x2, s19;
	s20 =	sor.u32 $0x460, s6  }
0x743: {  	s14 =	sshrl.u32 s14, $0x3;
	[tilespmem:s20+$0x0] =	vst.add.f32.msk $0xffff, v1  }
0x744: {  	s14 =	smul.u32 $0x6000, s14;
	s22 =	sor.u32 $0x60, s1;
	v1 =	vld [tilespmem:s7+$0x470]  }
0x745: {  	s15 =	simm.s32 $0x100;
	[tilespmem:s22+$0x0] =	vst.add.f32.msk $0xffff, v0  }
0x746: {  	s14 =	sshra.s32 s14, $0x2;
	s24 =	sand.u32 $0x380, s15;
	v0 =	vld [tilespmem:s21+$0xC70]  }
0x747: {  	s22 =	sor.u32 s24, s14  }
0x748: {  	s6 =	sor.u32 $0x470, s6;
	s4 =	simm.s32 $0x0;
	v2 =	vld [tilespmem:s22+$0x0]  }
0x749: {  	s14 =	smul.u32 $0x6000, s4;
	[tilespmem:s6+$0x0] =	vst.add.f32.msk $0xffff, v1  }
0x74a: {  	s1 =	sor.u32 $0x70, s1;
	v1 =	vld [tilespmem:s7+$0x800]  }
0x74b: {  	s18 =	sshra.s32 s14, $0x2;
	[tilespmem:s1+$0x0] =	vst.add.f32.msk $0xffff, v0  }
0x74c: {  	s24 =	sor.u32 s24, s18;
	v0 =	vld [tilespmem:s21+$0x1000]  }
0x74d: {  	[tilespmem:s24+$0x1B000] =	vst.add.f32.msk $0xffff, v2  }
0x74e: {  	v2 =	vld [tilespmem:s22+$0x10]  }
0x74f: {  	[tilespmem:s16+$0x1B800] =	vst.add.f32.msk $0xffff, v1  }
0x750: {  	v1 =	vld [tilespmem:s7+$0x810]  }
0x751: {  	s14 =	sadd.s32 $0x1B000, s24;
	[tilespmem:s13+$0x1C000] =	vst.add.f32.msk $0xffff, v0  }
0x752: {  	s19 =	sor.u32 $0x10, s14;
	v0 =	vld [tilespmem:s21+$0x1010]  }
0x753: {  	s1 =	sadd.s32 $0x1B800, s16;
	[tilespmem:s19+$0x0] =	vst.add.f32.msk $0xffff, v2  }
0x754: {  	s20 =	sor.u32 $0x10, s1;
	v2 =	vld [tilespmem:s22+$0x20]  }
0x755: {  	s6 =	sadd.s32 $0x1C000, s13;
	[tilespmem:s20+$0x0] =	vst.add.f32.msk $0xffff, v1  }
0x756: {  	s4 =	sor.u32 $0x10, s6;
	v1 =	vld [tilespmem:s7+$0x820]  }
0x757: {  	[tilespmem:s4+$0x0] =	vst.add.f32.msk $0xffff, v0  }
0x758: {  	s18 =	sor.u32 $0x20, s14;
	v0 =	vld [tilespmem:s21+$0x1020]  }
0x759: {  	[tilespmem:s18+$0x0] =	vst.add.f32.msk $0xffff, v2  }
0x75a: {  	s19 =	sor.u32 $0x20, s1;
	v2 =	vld [tilespmem:s22+$0x30]  }
0x75b: {  	[tilespmem:s19+$0x0] =	vst.add.f32.msk $0xffff, v1  }
0x75c: {  	s20 =	sor.u32 $0x20, s6;
	v1 =	vld [tilespmem:s7+$0x830]  }
0x75d: {  	[tilespmem:s20+$0x0] =	vst.add.f32.msk $0xffff, v0  }
0x75e: {  	s4 =	sor.u32 $0x30, s14;
	v0 =	vld [tilespmem:s21+$0x1030]  }
0x75f: {  	[tilespmem:s4+$0x0] =	vst.add.f32.msk $0xffff, v2  }
0x760: {  	s18 =	sor.u32 $0x30, s1;
	v2 =	vld [tilespmem:s22+$0x40]  }
0x761: {  	[tilespmem:s18+$0x0] =	vst.add.f32.msk $0xffff, v1  }
0x762: {  	s19 =	sor.u32 $0x30, s6;
	v1 =	vld [tilespmem:s7+$0x840]  }
0x763: {  	[tilespmem:s19+$0x0] =	vst.add.f32.msk $0xffff, v0  }
0x764: {  	s20 =	sor.u32 $0x40, s14;
	v0 =	vld [tilespmem:s21+$0x1040]  }
0x765: {  	[tilespmem:s20+$0x0] =	vst.add.f32.msk $0xffff, v2  }
0x766: {  	s4 =	sor.u32 $0x40, s1;
	v2 =	vld [tilespmem:s22+$0x50]  }
0x767: {  	[tilespmem:s4+$0x0] =	vst.add.f32.msk $0xffff, v1  }
0x768: {  	s18 =	sor.u32 $0x40, s6;
	v1 =	vld [tilespmem:s7+$0x850]  }
0x769: {  	[tilespmem:s18+$0x0] =	vst.add.f32.msk $0xffff, v0  }
0x76a: {  	s19 =	sor.u32 $0x50, s14;
	v0 =	vld [tilespmem:s21+$0x1050]  }
0x76b: {  	[tilespmem:s19+$0x0] =	vst.add.f32.msk $0xffff, v2  }
0x76c: {  	s20 =	sor.u32 $0x50, s1;
	v2 =	vld [tilespmem:s22+$0x60]  }
0x76d: {  	[tilespmem:s20+$0x0] =	vst.add.f32.msk $0xffff, v1  }
0x76e: {  	s4 =	sor.u32 $0x50, s6;
	v1 =	vld [tilespmem:s7+$0x860]  }
0x76f: {  	[tilespmem:s4+$0x0] =	vst.add.f32.msk $0xffff, v0  }
0x770: {  	s18 =	sor.u32 $0x60, s14;
	v0 =	vld [tilespmem:s21+$0x1060]  }
0x771: {  	[tilespmem:s18+$0x0] =	vst.add.f32.msk $0xffff, v2  }
0x772: {  	s19 =	sor.u32 $0x60, s1;
	v2 =	vld [tilespmem:s22+$0x70]  }
0x773: {  	[tilespmem:s19+$0x0] =	vst.add.f32.msk $0xffff, v1  }
0x774: {  	s20 =	sor.u32 $0x60, s6;
	v1 =	vld [tilespmem:s7+$0x870]  }
0x775: {  	[tilespmem:s20+$0x0] =	vst.add.f32.msk $0xffff, v0  }
0x776: {  	s4 =	sor.u32 $0x70, s14;
	v0 =	vld [tilespmem:s21+$0x1070]  }
0x777: {  	[tilespmem:s4+$0x0] =	vst.add.f32.msk $0xffff, v2  }
0x778: {  	s1 =	sor.u32 $0x70, s1;
	v2 =	vld [tilespmem:s22+$0x400]  }
0x779: {  	[tilespmem:s1+$0x0] =	vst.add.f32.msk $0xffff, v1  }
0x77a: {  	s17 =	sor.u32 $0x70, s6;
	v1 =	vld [tilespmem:s7+$0xC00]  }
0x77b: {  	[tilespmem:s17+$0x0] =	vst.add.f32.msk $0xffff, v0  }
0x77c: {  	s18 =	sor.u32 $0x400, s14;
	v0 =	vld [tilespmem:s21+$0x1400]  }
0x77d: {  	[tilespmem:s18+$0x0] =	vst.add.f32.msk $0xffff, v2  }
0x77e: {  	v2 =	vld [tilespmem:s22+$0x410]  }
0x77f: {  	[tilespmem:s16+$0x1BC00] =	vst.add.f32.msk $0xffff, v1  }
0x780: {  	v1 =	vld [tilespmem:s7+$0xC10]  }
0x781: {  	[tilespmem:s13+$0x1C400] =	vst.add.f32.msk $0xffff, v0  }
0x782: {  	s19 =	sor.u32 $0x410, s14;
	v0 =	vld [tilespmem:s21+$0x1410]  }
0x783: {  	s6 =	sadd.s32 $0x1BC00, s16;
	[tilespmem:s19+$0x0] =	vst.add.f32.msk $0xffff, v2  }
0x784: {  	s20 =	sor.u32 $0x10, s6;
	v2 =	vld [tilespmem:s22+$0x420]  }
0x785: {  	s13 =	sadd.s32 $0x1C400, s13;
	[tilespmem:s20+$0x0] =	vst.add.f32.msk $0xffff, v1  }
0x786: {  	s4 =	sor.u32 $0x10, s13;
	v1 =	vld [tilespmem:s7+$0xC20]  }
0x787: {  	[tilespmem:s4+$0x0] =	vst.add.f32.msk $0xffff, v0  }
0x788: {  	s17 =	sor.u32 $0x420, s14;
	v0 =	vld [tilespmem:s21+$0x1420]  }
0x789: {  	[tilespmem:s17+$0x0] =	vst.add.f32.msk $0xffff, v2  }
0x78a: {  	s18 =	sor.u32 $0x20, s6;
	v2 =	vld [tilespmem:s22+$0x430]  }
0x78b: {  	[tilespmem:s18+$0x0] =	vst.add.f32.msk $0xffff, v1  }
0x78c: {  	s19 =	sor.u32 $0x20, s13;
	v1 =	vld [tilespmem:s7+$0xC30]  }
0x78d: {  	[tilespmem:s19+$0x0] =	vst.add.f32.msk $0xffff, v0  }
0x78e: {  	s20 =	sor.u32 $0x430, s14;
	v0 =	vld [tilespmem:s21+$0x1430]  }
0x78f: {  	[tilespmem:s20+$0x0] =	vst.add.f32.msk $0xffff, v2  }
0x790: {  	s4 =	sor.u32 $0x30, s6;
	v2 =	vld [tilespmem:s22+$0x440]  }
0x791: {  	[tilespmem:s4+$0x0] =	vst.add.f32.msk $0xffff, v1  }
0x792: {  	s17 =	sor.u32 $0x30, s13;
	v1 =	vld [tilespmem:s7+$0xC40]  }
0x793: {  	[tilespmem:s17+$0x0] =	vst.add.f32.msk $0xffff, v0  }
0x794: {  	s18 =	sor.u32 $0x440, s14;
	v0 =	vld [tilespmem:s21+$0x1440]  }
0x795: {  	[tilespmem:s18+$0x0] =	vst.add.f32.msk $0xffff, v2  }
0x796: {  	s19 =	sor.u32 $0x40, s6;
	v2 =	vld [tilespmem:s22+$0x450]  }
0x797: {  	[tilespmem:s19+$0x0] =	vst.add.f32.msk $0xffff, v1  }
0x798: {  	s20 =	sor.u32 $0x40, s13;
	v1 =	vld [tilespmem:s7+$0xC50]  }
0x799: {  	[tilespmem:s20+$0x0] =	vst.add.f32.msk $0xffff, v0  }
0x79a: {  	s4 =	sor.u32 $0x450, s14;
	v0 =	vld [tilespmem:s21+$0x1450]  }
0x79b: {  	[tilespmem:s4+$0x0] =	vst.add.f32.msk $0xffff, v2  }
0x79c: {  	s17 =	sor.u32 $0x50, s6;
	v2 =	vld [tilespmem:s22+$0x460]  }
0x79d: {  	[tilespmem:s17+$0x0] =	vst.add.f32.msk $0xffff, v1  }
0x79e: {  	s19 =	sor.u32 $0x50, s13;
	v3 =	vld [tilespmem:s7+$0xC60]  }
0x79f: {  	[tilespmem:s19+$0x0] =	vst.add.f32.msk $0xffff, v0  }
0x7a0: {  	s18 =	rddreg [dreg:$0x6];
	s20 =	sor.u32 $0x460, s14;
	v0 =	vld [tilespmem:s21+$0x1460]  }
0x7a1: {  	s1 =	sadd.s32 $0x3, s18;
	[tilespmem:s20+$0x0] =	vst.add.f32.msk $0xffff, v2  }
0x7a2: {  	s1 =	sshrl.u32 s1, $0x3;
	s4 =	sor.u32 $0x60, s6;
	v1 =	vld [tilespmem:s22+$0x470]  }
0x7a3: {  	s18 =	simm.s32 $0x4;
	s17 =	simm.s32 $0x3;
	s19 =	smul.u32 $0x6000, s1;
	[tilespmem:s4+$0x0] =	vst.add.f32.msk $0xffff, v3  }
.LBB2_9:
0x7a4: {  	s15 =	sadd.s32 $0x80, s15;
	v2 =	vld [tilespmem:s7+$0xC70];
	s1 =	sor.u32 $0x60, s13  }
0x7a5: {  	s20 =	sand.u32 $0x380, s15;
	s19 =	sshra.s32 s19, $0x2;
	[tilespmem:s1+$0x0] =	vst.add.f32.msk $0xffff, v0  }
0x7a6: {  	v0 =	vld [tilespmem:s21+$0x1470];
	s21 =	smov.u32 s7;
	s7 =	smov.u32 s22;
	s22 =	sor.u32 s20, s19  }
0x7a7: {  	s19 =	sor.u32 $0x470, s14;
	v3 =	vld [tilespmem:s22+$0x0]  }
0x7a8: {  	s4 =	sshrl.u32 s17, $0x3;
	[tilespmem:s19+$0x0] =	vst.add.f32.msk $0xffff, v1  }
0x7a9: {  	s6 =	sor.u32 $0x70, s6;
	s19 =	smul.u32 $0x6000, s4;
	v1 =	vld [tilespmem:s7+$0x800]  }
0x7aa: {  	s4 =	sor.u32 $0x70, s13;
	[tilespmem:s6+$0x0] =	vst.add.f32.msk $0xffff, v2  }
0x7ab: {  	s1 =	sshra.s32 s19, $0x2;
	[tilespmem:s4+$0x0] =	vst.add.f32.msk $0xffff, v0  }
0x7ac: {  	s19 =	sor.u32 s20, s1;
	v0 =	vld [tilespmem:s21+$0x1000]  }
0x7ad: {  	[tilespmem:s19+$0x1B000] =	vst.add.f32.msk $0xffff, v3  }
0x7ae: {  	v2 =	vld [tilespmem:s22+$0x10]  }
0x7af: {  	[tilespmem:s24+$0x1B800] =	vst.add.f32.msk $0xffff, v1  }
0x7b0: {  	v1 =	vld [tilespmem:s7+$0x810]  }
0x7b1: {  	s14 =	sadd.s32 $0x1B000, s19;
	[tilespmem:s16+$0x1C000] =	vst.add.f32.msk $0xffff, v0  }
0x7b2: {  	s13 =	sor.u32 $0x10, s14;
	v0 =	vld [tilespmem:s21+$0x1010]  }
0x7b3: {  	s6 =	sadd.s32 $0x1B800, s24;
	[tilespmem:s13+$0x0] =	vst.add.f32.msk $0xffff, v2  }
0x7b4: {  	s20 =	sor.u32 $0x10, s6;
	v2 =	vld [tilespmem:s22+$0x20]  }
0x7b5: {  	s13 =	sadd.s32 $0x1C000, s16;
	[tilespmem:s20+$0x0] =	vst.add.f32.msk $0xffff, v1  }
0x7b6: {  	s4 =	sor.u32 $0x10, s13;
	v1 =	vld [tilespmem:s7+$0x820]  }
0x7b7: {  	[tilespmem:s4+$0x0] =	vst.add.f32.msk $0xffff, v0  }
0x7b8: {  	s20 =	sor.u32 $0x20, s14;
	v0 =	vld [tilespmem:s21+$0x1020]  }
0x7b9: {  	[tilespmem:s20+$0x0] =	vst.add.f32.msk $0xffff, v2  }
0x7ba: {  	s4 =	sor.u32 $0x20, s6;
	v2 =	vld [tilespmem:s22+$0x30]  }
0x7bb: {  	[tilespmem:s4+$0x0] =	vst.add.f32.msk $0xffff, v1  }
0x7bc: {  	s20 =	sor.u32 $0x20, s13;
	v1 =	vld [tilespmem:s7+$0x830]  }
0x7bd: {  	[tilespmem:s20+$0x0] =	vst.add.f32.msk $0xffff, v0  }
0x7be: {  	s4 =	sor.u32 $0x30, s14;
	v0 =	vld [tilespmem:s21+$0x1030]  }
0x7bf: {  	[tilespmem:s4+$0x0] =	vst.add.f32.msk $0xffff, v2  }
0x7c0: {  	s20 =	sor.u32 $0x30, s6;
	v2 =	vld [tilespmem:s22+$0x40]  }
0x7c1: {  	[tilespmem:s20+$0x0] =	vst.add.f32.msk $0xffff, v1  }
0x7c2: {  	s4 =	sor.u32 $0x30, s13;
	v1 =	vld [tilespmem:s7+$0x840]  }
0x7c3: {  	[tilespmem:s4+$0x0] =	vst.add.f32.msk $0xffff, v0  }
0x7c4: {  	s20 =	sor.u32 $0x40, s14;
	v0 =	vld [tilespmem:s21+$0x1040]  }
0x7c5: {  	[tilespmem:s20+$0x0] =	vst.add.f32.msk $0xffff, v2  }
0x7c6: {  	s4 =	sor.u32 $0x40, s6;
	v2 =	vld [tilespmem:s22+$0x50]  }
0x7c7: {  	[tilespmem:s4+$0x0] =	vst.add.f32.msk $0xffff, v1  }
0x7c8: {  	s20 =	sor.u32 $0x40, s13;
	v1 =	vld [tilespmem:s7+$0x850]  }
0x7c9: {  	[tilespmem:s20+$0x0] =	vst.add.f32.msk $0xffff, v0  }
0x7ca: {  	s4 =	sor.u32 $0x50, s14;
	v0 =	vld [tilespmem:s21+$0x1050]  }
0x7cb: {  	[tilespmem:s4+$0x0] =	vst.add.f32.msk $0xffff, v2  }
0x7cc: {  	s20 =	sor.u32 $0x50, s6;
	v2 =	vld [tilespmem:s22+$0x60]  }
0x7cd: {  	[tilespmem:s20+$0x0] =	vst.add.f32.msk $0xffff, v1  }
0x7ce: {  	s4 =	sor.u32 $0x50, s13;
	v1 =	vld [tilespmem:s7+$0x860]  }
0x7cf: {  	[tilespmem:s4+$0x0] =	vst.add.f32.msk $0xffff, v0  }
0x7d0: {  	s20 =	sor.u32 $0x60, s14;
	v0 =	vld [tilespmem:s21+$0x1060]  }
0x7d1: {  	[tilespmem:s20+$0x0] =	vst.add.f32.msk $0xffff, v2  }
0x7d2: {  	s4 =	sor.u32 $0x60, s6;
	v2 =	vld [tilespmem:s22+$0x70]  }
0x7d3: {  	[tilespmem:s4+$0x0] =	vst.add.f32.msk $0xffff, v1  }
0x7d4: {  	s20 =	sor.u32 $0x60, s13;
	v1 =	vld [tilespmem:s7+$0x870]  }
0x7d5: {  	[tilespmem:s20+$0x0] =	vst.add.f32.msk $0xffff, v0  }
0x7d6: {  	s4 =	sor.u32 $0x70, s14;
	v0 =	vld [tilespmem:s21+$0x1070]  }
0x7d7: {  	[tilespmem:s4+$0x0] =	vst.add.f32.msk $0xffff, v2  }
0x7d8: {  	s20 =	sor.u32 $0x70, s6;
	v2 =	vld [tilespmem:s22+$0x400]  }
0x7d9: {  	[tilespmem:s20+$0x0] =	vst.add.f32.msk $0xffff, v1  }
0x7da: {  	s4 =	sor.u32 $0x70, s13;
	v1 =	vld [tilespmem:s7+$0xC00]  }
0x7db: {  	[tilespmem:s4+$0x0] =	vst.add.f32.msk $0xffff, v0  }
0x7dc: {  	s6 =	sor.u32 $0x400, s14;
	v0 =	vld [tilespmem:s21+$0x1400]  }
0x7dd: {  	[tilespmem:s6+$0x0] =	vst.add.f32.msk $0xffff, v2  }
0x7de: {  	v2 =	vld [tilespmem:s22+$0x410]  }
0x7df: {  	[tilespmem:s24+$0x1BC00] =	vst.add.f32.msk $0xffff, v1  }
0x7e0: {  	v1 =	vld [tilespmem:s7+$0xC10]  }
0x7e1: {  	[tilespmem:s16+$0x1C400] =	vst.add.f32.msk $0xffff, v0  }
0x7e2: {  	s13 =	sor.u32 $0x410, s14;
	v0 =	vld [tilespmem:s21+$0x1410]  }
0x7e3: {  	s6 =	sadd.s32 $0x1BC00, s24;
	[tilespmem:s13+$0x0] =	vst.add.f32.msk $0xffff, v2  }
0x7e4: {  	s20 =	sor.u32 $0x10, s6;
	v2 =	vld [tilespmem:s22+$0x420]  }
0x7e5: {  	s13 =	sadd.s32 $0x1C400, s16;
	[tilespmem:s20+$0x0] =	vst.add.f32.msk $0xffff, v1  }
0x7e6: {  	s4 =	sor.u32 $0x10, s13;
	v1 =	vld [tilespmem:s7+$0xC20]  }
0x7e7: {  	[tilespmem:s4+$0x0] =	vst.add.f32.msk $0xffff, v0  }
0x7e8: {  	s16 =	smov.u32 s24;
	s24 =	smov.u32 s19;
	s19 =	sor.u32 $0x420, s14;
	v0 =	vld [tilespmem:s21+$0x1420]  }
0x7e9: {  	[tilespmem:s19+$0x0] =	vst.add.f32.msk $0xffff, v2  }
0x7ea: {  	s20 =	sor.u32 $0x20, s6;
	v2 =	vld [tilespmem:s22+$0x430]  }
0x7eb: {  	[tilespmem:s20+$0x0] =	vst.add.f32.msk $0xffff, v1  }
0x7ec: {  	s4 =	sor.u32 $0x20, s13;
	v1 =	vld [tilespmem:s7+$0xC30]  }
0x7ed: {  	[tilespmem:s4+$0x0] =	vst.add.f32.msk $0xffff, v0  }
0x7ee: {  	s19 =	sor.u32 $0x430, s14;
	v0 =	vld [tilespmem:s21+$0x1430]  }
0x7ef: {  	[tilespmem:s19+$0x0] =	vst.add.f32.msk $0xffff, v2  }
0x7f0: {  	s20 =	sor.u32 $0x30, s6;
	v2 =	vld [tilespmem:s22+$0x440]  }
0x7f1: {  	[tilespmem:s20+$0x0] =	vst.add.f32.msk $0xffff, v1  }
0x7f2: {  	s4 =	sor.u32 $0x30, s13;
	v1 =	vld [tilespmem:s7+$0xC40]  }
0x7f3: {  	[tilespmem:s4+$0x0] =	vst.add.f32.msk $0xffff, v0  }
0x7f4: {  	s19 =	sor.u32 $0x440, s14;
	v0 =	vld [tilespmem:s21+$0x1440]  }
0x7f5: {  	[tilespmem:s19+$0x0] =	vst.add.f32.msk $0xffff, v2  }
0x7f6: {  	s20 =	sor.u32 $0x40, s6;
	v2 =	vld [tilespmem:s22+$0x450]  }
0x7f7: {  	[tilespmem:s20+$0x0] =	vst.add.f32.msk $0xffff, v1  }
0x7f8: {  	s4 =	sor.u32 $0x40, s13;
	v1 =	vld [tilespmem:s7+$0xC50]  }
0x7f9: {  	[tilespmem:s4+$0x0] =	vst.add.f32.msk $0xffff, v0  }
0x7fa: {  	s19 =	sor.u32 $0x450, s14;
	v0 =	vld [tilespmem:s21+$0x1450]  }
0x7fb: {  	[tilespmem:s19+$0x0] =	vst.add.f32.msk $0xffff, v2  }
0x7fc: {  	s20 =	sor.u32 $0x50, s6;
	v2 =	vld [tilespmem:s22+$0x460]  }
0x7fd: {  	[tilespmem:s20+$0x0] =	vst.add.f32.msk $0xffff, v1  }
0x7fe: {  	p1 =	sne.s32 s18, $0x17;
	s4 =	sor.u32 $0x50, s13;
	v3 =	vld [tilespmem:s7+$0xC60]  }
.Ltmp5:
0x7ff: {  	[tilespmem:s4+$0x0] =	vst.add.f32.msk $0xffff, v0;
	(pc) =	sbr.rel @p1 .LBB2_9-.Ltmp5, $4  }
0x800: {  	s1 =	rddreg [dreg:$0x6];
	s20 =	sor.u32 $0x460, s14;
	v0 =	vld [tilespmem:s21+$0x1460]  }
0x801: {  	s1 =	sadd.s32 s18, s1;
	[tilespmem:s20+$0x0] =	vst.add.f32.msk $0xffff, v2  }
0x802: {  	s1 =	sshrl.u32 s1, $0x3;
	s4 =	sor.u32 $0x60, s6;
	v1 =	vld [tilespmem:s22+$0x470]  }
0x803: {  	s17 =	smov.u32 s18;
	s18 =	sadd.s32 $0x1, s18;
	s19 =	smul.u32 $0x6000, s1;
	[tilespmem:s4+$0x0] =	vst.add.f32.msk $0xffff, v3  }
0x804: {  	s1 =	sadd.s32 $0x80, s15  }
0x805: {  	s1 =	sand.u32 $0x380, s1;
	s20 =	sshra.s32 s19, $0x2  }
0x806: {  	s15 =	sor.u32 s1, s20  }
0x807: {  	s17 =	sshrl.u32 s17, $0x3;
	v2 =	vld [tilespmem:s15+$0x0]  }
0x808: {  	s17 =	smul.u32 $0x6000, s17;
	_ =	sdelay $0x1  }
0x809: {  	s17 =	sshra.s32 s17, $0x2  }
0x80a: {  	s17 =	sor.u32 s1, s17  }
0x80b: {  	[tilespmem:s17+$0x1B000] =	vst.add.f32.msk $0xffff, v2  }
0x80c: {  	v2 =	vld [tilespmem:s15+$0x10];
	_ =	sdelay $0x2  }
0x80d: {  	s1 =	sadd.s32 $0x1B000, s17  }
0x80e: {  	s18 =	sor.u32 $0x10, s1  }
0x80f: {  	[tilespmem:s18+$0x0] =	vst.add.f32.msk $0xffff, v2  }
0x810: {  	v2 =	vld [tilespmem:s15+$0x20];
	_ =	sdelay $0x3  }
0x811: {  	s4 =	sor.u32 $0x20, s1  }
0x812: {  	[tilespmem:s4+$0x0] =	vst.add.f32.msk $0xffff, v2  }
0x813: {  	v2 =	vld [tilespmem:s15+$0x30];
	_ =	sdelay $0x3  }
0x814: {  	s19 =	sor.u32 $0x30, s1  }
0x815: {  	[tilespmem:s19+$0x0] =	vst.add.f32.msk $0xffff, v2  }
0x816: {  	v2 =	vld [tilespmem:s15+$0x40];
	_ =	sdelay $0x3  }
0x817: {  	s20 =	sor.u32 $0x40, s1  }
0x818: {  	[tilespmem:s20+$0x0] =	vst.add.f32.msk $0xffff, v2  }
0x819: {  	v2 =	vld [tilespmem:s15+$0x50];
	_ =	sdelay $0x3  }
0x81a: {  	s4 =	sor.u32 $0x50, s1  }
0x81b: {  	[tilespmem:s4+$0x0] =	vst.add.f32.msk $0xffff, v2  }
0x81c: {  	v2 =	vld [tilespmem:s15+$0x60];
	_ =	sdelay $0x3  }
0x81d: {  	s19 =	sor.u32 $0x60, s1  }
0x81e: {  	[tilespmem:s19+$0x0] =	vst.add.f32.msk $0xffff, v2  }
0x81f: {  	v2 =	vld [tilespmem:s15+$0x70];
	_ =	sdelay $0x3  }
0x820: {  	s20 =	sor.u32 $0x70, s1  }
0x821: {  	[tilespmem:s20+$0x0] =	vst.add.f32.msk $0xffff, v2  }
0x822: {  	v2 =	vld [tilespmem:s15+$0x400];
	_ =	sdelay $0x3  }
0x823: {  	s4 =	sor.u32 $0x400, s1  }
0x824: {  	[tilespmem:s4+$0x0] =	vst.add.f32.msk $0xffff, v2  }
0x825: {  	v2 =	vld [tilespmem:s15+$0x410];
	_ =	sdelay $0x3  }
0x826: {  	s19 =	sor.u32 $0x410, s1  }
0x827: {  	[tilespmem:s19+$0x0] =	vst.add.f32.msk $0xffff, v2  }
0x828: {  	v2 =	vld [tilespmem:s15+$0x420];
	_ =	sdelay $0x3  }
0x829: {  	s20 =	sor.u32 $0x420, s1  }
0x82a: {  	[tilespmem:s20+$0x0] =	vst.add.f32.msk $0xffff, v2  }
0x82b: {  	v2 =	vld [tilespmem:s15+$0x430];
	_ =	sdelay $0x3  }
0x82c: {  	s4 =	sor.u32 $0x430, s1  }
0x82d: {  	[tilespmem:s4+$0x0] =	vst.add.f32.msk $0xffff, v2  }
0x82e: {  	v2 =	vld [tilespmem:s15+$0x440];
	_ =	sdelay $0x3  }
0x82f: {  	s19 =	sor.u32 $0x440, s1  }
0x830: {  	[tilespmem:s19+$0x0] =	vst.add.f32.msk $0xffff, v2  }
0x831: {  	v2 =	vld [tilespmem:s15+$0x450];
	_ =	sdelay $0x3  }
0x832: {  	s20 =	sor.u32 $0x450, s1  }
0x833: {  	[tilespmem:s20+$0x0] =	vst.add.f32.msk $0xffff, v2  }
0x834: {  	v2 =	vld [tilespmem:s15+$0x460];
	_ =	sdelay $0x3  }
0x835: {  	s4 =	sor.u32 $0x460, s1  }
0x836: {  	[tilespmem:s4+$0x0] =	vst.add.f32.msk $0xffff, v2  }
0x837: {  	v2 =	vld [tilespmem:s15+$0x470];
	_ =	sdelay $0x1  }
0x838: {  	s14 =	sor.u32 $0x470, s14  }
0x839: {  	[tilespmem:s14+$0x0] =	vst.add.f32.msk $0xffff, v1  }
0x83a: {  	v1 =	vld [tilespmem:s22+$0x800];
	s1 =	sor.u32 $0x470, s1  }
0x83b: {  	[tilespmem:s1+$0x0] =	vst.add.f32.msk $0xffff, v2  }
0x83c: {  	v2 =	vld [tilespmem:s15+$0x800];
	_ =	sdelay $0x2  }
0x83d: {  	[tilespmem:s24+$0x1B800] =	vst.add.f32.msk $0xffff, v1  }
0x83e: {  	v1 =	vld [tilespmem:s22+$0x810]  }
0x83f: {  	[tilespmem:s17+$0x1B800] =	vst.add.f32.msk $0xffff, v2  }
0x840: {  	v2 =	vld [tilespmem:s15+$0x810]  }
0x841: {  	s1 =	sadd.s32 $0x1B800, s24  }
0x842: {  	s19 =	sor.u32 $0x10, s1  }
0x843: {  	s14 =	sadd.s32 $0x1B800, s17;
	[tilespmem:s19+$0x0] =	vst.add.f32.msk $0xffff, v1  }
0x844: {  	s20 =	sor.u32 $0x10, s14;
	v1 =	vld [tilespmem:s22+$0x820]  }
0x845: {  	[tilespmem:s20+$0x0] =	vst.add.f32.msk $0xffff, v2  }
0x846: {  	v2 =	vld [tilespmem:s15+$0x820];
	_ =	sdelay $0x1  }
0x847: {  	s4 =	sor.u32 $0x20, s1  }
0x848: {  	[tilespmem:s4+$0x0] =	vst.add.f32.msk $0xffff, v1  }
0x849: {  	s19 =	sor.u32 $0x20, s14;
	v1 =	vld [tilespmem:s22+$0x830]  }
0x84a: {  	[tilespmem:s19+$0x0] =	vst.add.f32.msk $0xffff, v2  }
0x84b: {  	v2 =	vld [tilespmem:s15+$0x830];
	_ =	sdelay $0x1  }
0x84c: {  	s20 =	sor.u32 $0x30, s1  }
0x84d: {  	[tilespmem:s20+$0x0] =	vst.add.f32.msk $0xffff, v1  }
0x84e: {  	s4 =	sor.u32 $0x30, s14;
	v1 =	vld [tilespmem:s22+$0x840]  }
0x84f: {  	[tilespmem:s4+$0x0] =	vst.add.f32.msk $0xffff, v2  }
0x850: {  	v2 =	vld [tilespmem:s15+$0x840];
	_ =	sdelay $0x1  }
0x851: {  	s19 =	sor.u32 $0x40, s1  }
0x852: {  	[tilespmem:s19+$0x0] =	vst.add.f32.msk $0xffff, v1  }
0x853: {  	s20 =	sor.u32 $0x40, s14;
	v1 =	vld [tilespmem:s22+$0x850]  }
0x854: {  	[tilespmem:s20+$0x0] =	vst.add.f32.msk $0xffff, v2  }
0x855: {  	v2 =	vld [tilespmem:s15+$0x850];
	_ =	sdelay $0x1  }
0x856: {  	s4 =	sor.u32 $0x50, s1  }
0x857: {  	[tilespmem:s4+$0x0] =	vst.add.f32.msk $0xffff, v1  }
0x858: {  	s19 =	sor.u32 $0x50, s14;
	v1 =	vld [tilespmem:s22+$0x860]  }
0x859: {  	[tilespmem:s19+$0x0] =	vst.add.f32.msk $0xffff, v2  }
0x85a: {  	v2 =	vld [tilespmem:s15+$0x860];
	_ =	sdelay $0x1  }
0x85b: {  	s20 =	sor.u32 $0x60, s1  }
0x85c: {  	[tilespmem:s20+$0x0] =	vst.add.f32.msk $0xffff, v1  }
0x85d: {  	s4 =	sor.u32 $0x60, s14;
	v1 =	vld [tilespmem:s22+$0x870]  }
0x85e: {  	[tilespmem:s4+$0x0] =	vst.add.f32.msk $0xffff, v2  }
0x85f: {  	v2 =	vld [tilespmem:s15+$0x870];
	_ =	sdelay $0x1  }
0x860: {  	s1 =	sor.u32 $0x70, s1  }
0x861: {  	[tilespmem:s1+$0x0] =	vst.add.f32.msk $0xffff, v1  }
0x862: {  	s18 =	sor.u32 $0x70, s14;
	v1 =	vld [tilespmem:s22+$0xC00]  }
0x863: {  	[tilespmem:s18+$0x0] =	vst.add.f32.msk $0xffff, v2  }
0x864: {  	v2 =	vld [tilespmem:s15+$0xC00];
	_ =	sdelay $0x2  }
0x865: {  	[tilespmem:s24+$0x1BC00] =	vst.add.f32.msk $0xffff, v1  }
0x866: {  	v1 =	vld [tilespmem:s22+$0xC10]  }
0x867: {  	[tilespmem:s17+$0x1BC00] =	vst.add.f32.msk $0xffff, v2  }
0x868: {  	v2 =	vld [tilespmem:s15+$0xC10]  }
0x869: {  	s1 =	sadd.s32 $0x1BC00, s24  }
0x86a: {  	s19 =	sor.u32 $0x10, s1  }
0x86b: {  	s14 =	sadd.s32 $0x1BC00, s17;
	[tilespmem:s19+$0x0] =	vst.add.f32.msk $0xffff, v1  }
0x86c: {  	s20 =	sor.u32 $0x10, s14;
	v1 =	vld [tilespmem:s22+$0xC20]  }
0x86d: {  	[tilespmem:s20+$0x0] =	vst.add.f32.msk $0xffff, v2  }
0x86e: {  	v2 =	vld [tilespmem:s15+$0xC20];
	_ =	sdelay $0x1  }
0x86f: {  	s4 =	sor.u32 $0x20, s1  }
0x870: {  	[tilespmem:s4+$0x0] =	vst.add.f32.msk $0xffff, v1  }
0x871: {  	s19 =	sor.u32 $0x20, s14;
	v1 =	vld [tilespmem:s22+$0xC30]  }
0x872: {  	[tilespmem:s19+$0x0] =	vst.add.f32.msk $0xffff, v2  }
0x873: {  	v2 =	vld [tilespmem:s15+$0xC30];
	_ =	sdelay $0x1  }
0x874: {  	s20 =	sor.u32 $0x30, s1  }
0x875: {  	[tilespmem:s20+$0x0] =	vst.add.f32.msk $0xffff, v1  }
0x876: {  	s4 =	sor.u32 $0x30, s14;
	v1 =	vld [tilespmem:s22+$0xC40]  }
0x877: {  	[tilespmem:s4+$0x0] =	vst.add.f32.msk $0xffff, v2  }
0x878: {  	v2 =	vld [tilespmem:s15+$0xC40];
	_ =	sdelay $0x1  }
0x879: {  	s19 =	sor.u32 $0x40, s1  }
0x87a: {  	[tilespmem:s19+$0x0] =	vst.add.f32.msk $0xffff, v1  }
0x87b: {  	s20 =	sor.u32 $0x40, s14;
	v1 =	vld [tilespmem:s22+$0xC50]  }
0x87c: {  	[tilespmem:s20+$0x0] =	vst.add.f32.msk $0xffff, v2  }
0x87d: {  	v2 =	vld [tilespmem:s15+$0xC50];
	_ =	sdelay $0x1  }
0x87e: {  	v3 =	vld [tilespmem:s7+$0xC70];
	s4 =	sor.u32 $0x50, s1  }
0x87f: {  	[tilespmem:s4+$0x0] =	vst.add.f32.msk $0xffff, v1  }
0x880: {  	s19 =	sor.u32 $0x50, s14;
	v1 =	vld [tilespmem:s22+$0xC60]  }
0x881: {  	[tilespmem:s19+$0x0] =	vst.add.f32.msk $0xffff, v2  }
0x882: {  	s20 =	sor.u32 $0x60, s13;
	v2 =	vld [tilespmem:s15+$0xC60]  }
0x883: {  	[tilespmem:s20+$0x0] =	vst.add.f32.msk $0xffff, v0  }
0x884: {  	v0 =	vld [tilespmem:s21+$0x1470];
	s21 =	sor.u32 $0x60, s1  }
0x885: {  	[tilespmem:s21+$0x0] =	vst.add.f32.msk $0xffff, v1  }
0x886: {  	s4 =	sor.u32 $0x60, s14;
	v1 =	vld [tilespmem:s22+$0xC70]  }
0x887: {  	[tilespmem:s4+$0x0] =	vst.add.f32.msk $0xffff, v2  }
0x888: {  	s6 =	sor.u32 $0x70, s6;
	v2 =	vld [tilespmem:s15+$0xC70]  }
0x889: {  	[tilespmem:s6+$0x0] =	vst.add.f32.msk $0xffff, v3  }
0x88a: {  	v3 =	vld [tilespmem:s7+$0x1000];
	s1 =	sor.u32 $0x70, s1  }
0x88b: {  	[tilespmem:s1+$0x0] =	vst.add.f32.msk $0xffff, v1  }
0x88c: {  	s19 =	sor.u32 $0x70, s14;
	v1 =	vld [tilespmem:s22+$0x1000]  }
0x88d: {  	[tilespmem:s19+$0x0] =	vst.add.f32.msk $0xffff, v2  }
0x88e: {  	v2 =	vld [tilespmem:s15+$0x1000]  }
0x88f: {  	[tilespmem:s16+$0x1C000] =	vst.add.f32.msk $0xffff, v3  }
0x890: {  	v3 =	vld [tilespmem:s7+$0x1010]  }
0x891: {  	[tilespmem:s24+$0x1C000] =	vst.add.f32.msk $0xffff, v1  }
0x892: {  	v1 =	vld [tilespmem:s22+$0x1010]  }
0x893: {  	s1 =	sadd.s32 $0x1C000, s16;
	[tilespmem:s17+$0x1C000] =	vst.add.f32.msk $0xffff, v2  }
0x894: {  	s20 =	sor.u32 $0x10, s1;
	v2 =	vld [tilespmem:s15+$0x1010]  }
0x895: {  	s6 =	sadd.s32 $0x1C000, s24;
	[tilespmem:s20+$0x0] =	vst.add.f32.msk $0xffff, v3  }
0x896: {  	s21 =	sor.u32 $0x10, s6;
	v3 =	vld [tilespmem:s7+$0x1020]  }
0x897: {  	s14 =	sadd.s32 $0x1C000, s17;
	[tilespmem:s21+$0x0] =	vst.add.f32.msk $0xffff, v1  }
0x898: {  	s4 =	sor.u32 $0x10, s14;
	v1 =	vld [tilespmem:s22+$0x1020]  }
0x899: {  	[tilespmem:s4+$0x0] =	vst.add.f32.msk $0xffff, v2  }
0x89a: {  	s19 =	sor.u32 $0x20, s1;
	v2 =	vld [tilespmem:s15+$0x1020]  }
0x89b: {  	[tilespmem:s19+$0x0] =	vst.add.f32.msk $0xffff, v3  }
0x89c: {  	s20 =	sor.u32 $0x20, s6;
	v3 =	vld [tilespmem:s7+$0x1030]  }
0x89d: {  	[tilespmem:s20+$0x0] =	vst.add.f32.msk $0xffff, v1  }
0x89e: {  	s21 =	sor.u32 $0x20, s14;
	v1 =	vld [tilespmem:s22+$0x1030]  }
0x89f: {  	[tilespmem:s21+$0x0] =	vst.add.f32.msk $0xffff, v2  }
0x8a0: {  	s4 =	sor.u32 $0x30, s1;
	v2 =	vld [tilespmem:s15+$0x1030]  }
0x8a1: {  	[tilespmem:s4+$0x0] =	vst.add.f32.msk $0xffff, v3  }
0x8a2: {  	s19 =	sor.u32 $0x30, s6;
	v3 =	vld [tilespmem:s7+$0x1040]  }
0x8a3: {  	[tilespmem:s19+$0x0] =	vst.add.f32.msk $0xffff, v1  }
0x8a4: {  	s20 =	sor.u32 $0x30, s14;
	v1 =	vld [tilespmem:s22+$0x1040]  }
0x8a5: {  	[tilespmem:s20+$0x0] =	vst.add.f32.msk $0xffff, v2  }
0x8a6: {  	s21 =	sor.u32 $0x40, s1;
	v2 =	vld [tilespmem:s15+$0x1040]  }
0x8a7: {  	[tilespmem:s21+$0x0] =	vst.add.f32.msk $0xffff, v3  }
0x8a8: {  	s4 =	sor.u32 $0x40, s6;
	v3 =	vld [tilespmem:s7+$0x1050]  }
0x8a9: {  	[tilespmem:s4+$0x0] =	vst.add.f32.msk $0xffff, v1  }
0x8aa: {  	s19 =	sor.u32 $0x40, s14;
	v1 =	vld [tilespmem:s22+$0x1050]  }
0x8ab: {  	[tilespmem:s19+$0x0] =	vst.add.f32.msk $0xffff, v2  }
0x8ac: {  	s20 =	sor.u32 $0x50, s1;
	v2 =	vld [tilespmem:s15+$0x1050]  }
0x8ad: {  	[tilespmem:s20+$0x0] =	vst.add.f32.msk $0xffff, v3  }
0x8ae: {  	s21 =	sor.u32 $0x50, s6;
	v3 =	vld [tilespmem:s7+$0x1060]  }
0x8af: {  	[tilespmem:s21+$0x0] =	vst.add.f32.msk $0xffff, v1  }
0x8b0: {  	s4 =	sor.u32 $0x50, s14;
	v1 =	vld [tilespmem:s22+$0x1060]  }
0x8b1: {  	[tilespmem:s4+$0x0] =	vst.add.f32.msk $0xffff, v2  }
0x8b2: {  	s19 =	sor.u32 $0x60, s1;
	v2 =	vld [tilespmem:s15+$0x1060]  }
0x8b3: {  	[tilespmem:s19+$0x0] =	vst.add.f32.msk $0xffff, v3  }
0x8b4: {  	s20 =	sor.u32 $0x60, s6;
	v3 =	vld [tilespmem:s7+$0x1070]  }
0x8b5: {  	[tilespmem:s20+$0x0] =	vst.add.f32.msk $0xffff, v1  }
0x8b6: {  	s21 =	sor.u32 $0x60, s14;
	v1 =	vld [tilespmem:s22+$0x1070]  }
0x8b7: {  	[tilespmem:s21+$0x0] =	vst.add.f32.msk $0xffff, v2  }
0x8b8: {  	s1 =	sor.u32 $0x70, s1;
	v2 =	vld [tilespmem:s15+$0x1070]  }
0x8b9: {  	[tilespmem:s1+$0x0] =	vst.add.f32.msk $0xffff, v3  }
0x8ba: {  	s4 =	sor.u32 $0x70, s6;
	v3 =	vld [tilespmem:s7+$0x1400]  }
0x8bb: {  	[tilespmem:s4+$0x0] =	vst.add.f32.msk $0xffff, v1  }
0x8bc: {  	s6 =	sor.u32 $0x70, s14;
	v1 =	vld [tilespmem:s22+$0x1400]  }
0x8bd: {  	[tilespmem:s6+$0x0] =	vst.add.f32.msk $0xffff, v2  }
0x8be: {  	v2 =	vld [tilespmem:s15+$0x1400]  }
0x8bf: {  	[tilespmem:s16+$0x1C400] =	vst.add.f32.msk $0xffff, v3  }
0x8c0: {  	v3 =	vld [tilespmem:s7+$0x1410]  }
0x8c1: {  	[tilespmem:s24+$0x1C400] =	vst.add.f32.msk $0xffff, v1  }
0x8c2: {  	v1 =	vld [tilespmem:s22+$0x1410]  }
0x8c3: {  	s1 =	sadd.s32 $0x1C400, s16;
	[tilespmem:s17+$0x1C400] =	vst.add.f32.msk $0xffff, v2  }
0x8c4: {  	s14 =	sor.u32 $0x10, s1;
	v2 =	vld [tilespmem:s15+$0x1410]  }
0x8c5: {  	s6 =	sadd.s32 $0x1C400, s24;
	[tilespmem:s14+$0x0] =	vst.add.f32.msk $0xffff, v3  }
0x8c6: {  	s16 =	sor.u32 $0x10, s6;
	v3 =	vld [tilespmem:s7+$0x1420]  }
0x8c7: {  	s14 =	sadd.s32 $0x1C400, s17;
	[tilespmem:s16+$0x0] =	vst.add.f32.msk $0xffff, v1  }
0x8c8: {  	v1 =	vld [tilespmem:s22+$0x1420];
	s17 =	sor.u32 $0x10, s14  }
0x8c9: {  	[tilespmem:s17+$0x0] =	vst.add.f32.msk $0xffff, v2  }
0x8ca: {  	s18 =	sor.u32 $0x20, s1;
	v2 =	vld [tilespmem:s15+$0x1420]  }
0x8cb: {  	[tilespmem:s18+$0x0] =	vst.add.f32.msk $0xffff, v3  }
0x8cc: {  	s19 =	sor.u32 $0x20, s6;
	v3 =	vld [tilespmem:s7+$0x1430]  }
0x8cd: {  	[tilespmem:s19+$0x0] =	vst.add.f32.msk $0xffff, v1  }
0x8ce: {  	s20 =	sor.u32 $0x20, s14;
	v1 =	vld [tilespmem:s22+$0x1430]  }
0x8cf: {  	[tilespmem:s20+$0x0] =	vst.add.f32.msk $0xffff, v2  }
0x8d0: {  	s21 =	sor.u32 $0x30, s1;
	v2 =	vld [tilespmem:s15+$0x1430]  }
0x8d1: {  	[tilespmem:s21+$0x0] =	vst.add.f32.msk $0xffff, v3  }
0x8d2: {  	s24 =	sor.u32 $0x30, s6;
	v3 =	vld [tilespmem:s7+$0x1440]  }
0x8d3: {  	[tilespmem:s24+$0x0] =	vst.add.f32.msk $0xffff, v1  }
0x8d4: {  	s4 =	sor.u32 $0x30, s14;
	v1 =	vld [tilespmem:s22+$0x1440]  }
0x8d5: {  	[tilespmem:s4+$0x0] =	vst.add.f32.msk $0xffff, v2  }
0x8d6: {  	s17 =	sor.u32 $0x40, s1;
	v2 =	vld [tilespmem:s15+$0x1440]  }
0x8d7: {  	[tilespmem:s17+$0x0] =	vst.add.f32.msk $0xffff, v3  }
0x8d8: {  	s18 =	sor.u32 $0x40, s6;
	v3 =	vld [tilespmem:s7+$0x1450]  }
0x8d9: {  	[tilespmem:s18+$0x0] =	vst.add.f32.msk $0xffff, v1  }
0x8da: {  	s19 =	sor.u32 $0x40, s14;
	v1 =	vld [tilespmem:s22+$0x1450]  }
0x8db: {  	[tilespmem:s19+$0x0] =	vst.add.f32.msk $0xffff, v2  }
0x8dc: {  	s20 =	sor.u32 $0x50, s1;
	v2 =	vld [tilespmem:s15+$0x1450]  }
0x8dd: {  	[tilespmem:s20+$0x0] =	vst.add.f32.msk $0xffff, v3  }
0x8de: {  	s21 =	sor.u32 $0x50, s6;
	v3 =	vld [tilespmem:s7+$0x1460]  }
0x8df: {  	[tilespmem:s21+$0x0] =	vst.add.f32.msk $0xffff, v1  }
0x8e0: {  	s24 =	sor.u32 $0x50, s14;
	v1 =	vld [tilespmem:s22+$0x1460]  }
0x8e1: {  	[tilespmem:s24+$0x0] =	vst.add.f32.msk $0xffff, v2  }
0x8e2: {  	s4 =	sor.u32 $0x60, s1;
	v2 =	vld [tilespmem:s15+$0x1460]  }
0x8e3: {  	[tilespmem:s4+$0x0] =	vst.add.f32.msk $0xffff, v3  }
0x8e4: {  	s17 =	sor.u32 $0x60, s6;
	v3 =	vld [tilespmem:s7+$0x1470]  }
0x8e5: {  	[tilespmem:s17+$0x0] =	vst.add.f32.msk $0xffff, v1  }
0x8e6: {  	s18 =	sor.u32 $0x60, s14;
	v1 =	vld [tilespmem:s22+$0x1470]  }
0x8e7: {  	[tilespmem:s18+$0x0] =	vst.add.f32.msk $0xffff, v2  }
0x8e8: {  	v2 =	vld [tilespmem:s15+$0x1470]  }
0x8e9: {  	s19 =	sor.u32 $0x70, s13  }
.Ltmp6:
0x8ea: {  	s1 =	sor.u32 $0x70, s1;
	[tilespmem:s19+$0x0] =	vst.add.f32.msk $0xffff, v0;
	(pc) =	sbr.rel @p0 .LBB2_12-.Ltmp6, $4  }
0x8eb: {  	s20 =	sor.u32 $0x70, s6;
	[tilespmem:s1+$0x0] =	vst.add.f32.msk $0xffff, v3  }
0x8ec: {  	s21 =	sor.u32 $0x70, s14;
	[tilespmem:s20+$0x0] =	vst.add.f32.msk $0xffff, v1  }
0x8ed: {  	s22 =	sadd.s32 s23, s12;
	s24 =	simm.s32 $0x1B000;
	[tilespmem:s21+$0x0] =	vst.add.f32.msk $0xffff, v2  }
0x8ee: {  	[hbm4b:s22+s5] =	stream.linear.scatter [tilespmem:s24], [sflag:$0x8], $0x4800, $0x38;
	[tilespmem:$0x1F800] =	vst v63  }
0x8ef: {  	s1 =	sadd.s32 $0x6, s10  }
0x8f0: {  	s6 =	smulhi.u32 $0x55555556, s1;
	_ =	sdelay $0x1  }
0x8f1: {  	s7 =	smul.u32 $0x3, s6;
	_ =	sdelay $0x1  }
0x8f2: {  	s1 =	ssub.s32 s1, s7  }
0x8f3: {  	s6 =	sadd.s32 s11, s6;
	s1 =	smul.u32 $0x18, s1  }
0x8f4: {  	s4 =	simm.s32 $0x7;
	s9 =	sadd.s32 $0x1, s9;
	s6 =	smul.u32 $0x240, s6  }
0x8f5: {  	s8 =	sadd.s32 $0x60, s8;
	s0 =	sadd.s32 $0x4, s0;
	s1 =	sadd.s32 s3, s1  }
0x8f6: {  	s26 =	sadd.s32 $0x60, s26;
	_ =	swait.ge [sflag:s4], $0x4800;
	s1 =	sadd.s32 s6, s1  }
.Ltmp7:
0x8f7: {  	[sflag:s4] =	ssyncset.done $0x0;
	s1 =	sshrl.u32 s1, $0x3;
	(pc) =	sbr.rel .LBB2_2-.Ltmp7, $4  }
0x8f8: {  	s2 =	sadd.s32 $0x4, s2;
	[sflag:s4] =	ssyncadd.s32 $0xFFFFB800;
	s1 =	smul.u32 $0x300, s1  }
0x8f9: {  	s28 =	sadd.s32 $0x60, s28;
	s31 =	sadd.s32 $0x4, s31;
	s4 =	rddreg [dreg:$0x0]  }
0x8fa: {  	s29 =	sadd.s32 $0x60, s29;
	s30 =	sadd.s32 $0x4, s30;
	s1 =	sadd.s32 s4, s1  }
0x8fb: {  	[tilespmem:s25], [sflag:$0x3] =	stream.linear.gather [hbm4b:s1+s5], $0x4800, $0x38;
	[tilespmem:$0x1F800] =	vst v63  }
.LBB2_13:
0x8fc: {  	_ =	sfence.sel $0x180000  }
0x8fd: {  	[bflag:$0x0] =	sbarrier.arrive $0xFFFF  }
0x8fe: {  	_ =	strace $0x90000047  }
0x8ff: {  	s0 =	stileid.u32;
	[bflag:$0x2] =	sbarrier.arrive $0xFFFF  }
0x900: {  	p0 =	sne.s32 s0, $0x0;
	s0 =	rddreg [dreg:$0x3]  }
0x901: {  	s0 =	sadd.s32 @!p0 $0x100000, s0  }
0x902: {  	[sflag:s0] =	ssyncadd.tile.s32 @!p0 $0x1;
	_ =	shalt  }
.Lfunc_end2:
_tile_overlayer_lowered:
.L_overlay_start_2:
0x903: {  	(tag) =	ssettag $0x2  }
0x904: {  	s0 =	rddreg [dreg:$0x0];
	s2 =	stileid.u32  }
0x905: {  	s1 =	rddreg [dreg:$0x1];
	p0 =	sne.s32 s2, $0x0  }
0x906: {  	s3 =	rddreg [dreg:$0x2];
	[bflag:$0x3] =	sbarrier.arrive $0xFFFF;
	s2 =	simm.s32 @!p0 $0x1C0A  }
0x907: {  	[timem:s3], [sflag:s2] =	dma.local @!p0 [hbm:s0], s1  }
0x908: {  	s0 =	simm.s32 @!p0 $0xA  }
0x909: {  	_ =	swait.ge @!p0 [sflag:s0], s1  }
0x90a: {  	s1 =	ssub.s32 @!p0 $0x0, s1;
	[sflag:s0] =	ssyncset.done @!p0 $0x0  }
0x90b: {  	[sflag:s0] =	ssyncadd.s32 @!p0 s1  }
0x90c: {  	[bflag:$0x3] =	sbarrier.arrive $0xFFFF  }
0x90d: {  	_ =	shalt  }

</sc_bundles>
